<compile_context>
chip_gen: v7x
topology: tpu7x:2x2x1
jax: 0.10.2.dev20260603
libtpu: 0.0.44.dev20260713+nightly
codegen_flags: <defaults>
</compile_context>

<pallas_src>
import functools

import jax
import jax.numpy as jnp
from jax import lax
from jax.experimental import pallas as pl
from jax.experimental.pallas import tpu as pltpu
from jax.experimental.pallas import tpu_sc as plsc

N = 320000
D = 128
NC = 2
NS = 16
NW = NC * NS
T = N // NW
L = 16
NSEG = 10000
NSEG_PAD = 10240
SLICE = NSEG_PAD // NS
XB = 80
NBLK = T // XB
VPB = XB // L
G = 16


def _mesh():
    return plsc.VectorSubcoreMesh(
        core_axis_name="c", subcore_axis_name="s", num_cores=NC, num_subcores=NS
    )


def _fori(lo, hi, body):
    lax.fori_loop(lo, hi, lambda i, c: (body(i), c)[1], 0)


def _zero_f32(ref, nwords):
    z = jnp.zeros((L,), jnp.float32)

    def body(i):
        ref[pl.ds(i * L, L)] = z

    _fori(0, nwords // L, body)


def _rsqrt16(c):
    i = plsc.bitcast(c, jnp.int32)
    i = jnp.int32(0x5F3759DF) - lax.shift_right_logical(i, jnp.int32(1))
    y = plsc.bitcast(i, jnp.float32)
    half_c = c * 0.5
    for _ in range(3):
        y = y * (1.5 - half_c * y * y)
    return y


def _merge_and_emit(local_ref, slab, mbuf, out_hbm, core, sid):
    pltpu.sync_copy(local_ref, slab.at[sid])
    plsc.subcore_barrier()
    pltpu.sync_copy(slab.at[:, pl.ds(sid * SLICE, SLICE)], mbuf)

    def body(j):
        acc = mbuf[0, pl.ds(j * L, L)]
        for r in range(1, NS):
            acc = acc + mbuf[r, pl.ds(j * L, L)]
        local_ref[pl.ds(j * L, L)] = acc

    _fori(0, SLICE // L, body)
    pltpu.sync_copy(
        local_ref.at[pl.ds(0, SLICE)], out_hbm.at[core, pl.ds(sid * SLICE, SLICE)]
    )
    plsc.subcore_barrier()


@functools.partial(
    pl.kernel,
    out_type=jax.ShapeDtypeStruct((NC, NSEG_PAD), jnp.float32),
    mesh=_mesh(),
    compiler_params=pltpu.CompilerParams(needs_layout_passes=False),
    scratch_types=[
        pltpu.VMEM((T,), jnp.int32),
        pltpu.VMEM((NSEG_PAD,), jnp.float32),
        pltpu.VMEM((NS, SLICE), jnp.float32),
        pltpu.VMEM_SHARED((NS, NSEG_PAD), jnp.float32),
    ],
)
def _counts_kernel(idx_hbm, pc_hbm, idx_l, cnt_l, mbuf, slab):
    c = lax.axis_index("c")
    s = lax.axis_index("s")
    wid = c * NS + s
    pltpu.sync_copy(idx_hbm.at[pl.ds(wid * T, T)], idx_l)
    _zero_f32(cnt_l, NSEG_PAD)
    ones = jnp.ones((L,), jnp.float32)

    def body(i):
        iv0 = idx_l[pl.ds(i * 2 * L, L)]
        iv1 = idx_l[pl.ds(i * 2 * L + L, L)]
        plsc.addupdate_scatter(cnt_l, [iv0], ones)
        plsc.addupdate_scatter(cnt_l, [iv1], ones)

    _fori(0, T // (2 * L), body)
    ivt = idx_l[pl.ds(T - L, L)]
    plsc.addupdate_scatter(cnt_l, [ivt], ones)
    _merge_and_emit(cnt_l, slab, mbuf, pc_hbm, c, s)


@functools.partial(
    pl.kernel,
    out_type=(
        jax.ShapeDtypeStruct((N,), jnp.float32),
        jax.ShapeDtypeStruct((NC, NSEG_PAD), jnp.float32),
    ),
    mesh=_mesh(),
    compiler_params=pltpu.CompilerParams(needs_layout_passes=False),
    scratch_types=[
        pltpu.VMEM((T,), jnp.int32),
        pltpu.VMEM((T,), jnp.float32),
        pltpu.VMEM((NSEG_PAD,), jnp.float32),
        pltpu.VMEM((NSEG_PAD,), jnp.float32),
        pltpu.VMEM((NS, SLICE), jnp.float32),
        pltpu.VMEM_SHARED((NS, NSEG_PAD), jnp.float32),
    ],
)
def _denom_kernel(w_hbm, idx_hbm, pc_hbm, e_hbm, pd_hbm, idx_l, w_l, scl, den_l, mbuf, slab):
    c = lax.axis_index("c")
    s = lax.axis_index("s")
    wid = c * NS + s
    pltpu.sync_copy(idx_hbm.at[pl.ds(wid * T, T)], idx_l)
    pltpu.sync_copy(w_hbm.at[pl.ds(wid * T, T)], w_l)
    pltpu.sync_copy(pc_hbm.at[0], scl)
    pltpu.sync_copy(pc_hbm.at[1], den_l)

    def mk_scale(j):
        cnt = scl[pl.ds(j * L, L)] + den_l[pl.ds(j * L, L)] + 0.001
        scl[pl.ds(j * L, L)] = _rsqrt16(cnt)

    _fori(0, NSEG_PAD // L, mk_scale)
    _zero_f32(den_l, NSEG_PAD)

    def ebody(i):
        t0 = i * 2 * L
        iv0 = idx_l[pl.ds(t0, L)]
        iv1 = idx_l[pl.ds(t0 + L, L)]
        sc0 = plsc.load_gather(scl, [iv0])
        sc1 = plsc.load_gather(scl, [iv1])
        w_l[pl.ds(t0, L)] = jnp.exp(w_l[pl.ds(t0, L)] * sc0)
        w_l[pl.ds(t0 + L, L)] = jnp.exp(w_l[pl.ds(t0 + L, L)] * sc1)

    _fori(0, T // (2 * L), ebody)
    ivt = idx_l[pl.ds(T - L, L)]
    w_l[pl.ds(T - L, L)] = jnp.exp(
        w_l[pl.ds(T - L, L)] * plsc.load_gather(scl, [ivt]))

    def sbody(i):
        t0 = i * 2 * L
        iv0 = idx_l[pl.ds(t0, L)]
        iv1 = idx_l[pl.ds(t0 + L, L)]
        plsc.addupdate_scatter(den_l, [iv0], w_l[pl.ds(t0, L)])
        plsc.addupdate_scatter(den_l, [iv1], w_l[pl.ds(t0 + L, L)])

    _fori(0, T // (2 * L), sbody)
    plsc.addupdate_scatter(den_l, [ivt], w_l[pl.ds(T - L, L)])
    pltpu.sync_copy(w_l, e_hbm.at[pl.ds(wid * T, T)])
    _merge_and_emit(den_l, slab, mbuf, pd_hbm, c, s)


XBD = XB * D
XBL = XB + L


@functools.partial(
    pl.kernel,
    out_type=jax.ShapeDtypeStruct((NC, NSEG_PAD, D), jnp.float32),
    mesh=_mesh(),
    compiler_params=pltpu.CompilerParams(needs_layout_passes=False),
    scratch_types=[
        pltpu.VMEM((3 * XBL,), jnp.int32),
        pltpu.VMEM((3 * XBL,), jnp.float32),
        pltpu.VMEM((NSEG_PAD,), jnp.float32),
        pltpu.VMEM((XB + 2 * L,), jnp.int32),
        pltpu.VMEM((XB + 2 * L,), jnp.int32),
        pltpu.VMEM((3 * XBD,), jnp.float32),
        pltpu.VMEM((G, D), jnp.float32),
        pltpu.VMEM((G,), jnp.int32),
        pltpu.SemaphoreType.DMA,
        pltpu.SemaphoreType.DMA,
        pltpu.SemaphoreType.DMA,
        pltpu.VMEM_SHARED((NSEG_PAD, D), jnp.float32),
    ],
)
def _pool_kernel(x_hbm, idx_hbm, e_hbm, pd_hbm, po_hbm,
                 idx_b, e_b, invden, rstart, rseg, xbuf, stage, stseg,
                 sem0, sem1, sem2, out_acc):
    c = lax.axis_index("c")
    s = lax.axis_index("s")
    wid = c * NS + s
    base = wid * T

    pltpu.sync_copy(pd_hbm.at[0], invden)
    pltpu.sync_copy(pd_hbm.at[1], xbuf.at[pl.ds(0, NSEG_PAD)])

    def mk_inv(j):
        dv = invden[pl.ds(j * L, L)] + xbuf[pl.ds(j * L, L)]
        invden[pl.ds(j * L, L)] = 1.0 / dv

    _fori(0, NSEG_PAD // L, mk_inv)

    z = jnp.zeros((L,), jnp.float32)

    def zrow_body(r):
        for k in range(D // L):
            stage[r, pl.ds(k * L, L)] = z

    _fori(0, G, zrow_body)
    zcopies = [
        pltpu.make_async_copy(stage, out_acc.at[pl.ds(s * SLICE + j * G, G)], sem0)
        for j in range(SLICE // G)
    ]
    for cp in zcopies:
        cp.start()
    for cp in zcopies:
        cp.wait()
    plsc.subcore_barrier()

    sems = (sem0, sem1, sem2)

    def copies(b, q):
        off = q * XBL
        return (
            pltpu.make_async_copy(
                x_hbm.at[pl.ds((base + b * XB) * D, XBD)],
                xbuf.at[pl.ds(q * XBD, XBD)], sems[q]),
            pltpu.make_async_copy(
                idx_hbm.at[pl.ds(base + b * XB, XB)],
                idx_b.at[pl.ds(off + L, XB)], sems[q]),
            pltpu.make_async_copy(
                e_hbm.at[pl.ds(base + b * XB, XB)],
                e_b.at[pl.ds(off, XB)], sems[q]),
        )

    def issue(b, par):
        for q in range(3):
            @pl.when(par == q)
            def _():
                for cp in copies(b, q):
                    cp.start()

    def wait(b, par):
        for q in range(3):
            @pl.when(par == q)
            def _():
                for cp in copies(b, q):
                    cp.wait()

    lanes = lax.iota(jnp.int32, L)
    lane0_big = jnp.where(lanes == 0, jnp.int32(1) << 20, jnp.int32(0))

    def flush():
        pltpu.sync_copy(stage, out_acc.at[stseg], add=True)

    issue(0, jnp.int32(0))
    issue(1, jnp.int32(1))

    def blk_body(b, carry):
        p, pend, par = carry
        wait(b, par)

        @pl.when(b + 2 < NBLK)
        def _():
            pf = par + 2
            pf = jnp.where(pf >= 3, pf - 3, pf)
            issue(b + 2, pf)

        ioff = par * XBL
        xoff = par * XBD

        def detect(i, cnt):
            iv = idx_b[pl.ds(ioff + L + i * L, L)]
            pv = idx_b[pl.ds(ioff + L - 1 + i * L, L)]
            force = (i == 0).astype(jnp.int32)
            bmask = iv != (pv + lane0_big * force)
            pos = i * L + lanes
            plsc.store_compressed(rstart.at[pl.ds(cnt, L)], pos, mask=bmask)
            plsc.store_compressed(rseg.at[pl.ds(cnt, L)], iv, mask=bmask)
            return cnt + plsc.all_reduce_population_count(bmask)[0]

        cnt = jnp.int32(0)
        for i in range(VPB):
            cnt = detect(jnp.int32(i), cnt)
        rstart[pl.ds(cnt, L)] = jnp.full((L,), XB, jnp.int32)

        def run_body(r, carry):
            p, pend = carry
            seg = rseg[pl.ds(r, L)][0]
            bounds = rstart[pl.ds(r, L)]
            st = bounds[0]
            en = bounds[1]
            inv = invden[pl.ds(seg, L)][0]

            def tok1(t, acc):
                a = e_b[pl.ds(ioff + t, L)][0] * inv
                return tuple(
                    acc[k] + a * xbuf[pl.ds(xoff + t * D + k * L, L)]
                    for k in range(D // L)
                )

            def tok4(q, acc):
                t = st + q * 4
                av = e_b[pl.ds(ioff + t, L)]
                for u in range(4):
                    a = av[u] * inv
                    xb = xoff + (t + u) * D
                    acc = tuple(
                        acc[k] + a * xbuf[pl.ds(xb + k * L, L)]
                        for k in range(D // L)
                    )
                return acc

            nt = en - st
            acc = lax.fori_loop(
                0, lax.shift_right_logical(nt, 2), tok4,
                tuple(jnp.zeros((L,), jnp.float32) for _ in range(D // L)),
            )
            acc = lax.fori_loop(
                en - lax.bitwise_and(nt, 3), en, tok1, acc
            )
            for k in range(D // L):
                stage[p, pl.ds(k * L, L)] = acc[k]
            pend = jnp.where(lanes == p, seg, pend)
            p = p + 1

            @pl.when(p == G)
            def _():
                stseg[pl.ds(0, L)] = pend
                flush()

            return jnp.where(p == G, 0, p), pend

        p, pend = lax.fori_loop(0, cnt, run_body, (p, pend))
        nxt = par + 1
        return p, pend, jnp.where(nxt >= 3, 0, nxt)

    p, pend, _ = lax.fori_loop(
        0, NBLK, blk_body,
        (jnp.int32(0), jnp.zeros((L,), jnp.int32), jnp.int32(0)),
    )

    pad_id = jnp.int32(NSEG_PAD - 1)
    stseg[pl.ds(0, L)] = jnp.where(lanes >= p, pad_id, pend)

    zrow = jnp.zeros((L,), jnp.float32)

    def pad_row(j):
        for k in range(D // L):
            stage[j, pl.ds(k * L, L)] = zrow

    _fori(p, G, pad_row)
    flush()

    plsc.subcore_barrier()
    pltpu.sync_copy(
        out_acc.at[pl.ds(s * SLICE, SLICE)], po_hbm.at[c, pl.ds(s * SLICE, SLICE)]
    )


def _final_add(po):
    nblk = 10
    rows = NSEG // nblk

    def body(po_ref, out_ref):
        out_ref[...] = po_ref[0] + po_ref[1]

    return pl.pallas_call(
        body,
        grid=(nblk,),
        in_specs=[pl.BlockSpec((NC, rows, D), lambda i: (0, i, 0))],
        out_specs=pl.BlockSpec((rows, D), lambda i: (i, 0)),
        out_shape=jax.ShapeDtypeStruct((NSEG, D), jnp.float32),
    )(po)


def kernel(x, w, idx, dim_size):
    idx32 = idx.astype(jnp.int32)
    pc = _counts_kernel(idx32)
    e, pd = _denom_kernel(w, idx32, pc)
    po = _pool_kernel(x.reshape(-1), idx32, e, pd)
    return _final_add(po)

# --- scband reference (transcript-rebuilt; emitter-appended) ---
"""Pipeline reference for scband-scatter-softmax-pool-54339926229279 (READ-ONLY COPY).

The authoritative reference and input builder live on the scoring server;
editing this copy changes nothing except your own understanding.
"""

import jax, jax.numpy as jnp
import numpy as np

N = 320000
D = 128
NUM_SEG = 10000

def setup_inputs(seed: int = 0) -> dict:
    key = jax.random.key(seed)
    k1, k2, k3 = jax.random.split(key, 3)
    x = jax.random.normal(k1, (N, D), dtype=jnp.float32)
    w = jax.random.normal(k2, (N,), dtype=jnp.float32)
    idx = jnp.sort(jax.random.randint(k3, (N,), 0, NUM_SEG, dtype=jnp.int64))
    return {"x": x, "w": w, "idx": idx, "dim_size": NUM_SEG}

def reference(x, w, idx, dim_size):
    idx = idx + (jnp.asarray(dim_size) - jnp.asarray(dim_size)).astype(idx.dtype)
    # scaled=True branch: degree-based rescaling of attention weights
    ones = jnp.ones_like(w)
    counts = jax.ops.segment_sum(ones, idx, num_segments=NUM_SEG)
    scales = (counts + 0.001) ** (-0.5)
    w2 = w * scales[idx]
    # scatter_softmax over segments (numerically stable)
    seg_max = jax.ops.segment_max(w2, idx, num_segments=NUM_SEG)
    e = jnp.exp(w2 - seg_max[idx])
    denom = jax.ops.segment_sum(e, idx, num_segments=NUM_SEG)
    a = e / denom[idx]
    # weighted sum pooling; allocating num_segments=dim_size directly is
    # equivalent to torch's scatter + append_zeros padding
    out = jax.ops.segment_sum(x * a[:, None], idx, num_segments=NUM_SEG)
    return out

if __name__ == "__main__":
    import jax
    _d = setup_inputs()
    print(jax.jit(kernel)(*tuple(_d.values())))

</pallas_src>

<mosaic_0001>
#map = affine_map<(d0, d1) -> (0)>
#map1 = affine_map<(d0, d1) -> (0, 0)>
module attributes {stable_mosaic.version = 14 : i64} {
  func.func @_counts_kernel(%arg0: i32, %arg1: i32, %arg2: memref<320000xi32, #tpu.memory_space<hbm>>, %arg3: memref<2x10240xf32, #tpu.memory_space<hbm>>, %arg4: memref<10000xi32, #tpu.memory_space<vmem>>, %arg5: memref<10240xf32, #tpu.memory_space<vmem>>, %arg6: memref<16x640xf32, #tpu.memory_space<vmem>>, %arg7: memref<16x10240xf32, #tpu.memory_space<vmem_shared>>) attributes {dimension_semantics = [#tpu.dimension_semantics<core_parallel>, #tpu.dimension_semantics<subcore_parallel>], iteration_bounds = array<i64: 2, 16>, scalar_prefetch = 0 : i64, scratch_operands = 4 : i64, tpu.core_type = #tpu.core_type<sc_vector_subcore>, window_params = [{transform_indices = #map}, {transform_indices = #map1}]} {
    %mul3A = arith.constant 16 : i32
    %mul3A_0 = arith.muli %arg0, %mul3A : i32
    %add3A = arith.addi %mul3A_0, %arg1 : i32
    %mul3A_1 = arith.constant 10000 : i32
    %mul3A_2 = arith.muli %add3A, %mul3A_1 : i32
    "tpu.region"() ({
      %run_scoped3A = tpu.sem_alloc : memref<!tpu.dma_semaphore, #tpu.memory_space<semaphore_mem>>
      %dma_start3A = tpu.memref_slice %arg2[%mul3A_2] : memref<320000xi32, #tpu.memory_space<hbm>> -> memref<10000xi32, #tpu.memory_space<hbm>>
      %dma_start3A_29 = tpu.memref_slice %arg2[%mul3A_2] : memref<320000xi32, #tpu.memory_space<hbm>> -> memref<10000xi32, #tpu.memory_space<hbm>>
      tpu.enqueue_dma source(%dma_start3A_29 : memref<10000xi32, #tpu.memory_space<hbm>>) target(%arg4 : memref<10000xi32, #tpu.memory_space<vmem>>) target_semaphore(%run_scoped3A : memref<!tpu.dma_semaphore, #tpu.memory_space<semaphore_mem>>)
      %dma_wait3A = tpu.memref_slice %arg2[%mul3A_2] : memref<320000xi32, #tpu.memory_space<hbm>> -> memref<10000xi32, #tpu.memory_space<hbm>>
      %dma_wait3A_30 = tpu.memref_slice %arg2[%mul3A_2] : memref<320000xi32, #tpu.memory_space<hbm>> -> memref<10000xi32, #tpu.memory_space<hbm>>
      tpu.wait_dma2 semaphore(%run_scoped3A : memref<!tpu.dma_semaphore, #tpu.memory_space<semaphore_mem>>) src(%dma_wait3A_30 : memref<10000xi32, #tpu.memory_space<hbm>>) dst(%arg4 : memref<10000xi32, #tpu.memory_space<vmem>>)
      tpu.yield
    }) : () -> ()
    %broadcast_in_dim3A = arith.constant 0.000000e+00 : f32
    %broadcast_in_dim3A_3 = vector.broadcast %broadcast_in_dim3A : f32 to vector<16xf32>
    %scan3A = arith.constant 0 : i32
    %scan3A_4 = arith.constant 0 : i32
    %scan3A_5 = arith.constant 640 : i32
    %scan3A_6 = arith.addi %scan3A_4, %scan3A_5 : i32
    %scan3A_7 = arith.constant 1 : i32
    scf.for %scan3A_29 = %scan3A_4 to %scan3A_6 step %scan3A_7  : i32 {
      %mul3A_30 = arith.constant 16 : i32
      %mul3A_31 = arith.muli %scan3A_29, %mul3A_30 : i32
      %swap3A = arith.index_cast %mul3A_31 : i32 to index
      %swap3A_32 = tpu.vector_load %arg5[%swap3A] {strides = array<i32>} : memref<10240xf32, #tpu.memory_space<vmem>>, vector<16xf32>,
      tpu.vector_store %arg5[%swap3A], %broadcast_in_dim3A_3 {strides = array<i32>} : memref<10240xf32, #tpu.memory_space<vmem>>, vector<16xf32>,
    }
    %scan3A_8 = arith.constant 640 : i32
    %broadcast_in_dim3A_9 = arith.constant 1.000000e+00 : f32
    %broadcast_in_dim3A_10 = vector.broadcast %broadcast_in_dim3A_9 : f32 to vector<16xf32>
    %scan3A_11 = arith.constant 0 : i32
    %scan3A_12 = arith.constant 0 : i32
    %scan3A_13 = arith.constant 312 : i32
    %scan3A_14 = arith.addi %scan3A_12, %scan3A_13 : i32
    %scan3A_15 = arith.constant 1 : i32
    scf.for %scan3A_29 = %scan3A_12 to %scan3A_14 step %scan3A_15  : i32 {
      %mul3A_30 = arith.constant 2 : i32
      %mul3A_31 = arith.muli %scan3A_29, %mul3A_30 : i32
      %mul3A_32 = arith.constant 16 : i32
      %mul3A_33 = arith.muli %mul3A_31, %mul3A_32 : i32
      %get3A_34 = arith.index_cast %mul3A_33 : i32 to index
      %get3A_35 = tpu.vector_load %arg4[%get3A_34] {strides = array<i32>} : memref<10000xi32, #tpu.memory_space<vmem>>, vector<16xi32>,
      %mul3A_36 = arith.constant 2 : i32
      %mul3A_37 = arith.muli %scan3A_29, %mul3A_36 : i32
      %mul3A_38 = arith.constant 16 : i32
      %mul3A_39 = arith.muli %mul3A_37, %mul3A_38 : i32
      %add3A_40 = arith.constant 16 : i32
      %add3A_41 = arith.addi %mul3A_39, %add3A_40 : i32
      %get3A_42 = arith.index_cast %add3A_41 : i32 to index
      %get3A_43 = tpu.vector_load %arg4[%get3A_42] {strides = array<i32>} : memref<10000xi32, #tpu.memory_space<vmem>>, vector<16xi32>,
      tpu.vector_store_idx %arg5[%get3A_35], %broadcast_in_dim3A_10 {add = true} : memref<10240xf32, #tpu.memory_space<vmem>>[vector<16xi32>], vector<16xf32>,
      tpu.vector_store_idx %arg5[%get3A_43], %broadcast_in_dim3A_10 {add = true} : memref<10240xf32, #tpu.memory_space<vmem>>[vector<16xi32>], vector<16xf32>,
    }
    %scan3A_16 = arith.constant 312 : i32
    %get3A = arith.constant 9984 : index
    %get3A_17 = tpu.vector_load %arg4[%get3A] {strides = array<i32>} : memref<10000xi32, #tpu.memory_space<vmem>>, vector<16xi32>,
    tpu.vector_store_idx %arg5[%get3A_17], %broadcast_in_dim3A_10 {add = true} : memref<10240xf32, #tpu.memory_space<vmem>>[vector<16xi32>], vector<16xf32>,
    "tpu.region"() ({
      %run_scoped3A = tpu.sem_alloc : memref<!tpu.dma_semaphore, #tpu.memory_space<semaphore_mem>>
      %dma_start3A = arith.constant 0 : i32
      %dma_start3A_29 = tpu.memref_slice %arg7[%arg1, %dma_start3A] : memref<16x10240xf32, #tpu.memory_space<vmem_shared>> -> memref<1x10240xf32, #tpu.memory_space<vmem_shared>>
      %dma_start3A_30 = tpu.memref_squeeze %dma_start3A_29 : memref<1x10240xf32, #tpu.memory_space<vmem_shared>> -> memref<10240xf32, #tpu.memory_space<vmem_shared>>
      %dma_start3A_31 = arith.constant 0 : i32
      %dma_start3A_32 = tpu.memref_slice %arg7[%arg1, %dma_start3A_31] : memref<16x10240xf32, #tpu.memory_space<vmem_shared>> -> memref<1x10240xf32, #tpu.memory_space<vmem_shared>>
      %dma_start3A_33 = tpu.memref_squeeze %dma_start3A_32 : memref<1x10240xf32, #tpu.memory_space<vmem_shared>> -> memref<10240xf32, #tpu.memory_space<vmem_shared>>
      tpu.enqueue_dma source(%arg5 : memref<10240xf32, #tpu.memory_space<vmem>>) target(%dma_start3A_33 : memref<10240xf32, #tpu.memory_space<vmem_shared>>) target_semaphore(%run_scoped3A : memref<!tpu.dma_semaphore, #tpu.memory_space<semaphore_mem>>)
      %dma_wait3A = arith.constant 0 : i32
      %dma_wait3A_34 = tpu.memref_slice %arg7[%arg1, %dma_wait3A] : memref<16x10240xf32, #tpu.memory_space<vmem_shared>> -> memref<1x10240xf32, #tpu.memory_space<vmem_shared>>
      %dma_wait3A_35 = tpu.memref_squeeze %dma_wait3A_34 : memref<1x10240xf32, #tpu.memory_space<vmem_shared>> -> memref<10240xf32, #tpu.memory_space<vmem_shared>>
      %dma_wait3A_36 = arith.constant 0 : i32
      %dma_wait3A_37 = tpu.memref_slice %arg7[%arg1, %dma_wait3A_36] : memref<16x10240xf32, #tpu.memory_space<vmem_shared>> -> memref<1x10240xf32, #tpu.memory_space<vmem_shared>>
      %dma_wait3A_38 = tpu.memref_squeeze %dma_wait3A_37 : memref<1x10240xf32, #tpu.memory_space<vmem_shared>> -> memref<10240xf32, #tpu.memory_space<vmem_shared>>
      tpu.wait_dma2 semaphore(%run_scoped3A : memref<!tpu.dma_semaphore, #tpu.memory_space<semaphore_mem>>) src(%arg5 : memref<10240xf32, #tpu.memory_space<vmem>>) dst(%dma_wait3A_38 : memref<10240xf32, #tpu.memory_space<vmem_shared>>)
      tpu.yield
    }) : () -> ()
    %barrier3A = arith.constant 0 : index
    tpu.barrier barrier_id(%barrier3A)
    %mul3A_18 = arith.constant 640 : i32
    %mul3A_19 = arith.muli %arg1, %mul3A_18 : i32
    "tpu.region"() ({
      %run_scoped3A = tpu.sem_alloc : memref<!tpu.dma_semaphore, #tpu.memory_space<semaphore_mem>>
      %dma_start3A = arith.constant 0 : i32
      %dma_start3A_29 = tpu.memref_slice %arg7[%dma_start3A, %mul3A_19] : memref<16x10240xf32, #tpu.memory_space<vmem_shared>> -> memref<16x640xf32, #tpu.memory_space<vmem_shared>>
      %dma_start3A_30 = arith.constant 0 : i32
      %dma_start3A_31 = tpu.memref_slice %arg7[%dma_start3A_30, %mul3A_19] : memref<16x10240xf32, #tpu.memory_space<vmem_shared>> -> memref<16x640xf32, #tpu.memory_space<vmem_shared>>
      tpu.enqueue_dma source(%dma_start3A_31 : memref<16x640xf32, #tpu.memory_space<vmem_shared>>) target(%arg6 : memref<16x640xf32, #tpu.memory_space<vmem>>) target_semaphore(%run_scoped3A : memref<!tpu.dma_semaphore, #tpu.memory_space<semaphore_mem>>)
      %dma_wait3A = arith.constant 0 : i32
      %dma_wait3A_32 = tpu.memref_slice %arg7[%dma_wait3A, %mul3A_19] : memref<16x10240xf32, #tpu.memory_space<vmem_shared>> -> memref<16x640xf32, #tpu.memory_space<vmem_shared>>
      %dma_wait3A_33 = arith.constant 0 : i32
      %dma_wait3A_34 = tpu.memref_slice %arg7[%dma_wait3A_33, %mul3A_19] : memref<16x10240xf32, #tpu.memory_space<vmem_shared>> -> memref<16x640xf32, #tpu.memory_space<vmem_shared>>
      tpu.wait_dma2 semaphore(%run_scoped3A : memref<!tpu.dma_semaphore, #tpu.memory_space<semaphore_mem>>) src(%dma_wait3A_34 : memref<16x640xf32, #tpu.memory_space<vmem_shared>>) dst(%arg6 : memref<16x640xf32, #tpu.memory_space<vmem>>)
      tpu.yield
    }) : () -> ()
    %scan3A_20 = arith.constant 0 : i32
    %scan3A_21 = arith.constant 0 : i32
    %scan3A_22 = arith.constant 40 : i32
    %scan3A_23 = arith.addi %scan3A_21, %scan3A_22 : i32
    %scan3A_24 = arith.constant 1 : i32
    scf.for %scan3A_29 = %scan3A_21 to %scan3A_23 step %scan3A_24  : i32 {
      %mul3A_30 = arith.constant 16 : i32
      %mul3A_31 = arith.muli %scan3A_29, %mul3A_30 : i32
      %get3A_32 = arith.constant 0 : i32
      %get3A_33 = arith.index_cast %get3A_32 : i32 to index
      %get3A_34 = arith.index_cast %mul3A_31 : i32 to index
      %get3A_35 = tpu.vector_load %arg6[%get3A_33, %get3A_34] {strides = array<i32>} : memref<16x640xf32, #tpu.memory_space<vmem>>, vector<16xf32>,
      %mul3A_36 = arith.constant 16 : i32
      %mul3A_37 = arith.muli %scan3A_29, %mul3A_36 : i32
      %get3A_38 = arith.constant 1 : i32
      %get3A_39 = arith.index_cast %get3A_38 : i32 to index
      %get3A_40 = arith.index_cast %mul3A_37 : i32 to index
      %get3A_41 = tpu.vector_load %arg6[%get3A_39, %get3A_40] {strides = array<i32>} : memref<16x640xf32, #tpu.memory_space<vmem>>, vector<16xf32>,
      %add3A_42 = arith.addf %get3A_35, %get3A_41 : vector<16xf32>
      %mul3A_43 = arith.constant 16 : i32
      %mul3A_44 = arith.muli %scan3A_29, %mul3A_43 : i32
      %get3A_45 = arith.constant 2 : i32
      %get3A_46 = arith.index_cast %get3A_45 : i32 to index
      %get3A_47 = arith.index_cast %mul3A_44 : i32 to index
      %get3A_48 = tpu.vector_load %arg6[%get3A_46, %get3A_47] {strides = array<i32>} : memref<16x640xf32, #tpu.memory_space<vmem>>, vector<16xf32>,
      %add3A_49 = arith.addf %add3A_42, %get3A_48 : vector<16xf32>
      %mul3A_50 = arith.constant 16 : i32
      %mul3A_51 = arith.muli %scan3A_29, %mul3A_50 : i32
      %get3A_52 = arith.constant 3 : i32
      %get3A_53 = arith.index_cast %get3A_52 : i32 to index
      %get3A_54 = arith.index_cast %mul3A_51 : i32 to index
      %get3A_55 = tpu.vector_load %arg6[%get3A_53, %get3A_54] {strides = array<i32>} : memref<16x640xf32, #tpu.memory_space<vmem>>, vector<16xf32>,
      %add3A_56 = arith.addf %add3A_49, %get3A_55 : vector<16xf32>
      %mul3A_57 = arith.constant 16 : i32
      %mul3A_58 = arith.muli %scan3A_29, %mul3A_57 : i32
      %get3A_59 = arith.constant 4 : i32
      %get3A_60 = arith.index_cast %get3A_59 : i32 to index
      %get3A_61 = arith.index_cast %mul3A_58 : i32 to index
      %get3A_62 = tpu.vector_load %arg6[%get3A_60, %get3A_61] {strides = array<i32>} : memref<16x640xf32, #tpu.memory_space<vmem>>, vector<16xf32>,
      %add3A_63 = arith.addf %add3A_56, %get3A_62 : vector<16xf32>
      %mul3A_64 = arith.constant 16 : i32
      %mul3A_65 = arith.muli %scan3A_29, %mul3A_64 : i32
      %get3A_66 = arith.constant 5 : i32
      %get3A_67 = arith.index_cast %get3A_66 : i32 to index
      %get3A_68 = arith.index_cast %mul3A_65 : i32 to index
      %get3A_69 = tpu.vector_load %arg6[%get3A_67, %get3A_68] {strides = array<i32>} : memref<16x640xf32, #tpu.memory_space<vmem>>, vector<16xf32>,
      %add3A_70 = arith.addf %add3A_63, %get3A_69 : vector<16xf32>
      %mul3A_71 = arith.constant 16 : i32
      %mul3A_72 = arith.muli %scan3A_29, %mul3A_71 : i32
      %get3A_73 = arith.constant 6 : i32
      %get3A_74 = arith.index_cast %get3A_73 : i32 to index
      %get3A_75 = arith.index_cast %mul3A_72 : i32 to index
      %get3A_76 = tpu.vector_load %arg6[%get3A_74, %get3A_75] {strides = array<i32>} : memref<16x640xf32, #tpu.memory_space<vmem>>, vector<16xf32>,
      %add3A_77 = arith.addf %add3A_70, %get3A_76 : vector<16xf32>
      %mul3A_78 = arith.constant 16 : i32
      %mul3A_79 = arith.muli %scan3A_29, %mul3A_78 : i32
      %get3A_80 = arith.constant 7 : i32
      %get3A_81 = arith.index_cast %get3A_80 : i32 to index
      %get3A_82 = arith.index_cast %mul3A_79 : i32 to index
      %get3A_83 = tpu.vector_load %arg6[%get3A_81, %get3A_82] {strides = array<i32>} : memref<16x640xf32, #tpu.memory_space<vmem>>, vector<16xf32>,
      %add3A_84 = arith.addf %add3A_77, %get3A_83 : vector<16xf32>
      %mul3A_85 = arith.constant 16 : i32
      %mul3A_86 = arith.muli %scan3A_29, %mul3A_85 : i32
      %get3A_87 = arith.constant 8 : i32
      %get3A_88 = arith.index_cast %get3A_87 : i32 to index
      %get3A_89 = arith.index_cast %mul3A_86 : i32 to index
      %get3A_90 = tpu.vector_load %arg6[%get3A_88, %get3A_89] {strides = array<i32>} : memref<16x640xf32, #tpu.memory_space<vmem>>, vector<16xf32>,
      %add3A_91 = arith.addf %add3A_84, %get3A_90 : vector<16xf32>
      %mul3A_92 = arith.constant 16 : i32
      %mul3A_93 = arith.muli %scan3A_29, %mul3A_92 : i32
      %get3A_94 = arith.constant 9 : i32
      %get3A_95 = arith.index_cast %get3A_94 : i32 to index
      %get3A_96 = arith.index_cast %mul3A_93 : i32 to index
      %get3A_97 = tpu.vector_load %arg6[%get3A_95, %get3A_96] {strides = array<i32>} : memref<16x640xf32, #tpu.memory_space<vmem>>, vector<16xf32>,
      %add3A_98 = arith.addf %add3A_91, %get3A_97 : vector<16xf32>
      %mul3A_99 = arith.constant 16 : i32
      %mul3A_100 = arith.muli %scan3A_29, %mul3A_99 : i32
      %get3A_101 = arith.constant 10 : i32
      %get3A_102 = arith.index_cast %get3A_101 : i32 to index
      %get3A_103 = arith.index_cast %mul3A_100 : i32 to index
      %get3A_104 = tpu.vector_load %arg6[%get3A_102, %get3A_103] {strides = array<i32>} : memref<16x640xf32, #tpu.memory_space<vmem>>, vector<16xf32>,
      %add3A_105 = arith.addf %add3A_98, %get3A_104 : vector<16xf32>
      %mul3A_106 = arith.constant 16 : i32
      %mul3A_107 = arith.muli %scan3A_29, %mul3A_106 : i32
      %get3A_108 = arith.constant 11 : i32
      %get3A_109 = arith.index_cast %get3A_108 : i32 to index
      %get3A_110 = arith.index_cast %mul3A_107 : i32 to index
      %get3A_111 = tpu.vector_load %arg6[%get3A_109, %get3A_110] {strides = array<i32>} : memref<16x640xf32, #tpu.memory_space<vmem>>, vector<16xf32>,
      %add3A_112 = arith.addf %add3A_105, %get3A_111 : vector<16xf32>
      %mul3A_113 = arith.constant 16 : i32
      %mul3A_114 = arith.muli %scan3A_29, %mul3A_113 : i32
      %get3A_115 = arith.constant 12 : i32
      %get3A_116 = arith.index_cast %get3A_115 : i32 to index
      %get3A_117 = arith.index_cast %mul3A_114 : i32 to index
      %get3A_118 = tpu.vector_load %arg6[%get3A_116, %get3A_117] {strides = array<i32>} : memref<16x640xf32, #tpu.memory_space<vmem>>, vector<16xf32>,
      %add3A_119 = arith.addf %add3A_112, %get3A_118 : vector<16xf32>
      %mul3A_120 = arith.constant 16 : i32
      %mul3A_121 = arith.muli %scan3A_29, %mul3A_120 : i32
      %get3A_122 = arith.constant 13 : i32
      %get3A_123 = arith.index_cast %get3A_122 : i32 to index
      %get3A_124 = arith.index_cast %mul3A_121 : i32 to index
      %get3A_125 = tpu.vector_load %arg6[%get3A_123, %get3A_124] {strides = array<i32>} : memref<16x640xf32, #tpu.memory_space<vmem>>, vector<16xf32>,
      %add3A_126 = arith.addf %add3A_119, %get3A_125 : vector<16xf32>
      %mul3A_127 = arith.constant 16 : i32
      %mul3A_128 = arith.muli %scan3A_29, %mul3A_127 : i32
      %get3A_129 = arith.constant 14 : i32
      %get3A_130 = arith.index_cast %get3A_129 : i32 to index
      %get3A_131 = arith.index_cast %mul3A_128 : i32 to index
      %get3A_132 = tpu.vector_load %arg6[%get3A_130, %get3A_131] {strides = array<i32>} : memref<16x640xf32, #tpu.memory_space<vmem>>, vector<16xf32>,
      %add3A_133 = arith.addf %add3A_126, %get3A_132 : vector<16xf32>
      %mul3A_134 = arith.constant 16 : i32
      %mul3A_135 = arith.muli %scan3A_29, %mul3A_134 : i32
      %get3A_136 = arith.constant 15 : i32
      %get3A_137 = arith.index_cast %get3A_136 : i32 to index
      %get3A_138 = arith.index_cast %mul3A_135 : i32 to index
      %get3A_139 = tpu.vector_load %arg6[%get3A_137, %get3A_138] {strides = array<i32>} : memref<16x640xf32, #tpu.memory_space<vmem>>, vector<16xf32>,
      %add3A_140 = arith.addf %add3A_133, %get3A_139 : vector<16xf32>
      %mul3A_141 = arith.constant 16 : i32
      %mul3A_142 = arith.muli %scan3A_29, %mul3A_141 : i32
      %swap3A = arith.index_cast %mul3A_142 : i32 to index
      %swap3A_143 = tpu.vector_load %arg5[%swap3A] {strides = array<i32>} : memref<10240xf32, #tpu.memory_space<vmem>>, vector<16xf32>,
      tpu.vector_store %arg5[%swap3A], %add3A_140 {strides = array<i32>} : memref<10240xf32, #tpu.memory_space<vmem>>, vector<16xf32>,
    }
    %scan3A_25 = arith.constant 40 : i32
    %mul3A_26 = arith.constant 640 : i32
    %mul3A_27 = arith.muli %arg1, %mul3A_26 : i32
    "tpu.region"() ({
      %run_scoped3A = tpu.sem_alloc : memref<!tpu.dma_semaphore, #tpu.memory_space<semaphore_mem>>
      %dma_start3A = arith.constant 0 : i32
      %dma_start3A_29 = tpu.memref_slice %arg5[%dma_start3A] : memref<10240xf32, #tpu.memory_space<vmem>> -> memref<640xf32, #tpu.memory_space<vmem>>
      %dma_start3A_30 = tpu.memref_slice %arg3[%arg0, %mul3A_27] : memref<2x10240xf32, #tpu.memory_space<hbm>> -> memref<1x640xf32, #tpu.memory_space<hbm>>
      %dma_start3A_31 = tpu.memref_squeeze %dma_start3A_30 : memref<1x640xf32, #tpu.memory_space<hbm>> -> memref<640xf32, #tpu.memory_space<hbm>>
      %dma_start3A_32 = tpu.memref_slice %arg3[%arg0, %mul3A_27] : memref<2x10240xf32, #tpu.memory_space<hbm>> -> memref<1x640xf32, #tpu.memory_space<hbm>>
      %dma_start3A_33 = tpu.memref_squeeze %dma_start3A_32 : memref<1x640xf32, #tpu.memory_space<hbm>> -> memref<640xf32, #tpu.memory_space<hbm>>
      %dma_start3A_34 = arith.constant 0 : i32
      %dma_start3A_35 = tpu.memref_slice %arg5[%dma_start3A_34] : memref<10240xf32, #tpu.memory_space<vmem>> -> memref<640xf32, #tpu.memory_space<vmem>>
      tpu.enqueue_dma source(%dma_start3A_35 : memref<640xf32, #tpu.memory_space<vmem>>) target(%dma_start3A_33 : memref<640xf32, #tpu.memory_space<hbm>>) target_semaphore(%run_scoped3A : memref<!tpu.dma_semaphore, #tpu.memory_space<semaphore_mem>>)
      %dma_wait3A = arith.constant 0 : i32
      %dma_wait3A_36 = tpu.memref_slice %arg5[%dma_wait3A] : memref<10240xf32, #tpu.memory_space<vmem>> -> memref<640xf32, #tpu.memory_space<vmem>>
      %dma_wait3A_37 = tpu.memref_slice %arg3[%arg0, %mul3A_27] : memref<2x10240xf32, #tpu.memory_space<hbm>> -> memref<1x640xf32, #tpu.memory_space<hbm>>
      %dma_wait3A_38 = tpu.memref_squeeze %dma_wait3A_37 : memref<1x640xf32, #tpu.memory_space<hbm>> -> memref<640xf32, #tpu.memory_space<hbm>>
      %dma_wait3A_39 = tpu.memref_slice %arg3[%arg0, %mul3A_27] : memref<2x10240xf32, #tpu.memory_space<hbm>> -> memref<1x640xf32, #tpu.memory_space<hbm>>
      %dma_wait3A_40 = tpu.memref_squeeze %dma_wait3A_39 : memref<1x640xf32, #tpu.memory_space<hbm>> -> memref<640xf32, #tpu.memory_space<hbm>>
      %dma_wait3A_41 = arith.constant 0 : i32
      %dma_wait3A_42 = tpu.memref_slice %arg5[%dma_wait3A_41] : memref<10240xf32, #tpu.memory_space<vmem>> -> memref<640xf32, #tpu.memory_space<vmem>>
      tpu.wait_dma2 semaphore(%run_scoped3A : memref<!tpu.dma_semaphore, #tpu.memory_space<semaphore_mem>>) src(%dma_wait3A_42 : memref<640xf32, #tpu.memory_space<vmem>>) dst(%dma_wait3A_40 : memref<640xf32, #tpu.memory_space<hbm>>)
      tpu.yield
    }) : () -> ()
    %barrier3A_28 = arith.constant 0 : index
    tpu.barrier barrier_id(%barrier3A_28)
    return
  }
}

#map = affine_map<(d0, d1) -> (0)>
#map1 = affine_map<(d0, d1) -> (0, 0)>
module attributes {stable_mosaic.version = 14 : i64} {
  func.func @_denom_kernel(%arg0: i32, %arg1: i32, %arg2: memref<320000xf32, #tpu.memory_space<hbm>>, %arg3: memref<320000xi32, #tpu.memory_space<hbm>>, %arg4: memref<2x10240xf32, #tpu.memory_space<hbm>>, %arg5: memref<320000xf32, #tpu.memory_space<hbm>>, %arg6: memref<2x10240xf32, #tpu.memory_space<hbm>>, %arg7: memref<10000xi32, #tpu.memory_space<vmem>>, %arg8: memref<10000xf32, #tpu.memory_space<vmem>>, %arg9: memref<10240xf32, #tpu.memory_space<vmem>>, %arg10: memref<10240xf32, #tpu.memory_space<vmem>>, %arg11: memref<16x640xf32, #tpu.memory_space<vmem>>, %arg12: memref<16x10240xf32, #tpu.memory_space<vmem_shared>>) attributes {dimension_semantics = [#tpu.dimension_semantics<core_parallel>, #tpu.dimension_semantics<subcore_parallel>], iteration_bounds = array<i64: 2, 16>, scalar_prefetch = 0 : i64, scratch_operands = 6 : i64, tpu.core_type = #tpu.core_type<sc_vector_subcore>, window_params = [{transform_indices = #map}, {transform_indices = #map}, {transform_indices = #map1}, {transform_indices = #map}, {transform_indices = #map1}]} {
    %mul3A = arith.constant 16 : i32
    %mul3A_0 = arith.muli %arg0, %mul3A : i32
    %add3A = arith.addi %mul3A_0, %arg1 : i32
    %mul3A_1 = arith.constant 10000 : i32
    %mul3A_2 = arith.muli %add3A, %mul3A_1 : i32
    "tpu.region"() ({
      %run_scoped3A_50 = tpu.sem_alloc : memref<!tpu.dma_semaphore, #tpu.memory_space<semaphore_mem>>
      %dma_start3A = tpu.memref_slice %arg3[%mul3A_2] : memref<320000xi32, #tpu.memory_space<hbm>> -> memref<10000xi32, #tpu.memory_space<hbm>>
      %dma_start3A_51 = tpu.memref_slice %arg3[%mul3A_2] : memref<320000xi32, #tpu.memory_space<hbm>> -> memref<10000xi32, #tpu.memory_space<hbm>>
      tpu.enqueue_dma source(%dma_start3A_51 : memref<10000xi32, #tpu.memory_space<hbm>>) target(%arg7 : memref<10000xi32, #tpu.memory_space<vmem>>) target_semaphore(%run_scoped3A_50 : memref<!tpu.dma_semaphore, #tpu.memory_space<semaphore_mem>>)
      %dma_wait3A = tpu.memref_slice %arg3[%mul3A_2] : memref<320000xi32, #tpu.memory_space<hbm>> -> memref<10000xi32, #tpu.memory_space<hbm>>
      %dma_wait3A_52 = tpu.memref_slice %arg3[%mul3A_2] : memref<320000xi32, #tpu.memory_space<hbm>> -> memref<10000xi32, #tpu.memory_space<hbm>>
      tpu.wait_dma2 semaphore(%run_scoped3A_50 : memref<!tpu.dma_semaphore, #tpu.memory_space<semaphore_mem>>) src(%dma_wait3A_52 : memref<10000xi32, #tpu.memory_space<hbm>>) dst(%arg7 : memref<10000xi32, #tpu.memory_space<vmem>>)
      tpu.yield
    }) : () -> ()
    %mul3A_3 = arith.constant 10000 : i32
    %mul3A_4 = arith.muli %add3A, %mul3A_3 : i32
    "tpu.region"() ({
      %run_scoped3A_50 = tpu.sem_alloc : memref<!tpu.dma_semaphore, #tpu.memory_space<semaphore_mem>>
      %dma_start3A = tpu.memref_slice %arg2[%mul3A_4] : memref<320000xf32, #tpu.memory_space<hbm>> -> memref<10000xf32, #tpu.memory_space<hbm>>
      %dma_start3A_51 = tpu.memref_slice %arg2[%mul3A_4] : memref<320000xf32, #tpu.memory_space<hbm>> -> memref<10000xf32, #tpu.memory_space<hbm>>
      tpu.enqueue_dma source(%dma_start3A_51 : memref<10000xf32, #tpu.memory_space<hbm>>) target(%arg8 : memref<10000xf32, #tpu.memory_space<vmem>>) target_semaphore(%run_scoped3A_50 : memref<!tpu.dma_semaphore, #tpu.memory_space<semaphore_mem>>)
      %dma_wait3A = tpu.memref_slice %arg2[%mul3A_4] : memref<320000xf32, #tpu.memory_space<hbm>> -> memref<10000xf32, #tpu.memory_space<hbm>>
      %dma_wait3A_52 = tpu.memref_slice %arg2[%mul3A_4] : memref<320000xf32, #tpu.memory_space<hbm>> -> memref<10000xf32, #tpu.memory_space<hbm>>
      tpu.wait_dma2 semaphore(%run_scoped3A_50 : memref<!tpu.dma_semaphore, #tpu.memory_space<semaphore_mem>>) src(%dma_wait3A_52 : memref<10000xf32, #tpu.memory_space<hbm>>) dst(%arg8 : memref<10000xf32, #tpu.memory_space<vmem>>)
      tpu.yield
    }) : () -> ()
    %run_scoped3A = arith.constant 0 : i32
    "tpu.region"() ({
      %run_scoped3A_50 = tpu.sem_alloc : memref<!tpu.dma_semaphore, #tpu.memory_space<semaphore_mem>>
      %dma_start3A = arith.constant 0 : i32
      %dma_start3A_51 = tpu.memref_slice %arg4[%run_scoped3A, %dma_start3A] : memref<2x10240xf32, #tpu.memory_space<hbm>> -> memref<1x10240xf32, #tpu.memory_space<hbm>>
      %dma_start3A_52 = tpu.memref_squeeze %dma_start3A_51 : memref<1x10240xf32, #tpu.memory_space<hbm>> -> memref<10240xf32, #tpu.memory_space<hbm>>
      %dma_start3A_53 = arith.constant 0 : i32
      %dma_start3A_54 = tpu.memref_slice %arg4[%run_scoped3A, %dma_start3A_53] : memref<2x10240xf32, #tpu.memory_space<hbm>> -> memref<1x10240xf32, #tpu.memory_space<hbm>>
      %dma_start3A_55 = tpu.memref_squeeze %dma_start3A_54 : memref<1x10240xf32, #tpu.memory_space<hbm>> -> memref<10240xf32, #tpu.memory_space<hbm>>
      tpu.enqueue_dma source(%dma_start3A_55 : memref<10240xf32, #tpu.memory_space<hbm>>) target(%arg9 : memref<10240xf32, #tpu.memory_space<vmem>>) target_semaphore(%run_scoped3A_50 : memref<!tpu.dma_semaphore, #tpu.memory_space<semaphore_mem>>)
      %dma_wait3A = arith.constant 0 : i32
      %dma_wait3A_56 = tpu.memref_slice %arg4[%run_scoped3A, %dma_wait3A] : memref<2x10240xf32, #tpu.memory_space<hbm>> -> memref<1x10240xf32, #tpu.memory_space<hbm>>
      %dma_wait3A_57 = tpu.memref_squeeze %dma_wait3A_56 : memref<1x10240xf32, #tpu.memory_space<hbm>> -> memref<10240xf32, #tpu.memory_space<hbm>>
      %dma_wait3A_58 = arith.constant 0 : i32
      %dma_wait3A_59 = tpu.memref_slice %arg4[%run_scoped3A, %dma_wait3A_58] : memref<2x10240xf32, #tpu.memory_space<hbm>> -> memref<1x10240xf32, #tpu.memory_space<hbm>>
      %dma_wait3A_60 = tpu.memref_squeeze %dma_wait3A_59 : memref<1x10240xf32, #tpu.memory_space<hbm>> -> memref<10240xf32, #tpu.memory_space<hbm>>
      tpu.wait_dma2 semaphore(%run_scoped3A_50 : memref<!tpu.dma_semaphore, #tpu.memory_space<semaphore_mem>>) src(%dma_wait3A_60 : memref<10240xf32, #tpu.memory_space<hbm>>) dst(%arg9 : memref<10240xf32, #tpu.memory_space<vmem>>)
      tpu.yield
    }) : () -> ()
    %run_scoped3A_5 = arith.constant 1 : i32
    "tpu.region"() ({
      %run_scoped3A_50 = tpu.sem_alloc : memref<!tpu.dma_semaphore, #tpu.memory_space<semaphore_mem>>
      %dma_start3A = arith.constant 0 : i32
      %dma_start3A_51 = tpu.memref_slice %arg4[%run_scoped3A_5, %dma_start3A] : memref<2x10240xf32, #tpu.memory_space<hbm>> -> memref<1x10240xf32, #tpu.memory_space<hbm>>
      %dma_start3A_52 = tpu.memref_squeeze %dma_start3A_51 : memref<1x10240xf32, #tpu.memory_space<hbm>> -> memref<10240xf32, #tpu.memory_space<hbm>>
      %dma_start3A_53 = arith.constant 0 : i32
      %dma_start3A_54 = tpu.memref_slice %arg4[%run_scoped3A_5, %dma_start3A_53] : memref<2x10240xf32, #tpu.memory_space<hbm>> -> memref<1x10240xf32, #tpu.memory_space<hbm>>
      %dma_start3A_55 = tpu.memref_squeeze %dma_start3A_54 : memref<1x10240xf32, #tpu.memory_space<hbm>> -> memref<10240xf32, #tpu.memory_space<hbm>>
      tpu.enqueue_dma source(%dma_start3A_55 : memref<10240xf32, #tpu.memory_space<hbm>>) target(%arg10 : memref<10240xf32, #tpu.memory_space<vmem>>) target_semaphore(%run_scoped3A_50 : memref<!tpu.dma_semaphore, #tpu.memory_space<semaphore_mem>>)
      %dma_wait3A = arith.constant 0 : i32
      %dma_wait3A_56 = tpu.memref_slice %arg4[%run_scoped3A_5, %dma_wait3A] : memref<2x10240xf32, #tpu.memory_space<hbm>> -> memref<1x10240xf32, #tpu.memory_space<hbm>>
      %dma_wait3A_57 = tpu.memref_squeeze %dma_wait3A_56 : memref<1x10240xf32, #tpu.memory_space<hbm>> -> memref<10240xf32, #tpu.memory_space<hbm>>
      %dma_wait3A_58 = arith.constant 0 : i32
      %dma_wait3A_59 = tpu.memref_slice %arg4[%run_scoped3A_5, %dma_wait3A_58] : memref<2x10240xf32, #tpu.memory_space<hbm>> -> memref<1x10240xf32, #tpu.memory_space<hbm>>
      %dma_wait3A_60 = tpu.memref_squeeze %dma_wait3A_59 : memref<1x10240xf32, #tpu.memory_space<hbm>> -> memref<10240xf32, #tpu.memory_space<hbm>>
      tpu.wait_dma2 semaphore(%run_scoped3A_50 : memref<!tpu.dma_semaphore, #tpu.memory_space<semaphore_mem>>) src(%dma_wait3A_60 : memref<10240xf32, #tpu.memory_space<hbm>>) dst(%arg10 : memref<10240xf32, #tpu.memory_space<vmem>>)
      tpu.yield
    }) : () -> ()
    %scan3A = arith.constant 0 : i32
    %scan3A_6 = arith.constant 0 : i32
    %scan3A_7 = arith.constant 640 : i32
    %scan3A_8 = arith.addi %scan3A_6, %scan3A_7 : i32
    %scan3A_9 = arith.constant 1 : i32
    scf.for %scan3A_50 = %scan3A_6 to %scan3A_8 step %scan3A_9  : i32 {
      %mul3A_51 = arith.constant 16 : i32
      %mul3A_52 = arith.muli %scan3A_50, %mul3A_51 : i32
      %get3A_53 = arith.index_cast %mul3A_52 : i32 to index
      %get3A_54 = tpu.vector_load %arg9[%get3A_53] {strides = array<i32>} : memref<10240xf32, #tpu.memory_space<vmem>>, vector<16xf32>,
      %mul3A_55 = arith.constant 16 : i32
      %mul3A_56 = arith.muli %scan3A_50, %mul3A_55 : i32
      %get3A_57 = arith.index_cast %mul3A_56 : i32 to index
      %get3A_58 = tpu.vector_load %arg10[%get3A_57] {strides = array<i32>} : memref<10240xf32, #tpu.memory_space<vmem>>, vector<16xf32>,
      %add3A_59 = arith.addf %get3A_54, %get3A_58 : vector<16xf32>
      %add3A_60 = arith.constant 1.000000e-03 : f32
      %add3A_61 = vector.broadcast %add3A_60 : f32 to vector<16xf32>
      %add3A_62 = arith.addf %add3A_59, %add3A_61 : vector<16xf32>
      %bitcast3A = vector.bitcast %add3A_62 : vector<16xf32> to vector<16xi32>
      %shift_right_logical3A = arith.constant 1 : i32
      %shift_right_logical3A_63 = vector.broadcast %shift_right_logical3A : i32 to vector<16xi32>
      %shift_right_logical3A_64 = arith.shrui %bitcast3A, %shift_right_logical3A_63 : vector<16xi32>
      %sub3A = arith.constant 1597463007 : i32
      %sub3A_65 = vector.broadcast %sub3A : i32 to vector<16xi32>
      %sub3A_66 = arith.subi %sub3A_65, %shift_right_logical3A_64 : vector<16xi32>
      %bitcast3A_67 = vector.bitcast %sub3A_66 : vector<16xi32> to vector<16xf32>
      %mul3A_68 = arith.constant 5.000000e-01 : f32
      %mul3A_69 = vector.broadcast %mul3A_68 : f32 to vector<16xf32>
      %mul3A_70 = arith.mulf %add3A_62, %mul3A_69 : vector<16xf32>
      %mul3A_71 = arith.mulf %mul3A_70, %bitcast3A_67 : vector<16xf32>
      %mul3A_72 = arith.mulf %mul3A_71, %bitcast3A_67 : vector<16xf32>
      %sub3A_73 = arith.constant 1.500000e+00 : f32
      %sub3A_74 = vector.broadcast %sub3A_73 : f32 to vector<16xf32>
      %sub3A_75 = arith.subf %sub3A_74, %mul3A_72 : vector<16xf32>
      %mul3A_76 = arith.mulf %bitcast3A_67, %sub3A_75 : vector<16xf32>
      %mul3A_77 = arith.mulf %mul3A_70, %mul3A_76 : vector<16xf32>
      %mul3A_78 = arith.mulf %mul3A_77, %mul3A_76 : vector<16xf32>
      %sub3A_79 = arith.constant 1.500000e+00 : f32
      %sub3A_80 = vector.broadcast %sub3A_79 : f32 to vector<16xf32>
      %sub3A_81 = arith.subf %sub3A_80, %mul3A_78 : vector<16xf32>
      %mul3A_82 = arith.mulf %mul3A_76, %sub3A_81 : vector<16xf32>
      %mul3A_83 = arith.mulf %mul3A_70, %mul3A_82 : vector<16xf32>
      %mul3A_84 = arith.mulf %mul3A_83, %mul3A_82 : vector<16xf32>
      %sub3A_85 = arith.constant 1.500000e+00 : f32
      %sub3A_86 = vector.broadcast %sub3A_85 : f32 to vector<16xf32>
      %sub3A_87 = arith.subf %sub3A_86, %mul3A_84 : vector<16xf32>
      %mul3A_88 = arith.mulf %mul3A_82, %sub3A_87 : vector<16xf32>
      %mul3A_89 = arith.constant 16 : i32
      %mul3A_90 = arith.muli %scan3A_50, %mul3A_89 : i32
      %swap3A_91 = arith.index_cast %mul3A_90 : i32 to index
      %swap3A_92 = tpu.vector_load %arg9[%swap3A_91] {strides = array<i32>} : memref<10240xf32, #tpu.memory_space<vmem>>, vector<16xf32>,
      tpu.vector_store %arg9[%swap3A_91], %mul3A_88 {strides = array<i32>} : memref<10240xf32, #tpu.memory_space<vmem>>, vector<16xf32>,
    }
    %scan3A_10 = arith.constant 640 : i32
    %broadcast_in_dim3A = arith.constant 0.000000e+00 : f32
    %broadcast_in_dim3A_11 = vector.broadcast %broadcast_in_dim3A : f32 to vector<16xf32>
    %scan3A_12 = arith.constant 0 : i32
    %scan3A_13 = arith.constant 0 : i32
    %scan3A_14 = arith.constant 640 : i32
    %scan3A_15 = arith.addi %scan3A_13, %scan3A_14 : i32
    %scan3A_16 = arith.constant 1 : i32
    scf.for %scan3A_50 = %scan3A_13 to %scan3A_15 step %scan3A_16  : i32 {
      %mul3A_51 = arith.constant 16 : i32
      %mul3A_52 = arith.muli %scan3A_50, %mul3A_51 : i32
      %swap3A_53 = arith.index_cast %mul3A_52 : i32 to index
      %swap3A_54 = tpu.vector_load %arg10[%swap3A_53] {strides = array<i32>} : memref<10240xf32, #tpu.memory_space<vmem>>, vector<16xf32>,
      tpu.vector_store %arg10[%swap3A_53], %broadcast_in_dim3A_11 {strides = array<i32>} : memref<10240xf32, #tpu.memory_space<vmem>>, vector<16xf32>,
    }
    %scan3A_17 = arith.constant 640 : i32
    %scan3A_18 = arith.constant 0 : i32
    %scan3A_19 = arith.constant 0 : i32
    %scan3A_20 = arith.constant 312 : i32
    %scan3A_21 = arith.addi %scan3A_19, %scan3A_20 : i32
    %scan3A_22 = arith.constant 1 : i32
    scf.for %scan3A_50 = %scan3A_19 to %scan3A_21 step %scan3A_22  : i32 {
      %mul3A_51 = arith.constant 2 : i32
      %mul3A_52 = arith.muli %scan3A_50, %mul3A_51 : i32
      %mul3A_53 = arith.constant 16 : i32
      %mul3A_54 = arith.muli %mul3A_52, %mul3A_53 : i32
      %get3A_55 = arith.index_cast %mul3A_54 : i32 to index
      %get3A_56 = tpu.vector_load %arg7[%get3A_55] {strides = array<i32>} : memref<10000xi32, #tpu.memory_space<vmem>>, vector<16xi32>,
      %add3A_57 = arith.constant 16 : i32
      %add3A_58 = arith.addi %mul3A_54, %add3A_57 : i32
      %get3A_59 = arith.index_cast %add3A_58 : i32 to index
      %get3A_60 = tpu.vector_load %arg7[%get3A_59] {strides = array<i32>} : memref<10000xi32, #tpu.memory_space<vmem>>, vector<16xi32>,
      %gather3A_61 = tpu.vector_load_idx %arg9[%get3A_56] : memref<10240xf32, #tpu.memory_space<vmem>>[vector<16xi32>], vector<16xf32>,
      %gather3A_62 = tpu.vector_load_idx %arg9[%get3A_60] : memref<10240xf32, #tpu.memory_space<vmem>>[vector<16xi32>], vector<16xf32>,
      %get3A_63 = arith.index_cast %mul3A_54 : i32 to index
      %get3A_64 = tpu.vector_load %arg8[%get3A_63] {strides = array<i32>} : memref<10000xf32, #tpu.memory_space<vmem>>, vector<16xf32>,
      %mul3A_65 = arith.mulf %get3A_64, %gather3A_61 : vector<16xf32>
      %exp3A_66 = math.exp %mul3A_65 : vector<16xf32>
      %swap3A_67 = arith.index_cast %mul3A_54 : i32 to index
      %swap3A_68 = tpu.vector_load %arg8[%swap3A_67] {strides = array<i32>} : memref<10000xf32, #tpu.memory_space<vmem>>, vector<16xf32>,
      tpu.vector_store %arg8[%swap3A_67], %exp3A_66 {strides = array<i32>} : memref<10000xf32, #tpu.memory_space<vmem>>, vector<16xf32>,
      %add3A_69 = arith.constant 16 : i32
      %add3A_70 = arith.addi %mul3A_54, %add3A_69 : i32
      %get3A_71 = arith.index_cast %add3A_70 : i32 to index
      %get3A_72 = tpu.vector_load %arg8[%get3A_71] {strides = array<i32>} : memref<10000xf32, #tpu.memory_space<vmem>>, vector<16xf32>,
      %mul3A_73 = arith.mulf %get3A_72, %gather3A_62 : vector<16xf32>
      %exp3A_74 = math.exp %mul3A_73 : vector<16xf32>
      %add3A_75 = arith.constant 16 : i32
      %add3A_76 = arith.addi %mul3A_54, %add3A_75 : i32
      %swap3A_77 = arith.index_cast %add3A_76 : i32 to index
      %swap3A_78 = tpu.vector_load %arg8[%swap3A_77] {strides = array<i32>} : memref<10000xf32, #tpu.memory_space<vmem>>, vector<16xf32>,
      tpu.vector_store %arg8[%swap3A_77], %exp3A_74 {strides = array<i32>} : memref<10000xf32, #tpu.memory_space<vmem>>, vector<16xf32>,
    }
    %scan3A_23 = arith.constant 312 : i32
    %get3A = arith.constant 9984 : index
    %get3A_24 = tpu.vector_load %arg7[%get3A] {strides = array<i32>} : memref<10000xi32, #tpu.memory_space<vmem>>, vector<16xi32>,
    %get3A_25 = arith.constant 9984 : index
    %get3A_26 = tpu.vector_load %arg8[%get3A_25] {strides = array<i32>} : memref<10000xf32, #tpu.memory_space<vmem>>, vector<16xf32>,
    %gather3A = tpu.vector_load_idx %arg9[%get3A_24] : memref<10240xf32, #tpu.memory_space<vmem>>[vector<16xi32>], vector<16xf32>,
    %mul3A_27 = arith.mulf %get3A_26, %gather3A : vector<16xf32>
    %exp3A = math.exp %mul3A_27 : vector<16xf32>
    %swap3A = arith.constant 9984 : index
    %swap3A_28 = tpu.vector_load %arg8[%swap3A] {strides = array<i32>} : memref<10000xf32, #tpu.memory_space<vmem>>, vector<16xf32>,
    tpu.vector_store %arg8[%swap3A], %exp3A {strides = array<i32>} : memref<10000xf32, #tpu.memory_space<vmem>>, vector<16xf32>,
    %scan3A_29 = arith.constant 0 : i32
    %scan3A_30 = arith.constant 0 : i32
    %scan3A_31 = arith.constant 312 : i32
    %scan3A_32 = arith.addi %scan3A_30, %scan3A_31 : i32
    %scan3A_33 = arith.constant 1 : i32
    scf.for %scan3A_50 = %scan3A_30 to %scan3A_32 step %scan3A_33  : i32 {
      %mul3A_51 = arith.constant 2 : i32
      %mul3A_52 = arith.muli %scan3A_50, %mul3A_51 : i32
      %mul3A_53 = arith.constant 16 : i32
      %mul3A_54 = arith.muli %mul3A_52, %mul3A_53 : i32
      %get3A_55 = arith.index_cast %mul3A_54 : i32 to index
      %get3A_56 = tpu.vector_load %arg7[%get3A_55] {strides = array<i32>} : memref<10000xi32, #tpu.memory_space<vmem>>, vector<16xi32>,
      %add3A_57 = arith.constant 16 : i32
      %add3A_58 = arith.addi %mul3A_54, %add3A_57 : i32
      %get3A_59 = arith.index_cast %add3A_58 : i32 to index
      %get3A_60 = tpu.vector_load %arg7[%get3A_59] {strides = array<i32>} : memref<10000xi32, #tpu.memory_space<vmem>>, vector<16xi32>,
      %get3A_61 = arith.index_cast %mul3A_54 : i32 to index
      %get3A_62 = tpu.vector_load %arg8[%get3A_61] {strides = array<i32>} : memref<10000xf32, #tpu.memory_space<vmem>>, vector<16xf32>,
      tpu.vector_store_idx %arg10[%get3A_56], %get3A_62 {add = true} : memref<10240xf32, #tpu.memory_space<vmem>>[vector<16xi32>], vector<16xf32>,
      %add3A_63 = arith.constant 16 : i32
      %add3A_64 = arith.addi %mul3A_54, %add3A_63 : i32
      %get3A_65 = arith.index_cast %add3A_64 : i32 to index
      %get3A_66 = tpu.vector_load %arg8[%get3A_65] {strides = array<i32>} : memref<10000xf32, #tpu.memory_space<vmem>>, vector<16xf32>,
      tpu.vector_store_idx %arg10[%get3A_60], %get3A_66 {add = true} : memref<10240xf32, #tpu.memory_space<vmem>>[vector<16xi32>], vector<16xf32>,
    }
    %scan3A_34 = arith.constant 312 : i32
    %get3A_35 = arith.constant 9984 : index
    %get3A_36 = tpu.vector_load %arg8[%get3A_35] {strides = array<i32>} : memref<10000xf32, #tpu.memory_space<vmem>>, vector<16xf32>,
    tpu.vector_store_idx %arg10[%get3A_24], %get3A_36 {add = true} : memref<10240xf32, #tpu.memory_space<vmem>>[vector<16xi32>], vector<16xf32>,
    %mul3A_37 = arith.constant 10000 : i32
    %mul3A_38 = arith.muli %add3A, %mul3A_37 : i32
    "tpu.region"() ({
      %run_scoped3A_50 = tpu.sem_alloc : memref<!tpu.dma_semaphore, #tpu.memory_space<semaphore_mem>>
      %dma_start3A = tpu.memref_slice %arg5[%mul3A_38] : memref<320000xf32, #tpu.memory_space<hbm>> -> memref<10000xf32, #tpu.memory_space<hbm>>
      %dma_start3A_51 = tpu.memref_slice %arg5[%mul3A_38] : memref<320000xf32, #tpu.memory_space<hbm>> -> memref<10000xf32, #tpu.memory_space<hbm>>
      tpu.enqueue_dma source(%arg8 : memref<10000xf32, #tpu.memory_space<vmem>>) target(%dma_start3A_51 : memref<10000xf32, #tpu.memory_space<hbm>>) target_semaphore(%run_scoped3A_50 : memref<!tpu.dma_semaphore, #tpu.memory_space<semaphore_mem>>)
      %dma_wait3A = tpu.memref_slice %arg5[%mul3A_38] : memref<320000xf32, #tpu.memory_space<hbm>> -> memref<10000xf32, #tpu.memory_space<hbm>>
      %dma_wait3A_52 = tpu.memref_slice %arg5[%mul3A_38] : memref<320000xf32, #tpu.memory_space<hbm>> -> memref<10000xf32, #tpu.memory_space<hbm>>
      tpu.wait_dma2 semaphore(%run_scoped3A_50 : memref<!tpu.dma_semaphore, #tpu.memory_space<semaphore_mem>>) src(%arg8 : memref<10000xf32, #tpu.memory_space<vmem>>) dst(%dma_wait3A_52 : memref<10000xf32, #tpu.memory_space<hbm>>)
      tpu.yield
    }) : () -> ()
    "tpu.region"() ({
      %run_scoped3A_50 = tpu.sem_alloc : memref<!tpu.dma_semaphore, #tpu.memory_space<semaphore_mem>>
      %dma_start3A = arith.constant 0 : i32
      %dma_start3A_51 = tpu.memref_slice %arg12[%arg1, %dma_start3A] : memref<16x10240xf32, #tpu.memory_space<vmem_shared>> -> memref<1x10240xf32, #tpu.memory_space<vmem_shared>>
      %dma_start3A_52 = tpu.memref_squeeze %dma_start3A_51 : memref<1x10240xf32, #tpu.memory_space<vmem_shared>> -> memref<10240xf32, #tpu.memory_space<vmem_shared>>
      %dma_start3A_53 = arith.constant 0 : i32
      %dma_start3A_54 = tpu.memref_slice %arg12[%arg1, %dma_start3A_53] : memref<16x10240xf32, #tpu.memory_space<vmem_shared>> -> memref<1x10240xf32, #tpu.memory_space<vmem_shared>>
      %dma_start3A_55 = tpu.memref_squeeze %dma_start3A_54 : memref<1x10240xf32, #tpu.memory_space<vmem_shared>> -> memref<10240xf32, #tpu.memory_space<vmem_shared>>
      tpu.enqueue_dma source(%arg10 : memref<10240xf32, #tpu.memory_space<vmem>>) target(%dma_start3A_55 : memref<10240xf32, #tpu.memory_space<vmem_shared>>) target_semaphore(%run_scoped3A_50 : memref<!tpu.dma_semaphore, #tpu.memory_space<semaphore_mem>>)
      %dma_wait3A = arith.constant 0 : i32
      %dma_wait3A_56 = tpu.memref_slice %arg12[%arg1, %dma_wait3A] : memref<16x10240xf32, #tpu.memory_space<vmem_shared>> -> memref<1x10240xf32, #tpu.memory_space<vmem_shared>>
      %dma_wait3A_57 = tpu.memref_squeeze %dma_wait3A_56 : memref<1x10240xf32, #tpu.memory_space<vmem_shared>> -> memref<10240xf32, #tpu.memory_space<vmem_shared>>
      %dma_wait3A_58 = arith.constant 0 : i32
      %dma_wait3A_59 = tpu.memref_slice %arg12[%arg1, %dma_wait3A_58] : memref<16x10240xf32, #tpu.memory_space<vmem_shared>> -> memref<1x10240xf32, #tpu.memory_space<vmem_shared>>
      %dma_wait3A_60 = tpu.memref_squeeze %dma_wait3A_59 : memref<1x10240xf32, #tpu.memory_space<vmem_shared>> -> memref<10240xf32, #tpu.memory_space<vmem_shared>>
      tpu.wait_dma2 semaphore(%run_scoped3A_50 : memref<!tpu.dma_semaphore, #tpu.memory_space<semaphore_mem>>) src(%arg10 : memref<10240xf32, #tpu.memory_space<vmem>>) dst(%dma_wait3A_60 : memref<10240xf32, #tpu.memory_space<vmem_shared>>)
      tpu.yield
    }) : () -> ()
    %barrier3A = arith.constant 0 : index
    tpu.barrier barrier_id(%barrier3A)
    %mul3A_39 = arith.constant 640 : i32
    %mul3A_40 = arith.muli %arg1, %mul3A_39 : i32
    "tpu.region"() ({
      %run_scoped3A_50 = tpu.sem_alloc : memref<!tpu.dma_semaphore, #tpu.memory_space<semaphore_mem>>
      %dma_start3A = arith.constant 0 : i32
      %dma_start3A_51 = tpu.memref_slice %arg12[%dma_start3A, %mul3A_40] : memref<16x10240xf32, #tpu.memory_space<vmem_shared>> -> memref<16x640xf32, #tpu.memory_space<vmem_shared>>
      %dma_start3A_52 = arith.constant 0 : i32
      %dma_start3A_53 = tpu.memref_slice %arg12[%dma_start3A_52, %mul3A_40] : memref<16x10240xf32, #tpu.memory_space<vmem_shared>> -> memref<16x640xf32, #tpu.memory_space<vmem_shared>>
      tpu.enqueue_dma source(%dma_start3A_53 : memref<16x640xf32, #tpu.memory_space<vmem_shared>>) target(%arg11 : memref<16x640xf32, #tpu.memory_space<vmem>>) target_semaphore(%run_scoped3A_50 : memref<!tpu.dma_semaphore, #tpu.memory_space<semaphore_mem>>)
      %dma_wait3A = arith.constant 0 : i32
      %dma_wait3A_54 = tpu.memref_slice %arg12[%dma_wait3A, %mul3A_40] : memref<16x10240xf32, #tpu.memory_space<vmem_shared>> -> memref<16x640xf32, #tpu.memory_space<vmem_shared>>
      %dma_wait3A_55 = arith.constant 0 : i32
      %dma_wait3A_56 = tpu.memref_slice %arg12[%dma_wait3A_55, %mul3A_40] : memref<16x10240xf32, #tpu.memory_space<vmem_shared>> -> memref<16x640xf32, #tpu.memory_space<vmem_shared>>
      tpu.wait_dma2 semaphore(%run_scoped3A_50 : memref<!tpu.dma_semaphore, #tpu.memory_space<semaphore_mem>>) src(%dma_wait3A_56 : memref<16x640xf32, #tpu.memory_space<vmem_shared>>) dst(%arg11 : memref<16x640xf32, #tpu.memory_space<vmem>>)
      tpu.yield
    }) : () -> ()
    %scan3A_41 = arith.constant 0 : i32
    %scan3A_42 = arith.constant 0 : i32
    %scan3A_43 = arith.constant 40 : i32
    %scan3A_44 = arith.addi %scan3A_42, %scan3A_43 : i32
    %scan3A_45 = arith.constant 1 : i32
    scf.for %scan3A_50 = %scan3A_42 to %scan3A_44 step %scan3A_45  : i32 {
      %mul3A_51 = arith.constant 16 : i32
      %mul3A_52 = arith.muli %scan3A_50, %mul3A_51 : i32
      %get3A_53 = arith.constant 0 : i32
      %get3A_54 = arith.index_cast %get3A_53 : i32 to index
      %get3A_55 = arith.index_cast %mul3A_52 : i32 to index
      %get3A_56 = tpu.vector_load %arg11[%get3A_54, %get3A_55] {strides = array<i32>} : memref<16x640xf32, #tpu.memory_space<vmem>>, vector<16xf32>,
      %mul3A_57 = arith.constant 16 : i32
      %mul3A_58 = arith.muli %scan3A_50, %mul3A_57 : i32
      %get3A_59 = arith.constant 1 : i32
      %get3A_60 = arith.index_cast %get3A_59 : i32 to index
      %get3A_61 = arith.index_cast %mul3A_58 : i32 to index
      %get3A_62 = tpu.vector_load %arg11[%get3A_60, %get3A_61] {strides = array<i32>} : memref<16x640xf32, #tpu.memory_space<vmem>>, vector<16xf32>,
      %add3A_63 = arith.addf %get3A_56, %get3A_62 : vector<16xf32>
      %mul3A_64 = arith.constant 16 : i32
      %mul3A_65 = arith.muli %scan3A_50, %mul3A_64 : i32
      %get3A_66 = arith.constant 2 : i32
      %get3A_67 = arith.index_cast %get3A_66 : i32 to index
      %get3A_68 = arith.index_cast %mul3A_65 : i32 to index
      %get3A_69 = tpu.vector_load %arg11[%get3A_67, %get3A_68] {strides = array<i32>} : memref<16x640xf32, #tpu.memory_space<vmem>>, vector<16xf32>,
      %add3A_70 = arith.addf %add3A_63, %get3A_69 : vector<16xf32>
      %mul3A_71 = arith.constant 16 : i32
      %mul3A_72 = arith.muli %scan3A_50, %mul3A_71 : i32
      %get3A_73 = arith.constant 3 : i32
      %get3A_74 = arith.index_cast %get3A_73 : i32 to index
      %get3A_75 = arith.index_cast %mul3A_72 : i32 to index
      %get3A_76 = tpu.vector_load %arg11[%get3A_74, %get3A_75] {strides = array<i32>} : memref<16x640xf32, #tpu.memory_space<vmem>>, vector<16xf32>,
      %add3A_77 = arith.addf %add3A_70, %get3A_76 : vector<16xf32>
      %mul3A_78 = arith.constant 16 : i32
      %mul3A_79 = arith.muli %scan3A_50, %mul3A_78 : i32
      %get3A_80 = arith.constant 4 : i32
      %get3A_81 = arith.index_cast %get3A_80 : i32 to index
      %get3A_82 = arith.index_cast %mul3A_79 : i32 to index
      %get3A_83 = tpu.vector_load %arg11[%get3A_81, %get3A_82] {strides = array<i32>} : memref<16x640xf32, #tpu.memory_space<vmem>>, vector<16xf32>,
      %add3A_84 = arith.addf %add3A_77, %get3A_83 : vector<16xf32>
      %mul3A_85 = arith.constant 16 : i32
      %mul3A_86 = arith.muli %scan3A_50, %mul3A_85 : i32
      %get3A_87 = arith.constant 5 : i32
      %get3A_88 = arith.index_cast %get3A_87 : i32 to index
      %get3A_89 = arith.index_cast %mul3A_86 : i32 to index
      %get3A_90 = tpu.vector_load %arg11[%get3A_88, %get3A_89] {strides = array<i32>} : memref<16x640xf32, #tpu.memory_space<vmem>>, vector<16xf32>,
      %add3A_91 = arith.addf %add3A_84, %get3A_90 : vector<16xf32>
      %mul3A_92 = arith.constant 16 : i32
      %mul3A_93 = arith.muli %scan3A_50, %mul3A_92 : i32
      %get3A_94 = arith.constant 6 : i32
      %get3A_95 = arith.index_cast %get3A_94 : i32 to index
      %get3A_96 = arith.index_cast %mul3A_93 : i32 to index
      %get3A_97 = tpu.vector_load %arg11[%get3A_95, %get3A_96] {strides = array<i32>} : memref<16x640xf32, #tpu.memory_space<vmem>>, vector<16xf32>,
      %add3A_98 = arith.addf %add3A_91, %get3A_97 : vector<16xf32>
      %mul3A_99 = arith.constant 16 : i32
      %mul3A_100 = arith.muli %scan3A_50, %mul3A_99 : i32
      %get3A_101 = arith.constant 7 : i32
      %get3A_102 = arith.index_cast %get3A_101 : i32 to index
      %get3A_103 = arith.index_cast %mul3A_100 : i32 to index
      %get3A_104 = tpu.vector_load %arg11[%get3A_102, %get3A_103] {strides = array<i32>} : memref<16x640xf32, #tpu.memory_space<vmem>>, vector<16xf32>,
      %add3A_105 = arith.addf %add3A_98, %get3A_104 : vector<16xf32>
      %mul3A_106 = arith.constant 16 : i32
      %mul3A_107 = arith.muli %scan3A_50, %mul3A_106 : i32
      %get3A_108 = arith.constant 8 : i32
      %get3A_109 = arith.index_cast %get3A_108 : i32 to index
      %get3A_110 = arith.index_cast %mul3A_107 : i32 to index
      %get3A_111 = tpu.vector_load %arg11[%get3A_109, %get3A_110] {strides = array<i32>} : memref<16x640xf32, #tpu.memory_space<vmem>>, vector<16xf32>,
      %add3A_112 = arith.addf %add3A_105, %get3A_111 : vector<16xf32>
      %mul3A_113 = arith.constant 16 : i32
      %mul3A_114 = arith.muli %scan3A_50, %mul3A_113 : i32
      %get3A_115 = arith.constant 9 : i32
      %get3A_116 = arith.index_cast %get3A_115 : i32 to index
      %get3A_117 = arith.index_cast %mul3A_114 : i32 to index
      %get3A_118 = tpu.vector_load %arg11[%get3A_116, %get3A_117] {strides = array<i32>} : memref<16x640xf32, #tpu.memory_space<vmem>>, vector<16xf32>,
      %add3A_119 = arith.addf %add3A_112, %get3A_118 : vector<16xf32>
      %mul3A_120 = arith.constant 16 : i32
      %mul3A_121 = arith.muli %scan3A_50, %mul3A_120 : i32
      %get3A_122 = arith.constant 10 : i32
      %get3A_123 = arith.index_cast %get3A_122 : i32 to index
      %get3A_124 = arith.index_cast %mul3A_121 : i32 to index
      %get3A_125 = tpu.vector_load %arg11[%get3A_123, %get3A_124] {strides = array<i32>} : memref<16x640xf32, #tpu.memory_space<vmem>>, vector<16xf32>,
      %add3A_126 = arith.addf %add3A_119, %get3A_125 : vector<16xf32>
      %mul3A_127 = arith.constant 16 : i32
      %mul3A_128 = arith.muli %scan3A_50, %mul3A_127 : i32
      %get3A_129 = arith.constant 11 : i32
      %get3A_130 = arith.index_cast %get3A_129 : i32 to index
      %get3A_131 = arith.index_cast %mul3A_128 : i32 to index
      %get3A_132 = tpu.vector_load %arg11[%get3A_130, %get3A_131] {strides = array<i32>} : memref<16x640xf32, #tpu.memory_space<vmem>>, vector<16xf32>,
      %add3A_133 = arith.addf %add3A_126, %get3A_132 : vector<16xf32>
      %mul3A_134 = arith.constant 16 : i32
      %mul3A_135 = arith.muli %scan3A_50, %mul3A_134 : i32
      %get3A_136 = arith.constant 12 : i32
      %get3A_137 = arith.index_cast %get3A_136 : i32 to index
      %get3A_138 = arith.index_cast %mul3A_135 : i32 to index
      %get3A_139 = tpu.vector_load %arg11[%get3A_137, %get3A_138] {strides = array<i32>} : memref<16x640xf32, #tpu.memory_space<vmem>>, vector<16xf32>,
      %add3A_140 = arith.addf %add3A_133, %get3A_139 : vector<16xf32>
      %mul3A_141 = arith.constant 16 : i32
      %mul3A_142 = arith.muli %scan3A_50, %mul3A_141 : i32
      %get3A_143 = arith.constant 13 : i32
      %get3A_144 = arith.index_cast %get3A_143 : i32 to index
      %get3A_145 = arith.index_cast %mul3A_142 : i32 to index
      %get3A_146 = tpu.vector_load %arg11[%get3A_144, %get3A_145] {strides = array<i32>} : memref<16x640xf32, #tpu.memory_space<vmem>>, vector<16xf32>,
      %add3A_147 = arith.addf %add3A_140, %get3A_146 : vector<16xf32>
      %mul3A_148 = arith.constant 16 : i32
      %mul3A_149 = arith.muli %scan3A_50, %mul3A_148 : i32
      %get3A_150 = arith.constant 14 : i32
      %get3A_151 = arith.index_cast %get3A_150 : i32 to index
      %get3A_152 = arith.index_cast %mul3A_149 : i32 to index
      %get3A_153 = tpu.vector_load %arg11[%get3A_151, %get3A_152] {strides = array<i32>} : memref<16x640xf32, #tpu.memory_space<vmem>>, vector<16xf32>,
      %add3A_154 = arith.addf %add3A_147, %get3A_153 : vector<16xf32>
      %mul3A_155 = arith.constant 16 : i32
      %mul3A_156 = arith.muli %scan3A_50, %mul3A_155 : i32
      %get3A_157 = arith.constant 15 : i32
      %get3A_158 = arith.index_cast %get3A_157 : i32 to index
      %get3A_159 = arith.index_cast %mul3A_156 : i32 to index
      %get3A_160 = tpu.vector_load %arg11[%get3A_158, %get3A_159] {strides = array<i32>} : memref<16x640xf32, #tpu.memory_space<vmem>>, vector<16xf32>,
      %add3A_161 = arith.addf %add3A_154, %get3A_160 : vector<16xf32>
      %mul3A_162 = arith.constant 16 : i32
      %mul3A_163 = arith.muli %scan3A_50, %mul3A_162 : i32
      %swap3A_164 = arith.index_cast %mul3A_163 : i32 to index
      %swap3A_165 = tpu.vector_load %arg10[%swap3A_164] {strides = array<i32>} : memref<10240xf32, #tpu.memory_space<vmem>>, vector<16xf32>,
      tpu.vector_store %arg10[%swap3A_164], %add3A_161 {strides = array<i32>} : memref<10240xf32, #tpu.memory_space<vmem>>, vector<16xf32>,
    }
    %scan3A_46 = arith.constant 40 : i32
    %mul3A_47 = arith.constant 640 : i32
    %mul3A_48 = arith.muli %arg1, %mul3A_47 : i32
    "tpu.region"() ({
      %run_scoped3A_50 = tpu.sem_alloc : memref<!tpu.dma_semaphore, #tpu.memory_space<semaphore_mem>>
      %dma_start3A = arith.constant 0 : i32
      %dma_start3A_51 = tpu.memref_slice %arg10[%dma_start3A] : memref<10240xf32, #tpu.memory_space<vmem>> -> memref<640xf32, #tpu.memory_space<vmem>>
      %dma_start3A_52 = tpu.memref_slice %arg6[%arg0, %mul3A_48] : memref<2x10240xf32, #tpu.memory_space<hbm>> -> memref<1x640xf32, #tpu.memory_space<hbm>>
      %dma_start3A_53 = tpu.memref_squeeze %dma_start3A_52 : memref<1x640xf32, #tpu.memory_space<hbm>> -> memref<640xf32, #tpu.memory_space<hbm>>
      %dma_start3A_54 = tpu.memref_slice %arg6[%arg0, %mul3A_48] : memref<2x10240xf32, #tpu.memory_space<hbm>> -> memref<1x640xf32, #tpu.memory_space<hbm>>
      %dma_start3A_55 = tpu.memref_squeeze %dma_start3A_54 : memref<1x640xf32, #tpu.memory_space<hbm>> -> memref<640xf32, #tpu.memory_space<hbm>>
      %dma_start3A_56 = arith.constant 0 : i32
      %dma_start3A_57 = tpu.memref_slice %arg10[%dma_start3A_56] : memref<10240xf32, #tpu.memory_space<vmem>> -> memref<640xf32, #tpu.memory_space<vmem>>
      tpu.enqueue_dma source(%dma_start3A_57 : memref<640xf32, #tpu.memory_space<vmem>>) target(%dma_start3A_55 : memref<640xf32, #tpu.memory_space<hbm>>) target_semaphore(%run_scoped3A_50 : memref<!tpu.dma_semaphore, #tpu.memory_space<semaphore_mem>>)
      %dma_wait3A = arith.constant 0 : i32
      %dma_wait3A_58 = tpu.memref_slice %arg10[%dma_wait3A] : memref<10240xf32, #tpu.memory_space<vmem>> -> memref<640xf32, #tpu.memory_space<vmem>>
      %dma_wait3A_59 = tpu.memref_slice %arg6[%arg0, %mul3A_48] : memref<2x10240xf32, #tpu.memory_space<hbm>> -> memref<1x640xf32, #tpu.memory_space<hbm>>
      %dma_wait3A_60 = tpu.memref_squeeze %dma_wait3A_59 : memref<1x640xf32, #tpu.memory_space<hbm>> -> memref<640xf32, #tpu.memory_space<hbm>>
      %dma_wait3A_61 = tpu.memref_slice %arg6[%arg0, %mul3A_48] : memref<2x10240xf32, #tpu.memory_space<hbm>> -> memref<1x640xf32, #tpu.memory_space<hbm>>
      %dma_wait3A_62 = tpu.memref_squeeze %dma_wait3A_61 : memref<1x640xf32, #tpu.memory_space<hbm>> -> memref<640xf32, #tpu.memory_space<hbm>>
      %dma_wait3A_63 = arith.constant 0 : i32
      %dma_wait3A_64 = tpu.memref_slice %arg10[%dma_wait3A_63] : memref<10240xf32, #tpu.memory_space<vmem>> -> memref<640xf32, #tpu.memory_space<vmem>>
      tpu.wait_dma2 semaphore(%run_scoped3A_50 : memref<!tpu.dma_semaphore, #tpu.memory_space<semaphore_mem>>) src(%dma_wait3A_64 : memref<640xf32, #tpu.memory_space<vmem>>) dst(%dma_wait3A_62 : memref<640xf32, #tpu.memory_space<hbm>>)
      tpu.yield
    }) : () -> ()
    %barrier3A_49 = arith.constant 0 : index
    tpu.barrier barrier_id(%barrier3A_49)
    return
  }
}

#map = affine_map<(d0, d1) -> (0)>
#map1 = affine_map<(d0, d1) -> (0, 0)>
#map2 = affine_map<(d0, d1) -> (0, 0, 0)>
module attributes {stable_mosaic.version = 14 : i64} {
  func.func @_pool_kernel(%arg0: i32, %arg1: i32, %arg2: memref<40960000xf32, #tpu.memory_space<hbm>>, %arg3: memref<320000xi32, #tpu.memory_space<hbm>>, %arg4: memref<320000xf32, #tpu.memory_space<hbm>>, %arg5: memref<2x10240xf32, #tpu.memory_space<hbm>>, %arg6: memref<2x10240x128xf32, #tpu.memory_space<hbm>>, %arg7: memref<288xi32, #tpu.memory_space<vmem>>, %arg8: memref<288xf32, #tpu.memory_space<vmem>>, %arg9: memref<10240xf32, #tpu.memory_space<vmem>>, %arg10: memref<112xi32, #tpu.memory_space<vmem>>, %arg11: memref<112xi32, #tpu.memory_space<vmem>>, %arg12: memref<30720xf32, #tpu.memory_space<vmem>>, %arg13: memref<16x128xf32, #tpu.memory_space<vmem>>, %arg14: memref<16xi32, #tpu.memory_space<vmem>>, %arg15: memref<!tpu.dma_semaphore, #tpu.memory_space<semaphore_mem>>, %arg16: memref<!tpu.dma_semaphore, #tpu.memory_space<semaphore_mem>>, %arg17: memref<!tpu.dma_semaphore, #tpu.memory_space<semaphore_mem>>, %arg18: memref<10240x128xf32, #tpu.memory_space<vmem_shared>>) attributes {dimension_semantics = [#tpu.dimension_semantics<core_parallel>, #tpu.dimension_semantics<subcore_parallel>], iteration_bounds = array<i64: 2, 16>, scalar_prefetch = 0 : i64, scratch_operands = 12 : i64, tpu.core_type = #tpu.core_type<sc_vector_subcore>, window_params = [{transform_indices = #map}, {transform_indices = #map}, {transform_indices = #map}, {transform_indices = #map1}, {transform_indices = #map2}]} {
    %mul3A = arith.constant 16 : i32
    %mul3A_0 = arith.muli %arg0, %mul3A : i32
    %add3A = arith.addi %mul3A_0, %arg1 : i32
    %mul3A_1 = arith.constant 10000 : i32
    %mul3A_2 = arith.muli %add3A, %mul3A_1 : i32
    %run_scoped3A = arith.constant 0 : i32
    "tpu.region"() ({
      %run_scoped3A_565 = tpu.sem_alloc : memref<!tpu.dma_semaphore, #tpu.memory_space<semaphore_mem>>
      %dma_start3A_566 = arith.constant 0 : i32
      %dma_start3A_567 = tpu.memref_slice %arg5[%run_scoped3A, %dma_start3A_566] : memref<2x10240xf32, #tpu.memory_space<hbm>> -> memref<1x10240xf32, #tpu.memory_space<hbm>>
      %dma_start3A_568 = tpu.memref_squeeze %dma_start3A_567 : memref<1x10240xf32, #tpu.memory_space<hbm>> -> memref<10240xf32, #tpu.memory_space<hbm>>
      %dma_start3A_569 = arith.constant 0 : i32
      %dma_start3A_570 = tpu.memref_slice %arg5[%run_scoped3A, %dma_start3A_569] : memref<2x10240xf32, #tpu.memory_space<hbm>> -> memref<1x10240xf32, #tpu.memory_space<hbm>>
      %dma_start3A_571 = tpu.memref_squeeze %dma_start3A_570 : memref<1x10240xf32, #tpu.memory_space<hbm>> -> memref<10240xf32, #tpu.memory_space<hbm>>
      tpu.enqueue_dma source(%dma_start3A_571 : memref<10240xf32, #tpu.memory_space<hbm>>) target(%arg9 : memref<10240xf32, #tpu.memory_space<vmem>>) target_semaphore(%run_scoped3A_565 : memref<!tpu.dma_semaphore, #tpu.memory_space<semaphore_mem>>)
      %dma_wait3A_572 = arith.constant 0 : i32
      %dma_wait3A_573 = tpu.memref_slice %arg5[%run_scoped3A, %dma_wait3A_572] : memref<2x10240xf32, #tpu.memory_space<hbm>> -> memref<1x10240xf32, #tpu.memory_space<hbm>>
      %dma_wait3A_574 = tpu.memref_squeeze %dma_wait3A_573 : memref<1x10240xf32, #tpu.memory_space<hbm>> -> memref<10240xf32, #tpu.memory_space<hbm>>
      %dma_wait3A_575 = arith.constant 0 : i32
      %dma_wait3A_576 = tpu.memref_slice %arg5[%run_scoped3A, %dma_wait3A_575] : memref<2x10240xf32, #tpu.memory_space<hbm>> -> memref<1x10240xf32, #tpu.memory_space<hbm>>
      %dma_wait3A_577 = tpu.memref_squeeze %dma_wait3A_576 : memref<1x10240xf32, #tpu.memory_space<hbm>> -> memref<10240xf32, #tpu.memory_space<hbm>>
      tpu.wait_dma2 semaphore(%run_scoped3A_565 : memref<!tpu.dma_semaphore, #tpu.memory_space<semaphore_mem>>) src(%dma_wait3A_577 : memref<10240xf32, #tpu.memory_space<hbm>>) dst(%arg9 : memref<10240xf32, #tpu.memory_space<vmem>>)
      tpu.yield
    }) : () -> ()
    %run_scoped3A_3 = arith.constant 1 : i32
    "tpu.region"() ({
      %run_scoped3A_565 = tpu.sem_alloc : memref<!tpu.dma_semaphore, #tpu.memory_space<semaphore_mem>>
      %dma_start3A_566 = arith.constant 0 : i32
      %dma_start3A_567 = tpu.memref_slice %arg12[%dma_start3A_566] : memref<30720xf32, #tpu.memory_space<vmem>> -> memref<10240xf32, #tpu.memory_space<vmem>>
      %dma_start3A_568 = arith.constant 0 : i32
      %dma_start3A_569 = tpu.memref_slice %arg5[%run_scoped3A_3, %dma_start3A_568] : memref<2x10240xf32, #tpu.memory_space<hbm>> -> memref<1x10240xf32, #tpu.memory_space<hbm>>
      %dma_start3A_570 = tpu.memref_squeeze %dma_start3A_569 : memref<1x10240xf32, #tpu.memory_space<hbm>> -> memref<10240xf32, #tpu.memory_space<hbm>>
      %dma_start3A_571 = arith.constant 0 : i32
      %dma_start3A_572 = tpu.memref_slice %arg12[%dma_start3A_571] : memref<30720xf32, #tpu.memory_space<vmem>> -> memref<10240xf32, #tpu.memory_space<vmem>>
      %dma_start3A_573 = arith.constant 0 : i32
      %dma_start3A_574 = tpu.memref_slice %arg5[%run_scoped3A_3, %dma_start3A_573] : memref<2x10240xf32, #tpu.memory_space<hbm>> -> memref<1x10240xf32, #tpu.memory_space<hbm>>
      %dma_start3A_575 = tpu.memref_squeeze %dma_start3A_574 : memref<1x10240xf32, #tpu.memory_space<hbm>> -> memref<10240xf32, #tpu.memory_space<hbm>>
      tpu.enqueue_dma source(%dma_start3A_575 : memref<10240xf32, #tpu.memory_space<hbm>>) target(%dma_start3A_572 : memref<10240xf32, #tpu.memory_space<vmem>>) target_semaphore(%run_scoped3A_565 : memref<!tpu.dma_semaphore, #tpu.memory_space<semaphore_mem>>)
      %dma_wait3A_576 = arith.constant 0 : i32
      %dma_wait3A_577 = tpu.memref_slice %arg12[%dma_wait3A_576] : memref<30720xf32, #tpu.memory_space<vmem>> -> memref<10240xf32, #tpu.memory_space<vmem>>
      %dma_wait3A_578 = arith.constant 0 : i32
      %dma_wait3A_579 = tpu.memref_slice %arg5[%run_scoped3A_3, %dma_wait3A_578] : memref<2x10240xf32, #tpu.memory_space<hbm>> -> memref<1x10240xf32, #tpu.memory_space<hbm>>
      %dma_wait3A_580 = tpu.memref_squeeze %dma_wait3A_579 : memref<1x10240xf32, #tpu.memory_space<hbm>> -> memref<10240xf32, #tpu.memory_space<hbm>>
      %dma_wait3A_581 = arith.constant 0 : i32
      %dma_wait3A_582 = tpu.memref_slice %arg12[%dma_wait3A_581] : memref<30720xf32, #tpu.memory_space<vmem>> -> memref<10240xf32, #tpu.memory_space<vmem>>
      %dma_wait3A_583 = arith.constant 0 : i32
      %dma_wait3A_584 = tpu.memref_slice %arg5[%run_scoped3A_3, %dma_wait3A_583] : memref<2x10240xf32, #tpu.memory_space<hbm>> -> memref<1x10240xf32, #tpu.memory_space<hbm>>
      %dma_wait3A_585 = tpu.memref_squeeze %dma_wait3A_584 : memref<1x10240xf32, #tpu.memory_space<hbm>> -> memref<10240xf32, #tpu.memory_space<hbm>>
      tpu.wait_dma2 semaphore(%run_scoped3A_565 : memref<!tpu.dma_semaphore, #tpu.memory_space<semaphore_mem>>) src(%dma_wait3A_585 : memref<10240xf32, #tpu.memory_space<hbm>>) dst(%dma_wait3A_582 : memref<10240xf32, #tpu.memory_space<vmem>>)
      tpu.yield
    }) : () -> ()
    %scan3A = arith.constant 0 : i32
    %scan3A_4 = arith.constant 0 : i32
    %scan3A_5 = arith.constant 640 : i32
    %scan3A_6 = arith.addi %scan3A_4, %scan3A_5 : i32
    %scan3A_7 = arith.constant 1 : i32
    scf.for %scan3A_565 = %scan3A_4 to %scan3A_6 step %scan3A_7  : i32 {
      %mul3A_566 = arith.constant 16 : i32
      %mul3A_567 = arith.muli %scan3A_565, %mul3A_566 : i32
      %get3A = arith.index_cast %mul3A_567 : i32 to index
      %get3A_568 = tpu.vector_load %arg9[%get3A] {strides = array<i32>} : memref<10240xf32, #tpu.memory_space<vmem>>, vector<16xf32>,
      %mul3A_569 = arith.constant 16 : i32
      %mul3A_570 = arith.muli %scan3A_565, %mul3A_569 : i32
      %get3A_571 = arith.index_cast %mul3A_570 : i32 to index
      %get3A_572 = tpu.vector_load %arg12[%get3A_571] {strides = array<i32>} : memref<30720xf32, #tpu.memory_space<vmem>>, vector<16xf32>,
      %add3A_573 = arith.addf %get3A_568, %get3A_572 : vector<16xf32>
      %div3A = arith.constant 1.000000e+00 : f32
      %div3A_574 = vector.broadcast %div3A : f32 to vector<16xf32>
      %div3A_575 = arith.divf %div3A_574, %add3A_573 : vector<16xf32>
      %mul3A_576 = arith.constant 16 : i32
      %mul3A_577 = arith.muli %scan3A_565, %mul3A_576 : i32
      %swap3A_578 = arith.index_cast %mul3A_577 : i32 to index
      %swap3A_579 = tpu.vector_load %arg9[%swap3A_578] {strides = array<i32>} : memref<10240xf32, #tpu.memory_space<vmem>>, vector<16xf32>,
      tpu.vector_store %arg9[%swap3A_578], %div3A_575 {strides = array<i32>} : memref<10240xf32, #tpu.memory_space<vmem>>, vector<16xf32>,
    }
    %scan3A_8 = arith.constant 640 : i32
    %broadcast_in_dim3A = arith.constant 0.000000e+00 : f32
    %broadcast_in_dim3A_9 = vector.broadcast %broadcast_in_dim3A : f32 to vector<16xf32>
    %scan3A_10 = arith.constant 0 : i32
    %scan3A_11 = arith.constant 0 : i32
    %scan3A_12 = arith.constant 16 : i32
    %scan3A_13 = arith.addi %scan3A_11, %scan3A_12 : i32
    %scan3A_14 = arith.constant 1 : i32
    scf.for %scan3A_565 = %scan3A_11 to %scan3A_13 step %scan3A_14  : i32 {
      %swap3A_566 = arith.index_cast %scan3A_565 : i32 to index
      %swap3A_567 = arith.constant 0 : index
      %swap3A_568 = tpu.vector_load %arg13[%swap3A_566, %swap3A_567] {strides = array<i32>} : memref<16x128xf32, #tpu.memory_space<vmem>>, vector<16xf32>,
      tpu.vector_store %arg13[%swap3A_566, %swap3A_567], %broadcast_in_dim3A_9 {strides = array<i32>} : memref<16x128xf32, #tpu.memory_space<vmem>>, vector<16xf32>,
      %swap3A_569 = arith.index_cast %scan3A_565 : i32 to index
      %swap3A_570 = arith.constant 16 : index
      %swap3A_571 = tpu.vector_load %arg13[%swap3A_569, %swap3A_570] {strides = array<i32>} : memref<16x128xf32, #tpu.memory_space<vmem>>, vector<16xf32>,
      tpu.vector_store %arg13[%swap3A_569, %swap3A_570], %broadcast_in_dim3A_9 {strides = array<i32>} : memref<16x128xf32, #tpu.memory_space<vmem>>, vector<16xf32>,
      %swap3A_572 = arith.index_cast %scan3A_565 : i32 to index
      %swap3A_573 = arith.constant 32 : index
      %swap3A_574 = tpu.vector_load %arg13[%swap3A_572, %swap3A_573] {strides = array<i32>} : memref<16x128xf32, #tpu.memory_space<vmem>>, vector<16xf32>,
      tpu.vector_store %arg13[%swap3A_572, %swap3A_573], %broadcast_in_dim3A_9 {strides = array<i32>} : memref<16x128xf32, #tpu.memory_space<vmem>>, vector<16xf32>,
      %swap3A_575 = arith.index_cast %scan3A_565 : i32 to index
      %swap3A_576 = arith.constant 48 : index
      %swap3A_577 = tpu.vector_load %arg13[%swap3A_575, %swap3A_576] {strides = array<i32>} : memref<16x128xf32, #tpu.memory_space<vmem>>, vector<16xf32>,
      tpu.vector_store %arg13[%swap3A_575, %swap3A_576], %broadcast_in_dim3A_9 {strides = array<i32>} : memref<16x128xf32, #tpu.memory_space<vmem>>, vector<16xf32>,
      %swap3A_578 = arith.index_cast %scan3A_565 : i32 to index
      %swap3A_579 = arith.constant 64 : index
      %swap3A_580 = tpu.vector_load %arg13[%swap3A_578, %swap3A_579] {strides = array<i32>} : memref<16x128xf32, #tpu.memory_space<vmem>>, vector<16xf32>,
      tpu.vector_store %arg13[%swap3A_578, %swap3A_579], %broadcast_in_dim3A_9 {strides = array<i32>} : memref<16x128xf32, #tpu.memory_space<vmem>>, vector<16xf32>,
      %swap3A_581 = arith.index_cast %scan3A_565 : i32 to index
      %swap3A_582 = arith.constant 80 : index
      %swap3A_583 = tpu.vector_load %arg13[%swap3A_581, %swap3A_582] {strides = array<i32>} : memref<16x128xf32, #tpu.memory_space<vmem>>, vector<16xf32>,
      tpu.vector_store %arg13[%swap3A_581, %swap3A_582], %broadcast_in_dim3A_9 {strides = array<i32>} : memref<16x128xf32, #tpu.memory_space<vmem>>, vector<16xf32>,
      %swap3A_584 = arith.index_cast %scan3A_565 : i32 to index
      %swap3A_585 = arith.constant 96 : index
      %swap3A_586 = tpu.vector_load %arg13[%swap3A_584, %swap3A_585] {strides = array<i32>} : memref<16x128xf32, #tpu.memory_space<vmem>>, vector<16xf32>,
      tpu.vector_store %arg13[%swap3A_584, %swap3A_585], %broadcast_in_dim3A_9 {strides = array<i32>} : memref<16x128xf32, #tpu.memory_space<vmem>>, vector<16xf32>,
      %swap3A_587 = arith.index_cast %scan3A_565 : i32 to index
      %swap3A_588 = arith.constant 112 : index
      %swap3A_589 = tpu.vector_load %arg13[%swap3A_587, %swap3A_588] {strides = array<i32>} : memref<16x128xf32, #tpu.memory_space<vmem>>, vector<16xf32>,
      tpu.vector_store %arg13[%swap3A_587, %swap3A_588], %broadcast_in_dim3A_9 {strides = array<i32>} : memref<16x128xf32, #tpu.memory_space<vmem>>, vector<16xf32>,
    }
    %scan3A_15 = arith.constant 16 : i32
    %mul3A_16 = arith.constant 640 : i32
    %mul3A_17 = arith.muli %arg1, %mul3A_16 : i32
    %add3A_18 = arith.constant 0 : i32
    %add3A_19 = arith.addi %mul3A_17, %add3A_18 : i32
    %mul3A_20 = arith.constant 640 : i32
    %mul3A_21 = arith.muli %arg1, %mul3A_20 : i32
    %add3A_22 = arith.constant 16 : i32
    %add3A_23 = arith.addi %mul3A_21, %add3A_22 : i32
    %mul3A_24 = arith.constant 640 : i32
    %mul3A_25 = arith.muli %arg1, %mul3A_24 : i32
    %add3A_26 = arith.constant 32 : i32
    %add3A_27 = arith.addi %mul3A_25, %add3A_26 : i32
    %mul3A_28 = arith.constant 640 : i32
    %mul3A_29 = arith.muli %arg1, %mul3A_28 : i32
    %add3A_30 = arith.constant 48 : i32
    %add3A_31 = arith.addi %mul3A_29, %add3A_30 : i32
    %mul3A_32 = arith.constant 640 : i32
    %mul3A_33 = arith.muli %arg1, %mul3A_32 : i32
    %add3A_34 = arith.constant 64 : i32
    %add3A_35 = arith.addi %mul3A_33, %add3A_34 : i32
    %mul3A_36 = arith.constant 640 : i32
    %mul3A_37 = arith.muli %arg1, %mul3A_36 : i32
    %add3A_38 = arith.constant 80 : i32
    %add3A_39 = arith.addi %mul3A_37, %add3A_38 : i32
    %mul3A_40 = arith.constant 640 : i32
    %mul3A_41 = arith.muli %arg1, %mul3A_40 : i32
    %add3A_42 = arith.constant 96 : i32
    %add3A_43 = arith.addi %mul3A_41, %add3A_42 : i32
    %mul3A_44 = arith.constant 640 : i32
    %mul3A_45 = arith.muli %arg1, %mul3A_44 : i32
    %add3A_46 = arith.constant 112 : i32
    %add3A_47 = arith.addi %mul3A_45, %add3A_46 : i32
    %mul3A_48 = arith.constant 640 : i32
    %mul3A_49 = arith.muli %arg1, %mul3A_48 : i32
    %add3A_50 = arith.constant 128 : i32
    %add3A_51 = arith.addi %mul3A_49, %add3A_50 : i32
    %mul3A_52 = arith.constant 640 : i32
    %mul3A_53 = arith.muli %arg1, %mul3A_52 : i32
    %add3A_54 = arith.constant 144 : i32
    %add3A_55 = arith.addi %mul3A_53, %add3A_54 : i32
    %mul3A_56 = arith.constant 640 : i32
    %mul3A_57 = arith.muli %arg1, %mul3A_56 : i32
    %add3A_58 = arith.constant 160 : i32
    %add3A_59 = arith.addi %mul3A_57, %add3A_58 : i32
    %mul3A_60 = arith.constant 640 : i32
    %mul3A_61 = arith.muli %arg1, %mul3A_60 : i32
    %add3A_62 = arith.constant 176 : i32
    %add3A_63 = arith.addi %mul3A_61, %add3A_62 : i32
    %mul3A_64 = arith.constant 640 : i32
    %mul3A_65 = arith.muli %arg1, %mul3A_64 : i32
    %add3A_66 = arith.constant 192 : i32
    %add3A_67 = arith.addi %mul3A_65, %add3A_66 : i32
    %mul3A_68 = arith.constant 640 : i32
    %mul3A_69 = arith.muli %arg1, %mul3A_68 : i32
    %add3A_70 = arith.constant 208 : i32
    %add3A_71 = arith.addi %mul3A_69, %add3A_70 : i32
    %mul3A_72 = arith.constant 640 : i32
    %mul3A_73 = arith.muli %arg1, %mul3A_72 : i32
    %add3A_74 = arith.constant 224 : i32
    %add3A_75 = arith.addi %mul3A_73, %add3A_74 : i32
    %mul3A_76 = arith.constant 640 : i32
    %mul3A_77 = arith.muli %arg1, %mul3A_76 : i32
    %add3A_78 = arith.constant 240 : i32
    %add3A_79 = arith.addi %mul3A_77, %add3A_78 : i32
    %mul3A_80 = arith.constant 640 : i32
    %mul3A_81 = arith.muli %arg1, %mul3A_80 : i32
    %add3A_82 = arith.constant 256 : i32
    %add3A_83 = arith.addi %mul3A_81, %add3A_82 : i32
    %mul3A_84 = arith.constant 640 : i32
    %mul3A_85 = arith.muli %arg1, %mul3A_84 : i32
    %add3A_86 = arith.constant 272 : i32
    %add3A_87 = arith.addi %mul3A_85, %add3A_86 : i32
    %mul3A_88 = arith.constant 640 : i32
    %mul3A_89 = arith.muli %arg1, %mul3A_88 : i32
    %add3A_90 = arith.constant 288 : i32
    %add3A_91 = arith.addi %mul3A_89, %add3A_90 : i32
    %mul3A_92 = arith.constant 640 : i32
    %mul3A_93 = arith.muli %arg1, %mul3A_92 : i32
    %add3A_94 = arith.constant 304 : i32
    %add3A_95 = arith.addi %mul3A_93, %add3A_94 : i32
    %mul3A_96 = arith.constant 640 : i32
    %mul3A_97 = arith.muli %arg1, %mul3A_96 : i32
    %add3A_98 = arith.constant 320 : i32
    %add3A_99 = arith.addi %mul3A_97, %add3A_98 : i32
    %mul3A_100 = arith.constant 640 : i32
    %mul3A_101 = arith.muli %arg1, %mul3A_100 : i32
    %add3A_102 = arith.constant 336 : i32
    %add3A_103 = arith.addi %mul3A_101, %add3A_102 : i32
    %mul3A_104 = arith.constant 640 : i32
    %mul3A_105 = arith.muli %arg1, %mul3A_104 : i32
    %add3A_106 = arith.constant 352 : i32
    %add3A_107 = arith.addi %mul3A_105, %add3A_106 : i32
    %mul3A_108 = arith.constant 640 : i32
    %mul3A_109 = arith.muli %arg1, %mul3A_108 : i32
    %add3A_110 = arith.constant 368 : i32
    %add3A_111 = arith.addi %mul3A_109, %add3A_110 : i32
    %mul3A_112 = arith.constant 640 : i32
    %mul3A_113 = arith.muli %arg1, %mul3A_112 : i32
    %add3A_114 = arith.constant 384 : i32
    %add3A_115 = arith.addi %mul3A_113, %add3A_114 : i32
    %mul3A_116 = arith.constant 640 : i32
    %mul3A_117 = arith.muli %arg1, %mul3A_116 : i32
    %add3A_118 = arith.constant 400 : i32
    %add3A_119 = arith.addi %mul3A_117, %add3A_118 : i32
    %mul3A_120 = arith.constant 640 : i32
    %mul3A_121 = arith.muli %arg1, %mul3A_120 : i32
    %add3A_122 = arith.constant 416 : i32
    %add3A_123 = arith.addi %mul3A_121, %add3A_122 : i32
    %mul3A_124 = arith.constant 640 : i32
    %mul3A_125 = arith.muli %arg1, %mul3A_124 : i32
    %add3A_126 = arith.constant 432 : i32
    %add3A_127 = arith.addi %mul3A_125, %add3A_126 : i32
    %mul3A_128 = arith.constant 640 : i32
    %mul3A_129 = arith.muli %arg1, %mul3A_128 : i32
    %add3A_130 = arith.constant 448 : i32
    %add3A_131 = arith.addi %mul3A_129, %add3A_130 : i32
    %mul3A_132 = arith.constant 640 : i32
    %mul3A_133 = arith.muli %arg1, %mul3A_132 : i32
    %add3A_134 = arith.constant 464 : i32
    %add3A_135 = arith.addi %mul3A_133, %add3A_134 : i32
    %mul3A_136 = arith.constant 640 : i32
    %mul3A_137 = arith.muli %arg1, %mul3A_136 : i32
    %add3A_138 = arith.constant 480 : i32
    %add3A_139 = arith.addi %mul3A_137, %add3A_138 : i32
    %mul3A_140 = arith.constant 640 : i32
    %mul3A_141 = arith.muli %arg1, %mul3A_140 : i32
    %add3A_142 = arith.constant 496 : i32
    %add3A_143 = arith.addi %mul3A_141, %add3A_142 : i32
    %mul3A_144 = arith.constant 640 : i32
    %mul3A_145 = arith.muli %arg1, %mul3A_144 : i32
    %add3A_146 = arith.constant 512 : i32
    %add3A_147 = arith.addi %mul3A_145, %add3A_146 : i32
    %mul3A_148 = arith.constant 640 : i32
    %mul3A_149 = arith.muli %arg1, %mul3A_148 : i32
    %add3A_150 = arith.constant 528 : i32
    %add3A_151 = arith.addi %mul3A_149, %add3A_150 : i32
    %mul3A_152 = arith.constant 640 : i32
    %mul3A_153 = arith.muli %arg1, %mul3A_152 : i32
    %add3A_154 = arith.constant 544 : i32
    %add3A_155 = arith.addi %mul3A_153, %add3A_154 : i32
    %mul3A_156 = arith.constant 640 : i32
    %mul3A_157 = arith.muli %arg1, %mul3A_156 : i32
    %add3A_158 = arith.constant 560 : i32
    %add3A_159 = arith.addi %mul3A_157, %add3A_158 : i32
    %mul3A_160 = arith.constant 640 : i32
    %mul3A_161 = arith.muli %arg1, %mul3A_160 : i32
    %add3A_162 = arith.constant 576 : i32
    %add3A_163 = arith.addi %mul3A_161, %add3A_162 : i32
    %mul3A_164 = arith.constant 640 : i32
    %mul3A_165 = arith.muli %arg1, %mul3A_164 : i32
    %add3A_166 = arith.constant 592 : i32
    %add3A_167 = arith.addi %mul3A_165, %add3A_166 : i32
    %mul3A_168 = arith.constant 640 : i32
    %mul3A_169 = arith.muli %arg1, %mul3A_168 : i32
    %add3A_170 = arith.constant 608 : i32
    %add3A_171 = arith.addi %mul3A_169, %add3A_170 : i32
    %mul3A_172 = arith.constant 640 : i32
    %mul3A_173 = arith.muli %arg1, %mul3A_172 : i32
    %add3A_174 = arith.constant 624 : i32
    %add3A_175 = arith.addi %mul3A_173, %add3A_174 : i32
    %dma_start3A = arith.constant 0 : i32
    %dma_start3A_176 = tpu.memref_slice %arg18[%add3A_19, %dma_start3A] : memref<10240x128xf32, #tpu.memory_space<vmem_shared>> -> memref<16x128xf32, #tpu.memory_space<vmem_shared>>
    %dma_start3A_177 = arith.constant 0 : i32
    %dma_start3A_178 = tpu.memref_slice %arg18[%add3A_19, %dma_start3A_177] : memref<10240x128xf32, #tpu.memory_space<vmem_shared>> -> memref<16x128xf32, #tpu.memory_space<vmem_shared>>
    tpu.enqueue_dma source(%arg13 : memref<16x128xf32, #tpu.memory_space<vmem>>) target(%dma_start3A_178 : memref<16x128xf32, #tpu.memory_space<vmem_shared>>) target_semaphore(%arg15 : memref<!tpu.dma_semaphore, #tpu.memory_space<semaphore_mem>>)
    %dma_start3A_179 = arith.constant 0 : i32
    %dma_start3A_180 = tpu.memref_slice %arg18[%add3A_23, %dma_start3A_179] : memref<10240x128xf32, #tpu.memory_space<vmem_shared>> -> memref<16x128xf32, #tpu.memory_space<vmem_shared>>
    %dma_start3A_181 = arith.constant 0 : i32
    %dma_start3A_182 = tpu.memref_slice %arg18[%add3A_23, %dma_start3A_181] : memref<10240x128xf32, #tpu.memory_space<vmem_shared>> -> memref<16x128xf32, #tpu.memory_space<vmem_shared>>
    tpu.enqueue_dma source(%arg13 : memref<16x128xf32, #tpu.memory_space<vmem>>) target(%dma_start3A_182 : memref<16x128xf32, #tpu.memory_space<vmem_shared>>) target_semaphore(%arg15 : memref<!tpu.dma_semaphore, #tpu.memory_space<semaphore_mem>>)
    %dma_start3A_183 = arith.constant 0 : i32
    %dma_start3A_184 = tpu.memref_slice %arg18[%add3A_27, %dma_start3A_183] : memref<10240x128xf32, #tpu.memory_space<vmem_shared>> -> memref<16x128xf32, #tpu.memory_space<vmem_shared>>
    %dma_start3A_185 = arith.constant 0 : i32
    %dma_start3A_186 = tpu.memref_slice %arg18[%add3A_27, %dma_start3A_185] : memref<10240x128xf32, #tpu.memory_space<vmem_shared>> -> memref<16x128xf32, #tpu.memory_space<vmem_shared>>
    tpu.enqueue_dma source(%arg13 : memref<16x128xf32, #tpu.memory_space<vmem>>) target(%dma_start3A_186 : memref<16x128xf32, #tpu.memory_space<vmem_shared>>) target_semaphore(%arg15 : memref<!tpu.dma_semaphore, #tpu.memory_space<semaphore_mem>>)
    %dma_start3A_187 = arith.constant 0 : i32
    %dma_start3A_188 = tpu.memref_slice %arg18[%add3A_31, %dma_start3A_187] : memref<10240x128xf32, #tpu.memory_space<vmem_shared>> -> memref<16x128xf32, #tpu.memory_space<vmem_shared>>
    %dma_start3A_189 = arith.constant 0 : i32
    %dma_start3A_190 = tpu.memref_slice %arg18[%add3A_31, %dma_start3A_189] : memref<10240x128xf32, #tpu.memory_space<vmem_shared>> -> memref<16x128xf32, #tpu.memory_space<vmem_shared>>
    tpu.enqueue_dma source(%arg13 : memref<16x128xf32, #tpu.memory_space<vmem>>) target(%dma_start3A_190 : memref<16x128xf32, #tpu.memory_space<vmem_shared>>) target_semaphore(%arg15 : memref<!tpu.dma_semaphore, #tpu.memory_space<semaphore_mem>>)
    %dma_start3A_191 = arith.constant 0 : i32
    %dma_start3A_192 = tpu.memref_slice %arg18[%add3A_35, %dma_start3A_191] : memref<10240x128xf32, #tpu.memory_space<vmem_shared>> -> memref<16x128xf32, #tpu.memory_space<vmem_shared>>
    %dma_start3A_193 = arith.constant 0 : i32
    %dma_start3A_194 = tpu.memref_slice %arg18[%add3A_35, %dma_start3A_193] : memref<10240x128xf32, #tpu.memory_space<vmem_shared>> -> memref<16x128xf32, #tpu.memory_space<vmem_shared>>
    tpu.enqueue_dma source(%arg13 : memref<16x128xf32, #tpu.memory_space<vmem>>) target(%dma_start3A_194 : memref<16x128xf32, #tpu.memory_space<vmem_shared>>) target_semaphore(%arg15 : memref<!tpu.dma_semaphore, #tpu.memory_space<semaphore_mem>>)
    %dma_start3A_195 = arith.constant 0 : i32
    %dma_start3A_196 = tpu.memref_slice %arg18[%add3A_39, %dma_start3A_195] : memref<10240x128xf32, #tpu.memory_space<vmem_shared>> -> memref<16x128xf32, #tpu.memory_space<vmem_shared>>
    %dma_start3A_197 = arith.constant 0 : i32
    %dma_start3A_198 = tpu.memref_slice %arg18[%add3A_39, %dma_start3A_197] : memref<10240x128xf32, #tpu.memory_space<vmem_shared>> -> memref<16x128xf32, #tpu.memory_space<vmem_shared>>
    tpu.enqueue_dma source(%arg13 : memref<16x128xf32, #tpu.memory_space<vmem>>) target(%dma_start3A_198 : memref<16x128xf32, #tpu.memory_space<vmem_shared>>) target_semaphore(%arg15 : memref<!tpu.dma_semaphore, #tpu.memory_space<semaphore_mem>>)
    %dma_start3A_199 = arith.constant 0 : i32
    %dma_start3A_200 = tpu.memref_slice %arg18[%add3A_43, %dma_start3A_199] : memref<10240x128xf32, #tpu.memory_space<vmem_shared>> -> memref<16x128xf32, #tpu.memory_space<vmem_shared>>
    %dma_start3A_201 = arith.constant 0 : i32
    %dma_start3A_202 = tpu.memref_slice %arg18[%add3A_43, %dma_start3A_201] : memref<10240x128xf32, #tpu.memory_space<vmem_shared>> -> memref<16x128xf32, #tpu.memory_space<vmem_shared>>
    tpu.enqueue_dma source(%arg13 : memref<16x128xf32, #tpu.memory_space<vmem>>) target(%dma_start3A_202 : memref<16x128xf32, #tpu.memory_space<vmem_shared>>) target_semaphore(%arg15 : memref<!tpu.dma_semaphore, #tpu.memory_space<semaphore_mem>>)
    %dma_start3A_203 = arith.constant 0 : i32
    %dma_start3A_204 = tpu.memref_slice %arg18[%add3A_47, %dma_start3A_203] : memref<10240x128xf32, #tpu.memory_space<vmem_shared>> -> memref<16x128xf32, #tpu.memory_space<vmem_shared>>
    %dma_start3A_205 = arith.constant 0 : i32
    %dma_start3A_206 = tpu.memref_slice %arg18[%add3A_47, %dma_start3A_205] : memref<10240x128xf32, #tpu.memory_space<vmem_shared>> -> memref<16x128xf32, #tpu.memory_space<vmem_shared>>
    tpu.enqueue_dma source(%arg13 : memref<16x128xf32, #tpu.memory_space<vmem>>) target(%dma_start3A_206 : memref<16x128xf32, #tpu.memory_space<vmem_shared>>) target_semaphore(%arg15 : memref<!tpu.dma_semaphore, #tpu.memory_space<semaphore_mem>>)
    %dma_start3A_207 = arith.constant 0 : i32
    %dma_start3A_208 = tpu.memref_slice %arg18[%add3A_51, %dma_start3A_207] : memref<10240x128xf32, #tpu.memory_space<vmem_shared>> -> memref<16x128xf32, #tpu.memory_space<vmem_shared>>
    %dma_start3A_209 = arith.constant 0 : i32
    %dma_start3A_210 = tpu.memref_slice %arg18[%add3A_51, %dma_start3A_209] : memref<10240x128xf32, #tpu.memory_space<vmem_shared>> -> memref<16x128xf32, #tpu.memory_space<vmem_shared>>
    tpu.enqueue_dma source(%arg13 : memref<16x128xf32, #tpu.memory_space<vmem>>) target(%dma_start3A_210 : memref<16x128xf32, #tpu.memory_space<vmem_shared>>) target_semaphore(%arg15 : memref<!tpu.dma_semaphore, #tpu.memory_space<semaphore_mem>>)
    %dma_start3A_211 = arith.constant 0 : i32
    %dma_start3A_212 = tpu.memref_slice %arg18[%add3A_55, %dma_start3A_211] : memref<10240x128xf32, #tpu.memory_space<vmem_shared>> -> memref<16x128xf32, #tpu.memory_space<vmem_shared>>
    %dma_start3A_213 = arith.constant 0 : i32
    %dma_start3A_214 = tpu.memref_slice %arg18[%add3A_55, %dma_start3A_213] : memref<10240x128xf32, #tpu.memory_space<vmem_shared>> -> memref<16x128xf32, #tpu.memory_space<vmem_shared>>
    tpu.enqueue_dma source(%arg13 : memref<16x128xf32, #tpu.memory_space<vmem>>) target(%dma_start3A_214 : memref<16x128xf32, #tpu.memory_space<vmem_shared>>) target_semaphore(%arg15 : memref<!tpu.dma_semaphore, #tpu.memory_space<semaphore_mem>>)
    %dma_start3A_215 = arith.constant 0 : i32
    %dma_start3A_216 = tpu.memref_slice %arg18[%add3A_59, %dma_start3A_215] : memref<10240x128xf32, #tpu.memory_space<vmem_shared>> -> memref<16x128xf32, #tpu.memory_space<vmem_shared>>
    %dma_start3A_217 = arith.constant 0 : i32
    %dma_start3A_218 = tpu.memref_slice %arg18[%add3A_59, %dma_start3A_217] : memref<10240x128xf32, #tpu.memory_space<vmem_shared>> -> memref<16x128xf32, #tpu.memory_space<vmem_shared>>
    tpu.enqueue_dma source(%arg13 : memref<16x128xf32, #tpu.memory_space<vmem>>) target(%dma_start3A_218 : memref<16x128xf32, #tpu.memory_space<vmem_shared>>) target_semaphore(%arg15 : memref<!tpu.dma_semaphore, #tpu.memory_space<semaphore_mem>>)
    %dma_start3A_219 = arith.constant 0 : i32
    %dma_start3A_220 = tpu.memref_slice %arg18[%add3A_63, %dma_start3A_219] : memref<10240x128xf32, #tpu.memory_space<vmem_shared>> -> memref<16x128xf32, #tpu.memory_space<vmem_shared>>
    %dma_start3A_221 = arith.constant 0 : i32
    %dma_start3A_222 = tpu.memref_slice %arg18[%add3A_63, %dma_start3A_221] : memref<10240x128xf32, #tpu.memory_space<vmem_shared>> -> memref<16x128xf32, #tpu.memory_space<vmem_shared>>
    tpu.enqueue_dma source(%arg13 : memref<16x128xf32, #tpu.memory_space<vmem>>) target(%dma_start3A_222 : memref<16x128xf32, #tpu.memory_space<vmem_shared>>) target_semaphore(%arg15 : memref<!tpu.dma_semaphore, #tpu.memory_space<semaphore_mem>>)
    %dma_start3A_223 = arith.constant 0 : i32
    %dma_start3A_224 = tpu.memref_slice %arg18[%add3A_67, %dma_start3A_223] : memref<10240x128xf32, #tpu.memory_space<vmem_shared>> -> memref<16x128xf32, #tpu.memory_space<vmem_shared>>
    %dma_start3A_225 = arith.constant 0 : i32
    %dma_start3A_226 = tpu.memref_slice %arg18[%add3A_67, %dma_start3A_225] : memref<10240x128xf32, #tpu.memory_space<vmem_shared>> -> memref<16x128xf32, #tpu.memory_space<vmem_shared>>
    tpu.enqueue_dma source(%arg13 : memref<16x128xf32, #tpu.memory_space<vmem>>) target(%dma_start3A_226 : memref<16x128xf32, #tpu.memory_space<vmem_shared>>) target_semaphore(%arg15 : memref<!tpu.dma_semaphore, #tpu.memory_space<semaphore_mem>>)
    %dma_start3A_227 = arith.constant 0 : i32
    %dma_start3A_228 = tpu.memref_slice %arg18[%add3A_71, %dma_start3A_227] : memref<10240x128xf32, #tpu.memory_space<vmem_shared>> -> memref<16x128xf32, #tpu.memory_space<vmem_shared>>
    %dma_start3A_229 = arith.constant 0 : i32
    %dma_start3A_230 = tpu.memref_slice %arg18[%add3A_71, %dma_start3A_229] : memref<10240x128xf32, #tpu.memory_space<vmem_shared>> -> memref<16x128xf32, #tpu.memory_space<vmem_shared>>
    tpu.enqueue_dma source(%arg13 : memref<16x128xf32, #tpu.memory_space<vmem>>) target(%dma_start3A_230 : memref<16x128xf32, #tpu.memory_space<vmem_shared>>) target_semaphore(%arg15 : memref<!tpu.dma_semaphore, #tpu.memory_space<semaphore_mem>>)
    %dma_start3A_231 = arith.constant 0 : i32
    %dma_start3A_232 = tpu.memref_slice %arg18[%add3A_75, %dma_start3A_231] : memref<10240x128xf32, #tpu.memory_space<vmem_shared>> -> memref<16x128xf32, #tpu.memory_space<vmem_shared>>
    %dma_start3A_233 = arith.constant 0 : i32
    %dma_start3A_234 = tpu.memref_slice %arg18[%add3A_75, %dma_start3A_233] : memref<10240x128xf32, #tpu.memory_space<vmem_shared>> -> memref<16x128xf32, #tpu.memory_space<vmem_shared>>
    tpu.enqueue_dma source(%arg13 : memref<16x128xf32, #tpu.memory_space<vmem>>) target(%dma_start3A_234 : memref<16x128xf32, #tpu.memory_space<vmem_shared>>) target_semaphore(%arg15 : memref<!tpu.dma_semaphore, #tpu.memory_space<semaphore_mem>>)
    %dma_start3A_235 = arith.constant 0 : i32
    %dma_start3A_236 = tpu.memref_slice %arg18[%add3A_79, %dma_start3A_235] : memref<10240x128xf32, #tpu.memory_space<vmem_shared>> -> memref<16x128xf32, #tpu.memory_space<vmem_shared>>
    %dma_start3A_237 = arith.constant 0 : i32
    %dma_start3A_238 = tpu.memref_slice %arg18[%add3A_79, %dma_start3A_237] : memref<10240x128xf32, #tpu.memory_space<vmem_shared>> -> memref<16x128xf32, #tpu.memory_space<vmem_shared>>
    tpu.enqueue_dma source(%arg13 : memref<16x128xf32, #tpu.memory_space<vmem>>) target(%dma_start3A_238 : memref<16x128xf32, #tpu.memory_space<vmem_shared>>) target_semaphore(%arg15 : memref<!tpu.dma_semaphore, #tpu.memory_space<semaphore_mem>>)
    %dma_start3A_239 = arith.constant 0 : i32
    %dma_start3A_240 = tpu.memref_slice %arg18[%add3A_83, %dma_start3A_239] : memref<10240x128xf32, #tpu.memory_space<vmem_shared>> -> memref<16x128xf32, #tpu.memory_space<vmem_shared>>
    %dma_start3A_241 = arith.constant 0 : i32
    %dma_start3A_242 = tpu.memref_slice %arg18[%add3A_83, %dma_start3A_241] : memref<10240x128xf32, #tpu.memory_space<vmem_shared>> -> memref<16x128xf32, #tpu.memory_space<vmem_shared>>
    tpu.enqueue_dma source(%arg13 : memref<16x128xf32, #tpu.memory_space<vmem>>) target(%dma_start3A_242 : memref<16x128xf32, #tpu.memory_space<vmem_shared>>) target_semaphore(%arg15 : memref<!tpu.dma_semaphore, #tpu.memory_space<semaphore_mem>>)
    %dma_start3A_243 = arith.constant 0 : i32
    %dma_start3A_244 = tpu.memref_slice %arg18[%add3A_87, %dma_start3A_243] : memref<10240x128xf32, #tpu.memory_space<vmem_shared>> -> memref<16x128xf32, #tpu.memory_space<vmem_shared>>
    %dma_start3A_245 = arith.constant 0 : i32
    %dma_start3A_246 = tpu.memref_slice %arg18[%add3A_87, %dma_start3A_245] : memref<10240x128xf32, #tpu.memory_space<vmem_shared>> -> memref<16x128xf32, #tpu.memory_space<vmem_shared>>
    tpu.enqueue_dma source(%arg13 : memref<16x128xf32, #tpu.memory_space<vmem>>) target(%dma_start3A_246 : memref<16x128xf32, #tpu.memory_space<vmem_shared>>) target_semaphore(%arg15 : memref<!tpu.dma_semaphore, #tpu.memory_space<semaphore_mem>>)
    %dma_start3A_247 = arith.constant 0 : i32
    %dma_start3A_248 = tpu.memref_slice %arg18[%add3A_91, %dma_start3A_247] : memref<10240x128xf32, #tpu.memory_space<vmem_shared>> -> memref<16x128xf32, #tpu.memory_space<vmem_shared>>
    %dma_start3A_249 = arith.constant 0 : i32
    %dma_start3A_250 = tpu.memref_slice %arg18[%add3A_91, %dma_start3A_249] : memref<10240x128xf32, #tpu.memory_space<vmem_shared>> -> memref<16x128xf32, #tpu.memory_space<vmem_shared>>
    tpu.enqueue_dma source(%arg13 : memref<16x128xf32, #tpu.memory_space<vmem>>) target(%dma_start3A_250 : memref<16x128xf32, #tpu.memory_space<vmem_shared>>) target_semaphore(%arg15 : memref<!tpu.dma_semaphore, #tpu.memory_space<semaphore_mem>>)
    %dma_start3A_251 = arith.constant 0 : i32
    %dma_start3A_252 = tpu.memref_slice %arg18[%add3A_95, %dma_start3A_251] : memref<10240x128xf32, #tpu.memory_space<vmem_shared>> -> memref<16x128xf32, #tpu.memory_space<vmem_shared>>
    %dma_start3A_253 = arith.constant 0 : i32
    %dma_start3A_254 = tpu.memref_slice %arg18[%add3A_95, %dma_start3A_253] : memref<10240x128xf32, #tpu.memory_space<vmem_shared>> -> memref<16x128xf32, #tpu.memory_space<vmem_shared>>
    tpu.enqueue_dma source(%arg13 : memref<16x128xf32, #tpu.memory_space<vmem>>) target(%dma_start3A_254 : memref<16x128xf32, #tpu.memory_space<vmem_shared>>) target_semaphore(%arg15 : memref<!tpu.dma_semaphore, #tpu.memory_space<semaphore_mem>>)
    %dma_start3A_255 = arith.constant 0 : i32
    %dma_start3A_256 = tpu.memref_slice %arg18[%add3A_99, %dma_start3A_255] : memref<10240x128xf32, #tpu.memory_space<vmem_shared>> -> memref<16x128xf32, #tpu.memory_space<vmem_shared>>
    %dma_start3A_257 = arith.constant 0 : i32
    %dma_start3A_258 = tpu.memref_slice %arg18[%add3A_99, %dma_start3A_257] : memref<10240x128xf32, #tpu.memory_space<vmem_shared>> -> memref<16x128xf32, #tpu.memory_space<vmem_shared>>
    tpu.enqueue_dma source(%arg13 : memref<16x128xf32, #tpu.memory_space<vmem>>) target(%dma_start3A_258 : memref<16x128xf32, #tpu.memory_space<vmem_shared>>) target_semaphore(%arg15 : memref<!tpu.dma_semaphore, #tpu.memory_space<semaphore_mem>>)
    %dma_start3A_259 = arith.constant 0 : i32
    %dma_start3A_260 = tpu.memref_slice %arg18[%add3A_103, %dma_start3A_259] : memref<10240x128xf32, #tpu.memory_space<vmem_shared>> -> memref<16x128xf32, #tpu.memory_space<vmem_shared>>
    %dma_start3A_261 = arith.constant 0 : i32
    %dma_start3A_262 = tpu.memref_slice %arg18[%add3A_103, %dma_start3A_261] : memref<10240x128xf32, #tpu.memory_space<vmem_shared>> -> memref<16x128xf32, #tpu.memory_space<vmem_shared>>
    tpu.enqueue_dma source(%arg13 : memref<16x128xf32, #tpu.memory_space<vmem>>) target(%dma_start3A_262 : memref<16x128xf32, #tpu.memory_space<vmem_shared>>) target_semaphore(%arg15 : memref<!tpu.dma_semaphore, #tpu.memory_space<semaphore_mem>>)
    %dma_start3A_263 = arith.constant 0 : i32
    %dma_start3A_264 = tpu.memref_slice %arg18[%add3A_107, %dma_start3A_263] : memref<10240x128xf32, #tpu.memory_space<vmem_shared>> -> memref<16x128xf32, #tpu.memory_space<vmem_shared>>
    %dma_start3A_265 = arith.constant 0 : i32
    %dma_start3A_266 = tpu.memref_slice %arg18[%add3A_107, %dma_start3A_265] : memref<10240x128xf32, #tpu.memory_space<vmem_shared>> -> memref<16x128xf32, #tpu.memory_space<vmem_shared>>
    tpu.enqueue_dma source(%arg13 : memref<16x128xf32, #tpu.memory_space<vmem>>) target(%dma_start3A_266 : memref<16x128xf32, #tpu.memory_space<vmem_shared>>) target_semaphore(%arg15 : memref<!tpu.dma_semaphore, #tpu.memory_space<semaphore_mem>>)
    %dma_start3A_267 = arith.constant 0 : i32
    %dma_start3A_268 = tpu.memref_slice %arg18[%add3A_111, %dma_start3A_267] : memref<10240x128xf32, #tpu.memory_space<vmem_shared>> -> memref<16x128xf32, #tpu.memory_space<vmem_shared>>
    %dma_start3A_269 = arith.constant 0 : i32
    %dma_start3A_270 = tpu.memref_slice %arg18[%add3A_111, %dma_start3A_269] : memref<10240x128xf32, #tpu.memory_space<vmem_shared>> -> memref<16x128xf32, #tpu.memory_space<vmem_shared>>
    tpu.enqueue_dma source(%arg13 : memref<16x128xf32, #tpu.memory_space<vmem>>) target(%dma_start3A_270 : memref<16x128xf32, #tpu.memory_space<vmem_shared>>) target_semaphore(%arg15 : memref<!tpu.dma_semaphore, #tpu.memory_space<semaphore_mem>>)
    %dma_start3A_271 = arith.constant 0 : i32
    %dma_start3A_272 = tpu.memref_slice %arg18[%add3A_115, %dma_start3A_271] : memref<10240x128xf32, #tpu.memory_space<vmem_shared>> -> memref<16x128xf32, #tpu.memory_space<vmem_shared>>
    %dma_start3A_273 = arith.constant 0 : i32
    %dma_start3A_274 = tpu.memref_slice %arg18[%add3A_115, %dma_start3A_273] : memref<10240x128xf32, #tpu.memory_space<vmem_shared>> -> memref<16x128xf32, #tpu.memory_space<vmem_shared>>
    tpu.enqueue_dma source(%arg13 : memref<16x128xf32, #tpu.memory_space<vmem>>) target(%dma_start3A_274 : memref<16x128xf32, #tpu.memory_space<vmem_shared>>) target_semaphore(%arg15 : memref<!tpu.dma_semaphore, #tpu.memory_space<semaphore_mem>>)
    %dma_start3A_275 = arith.constant 0 : i32
    %dma_start3A_276 = tpu.memref_slice %arg18[%add3A_119, %dma_start3A_275] : memref<10240x128xf32, #tpu.memory_space<vmem_shared>> -> memref<16x128xf32, #tpu.memory_space<vmem_shared>>
    %dma_start3A_277 = arith.constant 0 : i32
    %dma_start3A_278 = tpu.memref_slice %arg18[%add3A_119, %dma_start3A_277] : memref<10240x128xf32, #tpu.memory_space<vmem_shared>> -> memref<16x128xf32, #tpu.memory_space<vmem_shared>>
    tpu.enqueue_dma source(%arg13 : memref<16x128xf32, #tpu.memory_space<vmem>>) target(%dma_start3A_278 : memref<16x128xf32, #tpu.memory_space<vmem_shared>>) target_semaphore(%arg15 : memref<!tpu.dma_semaphore, #tpu.memory_space<semaphore_mem>>)
    %dma_start3A_279 = arith.constant 0 : i32
    %dma_start3A_280 = tpu.memref_slice %arg18[%add3A_123, %dma_start3A_279] : memref<10240x128xf32, #tpu.memory_space<vmem_shared>> -> memref<16x128xf32, #tpu.memory_space<vmem_shared>>
    %dma_start3A_281 = arith.constant 0 : i32
    %dma_start3A_282 = tpu.memref_slice %arg18[%add3A_123, %dma_start3A_281] : memref<10240x128xf32, #tpu.memory_space<vmem_shared>> -> memref<16x128xf32, #tpu.memory_space<vmem_shared>>
    tpu.enqueue_dma source(%arg13 : memref<16x128xf32, #tpu.memory_space<vmem>>) target(%dma_start3A_282 : memref<16x128xf32, #tpu.memory_space<vmem_shared>>) target_semaphore(%arg15 : memref<!tpu.dma_semaphore, #tpu.memory_space<semaphore_mem>>)
    %dma_start3A_283 = arith.constant 0 : i32
    %dma_start3A_284 = tpu.memref_slice %arg18[%add3A_127, %dma_start3A_283] : memref<10240x128xf32, #tpu.memory_space<vmem_shared>> -> memref<16x128xf32, #tpu.memory_space<vmem_shared>>
    %dma_start3A_285 = arith.constant 0 : i32
    %dma_start3A_286 = tpu.memref_slice %arg18[%add3A_127, %dma_start3A_285] : memref<10240x128xf32, #tpu.memory_space<vmem_shared>> -> memref<16x128xf32, #tpu.memory_space<vmem_shared>>
    tpu.enqueue_dma source(%arg13 : memref<16x128xf32, #tpu.memory_space<vmem>>) target(%dma_start3A_286 : memref<16x128xf32, #tpu.memory_space<vmem_shared>>) target_semaphore(%arg15 : memref<!tpu.dma_semaphore, #tpu.memory_space<semaphore_mem>>)
    %dma_start3A_287 = arith.constant 0 : i32
    %dma_start3A_288 = tpu.memref_slice %arg18[%add3A_131, %dma_start3A_287] : memref<10240x128xf32, #tpu.memory_space<vmem_shared>> -> memref<16x128xf32, #tpu.memory_space<vmem_shared>>
    %dma_start3A_289 = arith.constant 0 : i32
    %dma_start3A_290 = tpu.memref_slice %arg18[%add3A_131, %dma_start3A_289] : memref<10240x128xf32, #tpu.memory_space<vmem_shared>> -> memref<16x128xf32, #tpu.memory_space<vmem_shared>>
    tpu.enqueue_dma source(%arg13 : memref<16x128xf32, #tpu.memory_space<vmem>>) target(%dma_start3A_290 : memref<16x128xf32, #tpu.memory_space<vmem_shared>>) target_semaphore(%arg15 : memref<!tpu.dma_semaphore, #tpu.memory_space<semaphore_mem>>)
    %dma_start3A_291 = arith.constant 0 : i32
    %dma_start3A_292 = tpu.memref_slice %arg18[%add3A_135, %dma_start3A_291] : memref<10240x128xf32, #tpu.memory_space<vmem_shared>> -> memref<16x128xf32, #tpu.memory_space<vmem_shared>>
    %dma_start3A_293 = arith.constant 0 : i32
    %dma_start3A_294 = tpu.memref_slice %arg18[%add3A_135, %dma_start3A_293] : memref<10240x128xf32, #tpu.memory_space<vmem_shared>> -> memref<16x128xf32, #tpu.memory_space<vmem_shared>>
    tpu.enqueue_dma source(%arg13 : memref<16x128xf32, #tpu.memory_space<vmem>>) target(%dma_start3A_294 : memref<16x128xf32, #tpu.memory_space<vmem_shared>>) target_semaphore(%arg15 : memref<!tpu.dma_semaphore, #tpu.memory_space<semaphore_mem>>)
    %dma_start3A_295 = arith.constant 0 : i32
    %dma_start3A_296 = tpu.memref_slice %arg18[%add3A_139, %dma_start3A_295] : memref<10240x128xf32, #tpu.memory_space<vmem_shared>> -> memref<16x128xf32, #tpu.memory_space<vmem_shared>>
    %dma_start3A_297 = arith.constant 0 : i32
    %dma_start3A_298 = tpu.memref_slice %arg18[%add3A_139, %dma_start3A_297] : memref<10240x128xf32, #tpu.memory_space<vmem_shared>> -> memref<16x128xf32, #tpu.memory_space<vmem_shared>>
    tpu.enqueue_dma source(%arg13 : memref<16x128xf32, #tpu.memory_space<vmem>>) target(%dma_start3A_298 : memref<16x128xf32, #tpu.memory_space<vmem_shared>>) target_semaphore(%arg15 : memref<!tpu.dma_semaphore, #tpu.memory_space<semaphore_mem>>)
    %dma_start3A_299 = arith.constant 0 : i32
    %dma_start3A_300 = tpu.memref_slice %arg18[%add3A_143, %dma_start3A_299] : memref<10240x128xf32, #tpu.memory_space<vmem_shared>> -> memref<16x128xf32, #tpu.memory_space<vmem_shared>>
    %dma_start3A_301 = arith.constant 0 : i32
    %dma_start3A_302 = tpu.memref_slice %arg18[%add3A_143, %dma_start3A_301] : memref<10240x128xf32, #tpu.memory_space<vmem_shared>> -> memref<16x128xf32, #tpu.memory_space<vmem_shared>>
    tpu.enqueue_dma source(%arg13 : memref<16x128xf32, #tpu.memory_space<vmem>>) target(%dma_start3A_302 : memref<16x128xf32, #tpu.memory_space<vmem_shared>>) target_semaphore(%arg15 : memref<!tpu.dma_semaphore, #tpu.memory_space<semaphore_mem>>)
    %dma_start3A_303 = arith.constant 0 : i32
    %dma_start3A_304 = tpu.memref_slice %arg18[%add3A_147, %dma_start3A_303] : memref<10240x128xf32, #tpu.memory_space<vmem_shared>> -> memref<16x128xf32, #tpu.memory_space<vmem_shared>>
    %dma_start3A_305 = arith.constant 0 : i32
    %dma_start3A_306 = tpu.memref_slice %arg18[%add3A_147, %dma_start3A_305] : memref<10240x128xf32, #tpu.memory_space<vmem_shared>> -> memref<16x128xf32, #tpu.memory_space<vmem_shared>>
    tpu.enqueue_dma source(%arg13 : memref<16x128xf32, #tpu.memory_space<vmem>>) target(%dma_start3A_306 : memref<16x128xf32, #tpu.memory_space<vmem_shared>>) target_semaphore(%arg15 : memref<!tpu.dma_semaphore, #tpu.memory_space<semaphore_mem>>)
    %dma_start3A_307 = arith.constant 0 : i32
    %dma_start3A_308 = tpu.memref_slice %arg18[%add3A_151, %dma_start3A_307] : memref<10240x128xf32, #tpu.memory_space<vmem_shared>> -> memref<16x128xf32, #tpu.memory_space<vmem_shared>>
    %dma_start3A_309 = arith.constant 0 : i32
    %dma_start3A_310 = tpu.memref_slice %arg18[%add3A_151, %dma_start3A_309] : memref<10240x128xf32, #tpu.memory_space<vmem_shared>> -> memref<16x128xf32, #tpu.memory_space<vmem_shared>>
    tpu.enqueue_dma source(%arg13 : memref<16x128xf32, #tpu.memory_space<vmem>>) target(%dma_start3A_310 : memref<16x128xf32, #tpu.memory_space<vmem_shared>>) target_semaphore(%arg15 : memref<!tpu.dma_semaphore, #tpu.memory_space<semaphore_mem>>)
    %dma_start3A_311 = arith.constant 0 : i32
    %dma_start3A_312 = tpu.memref_slice %arg18[%add3A_155, %dma_start3A_311] : memref<10240x128xf32, #tpu.memory_space<vmem_shared>> -> memref<16x128xf32, #tpu.memory_space<vmem_shared>>
    %dma_start3A_313 = arith.constant 0 : i32
    %dma_start3A_314 = tpu.memref_slice %arg18[%add3A_155, %dma_start3A_313] : memref<10240x128xf32, #tpu.memory_space<vmem_shared>> -> memref<16x128xf32, #tpu.memory_space<vmem_shared>>
    tpu.enqueue_dma source(%arg13 : memref<16x128xf32, #tpu.memory_space<vmem>>) target(%dma_start3A_314 : memref<16x128xf32, #tpu.memory_space<vmem_shared>>) target_semaphore(%arg15 : memref<!tpu.dma_semaphore, #tpu.memory_space<semaphore_mem>>)
    %dma_start3A_315 = arith.constant 0 : i32
    %dma_start3A_316 = tpu.memref_slice %arg18[%add3A_159, %dma_start3A_315] : memref<10240x128xf32, #tpu.memory_space<vmem_shared>> -> memref<16x128xf32, #tpu.memory_space<vmem_shared>>
    %dma_start3A_317 = arith.constant 0 : i32
    %dma_start3A_318 = tpu.memref_slice %arg18[%add3A_159, %dma_start3A_317] : memref<10240x128xf32, #tpu.memory_space<vmem_shared>> -> memref<16x128xf32, #tpu.memory_space<vmem_shared>>
    tpu.enqueue_dma source(%arg13 : memref<16x128xf32, #tpu.memory_space<vmem>>) target(%dma_start3A_318 : memref<16x128xf32, #tpu.memory_space<vmem_shared>>) target_semaphore(%arg15 : memref<!tpu.dma_semaphore, #tpu.memory_space<semaphore_mem>>)
    %dma_start3A_319 = arith.constant 0 : i32
    %dma_start3A_320 = tpu.memref_slice %arg18[%add3A_163, %dma_start3A_319] : memref<10240x128xf32, #tpu.memory_space<vmem_shared>> -> memref<16x128xf32, #tpu.memory_space<vmem_shared>>
    %dma_start3A_321 = arith.constant 0 : i32
    %dma_start3A_322 = tpu.memref_slice %arg18[%add3A_163, %dma_start3A_321] : memref<10240x128xf32, #tpu.memory_space<vmem_shared>> -> memref<16x128xf32, #tpu.memory_space<vmem_shared>>
    tpu.enqueue_dma source(%arg13 : memref<16x128xf32, #tpu.memory_space<vmem>>) target(%dma_start3A_322 : memref<16x128xf32, #tpu.memory_space<vmem_shared>>) target_semaphore(%arg15 : memref<!tpu.dma_semaphore, #tpu.memory_space<semaphore_mem>>)
    %dma_start3A_323 = arith.constant 0 : i32
    %dma_start3A_324 = tpu.memref_slice %arg18[%add3A_167, %dma_start3A_323] : memref<10240x128xf32, #tpu.memory_space<vmem_shared>> -> memref<16x128xf32, #tpu.memory_space<vmem_shared>>
    %dma_start3A_325 = arith.constant 0 : i32
    %dma_start3A_326 = tpu.memref_slice %arg18[%add3A_167, %dma_start3A_325] : memref<10240x128xf32, #tpu.memory_space<vmem_shared>> -> memref<16x128xf32, #tpu.memory_space<vmem_shared>>
    tpu.enqueue_dma source(%arg13 : memref<16x128xf32, #tpu.memory_space<vmem>>) target(%dma_start3A_326 : memref<16x128xf32, #tpu.memory_space<vmem_shared>>) target_semaphore(%arg15 : memref<!tpu.dma_semaphore, #tpu.memory_space<semaphore_mem>>)
    %dma_start3A_327 = arith.constant 0 : i32
    %dma_start3A_328 = tpu.memref_slice %arg18[%add3A_171, %dma_start3A_327] : memref<10240x128xf32, #tpu.memory_space<vmem_shared>> -> memref<16x128xf32, #tpu.memory_space<vmem_shared>>
    %dma_start3A_329 = arith.constant 0 : i32
    %dma_start3A_330 = tpu.memref_slice %arg18[%add3A_171, %dma_start3A_329] : memref<10240x128xf32, #tpu.memory_space<vmem_shared>> -> memref<16x128xf32, #tpu.memory_space<vmem_shared>>
    tpu.enqueue_dma source(%arg13 : memref<16x128xf32, #tpu.memory_space<vmem>>) target(%dma_start3A_330 : memref<16x128xf32, #tpu.memory_space<vmem_shared>>) target_semaphore(%arg15 : memref<!tpu.dma_semaphore, #tpu.memory_space<semaphore_mem>>)
    %dma_start3A_331 = arith.constant 0 : i32
    %dma_start3A_332 = tpu.memref_slice %arg18[%add3A_175, %dma_start3A_331] : memref<10240x128xf32, #tpu.memory_space<vmem_shared>> -> memref<16x128xf32, #tpu.memory_space<vmem_shared>>
    %dma_start3A_333 = arith.constant 0 : i32
    %dma_start3A_334 = tpu.memref_slice %arg18[%add3A_175, %dma_start3A_333] : memref<10240x128xf32, #tpu.memory_space<vmem_shared>> -> memref<16x128xf32, #tpu.memory_space<vmem_shared>>
    tpu.enqueue_dma source(%arg13 : memref<16x128xf32, #tpu.memory_space<vmem>>) target(%dma_start3A_334 : memref<16x128xf32, #tpu.memory_space<vmem_shared>>) target_semaphore(%arg15 : memref<!tpu.dma_semaphore, #tpu.memory_space<semaphore_mem>>)
    %dma_wait3A = arith.constant 0 : i32
    %dma_wait3A_335 = tpu.memref_slice %arg18[%add3A_19, %dma_wait3A] : memref<10240x128xf32, #tpu.memory_space<vmem_shared>> -> memref<16x128xf32, #tpu.memory_space<vmem_shared>>
    %dma_wait3A_336 = arith.constant 0 : i32
    %dma_wait3A_337 = tpu.memref_slice %arg18[%add3A_19, %dma_wait3A_336] : memref<10240x128xf32, #tpu.memory_space<vmem_shared>> -> memref<16x128xf32, #tpu.memory_space<vmem_shared>>
    tpu.wait_dma2 semaphore(%arg15 : memref<!tpu.dma_semaphore, #tpu.memory_space<semaphore_mem>>) src(%arg13 : memref<16x128xf32, #tpu.memory_space<vmem>>) dst(%dma_wait3A_337 : memref<16x128xf32, #tpu.memory_space<vmem_shared>>)
    %dma_wait3A_338 = arith.constant 0 : i32
    %dma_wait3A_339 = tpu.memref_slice %arg18[%add3A_23, %dma_wait3A_338] : memref<10240x128xf32, #tpu.memory_space<vmem_shared>> -> memref<16x128xf32, #tpu.memory_space<vmem_shared>>
    %dma_wait3A_340 = arith.constant 0 : i32
    %dma_wait3A_341 = tpu.memref_slice %arg18[%add3A_23, %dma_wait3A_340] : memref<10240x128xf32, #tpu.memory_space<vmem_shared>> -> memref<16x128xf32, #tpu.memory_space<vmem_shared>>
    tpu.wait_dma2 semaphore(%arg15 : memref<!tpu.dma_semaphore, #tpu.memory_space<semaphore_mem>>) src(%arg13 : memref<16x128xf32, #tpu.memory_space<vmem>>) dst(%dma_wait3A_341 : memref<16x128xf32, #tpu.memory_space<vmem_shared>>)
    %dma_wait3A_342 = arith.constant 0 : i32
    %dma_wait3A_343 = tpu.memref_slice %arg18[%add3A_27, %dma_wait3A_342] : memref<10240x128xf32, #tpu.memory_space<vmem_shared>> -> memref<16x128xf32, #tpu.memory_space<vmem_shared>>
    %dma_wait3A_344 = arith.constant 0 : i32
    %dma_wait3A_345 = tpu.memref_slice %arg18[%add3A_27, %dma_wait3A_344] : memref<10240x128xf32, #tpu.memory_space<vmem_shared>> -> memref<16x128xf32, #tpu.memory_space<vmem_shared>>
    tpu.wait_dma2 semaphore(%arg15 : memref<!tpu.dma_semaphore, #tpu.memory_space<semaphore_mem>>) src(%arg13 : memref<16x128xf32, #tpu.memory_space<vmem>>) dst(%dma_wait3A_345 : memref<16x128xf32, #tpu.memory_space<vmem_shared>>)
    %dma_wait3A_346 = arith.constant 0 : i32
    %dma_wait3A_347 = tpu.memref_slice %arg18[%add3A_31, %dma_wait3A_346] : memref<10240x128xf32, #tpu.memory_space<vmem_shared>> -> memref<16x128xf32, #tpu.memory_space<vmem_shared>>
    %dma_wait3A_348 = arith.constant 0 : i32
    %dma_wait3A_349 = tpu.memref_slice %arg18[%add3A_31, %dma_wait3A_348] : memref<10240x128xf32, #tpu.memory_space<vmem_shared>> -> memref<16x128xf32, #tpu.memory_space<vmem_shared>>
    tpu.wait_dma2 semaphore(%arg15 : memref<!tpu.dma_semaphore, #tpu.memory_space<semaphore_mem>>) src(%arg13 : memref<16x128xf32, #tpu.memory_space<vmem>>) dst(%dma_wait3A_349 : memref<16x128xf32, #tpu.memory_space<vmem_shared>>)
    %dma_wait3A_350 = arith.constant 0 : i32
    %dma_wait3A_351 = tpu.memref_slice %arg18[%add3A_35, %dma_wait3A_350] : memref<10240x128xf32, #tpu.memory_space<vmem_shared>> -> memref<16x128xf32, #tpu.memory_space<vmem_shared>>
    %dma_wait3A_352 = arith.constant 0 : i32
    %dma_wait3A_353 = tpu.memref_slice %arg18[%add3A_35, %dma_wait3A_352] : memref<10240x128xf32, #tpu.memory_space<vmem_shared>> -> memref<16x128xf32, #tpu.memory_space<vmem_shared>>
    tpu.wait_dma2 semaphore(%arg15 : memref<!tpu.dma_semaphore, #tpu.memory_space<semaphore_mem>>) src(%arg13 : memref<16x128xf32, #tpu.memory_space<vmem>>) dst(%dma_wait3A_353 : memref<16x128xf32, #tpu.memory_space<vmem_shared>>)
    %dma_wait3A_354 = arith.constant 0 : i32
    %dma_wait3A_355 = tpu.memref_slice %arg18[%add3A_39, %dma_wait3A_354] : memref<10240x128xf32, #tpu.memory_space<vmem_shared>> -> memref<16x128xf32, #tpu.memory_space<vmem_shared>>
    %dma_wait3A_356 = arith.constant 0 : i32
    %dma_wait3A_357 = tpu.memref_slice %arg18[%add3A_39, %dma_wait3A_356] : memref<10240x128xf32, #tpu.memory_space<vmem_shared>> -> memref<16x128xf32, #tpu.memory_space<vmem_shared>>
    tpu.wait_dma2 semaphore(%arg15 : memref<!tpu.dma_semaphore, #tpu.memory_space<semaphore_mem>>) src(%arg13 : memref<16x128xf32, #tpu.memory_space<vmem>>) dst(%dma_wait3A_357 : memref<16x128xf32, #tpu.memory_space<vmem_shared>>)
    %dma_wait3A_358 = arith.constant 0 : i32
    %dma_wait3A_359 = tpu.memref_slice %arg18[%add3A_43, %dma_wait3A_358] : memref<10240x128xf32, #tpu.memory_space<vmem_shared>> -> memref<16x128xf32, #tpu.memory_space<vmem_shared>>
    %dma_wait3A_360 = arith.constant 0 : i32
    %dma_wait3A_361 = tpu.memref_slice %arg18[%add3A_43, %dma_wait3A_360] : memref<10240x128xf32, #tpu.memory_space<vmem_shared>> -> memref<16x128xf32, #tpu.memory_space<vmem_shared>>
    tpu.wait_dma2 semaphore(%arg15 : memref<!tpu.dma_semaphore, #tpu.memory_space<semaphore_mem>>) src(%arg13 : memref<16x128xf32, #tpu.memory_space<vmem>>) dst(%dma_wait3A_361 : memref<16x128xf32, #tpu.memory_space<vmem_shared>>)
    %dma_wait3A_362 = arith.constant 0 : i32
    %dma_wait3A_363 = tpu.memref_slice %arg18[%add3A_47, %dma_wait3A_362] : memref<10240x128xf32, #tpu.memory_space<vmem_shared>> -> memref<16x128xf32, #tpu.memory_space<vmem_shared>>
    %dma_wait3A_364 = arith.constant 0 : i32
    %dma_wait3A_365 = tpu.memref_slice %arg18[%add3A_47, %dma_wait3A_364] : memref<10240x128xf32, #tpu.memory_space<vmem_shared>> -> memref<16x128xf32, #tpu.memory_space<vmem_shared>>
    tpu.wait_dma2 semaphore(%arg15 : memref<!tpu.dma_semaphore, #tpu.memory_space<semaphore_mem>>) src(%arg13 : memref<16x128xf32, #tpu.memory_space<vmem>>) dst(%dma_wait3A_365 : memref<16x128xf32, #tpu.memory_space<vmem_shared>>)
    %dma_wait3A_366 = arith.constant 0 : i32
    %dma_wait3A_367 = tpu.memref_slice %arg18[%add3A_51, %dma_wait3A_366] : memref<10240x128xf32, #tpu.memory_space<vmem_shared>> -> memref<16x128xf32, #tpu.memory_space<vmem_shared>>
    %dma_wait3A_368 = arith.constant 0 : i32
    %dma_wait3A_369 = tpu.memref_slice %arg18[%add3A_51, %dma_wait3A_368] : memref<10240x128xf32, #tpu.memory_space<vmem_shared>> -> memref<16x128xf32, #tpu.memory_space<vmem_shared>>
    tpu.wait_dma2 semaphore(%arg15 : memref<!tpu.dma_semaphore, #tpu.memory_space<semaphore_mem>>) src(%arg13 : memref<16x128xf32, #tpu.memory_space<vmem>>) dst(%dma_wait3A_369 : memref<16x128xf32, #tpu.memory_space<vmem_shared>>)
    %dma_wait3A_370 = arith.constant 0 : i32
    %dma_wait3A_371 = tpu.memref_slice %arg18[%add3A_55, %dma_wait3A_370] : memref<10240x128xf32, #tpu.memory_space<vmem_shared>> -> memref<16x128xf32, #tpu.memory_space<vmem_shared>>
    %dma_wait3A_372 = arith.constant 0 : i32
    %dma_wait3A_373 = tpu.memref_slice %arg18[%add3A_55, %dma_wait3A_372] : memref<10240x128xf32, #tpu.memory_space<vmem_shared>> -> memref<16x128xf32, #tpu.memory_space<vmem_shared>>
    tpu.wait_dma2 semaphore(%arg15 : memref<!tpu.dma_semaphore, #tpu.memory_space<semaphore_mem>>) src(%arg13 : memref<16x128xf32, #tpu.memory_space<vmem>>) dst(%dma_wait3A_373 : memref<16x128xf32, #tpu.memory_space<vmem_shared>>)
    %dma_wait3A_374 = arith.constant 0 : i32
    %dma_wait3A_375 = tpu.memref_slice %arg18[%add3A_59, %dma_wait3A_374] : memref<10240x128xf32, #tpu.memory_space<vmem_shared>> -> memref<16x128xf32, #tpu.memory_space<vmem_shared>>
    %dma_wait3A_376 = arith.constant 0 : i32
    %dma_wait3A_377 = tpu.memref_slice %arg18[%add3A_59, %dma_wait3A_376] : memref<10240x128xf32, #tpu.memory_space<vmem_shared>> -> memref<16x128xf32, #tpu.memory_space<vmem_shared>>
    tpu.wait_dma2 semaphore(%arg15 : memref<!tpu.dma_semaphore, #tpu.memory_space<semaphore_mem>>) src(%arg13 : memref<16x128xf32, #tpu.memory_space<vmem>>) dst(%dma_wait3A_377 : memref<16x128xf32, #tpu.memory_space<vmem_shared>>)
    %dma_wait3A_378 = arith.constant 0 : i32
    %dma_wait3A_379 = tpu.memref_slice %arg18[%add3A_63, %dma_wait3A_378] : memref<10240x128xf32, #tpu.memory_space<vmem_shared>> -> memref<16x128xf32, #tpu.memory_space<vmem_shared>>
    %dma_wait3A_380 = arith.constant 0 : i32
    %dma_wait3A_381 = tpu.memref_slice %arg18[%add3A_63, %dma_wait3A_380] : memref<10240x128xf32, #tpu.memory_space<vmem_shared>> -> memref<16x128xf32, #tpu.memory_space<vmem_shared>>
    tpu.wait_dma2 semaphore(%arg15 : memref<!tpu.dma_semaphore, #tpu.memory_space<semaphore_mem>>) src(%arg13 : memref<16x128xf32, #tpu.memory_space<vmem>>) dst(%dma_wait3A_381 : memref<16x128xf32, #tpu.memory_space<vmem_shared>>)
    %dma_wait3A_382 = arith.constant 0 : i32
    %dma_wait3A_383 = tpu.memref_slice %arg18[%add3A_67, %dma_wait3A_382] : memref<10240x128xf32, #tpu.memory_space<vmem_shared>> -> memref<16x128xf32, #tpu.memory_space<vmem_shared>>
    %dma_wait3A_384 = arith.constant 0 : i32
    %dma_wait3A_385 = tpu.memref_slice %arg18[%add3A_67, %dma_wait3A_384] : memref<10240x128xf32, #tpu.memory_space<vmem_shared>> -> memref<16x128xf32, #tpu.memory_space<vmem_shared>>
    tpu.wait_dma2 semaphore(%arg15 : memref<!tpu.dma_semaphore, #tpu.memory_space<semaphore_mem>>) src(%arg13 : memref<16x128xf32, #tpu.memory_space<vmem>>) dst(%dma_wait3A_385 : memref<16x128xf32, #tpu.memory_space<vmem_shared>>)
    %dma_wait3A_386 = arith.constant 0 : i32
    %dma_wait3A_387 = tpu.memref_slice %arg18[%add3A_71, %dma_wait3A_386] : memref<10240x128xf32, #tpu.memory_space<vmem_shared>> -> memref<16x128xf32, #tpu.memory_space<vmem_shared>>
    %dma_wait3A_388 = arith.constant 0 : i32
    %dma_wait3A_389 = tpu.memref_slice %arg18[%add3A_71, %dma_wait3A_388] : memref<10240x128xf32, #tpu.memory_space<vmem_shared>> -> memref<16x128xf32, #tpu.memory_space<vmem_shared>>
    tpu.wait_dma2 semaphore(%arg15 : memref<!tpu.dma_semaphore, #tpu.memory_space<semaphore_mem>>) src(%arg13 : memref<16x128xf32, #tpu.memory_space<vmem>>) dst(%dma_wait3A_389 : memref<16x128xf32, #tpu.memory_space<vmem_shared>>)
    %dma_wait3A_390 = arith.constant 0 : i32
    %dma_wait3A_391 = tpu.memref_slice %arg18[%add3A_75, %dma_wait3A_390] : memref<10240x128xf32, #tpu.memory_space<vmem_shared>> -> memref<16x128xf32, #tpu.memory_space<vmem_shared>>
    %dma_wait3A_392 = arith.constant 0 : i32
    %dma_wait3A_393 = tpu.memref_slice %arg18[%add3A_75, %dma_wait3A_392] : memref<10240x128xf32, #tpu.memory_space<vmem_shared>> -> memref<16x128xf32, #tpu.memory_space<vmem_shared>>
    tpu.wait_dma2 semaphore(%arg15 : memref<!tpu.dma_semaphore, #tpu.memory_space<semaphore_mem>>) src(%arg13 : memref<16x128xf32, #tpu.memory_space<vmem>>) dst(%dma_wait3A_393 : memref<16x128xf32, #tpu.memory_space<vmem_shared>>)
    %dma_wait3A_394 = arith.constant 0 : i32
    %dma_wait3A_395 = tpu.memref_slice %arg18[%add3A_79, %dma_wait3A_394] : memref<10240x128xf32, #tpu.memory_space<vmem_shared>> -> memref<16x128xf32, #tpu.memory_space<vmem_shared>>
    %dma_wait3A_396 = arith.constant 0 : i32
    %dma_wait3A_397 = tpu.memref_slice %arg18[%add3A_79, %dma_wait3A_396] : memref<10240x128xf32, #tpu.memory_space<vmem_shared>> -> memref<16x128xf32, #tpu.memory_space<vmem_shared>>
    tpu.wait_dma2 semaphore(%arg15 : memref<!tpu.dma_semaphore, #tpu.memory_space<semaphore_mem>>) src(%arg13 : memref<16x128xf32, #tpu.memory_space<vmem>>) dst(%dma_wait3A_397 : memref<16x128xf32, #tpu.memory_space<vmem_shared>>)
    %dma_wait3A_398 = arith.constant 0 : i32
    %dma_wait3A_399 = tpu.memref_slice %arg18[%add3A_83, %dma_wait3A_398] : memref<10240x128xf32, #tpu.memory_space<vmem_shared>> -> memref<16x128xf32, #tpu.memory_space<vmem_shared>>
    %dma_wait3A_400 = arith.constant 0 : i32
    %dma_wait3A_401 = tpu.memref_slice %arg18[%add3A_83, %dma_wait3A_400] : memref<10240x128xf32, #tpu.memory_space<vmem_shared>> -> memref<16x128xf32, #tpu.memory_space<vmem_shared>>
    tpu.wait_dma2 semaphore(%arg15 : memref<!tpu.dma_semaphore, #tpu.memory_space<semaphore_mem>>) src(%arg13 : memref<16x128xf32, #tpu.memory_space<vmem>>) dst(%dma_wait3A_401 : memref<16x128xf32, #tpu.memory_space<vmem_shared>>)
    %dma_wait3A_402 = arith.constant 0 : i32
    %dma_wait3A_403 = tpu.memref_slice %arg18[%add3A_87, %dma_wait3A_402] : memref<10240x128xf32, #tpu.memory_space<vmem_shared>> -> memref<16x128xf32, #tpu.memory_space<vmem_shared>>
    %dma_wait3A_404 = arith.constant 0 : i32
    %dma_wait3A_405 = tpu.memref_slice %arg18[%add3A_87, %dma_wait3A_404] : memref<10240x128xf32, #tpu.memory_space<vmem_shared>> -> memref<16x128xf32, #tpu.memory_space<vmem_shared>>
    tpu.wait_dma2 semaphore(%arg15 : memref<!tpu.dma_semaphore, #tpu.memory_space<semaphore_mem>>) src(%arg13 : memref<16x128xf32, #tpu.memory_space<vmem>>) dst(%dma_wait3A_405 : memref<16x128xf32, #tpu.memory_space<vmem_shared>>)
    %dma_wait3A_406 = arith.constant 0 : i32
    %dma_wait3A_407 = tpu.memref_slice %arg18[%add3A_91, %dma_wait3A_406] : memref<10240x128xf32, #tpu.memory_space<vmem_shared>> -> memref<16x128xf32, #tpu.memory_space<vmem_shared>>
    %dma_wait3A_408 = arith.constant 0 : i32
    %dma_wait3A_409 = tpu.memref_slice %arg18[%add3A_91, %dma_wait3A_408] : memref<10240x128xf32, #tpu.memory_space<vmem_shared>> -> memref<16x128xf32, #tpu.memory_space<vmem_shared>>
    tpu.wait_dma2 semaphore(%arg15 : memref<!tpu.dma_semaphore, #tpu.memory_space<semaphore_mem>>) src(%arg13 : memref<16x128xf32, #tpu.memory_space<vmem>>) dst(%dma_wait3A_409 : memref<16x128xf32, #tpu.memory_space<vmem_shared>>)
    %dma_wait3A_410 = arith.constant 0 : i32
    %dma_wait3A_411 = tpu.memref_slice %arg18[%add3A_95, %dma_wait3A_410] : memref<10240x128xf32, #tpu.memory_space<vmem_shared>> -> memref<16x128xf32, #tpu.memory_space<vmem_shared>>
    %dma_wait3A_412 = arith.constant 0 : i32
    %dma_wait3A_413 = tpu.memref_slice %arg18[%add3A_95, %dma_wait3A_412] : memref<10240x128xf32, #tpu.memory_space<vmem_shared>> -> memref<16x128xf32, #tpu.memory_space<vmem_shared>>
    tpu.wait_dma2 semaphore(%arg15 : memref<!tpu.dma_semaphore, #tpu.memory_space<semaphore_mem>>) src(%arg13 : memref<16x128xf32, #tpu.memory_space<vmem>>) dst(%dma_wait3A_413 : memref<16x128xf32, #tpu.memory_space<vmem_shared>>)
    %dma_wait3A_414 = arith.constant 0 : i32
    %dma_wait3A_415 = tpu.memref_slice %arg18[%add3A_99, %dma_wait3A_414] : memref<10240x128xf32, #tpu.memory_space<vmem_shared>> -> memref<16x128xf32, #tpu.memory_space<vmem_shared>>
    %dma_wait3A_416 = arith.constant 0 : i32
    %dma_wait3A_417 = tpu.memref_slice %arg18[%add3A_99, %dma_wait3A_416] : memref<10240x128xf32, #tpu.memory_space<vmem_shared>> -> memref<16x128xf32, #tpu.memory_space<vmem_shared>>
    tpu.wait_dma2 semaphore(%arg15 : memref<!tpu.dma_semaphore, #tpu.memory_space<semaphore_mem>>) src(%arg13 : memref<16x128xf32, #tpu.memory_space<vmem>>) dst(%dma_wait3A_417 : memref<16x128xf32, #tpu.memory_space<vmem_shared>>)
    %dma_wait3A_418 = arith.constant 0 : i32
    %dma_wait3A_419 = tpu.memref_slice %arg18[%add3A_103, %dma_wait3A_418] : memref<10240x128xf32, #tpu.memory_space<vmem_shared>> -> memref<16x128xf32, #tpu.memory_space<vmem_shared>>
    %dma_wait3A_420 = arith.constant 0 : i32
    %dma_wait3A_421 = tpu.memref_slice %arg18[%add3A_103, %dma_wait3A_420] : memref<10240x128xf32, #tpu.memory_space<vmem_shared>> -> memref<16x128xf32, #tpu.memory_space<vmem_shared>>
    tpu.wait_dma2 semaphore(%arg15 : memref<!tpu.dma_semaphore, #tpu.memory_space<semaphore_mem>>) src(%arg13 : memref<16x128xf32, #tpu.memory_space<vmem>>) dst(%dma_wait3A_421 : memref<16x128xf32, #tpu.memory_space<vmem_shared>>)
    %dma_wait3A_422 = arith.constant 0 : i32
    %dma_wait3A_423 = tpu.memref_slice %arg18[%add3A_107, %dma_wait3A_422] : memref<10240x128xf32, #tpu.memory_space<vmem_shared>> -> memref<16x128xf32, #tpu.memory_space<vmem_shared>>
    %dma_wait3A_424 = arith.constant 0 : i32
    %dma_wait3A_425 = tpu.memref_slice %arg18[%add3A_107, %dma_wait3A_424] : memref<10240x128xf32, #tpu.memory_space<vmem_shared>> -> memref<16x128xf32, #tpu.memory_space<vmem_shared>>
    tpu.wait_dma2 semaphore(%arg15 : memref<!tpu.dma_semaphore, #tpu.memory_space<semaphore_mem>>) src(%arg13 : memref<16x128xf32, #tpu.memory_space<vmem>>) dst(%dma_wait3A_425 : memref<16x128xf32, #tpu.memory_space<vmem_shared>>)
    %dma_wait3A_426 = arith.constant 0 : i32
    %dma_wait3A_427 = tpu.memref_slice %arg18[%add3A_111, %dma_wait3A_426] : memref<10240x128xf32, #tpu.memory_space<vmem_shared>> -> memref<16x128xf32, #tpu.memory_space<vmem_shared>>
    %dma_wait3A_428 = arith.constant 0 : i32
    %dma_wait3A_429 = tpu.memref_slice %arg18[%add3A_111, %dma_wait3A_428] : memref<10240x128xf32, #tpu.memory_space<vmem_shared>> -> memref<16x128xf32, #tpu.memory_space<vmem_shared>>
    tpu.wait_dma2 semaphore(%arg15 : memref<!tpu.dma_semaphore, #tpu.memory_space<semaphore_mem>>) src(%arg13 : memref<16x128xf32, #tpu.memory_space<vmem>>) dst(%dma_wait3A_429 : memref<16x128xf32, #tpu.memory_space<vmem_shared>>)
    %dma_wait3A_430 = arith.constant 0 : i32
    %dma_wait3A_431 = tpu.memref_slice %arg18[%add3A_115, %dma_wait3A_430] : memref<10240x128xf32, #tpu.memory_space<vmem_shared>> -> memref<16x128xf32, #tpu.memory_space<vmem_shared>>
    %dma_wait3A_432 = arith.constant 0 : i32
    %dma_wait3A_433 = tpu.memref_slice %arg18[%add3A_115, %dma_wait3A_432] : memref<10240x128xf32, #tpu.memory_space<vmem_shared>> -> memref<16x128xf32, #tpu.memory_space<vmem_shared>>
    tpu.wait_dma2 semaphore(%arg15 : memref<!tpu.dma_semaphore, #tpu.memory_space<semaphore_mem>>) src(%arg13 : memref<16x128xf32, #tpu.memory_space<vmem>>) dst(%dma_wait3A_433 : memref<16x128xf32, #tpu.memory_space<vmem_shared>>)
    %dma_wait3A_434 = arith.constant 0 : i32
    %dma_wait3A_435 = tpu.memref_slice %arg18[%add3A_119, %dma_wait3A_434] : memref<10240x128xf32, #tpu.memory_space<vmem_shared>> -> memref<16x128xf32, #tpu.memory_space<vmem_shared>>
    %dma_wait3A_436 = arith.constant 0 : i32
    %dma_wait3A_437 = tpu.memref_slice %arg18[%add3A_119, %dma_wait3A_436] : memref<10240x128xf32, #tpu.memory_space<vmem_shared>> -> memref<16x128xf32, #tpu.memory_space<vmem_shared>>
    tpu.wait_dma2 semaphore(%arg15 : memref<!tpu.dma_semaphore, #tpu.memory_space<semaphore_mem>>) src(%arg13 : memref<16x128xf32, #tpu.memory_space<vmem>>) dst(%dma_wait3A_437 : memref<16x128xf32, #tpu.memory_space<vmem_shared>>)
    %dma_wait3A_438 = arith.constant 0 : i32
    %dma_wait3A_439 = tpu.memref_slice %arg18[%add3A_123, %dma_wait3A_438] : memref<10240x128xf32, #tpu.memory_space<vmem_shared>> -> memref<16x128xf32, #tpu.memory_space<vmem_shared>>
    %dma_wait3A_440 = arith.constant 0 : i32
    %dma_wait3A_441 = tpu.memref_slice %arg18[%add3A_123, %dma_wait3A_440] : memref<10240x128xf32, #tpu.memory_space<vmem_shared>> -> memref<16x128xf32, #tpu.memory_space<vmem_shared>>
    tpu.wait_dma2 semaphore(%arg15 : memref<!tpu.dma_semaphore, #tpu.memory_space<semaphore_mem>>) src(%arg13 : memref<16x128xf32, #tpu.memory_space<vmem>>) dst(%dma_wait3A_441 : memref<16x128xf32, #tpu.memory_space<vmem_shared>>)
    %dma_wait3A_442 = arith.constant 0 : i32
    %dma_wait3A_443 = tpu.memref_slice %arg18[%add3A_127, %dma_wait3A_442] : memref<10240x128xf32, #tpu.memory_space<vmem_shared>> -> memref<16x128xf32, #tpu.memory_space<vmem_shared>>
    %dma_wait3A_444 = arith.constant 0 : i32
    %dma_wait3A_445 = tpu.memref_slice %arg18[%add3A_127, %dma_wait3A_444] : memref<10240x128xf32, #tpu.memory_space<vmem_shared>> -> memref<16x128xf32, #tpu.memory_space<vmem_shared>>
    tpu.wait_dma2 semaphore(%arg15 : memref<!tpu.dma_semaphore, #tpu.memory_space<semaphore_mem>>) src(%arg13 : memref<16x128xf32, #tpu.memory_space<vmem>>) dst(%dma_wait3A_445 : memref<16x128xf32, #tpu.memory_space<vmem_shared>>)
    %dma_wait3A_446 = arith.constant 0 : i32
    %dma_wait3A_447 = tpu.memref_slice %arg18[%add3A_131, %dma_wait3A_446] : memref<10240x128xf32, #tpu.memory_space<vmem_shared>> -> memref<16x128xf32, #tpu.memory_space<vmem_shared>>
    %dma_wait3A_448 = arith.constant 0 : i32
    %dma_wait3A_449 = tpu.memref_slice %arg18[%add3A_131, %dma_wait3A_448] : memref<10240x128xf32, #tpu.memory_space<vmem_shared>> -> memref<16x128xf32, #tpu.memory_space<vmem_shared>>
    tpu.wait_dma2 semaphore(%arg15 : memref<!tpu.dma_semaphore, #tpu.memory_space<semaphore_mem>>) src(%arg13 : memref<16x128xf32, #tpu.memory_space<vmem>>) dst(%dma_wait3A_449 : memref<16x128xf32, #tpu.memory_space<vmem_shared>>)
    %dma_wait3A_450 = arith.constant 0 : i32
    %dma_wait3A_451 = tpu.memref_slice %arg18[%add3A_135, %dma_wait3A_450] : memref<10240x128xf32, #tpu.memory_space<vmem_shared>> -> memref<16x128xf32, #tpu.memory_space<vmem_shared>>
    %dma_wait3A_452 = arith.constant 0 : i32
    %dma_wait3A_453 = tpu.memref_slice %arg18[%add3A_135, %dma_wait3A_452] : memref<10240x128xf32, #tpu.memory_space<vmem_shared>> -> memref<16x128xf32, #tpu.memory_space<vmem_shared>>
    tpu.wait_dma2 semaphore(%arg15 : memref<!tpu.dma_semaphore, #tpu.memory_space<semaphore_mem>>) src(%arg13 : memref<16x128xf32, #tpu.memory_space<vmem>>) dst(%dma_wait3A_453 : memref<16x128xf32, #tpu.memory_space<vmem_shared>>)
    %dma_wait3A_454 = arith.constant 0 : i32
    %dma_wait3A_455 = tpu.memref_slice %arg18[%add3A_139, %dma_wait3A_454] : memref<10240x128xf32, #tpu.memory_space<vmem_shared>> -> memref<16x128xf32, #tpu.memory_space<vmem_shared>>
    %dma_wait3A_456 = arith.constant 0 : i32
    %dma_wait3A_457 = tpu.memref_slice %arg18[%add3A_139, %dma_wait3A_456] : memref<10240x128xf32, #tpu.memory_space<vmem_shared>> -> memref<16x128xf32, #tpu.memory_space<vmem_shared>>
    tpu.wait_dma2 semaphore(%arg15 : memref<!tpu.dma_semaphore, #tpu.memory_space<semaphore_mem>>) src(%arg13 : memref<16x128xf32, #tpu.memory_space<vmem>>) dst(%dma_wait3A_457 : memref<16x128xf32, #tpu.memory_space<vmem_shared>>)
    %dma_wait3A_458 = arith.constant 0 : i32
    %dma_wait3A_459 = tpu.memref_slice %arg18[%add3A_143, %dma_wait3A_458] : memref<10240x128xf32, #tpu.memory_space<vmem_shared>> -> memref<16x128xf32, #tpu.memory_space<vmem_shared>>
    %dma_wait3A_460 = arith.constant 0 : i32
    %dma_wait3A_461 = tpu.memref_slice %arg18[%add3A_143, %dma_wait3A_460] : memref<10240x128xf32, #tpu.memory_space<vmem_shared>> -> memref<16x128xf32, #tpu.memory_space<vmem_shared>>
    tpu.wait_dma2 semaphore(%arg15 : memref<!tpu.dma_semaphore, #tpu.memory_space<semaphore_mem>>) src(%arg13 : memref<16x128xf32, #tpu.memory_space<vmem>>) dst(%dma_wait3A_461 : memref<16x128xf32, #tpu.memory_space<vmem_shared>>)
    %dma_wait3A_462 = arith.constant 0 : i32
    %dma_wait3A_463 = tpu.memref_slice %arg18[%add3A_147, %dma_wait3A_462] : memref<10240x128xf32, #tpu.memory_space<vmem_shared>> -> memref<16x128xf32, #tpu.memory_space<vmem_shared>>
    %dma_wait3A_464 = arith.constant 0 : i32
    %dma_wait3A_465 = tpu.memref_slice %arg18[%add3A_147, %dma_wait3A_464] : memref<10240x128xf32, #tpu.memory_space<vmem_shared>> -> memref<16x128xf32, #tpu.memory_space<vmem_shared>>
    tpu.wait_dma2 semaphore(%arg15 : memref<!tpu.dma_semaphore, #tpu.memory_space<semaphore_mem>>) src(%arg13 : memref<16x128xf32, #tpu.memory_space<vmem>>) dst(%dma_wait3A_465 : memref<16x128xf32, #tpu.memory_space<vmem_shared>>)
    %dma_wait3A_466 = arith.constant 0 : i32
    %dma_wait3A_467 = tpu.memref_slice %arg18[%add3A_151, %dma_wait3A_466] : memref<10240x128xf32, #tpu.memory_space<vmem_shared>> -> memref<16x128xf32, #tpu.memory_space<vmem_shared>>
    %dma_wait3A_468 = arith.constant 0 : i32
    %dma_wait3A_469 = tpu.memref_slice %arg18[%add3A_151, %dma_wait3A_468] : memref<10240x128xf32, #tpu.memory_space<vmem_shared>> -> memref<16x128xf32, #tpu.memory_space<vmem_shared>>
    tpu.wait_dma2 semaphore(%arg15 : memref<!tpu.dma_semaphore, #tpu.memory_space<semaphore_mem>>) src(%arg13 : memref<16x128xf32, #tpu.memory_space<vmem>>) dst(%dma_wait3A_469 : memref<16x128xf32, #tpu.memory_space<vmem_shared>>)
    %dma_wait3A_470 = arith.constant 0 : i32
    %dma_wait3A_471 = tpu.memref_slice %arg18[%add3A_155, %dma_wait3A_470] : memref<10240x128xf32, #tpu.memory_space<vmem_shared>> -> memref<16x128xf32, #tpu.memory_space<vmem_shared>>
    %dma_wait3A_472 = arith.constant 0 : i32
    %dma_wait3A_473 = tpu.memref_slice %arg18[%add3A_155, %dma_wait3A_472] : memref<10240x128xf32, #tpu.memory_space<vmem_shared>> -> memref<16x128xf32, #tpu.memory_space<vmem_shared>>
    tpu.wait_dma2 semaphore(%arg15 : memref<!tpu.dma_semaphore, #tpu.memory_space<semaphore_mem>>) src(%arg13 : memref<16x128xf32, #tpu.memory_space<vmem>>) dst(%dma_wait3A_473 : memref<16x128xf32, #tpu.memory_space<vmem_shared>>)
    %dma_wait3A_474 = arith.constant 0 : i32
    %dma_wait3A_475 = tpu.memref_slice %arg18[%add3A_159, %dma_wait3A_474] : memref<10240x128xf32, #tpu.memory_space<vmem_shared>> -> memref<16x128xf32, #tpu.memory_space<vmem_shared>>
    %dma_wait3A_476 = arith.constant 0 : i32
    %dma_wait3A_477 = tpu.memref_slice %arg18[%add3A_159, %dma_wait3A_476] : memref<10240x128xf32, #tpu.memory_space<vmem_shared>> -> memref<16x128xf32, #tpu.memory_space<vmem_shared>>
    tpu.wait_dma2 semaphore(%arg15 : memref<!tpu.dma_semaphore, #tpu.memory_space<semaphore_mem>>) src(%arg13 : memref<16x128xf32, #tpu.memory_space<vmem>>) dst(%dma_wait3A_477 : memref<16x128xf32, #tpu.memory_space<vmem_shared>>)
    %dma_wait3A_478 = arith.constant 0 : i32
    %dma_wait3A_479 = tpu.memref_slice %arg18[%add3A_163, %dma_wait3A_478] : memref<10240x128xf32, #tpu.memory_space<vmem_shared>> -> memref<16x128xf32, #tpu.memory_space<vmem_shared>>
    %dma_wait3A_480 = arith.constant 0 : i32
    %dma_wait3A_481 = tpu.memref_slice %arg18[%add3A_163, %dma_wait3A_480] : memref<10240x128xf32, #tpu.memory_space<vmem_shared>> -> memref<16x128xf32, #tpu.memory_space<vmem_shared>>
    tpu.wait_dma2 semaphore(%arg15 : memref<!tpu.dma_semaphore, #tpu.memory_space<semaphore_mem>>) src(%arg13 : memref<16x128xf32, #tpu.memory_space<vmem>>) dst(%dma_wait3A_481 : memref<16x128xf32, #tpu.memory_space<vmem_shared>>)
    %dma_wait3A_482 = arith.constant 0 : i32
    %dma_wait3A_483 = tpu.memref_slice %arg18[%add3A_167, %dma_wait3A_482] : memref<10240x128xf32, #tpu.memory_space<vmem_shared>> -> memref<16x128xf32, #tpu.memory_space<vmem_shared>>
    %dma_wait3A_484 = arith.constant 0 : i32
    %dma_wait3A_485 = tpu.memref_slice %arg18[%add3A_167, %dma_wait3A_484] : memref<10240x128xf32, #tpu.memory_space<vmem_shared>> -> memref<16x128xf32, #tpu.memory_space<vmem_shared>>
    tpu.wait_dma2 semaphore(%arg15 : memref<!tpu.dma_semaphore, #tpu.memory_space<semaphore_mem>>) src(%arg13 : memref<16x128xf32, #tpu.memory_space<vmem>>) dst(%dma_wait3A_485 : memref<16x128xf32, #tpu.memory_space<vmem_shared>>)
    %dma_wait3A_486 = arith.constant 0 : i32
    %dma_wait3A_487 = tpu.memref_slice %arg18[%add3A_171, %dma_wait3A_486] : memref<10240x128xf32, #tpu.memory_space<vmem_shared>> -> memref<16x128xf32, #tpu.memory_space<vmem_shared>>
    %dma_wait3A_488 = arith.constant 0 : i32
    %dma_wait3A_489 = tpu.memref_slice %arg18[%add3A_171, %dma_wait3A_488] : memref<10240x128xf32, #tpu.memory_space<vmem_shared>> -> memref<16x128xf32, #tpu.memory_space<vmem_shared>>
    tpu.wait_dma2 semaphore(%arg15 : memref<!tpu.dma_semaphore, #tpu.memory_space<semaphore_mem>>) src(%arg13 : memref<16x128xf32, #tpu.memory_space<vmem>>) dst(%dma_wait3A_489 : memref<16x128xf32, #tpu.memory_space<vmem_shared>>)
    %dma_wait3A_490 = arith.constant 0 : i32
    %dma_wait3A_491 = tpu.memref_slice %arg18[%add3A_175, %dma_wait3A_490] : memref<10240x128xf32, #tpu.memory_space<vmem_shared>> -> memref<16x128xf32, #tpu.memory_space<vmem_shared>>
    %dma_wait3A_492 = arith.constant 0 : i32
    %dma_wait3A_493 = tpu.memref_slice %arg18[%add3A_175, %dma_wait3A_492] : memref<10240x128xf32, #tpu.memory_space<vmem_shared>> -> memref<16x128xf32, #tpu.memory_space<vmem_shared>>
    tpu.wait_dma2 semaphore(%arg15 : memref<!tpu.dma_semaphore, #tpu.memory_space<semaphore_mem>>) src(%arg13 : memref<16x128xf32, #tpu.memory_space<vmem>>) dst(%dma_wait3A_493 : memref<16x128xf32, #tpu.memory_space<vmem_shared>>)
    %barrier3A = arith.constant 0 : index
    tpu.barrier barrier_id(%barrier3A)
    %iota3A = tpu.iota {dimensions = array<i32: 0>} : vector<16xi32>
    %eq3A = arith.constant 0 : i32
    %eq3A_494 = vector.broadcast %eq3A : i32 to vector<16xi32>
    %eq3A_495 = arith.cmpi eq, %iota3A, %eq3A_494 : vector<16xi32>
    %shift_left3A = arith.constant 1 : i32
    %shift_left3A_496 = arith.constant 20 : i32
    %shift_left3A_497 = arith.shli %shift_left3A, %shift_left3A_496 : i32
    %jit3A = arith.constant 0 : i32
    %broadcast_in_dim3A_498 = vector.broadcast %shift_left3A_497 : i32 to vector<16xi32>
    %broadcast_in_dim3A_499 = vector.broadcast %jit3A : i32 to vector<16xi32>
    %select_n3A = arith.select %eq3A_495, %broadcast_in_dim3A_498, %broadcast_in_dim3A_499 : vector<16xi1>, vector<16xi32>
    %eq3A_500 = arith.constant 0 : i32
    %eq3A_501 = arith.constant 0 : i32
    %eq3A_502 = arith.cmpi eq, %eq3A_500, %eq3A_501 : i32
    %convert_element_type3A = arith.extui %eq3A_502 : i1 to i32
    %cond3A = arith.constant 0 : i32
    %cond3A_503 = arith.cmpi ne, %convert_element_type3A, %cond3A : i32
    scf.if %cond3A_503 {
      %add3A_565 = arith.constant 0 : i32
      %add3A_566 = arith.addi %mul3A_2, %add3A_565 : i32
      %mul3A_567 = arith.constant 128 : i32
      %mul3A_568 = arith.muli %add3A_566, %mul3A_567 : i32
      %add3A_569 = arith.constant 0 : i32
      %add3A_570 = arith.addi %mul3A_2, %add3A_569 : i32
      %add3A_571 = arith.constant 0 : i32
      %add3A_572 = arith.addi %mul3A_2, %add3A_571 : i32
      %dma_start3A_573 = arith.constant 0 : i32
      %dma_start3A_574 = tpu.memref_slice %arg12[%dma_start3A_573] : memref<30720xf32, #tpu.memory_space<vmem>> -> memref<10240xf32, #tpu.memory_space<vmem>>
      %dma_start3A_575 = tpu.memref_slice %arg2[%mul3A_568] : memref<40960000xf32, #tpu.memory_space<hbm>> -> memref<10240xf32, #tpu.memory_space<hbm>>
      %dma_start3A_576 = arith.constant 0 : i32
      %dma_start3A_577 = tpu.memref_slice %arg12[%dma_start3A_576] : memref<30720xf32, #tpu.memory_space<vmem>> -> memref<10240xf32, #tpu.memory_space<vmem>>
      %dma_start3A_578 = tpu.memref_slice %arg2[%mul3A_568] : memref<40960000xf32, #tpu.memory_space<hbm>> -> memref<10240xf32, #tpu.memory_space<hbm>>
      tpu.enqueue_dma source(%dma_start3A_578 : memref<10240xf32, #tpu.memory_space<hbm>>) target(%dma_start3A_577 : memref<10240xf32, #tpu.memory_space<vmem>>) target_semaphore(%arg15 : memref<!tpu.dma_semaphore, #tpu.memory_space<semaphore_mem>>)
      %dma_start3A_579 = arith.constant 16 : i32
      %dma_start3A_580 = tpu.memref_slice %arg7[%dma_start3A_579] : memref<288xi32, #tpu.memory_space<vmem>> -> memref<80xi32, #tpu.memory_space<vmem>>
      %dma_start3A_581 = tpu.memref_slice %arg3[%add3A_570] : memref<320000xi32, #tpu.memory_space<hbm>> -> memref<80xi32, #tpu.memory_space<hbm>>
      %dma_start3A_582 = arith.constant 16 : i32
      %dma_start3A_583 = tpu.memref_slice %arg7[%dma_start3A_582] : memref<288xi32, #tpu.memory_space<vmem>> -> memref<80xi32, #tpu.memory_space<vmem>>
      %dma_start3A_584 = tpu.memref_slice %arg3[%add3A_570] : memref<320000xi32, #tpu.memory_space<hbm>> -> memref<80xi32, #tpu.memory_space<hbm>>
      tpu.enqueue_dma source(%dma_start3A_584 : memref<80xi32, #tpu.memory_space<hbm>>) target(%dma_start3A_583 : memref<80xi32, #tpu.memory_space<vmem>>) target_semaphore(%arg15 : memref<!tpu.dma_semaphore, #tpu.memory_space<semaphore_mem>>)
      %dma_start3A_585 = arith.constant 0 : i32
      %dma_start3A_586 = tpu.memref_slice %arg8[%dma_start3A_585] : memref<288xf32, #tpu.memory_space<vmem>> -> memref<80xf32, #tpu.memory_space<vmem>>
      %dma_start3A_587 = tpu.memref_slice %arg4[%add3A_572] : memref<320000xf32, #tpu.memory_space<hbm>> -> memref<80xf32, #tpu.memory_space<hbm>>
      %dma_start3A_588 = arith.constant 0 : i32
      %dma_start3A_589 = tpu.memref_slice %arg8[%dma_start3A_588] : memref<288xf32, #tpu.memory_space<vmem>> -> memref<80xf32, #tpu.memory_space<vmem>>
      %dma_start3A_590 = tpu.memref_slice %arg4[%add3A_572] : memref<320000xf32, #tpu.memory_space<hbm>> -> memref<80xf32, #tpu.memory_space<hbm>>
      tpu.enqueue_dma source(%dma_start3A_590 : memref<80xf32, #tpu.memory_space<hbm>>) target(%dma_start3A_589 : memref<80xf32, #tpu.memory_space<vmem>>) target_semaphore(%arg15 : memref<!tpu.dma_semaphore, #tpu.memory_space<semaphore_mem>>)
    } else {
    }
    %eq3A_504 = arith.constant 0 : i32
    %eq3A_505 = arith.constant 1 : i32
    %eq3A_506 = arith.cmpi eq, %eq3A_504, %eq3A_505 : i32
    %convert_element_type3A_507 = arith.extui %eq3A_506 : i1 to i32
    %cond3A_508 = arith.constant 0 : i32
    %cond3A_509 = arith.cmpi ne, %convert_element_type3A_507, %cond3A_508 : i32
    scf.if %cond3A_509 {
      %add3A_565 = arith.constant 0 : i32
      %add3A_566 = arith.addi %mul3A_2, %add3A_565 : i32
      %mul3A_567 = arith.constant 128 : i32
      %mul3A_568 = arith.muli %add3A_566, %mul3A_567 : i32
      %add3A_569 = arith.constant 0 : i32
      %add3A_570 = arith.addi %mul3A_2, %add3A_569 : i32
      %add3A_571 = arith.constant 0 : i32
      %add3A_572 = arith.addi %mul3A_2, %add3A_571 : i32
      %dma_start3A_573 = arith.constant 10240 : i32
      %dma_start3A_574 = tpu.memref_slice %arg12[%dma_start3A_573] : memref<30720xf32, #tpu.memory_space<vmem>> -> memref<10240xf32, #tpu.memory_space<vmem>>
      %dma_start3A_575 = tpu.memref_slice %arg2[%mul3A_568] : memref<40960000xf32, #tpu.memory_space<hbm>> -> memref<10240xf32, #tpu.memory_space<hbm>>
      %dma_start3A_576 = arith.constant 10240 : i32
      %dma_start3A_577 = tpu.memref_slice %arg12[%dma_start3A_576] : memref<30720xf32, #tpu.memory_space<vmem>> -> memref<10240xf32, #tpu.memory_space<vmem>>
      %dma_start3A_578 = tpu.memref_slice %arg2[%mul3A_568] : memref<40960000xf32, #tpu.memory_space<hbm>> -> memref<10240xf32, #tpu.memory_space<hbm>>
      tpu.enqueue_dma source(%dma_start3A_578 : memref<10240xf32, #tpu.memory_space<hbm>>) target(%dma_start3A_577 : memref<10240xf32, #tpu.memory_space<vmem>>) target_semaphore(%arg16 : memref<!tpu.dma_semaphore, #tpu.memory_space<semaphore_mem>>)
      %dma_start3A_579 = arith.constant 112 : i32
      %dma_start3A_580 = tpu.memref_slice %arg7[%dma_start3A_579] : memref<288xi32, #tpu.memory_space<vmem>> -> memref<80xi32, #tpu.memory_space<vmem>>
      %dma_start3A_581 = tpu.memref_slice %arg3[%add3A_570] : memref<320000xi32, #tpu.memory_space<hbm>> -> memref<80xi32, #tpu.memory_space<hbm>>
      %dma_start3A_582 = arith.constant 112 : i32
      %dma_start3A_583 = tpu.memref_slice %arg7[%dma_start3A_582] : memref<288xi32, #tpu.memory_space<vmem>> -> memref<80xi32, #tpu.memory_space<vmem>>
      %dma_start3A_584 = tpu.memref_slice %arg3[%add3A_570] : memref<320000xi32, #tpu.memory_space<hbm>> -> memref<80xi32, #tpu.memory_space<hbm>>
      tpu.enqueue_dma source(%dma_start3A_584 : memref<80xi32, #tpu.memory_space<hbm>>) target(%dma_start3A_583 : memref<80xi32, #tpu.memory_space<vmem>>) target_semaphore(%arg16 : memref<!tpu.dma_semaphore, #tpu.memory_space<semaphore_mem>>)
      %dma_start3A_585 = arith.constant 96 : i32
      %dma_start3A_586 = tpu.memref_slice %arg8[%dma_start3A_585] : memref<288xf32, #tpu.memory_space<vmem>> -> memref<80xf32, #tpu.memory_space<vmem>>
      %dma_start3A_587 = tpu.memref_slice %arg4[%add3A_572] : memref<320000xf32, #tpu.memory_space<hbm>> -> memref<80xf32, #tpu.memory_space<hbm>>
      %dma_start3A_588 = arith.constant 96 : i32
      %dma_start3A_589 = tpu.memref_slice %arg8[%dma_start3A_588] : memref<288xf32, #tpu.memory_space<vmem>> -> memref<80xf32, #tpu.memory_space<vmem>>
      %dma_start3A_590 = tpu.memref_slice %arg4[%add3A_572] : memref<320000xf32, #tpu.memory_space<hbm>> -> memref<80xf32, #tpu.memory_space<hbm>>
      tpu.enqueue_dma source(%dma_start3A_590 : memref<80xf32, #tpu.memory_space<hbm>>) target(%dma_start3A_589 : memref<80xf32, #tpu.memory_space<vmem>>) target_semaphore(%arg16 : memref<!tpu.dma_semaphore, #tpu.memory_space<semaphore_mem>>)
    } else {
    }
    %eq3A_510 = arith.constant 0 : i32
    %eq3A_511 = arith.constant 2 : i32
    %eq3A_512 = arith.cmpi eq, %eq3A_510, %eq3A_511 : i32
    %convert_element_type3A_513 = arith.extui %eq3A_512 : i1 to i32
    %cond3A_514 = arith.constant 0 : i32
    %cond3A_515 = arith.cmpi ne, %convert_element_type3A_513, %cond3A_514 : i32
    scf.if %cond3A_515 {
      %add3A_565 = arith.constant 0 : i32
      %add3A_566 = arith.addi %mul3A_2, %add3A_565 : i32
      %mul3A_567 = arith.constant 128 : i32
      %mul3A_568 = arith.muli %add3A_566, %mul3A_567 : i32
      %add3A_569 = arith.constant 0 : i32
      %add3A_570 = arith.addi %mul3A_2, %add3A_569 : i32
      %add3A_571 = arith.constant 0 : i32
      %add3A_572 = arith.addi %mul3A_2, %add3A_571 : i32
      %dma_start3A_573 = arith.constant 20480 : i32
      %dma_start3A_574 = tpu.memref_slice %arg12[%dma_start3A_573] : memref<30720xf32, #tpu.memory_space<vmem>> -> memref<10240xf32, #tpu.memory_space<vmem>>
      %dma_start3A_575 = tpu.memref_slice %arg2[%mul3A_568] : memref<40960000xf32, #tpu.memory_space<hbm>> -> memref<10240xf32, #tpu.memory_space<hbm>>
      %dma_start3A_576 = arith.constant 20480 : i32
      %dma_start3A_577 = tpu.memref_slice %arg12[%dma_start3A_576] : memref<30720xf32, #tpu.memory_space<vmem>> -> memref<10240xf32, #tpu.memory_space<vmem>>
      %dma_start3A_578 = tpu.memref_slice %arg2[%mul3A_568] : memref<40960000xf32, #tpu.memory_space<hbm>> -> memref<10240xf32, #tpu.memory_space<hbm>>
      tpu.enqueue_dma source(%dma_start3A_578 : memref<10240xf32, #tpu.memory_space<hbm>>) target(%dma_start3A_577 : memref<10240xf32, #tpu.memory_space<vmem>>) target_semaphore(%arg17 : memref<!tpu.dma_semaphore, #tpu.memory_space<semaphore_mem>>)
      %dma_start3A_579 = arith.constant 208 : i32
      %dma_start3A_580 = tpu.memref_slice %arg7[%dma_start3A_579] : memref<288xi32, #tpu.memory_space<vmem>> -> memref<80xi32, #tpu.memory_space<vmem>>
      %dma_start3A_581 = tpu.memref_slice %arg3[%add3A_570] : memref<320000xi32, #tpu.memory_space<hbm>> -> memref<80xi32, #tpu.memory_space<hbm>>
      %dma_start3A_582 = arith.constant 208 : i32
      %dma_start3A_583 = tpu.memref_slice %arg7[%dma_start3A_582] : memref<288xi32, #tpu.memory_space<vmem>> -> memref<80xi32, #tpu.memory_space<vmem>>
      %dma_start3A_584 = tpu.memref_slice %arg3[%add3A_570] : memref<320000xi32, #tpu.memory_space<hbm>> -> memref<80xi32, #tpu.memory_space<hbm>>
      tpu.enqueue_dma source(%dma_start3A_584 : memref<80xi32, #tpu.memory_space<hbm>>) target(%dma_start3A_583 : memref<80xi32, #tpu.memory_space<vmem>>) target_semaphore(%arg17 : memref<!tpu.dma_semaphore, #tpu.memory_space<semaphore_mem>>)
      %dma_start3A_585 = arith.constant 192 : i32
      %dma_start3A_586 = tpu.memref_slice %arg8[%dma_start3A_585] : memref<288xf32, #tpu.memory_space<vmem>> -> memref<80xf32, #tpu.memory_space<vmem>>
      %dma_start3A_587 = tpu.memref_slice %arg4[%add3A_572] : memref<320000xf32, #tpu.memory_space<hbm>> -> memref<80xf32, #tpu.memory_space<hbm>>
      %dma_start3A_588 = arith.constant 192 : i32
      %dma_start3A_589 = tpu.memref_slice %arg8[%dma_start3A_588] : memref<288xf32, #tpu.memory_space<vmem>> -> memref<80xf32, #tpu.memory_space<vmem>>
      %dma_start3A_590 = tpu.memref_slice %arg4[%add3A_572] : memref<320000xf32, #tpu.memory_space<hbm>> -> memref<80xf32, #tpu.memory_space<hbm>>
      tpu.enqueue_dma source(%dma_start3A_590 : memref<80xf32, #tpu.memory_space<hbm>>) target(%dma_start3A_589 : memref<80xf32, #tpu.memory_space<vmem>>) target_semaphore(%arg17 : memref<!tpu.dma_semaphore, #tpu.memory_space<semaphore_mem>>)
    } else {
    }
    %eq3A_516 = arith.constant 1 : i32
    %eq3A_517 = arith.constant 0 : i32
    %eq3A_518 = arith.cmpi eq, %eq3A_516, %eq3A_517 : i32
    %convert_element_type3A_519 = arith.extui %eq3A_518 : i1 to i32
    %cond3A_520 = arith.constant 0 : i32
    %cond3A_521 = arith.cmpi ne, %convert_element_type3A_519, %cond3A_520 : i32
    scf.if %cond3A_521 {
      %add3A_565 = arith.constant 80 : i32
      %add3A_566 = arith.addi %mul3A_2, %add3A_565 : i32
      %mul3A_567 = arith.constant 128 : i32
      %mul3A_568 = arith.muli %add3A_566, %mul3A_567 : i32
      %add3A_569 = arith.constant 80 : i32
      %add3A_570 = arith.addi %mul3A_2, %add3A_569 : i32
      %add3A_571 = arith.constant 80 : i32
      %add3A_572 = arith.addi %mul3A_2, %add3A_571 : i32
      %dma_start3A_573 = arith.constant 0 : i32
      %dma_start3A_574 = tpu.memref_slice %arg12[%dma_start3A_573] : memref<30720xf32, #tpu.memory_space<vmem>> -> memref<10240xf32, #tpu.memory_space<vmem>>
      %dma_start3A_575 = tpu.memref_slice %arg2[%mul3A_568] : memref<40960000xf32, #tpu.memory_space<hbm>> -> memref<10240xf32, #tpu.memory_space<hbm>>
      %dma_start3A_576 = arith.constant 0 : i32
      %dma_start3A_577 = tpu.memref_slice %arg12[%dma_start3A_576] : memref<30720xf32, #tpu.memory_space<vmem>> -> memref<10240xf32, #tpu.memory_space<vmem>>
      %dma_start3A_578 = tpu.memref_slice %arg2[%mul3A_568] : memref<40960000xf32, #tpu.memory_space<hbm>> -> memref<10240xf32, #tpu.memory_space<hbm>>
      tpu.enqueue_dma source(%dma_start3A_578 : memref<10240xf32, #tpu.memory_space<hbm>>) target(%dma_start3A_577 : memref<10240xf32, #tpu.memory_space<vmem>>) target_semaphore(%arg15 : memref<!tpu.dma_semaphore, #tpu.memory_space<semaphore_mem>>)
      %dma_start3A_579 = arith.constant 16 : i32
      %dma_start3A_580 = tpu.memref_slice %arg7[%dma_start3A_579] : memref<288xi32, #tpu.memory_space<vmem>> -> memref<80xi32, #tpu.memory_space<vmem>>
      %dma_start3A_581 = tpu.memref_slice %arg3[%add3A_570] : memref<320000xi32, #tpu.memory_space<hbm>> -> memref<80xi32, #tpu.memory_space<hbm>>
      %dma_start3A_582 = arith.constant 16 : i32
      %dma_start3A_583 = tpu.memref_slice %arg7[%dma_start3A_582] : memref<288xi32, #tpu.memory_space<vmem>> -> memref<80xi32, #tpu.memory_space<vmem>>
      %dma_start3A_584 = tpu.memref_slice %arg3[%add3A_570] : memref<320000xi32, #tpu.memory_space<hbm>> -> memref<80xi32, #tpu.memory_space<hbm>>
      tpu.enqueue_dma source(%dma_start3A_584 : memref<80xi32, #tpu.memory_space<hbm>>) target(%dma_start3A_583 : memref<80xi32, #tpu.memory_space<vmem>>) target_semaphore(%arg15 : memref<!tpu.dma_semaphore, #tpu.memory_space<semaphore_mem>>)
      %dma_start3A_585 = arith.constant 0 : i32
      %dma_start3A_586 = tpu.memref_slice %arg8[%dma_start3A_585] : memref<288xf32, #tpu.memory_space<vmem>> -> memref<80xf32, #tpu.memory_space<vmem>>
      %dma_start3A_587 = tpu.memref_slice %arg4[%add3A_572] : memref<320000xf32, #tpu.memory_space<hbm>> -> memref<80xf32, #tpu.memory_space<hbm>>
      %dma_start3A_588 = arith.constant 0 : i32
      %dma_start3A_589 = tpu.memref_slice %arg8[%dma_start3A_588] : memref<288xf32, #tpu.memory_space<vmem>> -> memref<80xf32, #tpu.memory_space<vmem>>
      %dma_start3A_590 = tpu.memref_slice %arg4[%add3A_572] : memref<320000xf32, #tpu.memory_space<hbm>> -> memref<80xf32, #tpu.memory_space<hbm>>
      tpu.enqueue_dma source(%dma_start3A_590 : memref<80xf32, #tpu.memory_space<hbm>>) target(%dma_start3A_589 : memref<80xf32, #tpu.memory_space<vmem>>) target_semaphore(%arg15 : memref<!tpu.dma_semaphore, #tpu.memory_space<semaphore_mem>>)
    } else {
    }
    %eq3A_522 = arith.constant 1 : i32
    %eq3A_523 = arith.constant 1 : i32
    %eq3A_524 = arith.cmpi eq, %eq3A_522, %eq3A_523 : i32
    %convert_element_type3A_525 = arith.extui %eq3A_524 : i1 to i32
    %cond3A_526 = arith.constant 0 : i32
    %cond3A_527 = arith.cmpi ne, %convert_element_type3A_525, %cond3A_526 : i32
    scf.if %cond3A_527 {
      %add3A_565 = arith.constant 80 : i32
      %add3A_566 = arith.addi %mul3A_2, %add3A_565 : i32
      %mul3A_567 = arith.constant 128 : i32
      %mul3A_568 = arith.muli %add3A_566, %mul3A_567 : i32
      %add3A_569 = arith.constant 80 : i32
      %add3A_570 = arith.addi %mul3A_2, %add3A_569 : i32
      %add3A_571 = arith.constant 80 : i32
      %add3A_572 = arith.addi %mul3A_2, %add3A_571 : i32
      %dma_start3A_573 = arith.constant 10240 : i32
      %dma_start3A_574 = tpu.memref_slice %arg12[%dma_start3A_573] : memref<30720xf32, #tpu.memory_space<vmem>> -> memref<10240xf32, #tpu.memory_space<vmem>>
      %dma_start3A_575 = tpu.memref_slice %arg2[%mul3A_568] : memref<40960000xf32, #tpu.memory_space<hbm>> -> memref<10240xf32, #tpu.memory_space<hbm>>
      %dma_start3A_576 = arith.constant 10240 : i32
      %dma_start3A_577 = tpu.memref_slice %arg12[%dma_start3A_576] : memref<30720xf32, #tpu.memory_space<vmem>> -> memref<10240xf32, #tpu.memory_space<vmem>>
      %dma_start3A_578 = tpu.memref_slice %arg2[%mul3A_568] : memref<40960000xf32, #tpu.memory_space<hbm>> -> memref<10240xf32, #tpu.memory_space<hbm>>
      tpu.enqueue_dma source(%dma_start3A_578 : memref<10240xf32, #tpu.memory_space<hbm>>) target(%dma_start3A_577 : memref<10240xf32, #tpu.memory_space<vmem>>) target_semaphore(%arg16 : memref<!tpu.dma_semaphore, #tpu.memory_space<semaphore_mem>>)
      %dma_start3A_579 = arith.constant 112 : i32
      %dma_start3A_580 = tpu.memref_slice %arg7[%dma_start3A_579] : memref<288xi32, #tpu.memory_space<vmem>> -> memref<80xi32, #tpu.memory_space<vmem>>
      %dma_start3A_581 = tpu.memref_slice %arg3[%add3A_570] : memref<320000xi32, #tpu.memory_space<hbm>> -> memref<80xi32, #tpu.memory_space<hbm>>
      %dma_start3A_582 = arith.constant 112 : i32
      %dma_start3A_583 = tpu.memref_slice %arg7[%dma_start3A_582] : memref<288xi32, #tpu.memory_space<vmem>> -> memref<80xi32, #tpu.memory_space<vmem>>
      %dma_start3A_584 = tpu.memref_slice %arg3[%add3A_570] : memref<320000xi32, #tpu.memory_space<hbm>> -> memref<80xi32, #tpu.memory_space<hbm>>
      tpu.enqueue_dma source(%dma_start3A_584 : memref<80xi32, #tpu.memory_space<hbm>>) target(%dma_start3A_583 : memref<80xi32, #tpu.memory_space<vmem>>) target_semaphore(%arg16 : memref<!tpu.dma_semaphore, #tpu.memory_space<semaphore_mem>>)
      %dma_start3A_585 = arith.constant 96 : i32
      %dma_start3A_586 = tpu.memref_slice %arg8[%dma_start3A_585] : memref<288xf32, #tpu.memory_space<vmem>> -> memref<80xf32, #tpu.memory_space<vmem>>
      %dma_start3A_587 = tpu.memref_slice %arg4[%add3A_572] : memref<320000xf32, #tpu.memory_space<hbm>> -> memref<80xf32, #tpu.memory_space<hbm>>
      %dma_start3A_588 = arith.constant 96 : i32
      %dma_start3A_589 = tpu.memref_slice %arg8[%dma_start3A_588] : memref<288xf32, #tpu.memory_space<vmem>> -> memref<80xf32, #tpu.memory_space<vmem>>
      %dma_start3A_590 = tpu.memref_slice %arg4[%add3A_572] : memref<320000xf32, #tpu.memory_space<hbm>> -> memref<80xf32, #tpu.memory_space<hbm>>
      tpu.enqueue_dma source(%dma_start3A_590 : memref<80xf32, #tpu.memory_space<hbm>>) target(%dma_start3A_589 : memref<80xf32, #tpu.memory_space<vmem>>) target_semaphore(%arg16 : memref<!tpu.dma_semaphore, #tpu.memory_space<semaphore_mem>>)
    } else {
    }
    %eq3A_528 = arith.constant 1 : i32
    %eq3A_529 = arith.constant 2 : i32
    %eq3A_530 = arith.cmpi eq, %eq3A_528, %eq3A_529 : i32
    %convert_element_type3A_531 = arith.extui %eq3A_530 : i1 to i32
    %cond3A_532 = arith.constant 0 : i32
    %cond3A_533 = arith.cmpi ne, %convert_element_type3A_531, %cond3A_532 : i32
    scf.if %cond3A_533 {
      %add3A_565 = arith.constant 80 : i32
      %add3A_566 = arith.addi %mul3A_2, %add3A_565 : i32
      %mul3A_567 = arith.constant 128 : i32
      %mul3A_568 = arith.muli %add3A_566, %mul3A_567 : i32
      %add3A_569 = arith.constant 80 : i32
      %add3A_570 = arith.addi %mul3A_2, %add3A_569 : i32
      %add3A_571 = arith.constant 80 : i32
      %add3A_572 = arith.addi %mul3A_2, %add3A_571 : i32
      %dma_start3A_573 = arith.constant 20480 : i32
      %dma_start3A_574 = tpu.memref_slice %arg12[%dma_start3A_573] : memref<30720xf32, #tpu.memory_space<vmem>> -> memref<10240xf32, #tpu.memory_space<vmem>>
      %dma_start3A_575 = tpu.memref_slice %arg2[%mul3A_568] : memref<40960000xf32, #tpu.memory_space<hbm>> -> memref<10240xf32, #tpu.memory_space<hbm>>
      %dma_start3A_576 = arith.constant 20480 : i32
      %dma_start3A_577 = tpu.memref_slice %arg12[%dma_start3A_576] : memref<30720xf32, #tpu.memory_space<vmem>> -> memref<10240xf32, #tpu.memory_space<vmem>>
      %dma_start3A_578 = tpu.memref_slice %arg2[%mul3A_568] : memref<40960000xf32, #tpu.memory_space<hbm>> -> memref<10240xf32, #tpu.memory_space<hbm>>
      tpu.enqueue_dma source(%dma_start3A_578 : memref<10240xf32, #tpu.memory_space<hbm>>) target(%dma_start3A_577 : memref<10240xf32, #tpu.memory_space<vmem>>) target_semaphore(%arg17 : memref<!tpu.dma_semaphore, #tpu.memory_space<semaphore_mem>>)
      %dma_start3A_579 = arith.constant 208 : i32
      %dma_start3A_580 = tpu.memref_slice %arg7[%dma_start3A_579] : memref<288xi32, #tpu.memory_space<vmem>> -> memref<80xi32, #tpu.memory_space<vmem>>
      %dma_start3A_581 = tpu.memref_slice %arg3[%add3A_570] : memref<320000xi32, #tpu.memory_space<hbm>> -> memref<80xi32, #tpu.memory_space<hbm>>
      %dma_start3A_582 = arith.constant 208 : i32
      %dma_start3A_583 = tpu.memref_slice %arg7[%dma_start3A_582] : memref<288xi32, #tpu.memory_space<vmem>> -> memref<80xi32, #tpu.memory_space<vmem>>
      %dma_start3A_584 = tpu.memref_slice %arg3[%add3A_570] : memref<320000xi32, #tpu.memory_space<hbm>> -> memref<80xi32, #tpu.memory_space<hbm>>
      tpu.enqueue_dma source(%dma_start3A_584 : memref<80xi32, #tpu.memory_space<hbm>>) target(%dma_start3A_583 : memref<80xi32, #tpu.memory_space<vmem>>) target_semaphore(%arg17 : memref<!tpu.dma_semaphore, #tpu.memory_space<semaphore_mem>>)
      %dma_start3A_585 = arith.constant 192 : i32
      %dma_start3A_586 = tpu.memref_slice %arg8[%dma_start3A_585] : memref<288xf32, #tpu.memory_space<vmem>> -> memref<80xf32, #tpu.memory_space<vmem>>
      %dma_start3A_587 = tpu.memref_slice %arg4[%add3A_572] : memref<320000xf32, #tpu.memory_space<hbm>> -> memref<80xf32, #tpu.memory_space<hbm>>
      %dma_start3A_588 = arith.constant 192 : i32
      %dma_start3A_589 = tpu.memref_slice %arg8[%dma_start3A_588] : memref<288xf32, #tpu.memory_space<vmem>> -> memref<80xf32, #tpu.memory_space<vmem>>
      %dma_start3A_590 = tpu.memref_slice %arg4[%add3A_572] : memref<320000xf32, #tpu.memory_space<hbm>> -> memref<80xf32, #tpu.memory_space<hbm>>
      tpu.enqueue_dma source(%dma_start3A_590 : memref<80xf32, #tpu.memory_space<hbm>>) target(%dma_start3A_589 : memref<80xf32, #tpu.memory_space<vmem>>) target_semaphore(%arg17 : memref<!tpu.dma_semaphore, #tpu.memory_space<semaphore_mem>>)
    } else {
    }
    %broadcast_in_dim3A_534 = arith.constant 0 : i32
    %broadcast_in_dim3A_535 = vector.broadcast %broadcast_in_dim3A_534 : i32 to vector<16xi32>
    %scan3A_536 = arith.constant 0 : i32
    %scan3A_537 = arith.constant 0 : i32
    %scan3A_538 = arith.constant 0 : i32
    %scan3A_539 = arith.constant 125 : i32
    %scan3A_540 = arith.addi %scan3A_538, %scan3A_539 : i32
    %scan3A_541 = arith.constant 1 : i32
    %scan3A_542:3 = scf.for %scan3A_565 = %scan3A_538 to %scan3A_540 step %scan3A_541 iter_args(%scan3A_566 = %scan3A_536, %scan3A_567 = %broadcast_in_dim3A_535, %scan3A_568 = %scan3A_537) -> (i32, vector<16xi32>, i32)  : i32 {
      %eq3A_569 = arith.constant 0 : i32
      %eq3A_570 = arith.cmpi eq, %scan3A_568, %eq3A_569 : i32
      %convert_element_type3A_571 = arith.extui %eq3A_570 : i1 to i32
      %cond3A_572 = arith.constant 0 : i32
      %cond3A_573 = arith.cmpi ne, %convert_element_type3A_571, %cond3A_572 : i32
      scf.if %cond3A_573 {
        %mul3A_807 = arith.constant 80 : i32
        %mul3A_808 = arith.muli %scan3A_565, %mul3A_807 : i32
        %add3A_809 = arith.addi %mul3A_2, %mul3A_808 : i32
        %mul3A_810 = arith.constant 128 : i32
        %mul3A_811 = arith.muli %add3A_809, %mul3A_810 : i32
        %mul3A_812 = arith.constant 80 : i32
        %mul3A_813 = arith.muli %scan3A_565, %mul3A_812 : i32
        %add3A_814 = arith.addi %mul3A_2, %mul3A_813 : i32
        %mul3A_815 = arith.constant 80 : i32
        %mul3A_816 = arith.muli %scan3A_565, %mul3A_815 : i32
        %add3A_817 = arith.addi %mul3A_2, %mul3A_816 : i32
        %dma_wait3A_818 = arith.constant 0 : i32
        %dma_wait3A_819 = tpu.memref_slice %arg12[%dma_wait3A_818] : memref<30720xf32, #tpu.memory_space<vmem>> -> memref<10240xf32, #tpu.memory_space<vmem>>
        %dma_wait3A_820 = tpu.memref_slice %arg2[%mul3A_811] : memref<40960000xf32, #tpu.memory_space<hbm>> -> memref<10240xf32, #tpu.memory_space<hbm>>
        %dma_wait3A_821 = arith.constant 0 : i32
        %dma_wait3A_822 = tpu.memref_slice %arg12[%dma_wait3A_821] : memref<30720xf32, #tpu.memory_space<vmem>> -> memref<10240xf32, #tpu.memory_space<vmem>>
        %dma_wait3A_823 = tpu.memref_slice %arg2[%mul3A_811] : memref<40960000xf32, #tpu.memory_space<hbm>> -> memref<10240xf32, #tpu.memory_space<hbm>>
        tpu.wait_dma2 semaphore(%arg15 : memref<!tpu.dma_semaphore, #tpu.memory_space<semaphore_mem>>) src(%dma_wait3A_823 : memref<10240xf32, #tpu.memory_space<hbm>>) dst(%dma_wait3A_822 : memref<10240xf32, #tpu.memory_space<vmem>>)
        %dma_wait3A_824 = arith.constant 16 : i32
        %dma_wait3A_825 = tpu.memref_slice %arg7[%dma_wait3A_824] : memref<288xi32, #tpu.memory_space<vmem>> -> memref<80xi32, #tpu.memory_space<vmem>>
        %dma_wait3A_826 = tpu.memref_slice %arg3[%add3A_814] : memref<320000xi32, #tpu.memory_space<hbm>> -> memref<80xi32, #tpu.memory_space<hbm>>
        %dma_wait3A_827 = arith.constant 16 : i32
        %dma_wait3A_828 = tpu.memref_slice %arg7[%dma_wait3A_827] : memref<288xi32, #tpu.memory_space<vmem>> -> memref<80xi32, #tpu.memory_space<vmem>>
        %dma_wait3A_829 = tpu.memref_slice %arg3[%add3A_814] : memref<320000xi32, #tpu.memory_space<hbm>> -> memref<80xi32, #tpu.memory_space<hbm>>
        tpu.wait_dma2 semaphore(%arg15 : memref<!tpu.dma_semaphore, #tpu.memory_space<semaphore_mem>>) src(%dma_wait3A_829 : memref<80xi32, #tpu.memory_space<hbm>>) dst(%dma_wait3A_828 : memref<80xi32, #tpu.memory_space<vmem>>)
        %dma_wait3A_830 = arith.constant 0 : i32
        %dma_wait3A_831 = tpu.memref_slice %arg8[%dma_wait3A_830] : memref<288xf32, #tpu.memory_space<vmem>> -> memref<80xf32, #tpu.memory_space<vmem>>
        %dma_wait3A_832 = tpu.memref_slice %arg4[%add3A_817] : memref<320000xf32, #tpu.memory_space<hbm>> -> memref<80xf32, #tpu.memory_space<hbm>>
        %dma_wait3A_833 = arith.constant 0 : i32
        %dma_wait3A_834 = tpu.memref_slice %arg8[%dma_wait3A_833] : memref<288xf32, #tpu.memory_space<vmem>> -> memref<80xf32, #tpu.memory_space<vmem>>
        %dma_wait3A_835 = tpu.memref_slice %arg4[%add3A_817] : memref<320000xf32, #tpu.memory_space<hbm>> -> memref<80xf32, #tpu.memory_space<hbm>>
        tpu.wait_dma2 semaphore(%arg15 : memref<!tpu.dma_semaphore, #tpu.memory_space<semaphore_mem>>) src(%dma_wait3A_835 : memref<80xf32, #tpu.memory_space<hbm>>) dst(%dma_wait3A_834 : memref<80xf32, #tpu.memory_space<vmem>>)
      } else {
      }
      %eq3A_574 = arith.constant 1 : i32
      %eq3A_575 = arith.cmpi eq, %scan3A_568, %eq3A_574 : i32
      %convert_element_type3A_576 = arith.extui %eq3A_575 : i1 to i32
      %cond3A_577 = arith.constant 0 : i32
      %cond3A_578 = arith.cmpi ne, %convert_element_type3A_576, %cond3A_577 : i32
      scf.if %cond3A_578 {
        %mul3A_807 = arith.constant 80 : i32
        %mul3A_808 = arith.muli %scan3A_565, %mul3A_807 : i32
        %add3A_809 = arith.addi %mul3A_2, %mul3A_808 : i32
        %mul3A_810 = arith.constant 128 : i32
        %mul3A_811 = arith.muli %add3A_809, %mul3A_810 : i32
        %mul3A_812 = arith.constant 80 : i32
        %mul3A_813 = arith.muli %scan3A_565, %mul3A_812 : i32
        %add3A_814 = arith.addi %mul3A_2, %mul3A_813 : i32
        %mul3A_815 = arith.constant 80 : i32
        %mul3A_816 = arith.muli %scan3A_565, %mul3A_815 : i32
        %add3A_817 = arith.addi %mul3A_2, %mul3A_816 : i32
        %dma_wait3A_818 = arith.constant 10240 : i32
        %dma_wait3A_819 = tpu.memref_slice %arg12[%dma_wait3A_818] : memref<30720xf32, #tpu.memory_space<vmem>> -> memref<10240xf32, #tpu.memory_space<vmem>>
        %dma_wait3A_820 = tpu.memref_slice %arg2[%mul3A_811] : memref<40960000xf32, #tpu.memory_space<hbm>> -> memref<10240xf32, #tpu.memory_space<hbm>>
        %dma_wait3A_821 = arith.constant 10240 : i32
        %dma_wait3A_822 = tpu.memref_slice %arg12[%dma_wait3A_821] : memref<30720xf32, #tpu.memory_space<vmem>> -> memref<10240xf32, #tpu.memory_space<vmem>>
        %dma_wait3A_823 = tpu.memref_slice %arg2[%mul3A_811] : memref<40960000xf32, #tpu.memory_space<hbm>> -> memref<10240xf32, #tpu.memory_space<hbm>>
        tpu.wait_dma2 semaphore(%arg16 : memref<!tpu.dma_semaphore, #tpu.memory_space<semaphore_mem>>) src(%dma_wait3A_823 : memref<10240xf32, #tpu.memory_space<hbm>>) dst(%dma_wait3A_822 : memref<10240xf32, #tpu.memory_space<vmem>>)
        %dma_wait3A_824 = arith.constant 112 : i32
        %dma_wait3A_825 = tpu.memref_slice %arg7[%dma_wait3A_824] : memref<288xi32, #tpu.memory_space<vmem>> -> memref<80xi32, #tpu.memory_space<vmem>>
        %dma_wait3A_826 = tpu.memref_slice %arg3[%add3A_814] : memref<320000xi32, #tpu.memory_space<hbm>> -> memref<80xi32, #tpu.memory_space<hbm>>
        %dma_wait3A_827 = arith.constant 112 : i32
        %dma_wait3A_828 = tpu.memref_slice %arg7[%dma_wait3A_827] : memref<288xi32, #tpu.memory_space<vmem>> -> memref<80xi32, #tpu.memory_space<vmem>>
        %dma_wait3A_829 = tpu.memref_slice %arg3[%add3A_814] : memref<320000xi32, #tpu.memory_space<hbm>> -> memref<80xi32, #tpu.memory_space<hbm>>
        tpu.wait_dma2 semaphore(%arg16 : memref<!tpu.dma_semaphore, #tpu.memory_space<semaphore_mem>>) src(%dma_wait3A_829 : memref<80xi32, #tpu.memory_space<hbm>>) dst(%dma_wait3A_828 : memref<80xi32, #tpu.memory_space<vmem>>)
        %dma_wait3A_830 = arith.constant 96 : i32
        %dma_wait3A_831 = tpu.memref_slice %arg8[%dma_wait3A_830] : memref<288xf32, #tpu.memory_space<vmem>> -> memref<80xf32, #tpu.memory_space<vmem>>
        %dma_wait3A_832 = tpu.memref_slice %arg4[%add3A_817] : memref<320000xf32, #tpu.memory_space<hbm>> -> memref<80xf32, #tpu.memory_space<hbm>>
        %dma_wait3A_833 = arith.constant 96 : i32
        %dma_wait3A_834 = tpu.memref_slice %arg8[%dma_wait3A_833] : memref<288xf32, #tpu.memory_space<vmem>> -> memref<80xf32, #tpu.memory_space<vmem>>
        %dma_wait3A_835 = tpu.memref_slice %arg4[%add3A_817] : memref<320000xf32, #tpu.memory_space<hbm>> -> memref<80xf32, #tpu.memory_space<hbm>>
        tpu.wait_dma2 semaphore(%arg16 : memref<!tpu.dma_semaphore, #tpu.memory_space<semaphore_mem>>) src(%dma_wait3A_835 : memref<80xf32, #tpu.memory_space<hbm>>) dst(%dma_wait3A_834 : memref<80xf32, #tpu.memory_space<vmem>>)
      } else {
      }
      %eq3A_579 = arith.constant 2 : i32
      %eq3A_580 = arith.cmpi eq, %scan3A_568, %eq3A_579 : i32
      %convert_element_type3A_581 = arith.extui %eq3A_580 : i1 to i32
      %cond3A_582 = arith.constant 0 : i32
      %cond3A_583 = arith.cmpi ne, %convert_element_type3A_581, %cond3A_582 : i32
      scf.if %cond3A_583 {
        %mul3A_807 = arith.constant 80 : i32
        %mul3A_808 = arith.muli %scan3A_565, %mul3A_807 : i32
        %add3A_809 = arith.addi %mul3A_2, %mul3A_808 : i32
        %mul3A_810 = arith.constant 128 : i32
        %mul3A_811 = arith.muli %add3A_809, %mul3A_810 : i32
        %mul3A_812 = arith.constant 80 : i32
        %mul3A_813 = arith.muli %scan3A_565, %mul3A_812 : i32
        %add3A_814 = arith.addi %mul3A_2, %mul3A_813 : i32
        %mul3A_815 = arith.constant 80 : i32
        %mul3A_816 = arith.muli %scan3A_565, %mul3A_815 : i32
        %add3A_817 = arith.addi %mul3A_2, %mul3A_816 : i32
        %dma_wait3A_818 = arith.constant 20480 : i32
        %dma_wait3A_819 = tpu.memref_slice %arg12[%dma_wait3A_818] : memref<30720xf32, #tpu.memory_space<vmem>> -> memref<10240xf32, #tpu.memory_space<vmem>>
        %dma_wait3A_820 = tpu.memref_slice %arg2[%mul3A_811] : memref<40960000xf32, #tpu.memory_space<hbm>> -> memref<10240xf32, #tpu.memory_space<hbm>>
        %dma_wait3A_821 = arith.constant 20480 : i32
        %dma_wait3A_822 = tpu.memref_slice %arg12[%dma_wait3A_821] : memref<30720xf32, #tpu.memory_space<vmem>> -> memref<10240xf32, #tpu.memory_space<vmem>>
        %dma_wait3A_823 = tpu.memref_slice %arg2[%mul3A_811] : memref<40960000xf32, #tpu.memory_space<hbm>> -> memref<10240xf32, #tpu.memory_space<hbm>>
        tpu.wait_dma2 semaphore(%arg17 : memref<!tpu.dma_semaphore, #tpu.memory_space<semaphore_mem>>) src(%dma_wait3A_823 : memref<10240xf32, #tpu.memory_space<hbm>>) dst(%dma_wait3A_822 : memref<10240xf32, #tpu.memory_space<vmem>>)
        %dma_wait3A_824 = arith.constant 208 : i32
        %dma_wait3A_825 = tpu.memref_slice %arg7[%dma_wait3A_824] : memref<288xi32, #tpu.memory_space<vmem>> -> memref<80xi32, #tpu.memory_space<vmem>>
        %dma_wait3A_826 = tpu.memref_slice %arg3[%add3A_814] : memref<320000xi32, #tpu.memory_space<hbm>> -> memref<80xi32, #tpu.memory_space<hbm>>
        %dma_wait3A_827 = arith.constant 208 : i32
        %dma_wait3A_828 = tpu.memref_slice %arg7[%dma_wait3A_827] : memref<288xi32, #tpu.memory_space<vmem>> -> memref<80xi32, #tpu.memory_space<vmem>>
        %dma_wait3A_829 = tpu.memref_slice %arg3[%add3A_814] : memref<320000xi32, #tpu.memory_space<hbm>> -> memref<80xi32, #tpu.memory_space<hbm>>
        tpu.wait_dma2 semaphore(%arg17 : memref<!tpu.dma_semaphore, #tpu.memory_space<semaphore_mem>>) src(%dma_wait3A_829 : memref<80xi32, #tpu.memory_space<hbm>>) dst(%dma_wait3A_828 : memref<80xi32, #tpu.memory_space<vmem>>)
        %dma_wait3A_830 = arith.constant 192 : i32
        %dma_wait3A_831 = tpu.memref_slice %arg8[%dma_wait3A_830] : memref<288xf32, #tpu.memory_space<vmem>> -> memref<80xf32, #tpu.memory_space<vmem>>
        %dma_wait3A_832 = tpu.memref_slice %arg4[%add3A_817] : memref<320000xf32, #tpu.memory_space<hbm>> -> memref<80xf32, #tpu.memory_space<hbm>>
        %dma_wait3A_833 = arith.constant 192 : i32
        %dma_wait3A_834 = tpu.memref_slice %arg8[%dma_wait3A_833] : memref<288xf32, #tpu.memory_space<vmem>> -> memref<80xf32, #tpu.memory_space<vmem>>
        %dma_wait3A_835 = tpu.memref_slice %arg4[%add3A_817] : memref<320000xf32, #tpu.memory_space<hbm>> -> memref<80xf32, #tpu.memory_space<hbm>>
        tpu.wait_dma2 semaphore(%arg17 : memref<!tpu.dma_semaphore, #tpu.memory_space<semaphore_mem>>) src(%dma_wait3A_835 : memref<80xf32, #tpu.memory_space<hbm>>) dst(%dma_wait3A_834 : memref<80xf32, #tpu.memory_space<vmem>>)
      } else {
      }
      %add3A_584 = arith.constant 2 : i32
      %add3A_585 = arith.addi %scan3A_565, %add3A_584 : i32
      %lt3A = arith.constant 125 : i32
      %lt3A_586 = arith.cmpi slt, %add3A_585, %lt3A : i32
      %convert_element_type3A_587 = arith.extui %lt3A_586 : i1 to i32
      %cond3A_588 = arith.constant 0 : i32
      %cond3A_589 = arith.cmpi ne, %convert_element_type3A_587, %cond3A_588 : i32
      scf.if %cond3A_589 {
        %add3A_807 = arith.constant 2 : i32
        %add3A_808 = arith.addi %scan3A_568, %add3A_807 : i32
        %ge3A_809 = arith.constant 3 : i32
        %ge3A_810 = arith.cmpi sge, %add3A_808, %ge3A_809 : i32
        %sub3A_811 = arith.constant 3 : i32
        %sub3A_812 = arith.subi %add3A_808, %sub3A_811 : i32
        %select_n3A_813 = arith.select %ge3A_810, %sub3A_812, %add3A_808 : i32
        %add3A_814 = arith.constant 2 : i32
        %add3A_815 = arith.addi %scan3A_565, %add3A_814 : i32
        %eq3A_816 = arith.constant 0 : i32
        %eq3A_817 = arith.cmpi eq, %select_n3A_813, %eq3A_816 : i32
        %convert_element_type3A_818 = arith.extui %eq3A_817 : i1 to i32
        %cond3A_819 = arith.constant 0 : i32
        %cond3A_820 = arith.cmpi ne, %convert_element_type3A_818, %cond3A_819 : i32
        scf.if %cond3A_820 {
          %mul3A_831 = arith.constant 80 : i32
          %mul3A_832 = arith.muli %add3A_815, %mul3A_831 : i32
          %add3A_833 = arith.addi %mul3A_2, %mul3A_832 : i32
          %mul3A_834 = arith.constant 128 : i32
          %mul3A_835 = arith.muli %add3A_833, %mul3A_834 : i32
          %mul3A_836 = arith.constant 80 : i32
          %mul3A_837 = arith.muli %add3A_815, %mul3A_836 : i32
          %add3A_838 = arith.addi %mul3A_2, %mul3A_837 : i32
          %mul3A_839 = arith.constant 80 : i32
          %mul3A_840 = arith.muli %add3A_815, %mul3A_839 : i32
          %add3A_841 = arith.addi %mul3A_2, %mul3A_840 : i32
          %dma_start3A_842 = arith.constant 0 : i32
          %dma_start3A_843 = tpu.memref_slice %arg12[%dma_start3A_842] : memref<30720xf32, #tpu.memory_space<vmem>> -> memref<10240xf32, #tpu.memory_space<vmem>>
          %dma_start3A_844 = tpu.memref_slice %arg2[%mul3A_835] : memref<40960000xf32, #tpu.memory_space<hbm>> -> memref<10240xf32, #tpu.memory_space<hbm>>
          %dma_start3A_845 = arith.constant 0 : i32
          %dma_start3A_846 = tpu.memref_slice %arg12[%dma_start3A_845] : memref<30720xf32, #tpu.memory_space<vmem>> -> memref<10240xf32, #tpu.memory_space<vmem>>
          %dma_start3A_847 = tpu.memref_slice %arg2[%mul3A_835] : memref<40960000xf32, #tpu.memory_space<hbm>> -> memref<10240xf32, #tpu.memory_space<hbm>>
          tpu.enqueue_dma source(%dma_start3A_847 : memref<10240xf32, #tpu.memory_space<hbm>>) target(%dma_start3A_846 : memref<10240xf32, #tpu.memory_space<vmem>>) target_semaphore(%arg15 : memref<!tpu.dma_semaphore, #tpu.memory_space<semaphore_mem>>)
          %dma_start3A_848 = arith.constant 16 : i32
          %dma_start3A_849 = tpu.memref_slice %arg7[%dma_start3A_848] : memref<288xi32, #tpu.memory_space<vmem>> -> memref<80xi32, #tpu.memory_space<vmem>>
          %dma_start3A_850 = tpu.memref_slice %arg3[%add3A_838] : memref<320000xi32, #tpu.memory_space<hbm>> -> memref<80xi32, #tpu.memory_space<hbm>>
          %dma_start3A_851 = arith.constant 16 : i32
          %dma_start3A_852 = tpu.memref_slice %arg7[%dma_start3A_851] : memref<288xi32, #tpu.memory_space<vmem>> -> memref<80xi32, #tpu.memory_space<vmem>>
          %dma_start3A_853 = tpu.memref_slice %arg3[%add3A_838] : memref<320000xi32, #tpu.memory_space<hbm>> -> memref<80xi32, #tpu.memory_space<hbm>>
          tpu.enqueue_dma source(%dma_start3A_853 : memref<80xi32, #tpu.memory_space<hbm>>) target(%dma_start3A_852 : memref<80xi32, #tpu.memory_space<vmem>>) target_semaphore(%arg15 : memref<!tpu.dma_semaphore, #tpu.memory_space<semaphore_mem>>)
          %dma_start3A_854 = arith.constant 0 : i32
          %dma_start3A_855 = tpu.memref_slice %arg8[%dma_start3A_854] : memref<288xf32, #tpu.memory_space<vmem>> -> memref<80xf32, #tpu.memory_space<vmem>>
          %dma_start3A_856 = tpu.memref_slice %arg4[%add3A_841] : memref<320000xf32, #tpu.memory_space<hbm>> -> memref<80xf32, #tpu.memory_space<hbm>>
          %dma_start3A_857 = arith.constant 0 : i32
          %dma_start3A_858 = tpu.memref_slice %arg8[%dma_start3A_857] : memref<288xf32, #tpu.memory_space<vmem>> -> memref<80xf32, #tpu.memory_space<vmem>>
          %dma_start3A_859 = tpu.memref_slice %arg4[%add3A_841] : memref<320000xf32, #tpu.memory_space<hbm>> -> memref<80xf32, #tpu.memory_space<hbm>>
          tpu.enqueue_dma source(%dma_start3A_859 : memref<80xf32, #tpu.memory_space<hbm>>) target(%dma_start3A_858 : memref<80xf32, #tpu.memory_space<vmem>>) target_semaphore(%arg15 : memref<!tpu.dma_semaphore, #tpu.memory_space<semaphore_mem>>)
        } else {
        }
        %eq3A_821 = arith.constant 1 : i32
        %eq3A_822 = arith.cmpi eq, %select_n3A_813, %eq3A_821 : i32
        %convert_element_type3A_823 = arith.extui %eq3A_822 : i1 to i32
        %cond3A_824 = arith.constant 0 : i32
        %cond3A_825 = arith.cmpi ne, %convert_element_type3A_823, %cond3A_824 : i32
        scf.if %cond3A_825 {
          %mul3A_831 = arith.constant 80 : i32
          %mul3A_832 = arith.muli %add3A_815, %mul3A_831 : i32
          %add3A_833 = arith.addi %mul3A_2, %mul3A_832 : i32
          %mul3A_834 = arith.constant 128 : i32
          %mul3A_835 = arith.muli %add3A_833, %mul3A_834 : i32
          %mul3A_836 = arith.constant 80 : i32
          %mul3A_837 = arith.muli %add3A_815, %mul3A_836 : i32
          %add3A_838 = arith.addi %mul3A_2, %mul3A_837 : i32
          %mul3A_839 = arith.constant 80 : i32
          %mul3A_840 = arith.muli %add3A_815, %mul3A_839 : i32
          %add3A_841 = arith.addi %mul3A_2, %mul3A_840 : i32
          %dma_start3A_842 = arith.constant 10240 : i32
          %dma_start3A_843 = tpu.memref_slice %arg12[%dma_start3A_842] : memref<30720xf32, #tpu.memory_space<vmem>> -> memref<10240xf32, #tpu.memory_space<vmem>>
          %dma_start3A_844 = tpu.memref_slice %arg2[%mul3A_835] : memref<40960000xf32, #tpu.memory_space<hbm>> -> memref<10240xf32, #tpu.memory_space<hbm>>
          %dma_start3A_845 = arith.constant 10240 : i32
          %dma_start3A_846 = tpu.memref_slice %arg12[%dma_start3A_845] : memref<30720xf32, #tpu.memory_space<vmem>> -> memref<10240xf32, #tpu.memory_space<vmem>>
          %dma_start3A_847 = tpu.memref_slice %arg2[%mul3A_835] : memref<40960000xf32, #tpu.memory_space<hbm>> -> memref<10240xf32, #tpu.memory_space<hbm>>
          tpu.enqueue_dma source(%dma_start3A_847 : memref<10240xf32, #tpu.memory_space<hbm>>) target(%dma_start3A_846 : memref<10240xf32, #tpu.memory_space<vmem>>) target_semaphore(%arg16 : memref<!tpu.dma_semaphore, #tpu.memory_space<semaphore_mem>>)
          %dma_start3A_848 = arith.constant 112 : i32
          %dma_start3A_849 = tpu.memref_slice %arg7[%dma_start3A_848] : memref<288xi32, #tpu.memory_space<vmem>> -> memref<80xi32, #tpu.memory_space<vmem>>
          %dma_start3A_850 = tpu.memref_slice %arg3[%add3A_838] : memref<320000xi32, #tpu.memory_space<hbm>> -> memref<80xi32, #tpu.memory_space<hbm>>
          %dma_start3A_851 = arith.constant 112 : i32
          %dma_start3A_852 = tpu.memref_slice %arg7[%dma_start3A_851] : memref<288xi32, #tpu.memory_space<vmem>> -> memref<80xi32, #tpu.memory_space<vmem>>
          %dma_start3A_853 = tpu.memref_slice %arg3[%add3A_838] : memref<320000xi32, #tpu.memory_space<hbm>> -> memref<80xi32, #tpu.memory_space<hbm>>
          tpu.enqueue_dma source(%dma_start3A_853 : memref<80xi32, #tpu.memory_space<hbm>>) target(%dma_start3A_852 : memref<80xi32, #tpu.memory_space<vmem>>) target_semaphore(%arg16 : memref<!tpu.dma_semaphore, #tpu.memory_space<semaphore_mem>>)
          %dma_start3A_854 = arith.constant 96 : i32
          %dma_start3A_855 = tpu.memref_slice %arg8[%dma_start3A_854] : memref<288xf32, #tpu.memory_space<vmem>> -> memref<80xf32, #tpu.memory_space<vmem>>
          %dma_start3A_856 = tpu.memref_slice %arg4[%add3A_841] : memref<320000xf32, #tpu.memory_space<hbm>> -> memref<80xf32, #tpu.memory_space<hbm>>
          %dma_start3A_857 = arith.constant 96 : i32
          %dma_start3A_858 = tpu.memref_slice %arg8[%dma_start3A_857] : memref<288xf32, #tpu.memory_space<vmem>> -> memref<80xf32, #tpu.memory_space<vmem>>
          %dma_start3A_859 = tpu.memref_slice %arg4[%add3A_841] : memref<320000xf32, #tpu.memory_space<hbm>> -> memref<80xf32, #tpu.memory_space<hbm>>
          tpu.enqueue_dma source(%dma_start3A_859 : memref<80xf32, #tpu.memory_space<hbm>>) target(%dma_start3A_858 : memref<80xf32, #tpu.memory_space<vmem>>) target_semaphore(%arg16 : memref<!tpu.dma_semaphore, #tpu.memory_space<semaphore_mem>>)
        } else {
        }
        %eq3A_826 = arith.constant 2 : i32
        %eq3A_827 = arith.cmpi eq, %select_n3A_813, %eq3A_826 : i32
        %convert_element_type3A_828 = arith.extui %eq3A_827 : i1 to i32
        %cond3A_829 = arith.constant 0 : i32
        %cond3A_830 = arith.cmpi ne, %convert_element_type3A_828, %cond3A_829 : i32
        scf.if %cond3A_830 {
          %mul3A_831 = arith.constant 80 : i32
          %mul3A_832 = arith.muli %add3A_815, %mul3A_831 : i32
          %add3A_833 = arith.addi %mul3A_2, %mul3A_832 : i32
          %mul3A_834 = arith.constant 128 : i32
          %mul3A_835 = arith.muli %add3A_833, %mul3A_834 : i32
          %mul3A_836 = arith.constant 80 : i32
          %mul3A_837 = arith.muli %add3A_815, %mul3A_836 : i32
          %add3A_838 = arith.addi %mul3A_2, %mul3A_837 : i32
          %mul3A_839 = arith.constant 80 : i32
          %mul3A_840 = arith.muli %add3A_815, %mul3A_839 : i32
          %add3A_841 = arith.addi %mul3A_2, %mul3A_840 : i32
          %dma_start3A_842 = arith.constant 20480 : i32
          %dma_start3A_843 = tpu.memref_slice %arg12[%dma_start3A_842] : memref<30720xf32, #tpu.memory_space<vmem>> -> memref<10240xf32, #tpu.memory_space<vmem>>
          %dma_start3A_844 = tpu.memref_slice %arg2[%mul3A_835] : memref<40960000xf32, #tpu.memory_space<hbm>> -> memref<10240xf32, #tpu.memory_space<hbm>>
          %dma_start3A_845 = arith.constant 20480 : i32
          %dma_start3A_846 = tpu.memref_slice %arg12[%dma_start3A_845] : memref<30720xf32, #tpu.memory_space<vmem>> -> memref<10240xf32, #tpu.memory_space<vmem>>
          %dma_start3A_847 = tpu.memref_slice %arg2[%mul3A_835] : memref<40960000xf32, #tpu.memory_space<hbm>> -> memref<10240xf32, #tpu.memory_space<hbm>>
          tpu.enqueue_dma source(%dma_start3A_847 : memref<10240xf32, #tpu.memory_space<hbm>>) target(%dma_start3A_846 : memref<10240xf32, #tpu.memory_space<vmem>>) target_semaphore(%arg17 : memref<!tpu.dma_semaphore, #tpu.memory_space<semaphore_mem>>)
          %dma_start3A_848 = arith.constant 208 : i32
          %dma_start3A_849 = tpu.memref_slice %arg7[%dma_start3A_848] : memref<288xi32, #tpu.memory_space<vmem>> -> memref<80xi32, #tpu.memory_space<vmem>>
          %dma_start3A_850 = tpu.memref_slice %arg3[%add3A_838] : memref<320000xi32, #tpu.memory_space<hbm>> -> memref<80xi32, #tpu.memory_space<hbm>>
          %dma_start3A_851 = arith.constant 208 : i32
          %dma_start3A_852 = tpu.memref_slice %arg7[%dma_start3A_851] : memref<288xi32, #tpu.memory_space<vmem>> -> memref<80xi32, #tpu.memory_space<vmem>>
          %dma_start3A_853 = tpu.memref_slice %arg3[%add3A_838] : memref<320000xi32, #tpu.memory_space<hbm>> -> memref<80xi32, #tpu.memory_space<hbm>>
          tpu.enqueue_dma source(%dma_start3A_853 : memref<80xi32, #tpu.memory_space<hbm>>) target(%dma_start3A_852 : memref<80xi32, #tpu.memory_space<vmem>>) target_semaphore(%arg17 : memref<!tpu.dma_semaphore, #tpu.memory_space<semaphore_mem>>)
          %dma_start3A_854 = arith.constant 192 : i32
          %dma_start3A_855 = tpu.memref_slice %arg8[%dma_start3A_854] : memref<288xf32, #tpu.memory_space<vmem>> -> memref<80xf32, #tpu.memory_space<vmem>>
          %dma_start3A_856 = tpu.memref_slice %arg4[%add3A_841] : memref<320000xf32, #tpu.memory_space<hbm>> -> memref<80xf32, #tpu.memory_space<hbm>>
          %dma_start3A_857 = arith.constant 192 : i32
          %dma_start3A_858 = tpu.memref_slice %arg8[%dma_start3A_857] : memref<288xf32, #tpu.memory_space<vmem>> -> memref<80xf32, #tpu.memory_space<vmem>>
          %dma_start3A_859 = tpu.memref_slice %arg4[%add3A_841] : memref<320000xf32, #tpu.memory_space<hbm>> -> memref<80xf32, #tpu.memory_space<hbm>>
          tpu.enqueue_dma source(%dma_start3A_859 : memref<80xf32, #tpu.memory_space<hbm>>) target(%dma_start3A_858 : memref<80xf32, #tpu.memory_space<vmem>>) target_semaphore(%arg17 : memref<!tpu.dma_semaphore, #tpu.memory_space<semaphore_mem>>)
        } else {
        }
      } else {
      }
      %mul3A_590 = arith.constant 96 : i32
      %mul3A_591 = arith.muli %scan3A_568, %mul3A_590 : i32
      %mul3A_592 = arith.constant 10240 : i32
      %mul3A_593 = arith.muli %scan3A_568, %mul3A_592 : i32
      %add3A_594 = arith.constant 16 : i32
      %add3A_595 = arith.addi %mul3A_591, %add3A_594 : i32
      %mul3A_596 = arith.constant 0 : i32
      %mul3A_597 = arith.constant 16 : i32
      %mul3A_598 = arith.muli %mul3A_596, %mul3A_597 : i32
      %add3A_599 = arith.addi %add3A_595, %mul3A_598 : i32
      %get3A = arith.index_cast %add3A_599 : i32 to index
      %get3A_600 = tpu.vector_load %arg7[%get3A] {strides = array<i32>} : memref<288xi32, #tpu.memory_space<vmem>>, vector<16xi32>,
      %add3A_601 = arith.constant 16 : i32
      %add3A_602 = arith.addi %mul3A_591, %add3A_601 : i32
      %sub3A = arith.constant 1 : i32
      %sub3A_603 = arith.subi %add3A_602, %sub3A : i32
      %mul3A_604 = arith.constant 0 : i32
      %mul3A_605 = arith.constant 16 : i32
      %mul3A_606 = arith.muli %mul3A_604, %mul3A_605 : i32
      %add3A_607 = arith.addi %sub3A_603, %mul3A_606 : i32
      %get3A_608 = arith.index_cast %add3A_607 : i32 to index
      %get3A_609 = tpu.vector_load %arg7[%get3A_608] {strides = array<i32>} : memref<288xi32, #tpu.memory_space<vmem>>, vector<16xi32>,
      %eq3A_610 = arith.constant 0 : i32
      %eq3A_611 = arith.constant 0 : i32
      %eq3A_612 = arith.cmpi eq, %eq3A_610, %eq3A_611 : i32
      %convert_element_type3A_613 = arith.extui %eq3A_612 : i1 to i32
      %mul3A_614 = vector.broadcast %convert_element_type3A_613 : i32 to vector<16xi32>
      %mul3A_615 = arith.muli %select_n3A, %mul3A_614 : vector<16xi32>
      %add3A_616 = arith.addi %get3A_609, %mul3A_615 : vector<16xi32>
      %ne3A = arith.cmpi ne, %get3A_600, %add3A_616 : vector<16xi32>
      %mul3A_617 = arith.constant 0 : i32
      %mul3A_618 = arith.constant 16 : i32
      %mul3A_619 = arith.muli %mul3A_617, %mul3A_618 : i32
      %add3A_620 = vector.broadcast %mul3A_619 : i32 to vector<16xi32>
      %add3A_621 = arith.addi %add3A_620, %iota3A : vector<16xi32>
      %swap3A_622 = arith.constant 0 : i32
      %swap3A_623 = arith.index_cast %swap3A_622 : i32 to index
      %swap3A_624 = tpu.vector_load %arg10[%swap3A_623] masked %ne3A {strides = array<i32>} : memref<112xi32, #tpu.memory_space<vmem>>, vector<16xi32>, vector<16xi1>
      tpu.vector_store %arg10[%swap3A_623], %add3A_621 masked %ne3A {strides = array<i32>} : memref<112xi32, #tpu.memory_space<vmem>>, vector<16xi32>, vector<16xi1>
      %swap3A_625 = arith.constant 0 : i32
      %swap3A_626 = arith.index_cast %swap3A_625 : i32 to index
      %swap3A_627 = tpu.vector_load %arg11[%swap3A_626] masked %ne3A {strides = array<i32>} : memref<112xi32, #tpu.memory_space<vmem>>, vector<16xi32>, vector<16xi1>
      tpu.vector_store %arg11[%swap3A_626], %get3A_600 masked %ne3A {strides = array<i32>} : memref<112xi32, #tpu.memory_space<vmem>>, vector<16xi32>, vector<16xi1>
      %all_reduce_population_count3A = tpu.all_reduce %ne3A {dim = 0 : i64, kind = #tpu.reduction_kind<sum>} : vector<16xi1> -> vector<16xi32>
      %slice3A = vector.extract_strided_slice %all_reduce_population_count3A {offsets = [0], sizes = [1], strides = [1]} : vector<16xi32> to vector<1xi32>
      %squeeze3A = vector.extract %slice3A[0] : i32 from vector<1xi32>
      %add3A_628 = arith.constant 0 : i32
      %add3A_629 = arith.addi %add3A_628, %squeeze3A : i32
      %add3A_630 = arith.constant 16 : i32
      %add3A_631 = arith.addi %mul3A_591, %add3A_630 : i32
      %mul3A_632 = arith.constant 1 : i32
      %mul3A_633 = arith.constant 16 : i32
      %mul3A_634 = arith.muli %mul3A_632, %mul3A_633 : i32
      %add3A_635 = arith.addi %add3A_631, %mul3A_634 : i32
      %get3A_636 = arith.index_cast %add3A_635 : i32 to index
      %get3A_637 = tpu.vector_load %arg7[%get3A_636] {strides = array<i32>} : memref<288xi32, #tpu.memory_space<vmem>>, vector<16xi32>,
      %add3A_638 = arith.constant 16 : i32
      %add3A_639 = arith.addi %mul3A_591, %add3A_638 : i32
      %sub3A_640 = arith.constant 1 : i32
      %sub3A_641 = arith.subi %add3A_639, %sub3A_640 : i32
      %mul3A_642 = arith.constant 1 : i32
      %mul3A_643 = arith.constant 16 : i32
      %mul3A_644 = arith.muli %mul3A_642, %mul3A_643 : i32
      %add3A_645 = arith.addi %sub3A_641, %mul3A_644 : i32
      %get3A_646 = arith.index_cast %add3A_645 : i32 to index
      %get3A_647 = tpu.vector_load %arg7[%get3A_646] {strides = array<i32>} : memref<288xi32, #tpu.memory_space<vmem>>, vector<16xi32>,
      %eq3A_648 = arith.constant 1 : i32
      %eq3A_649 = arith.constant 0 : i32
      %eq3A_650 = arith.cmpi eq, %eq3A_648, %eq3A_649 : i32
      %convert_element_type3A_651 = arith.extui %eq3A_650 : i1 to i32
      %mul3A_652 = vector.broadcast %convert_element_type3A_651 : i32 to vector<16xi32>
      %mul3A_653 = arith.muli %select_n3A, %mul3A_652 : vector<16xi32>
      %add3A_654 = arith.addi %get3A_647, %mul3A_653 : vector<16xi32>
      %ne3A_655 = arith.cmpi ne, %get3A_637, %add3A_654 : vector<16xi32>
      %mul3A_656 = arith.constant 1 : i32
      %mul3A_657 = arith.constant 16 : i32
      %mul3A_658 = arith.muli %mul3A_656, %mul3A_657 : i32
      %add3A_659 = vector.broadcast %mul3A_658 : i32 to vector<16xi32>
      %add3A_660 = arith.addi %add3A_659, %iota3A : vector<16xi32>
      %swap3A_661 = arith.index_cast %add3A_629 : i32 to index
      %swap3A_662 = tpu.vector_load %arg10[%swap3A_661] masked %ne3A_655 {strides = array<i32>} : memref<112xi32, #tpu.memory_space<vmem>>, vector<16xi32>, vector<16xi1>
      tpu.vector_store %arg10[%swap3A_661], %add3A_660 masked %ne3A_655 {strides = array<i32>} : memref<112xi32, #tpu.memory_space<vmem>>, vector<16xi32>, vector<16xi1>
      %swap3A_663 = arith.index_cast %add3A_629 : i32 to index
      %swap3A_664 = tpu.vector_load %arg11[%swap3A_663] masked %ne3A_655 {strides = array<i32>} : memref<112xi32, #tpu.memory_space<vmem>>, vector<16xi32>, vector<16xi1>
      tpu.vector_store %arg11[%swap3A_663], %get3A_637 masked %ne3A_655 {strides = array<i32>} : memref<112xi32, #tpu.memory_space<vmem>>, vector<16xi32>, vector<16xi1>
      %all_reduce_population_count3A_665 = tpu.all_reduce %ne3A_655 {dim = 0 : i64, kind = #tpu.reduction_kind<sum>} : vector<16xi1> -> vector<16xi32>
      %slice3A_666 = vector.extract_strided_slice %all_reduce_population_count3A_665 {offsets = [0], sizes = [1], strides = [1]} : vector<16xi32> to vector<1xi32>
      %squeeze3A_667 = vector.extract %slice3A_666[0] : i32 from vector<1xi32>
      %add3A_668 = arith.addi %add3A_629, %squeeze3A_667 : i32
      %add3A_669 = arith.constant 16 : i32
      %add3A_670 = arith.addi %mul3A_591, %add3A_669 : i32
      %mul3A_671 = arith.constant 2 : i32
      %mul3A_672 = arith.constant 16 : i32
      %mul3A_673 = arith.muli %mul3A_671, %mul3A_672 : i32
      %add3A_674 = arith.addi %add3A_670, %mul3A_673 : i32
      %get3A_675 = arith.index_cast %add3A_674 : i32 to index
      %get3A_676 = tpu.vector_load %arg7[%get3A_675] {strides = array<i32>} : memref<288xi32, #tpu.memory_space<vmem>>, vector<16xi32>,
      %add3A_677 = arith.constant 16 : i32
      %add3A_678 = arith.addi %mul3A_591, %add3A_677 : i32
      %sub3A_679 = arith.constant 1 : i32
      %sub3A_680 = arith.subi %add3A_678, %sub3A_679 : i32
      %mul3A_681 = arith.constant 2 : i32
      %mul3A_682 = arith.constant 16 : i32
      %mul3A_683 = arith.muli %mul3A_681, %mul3A_682 : i32
      %add3A_684 = arith.addi %sub3A_680, %mul3A_683 : i32
      %get3A_685 = arith.index_cast %add3A_684 : i32 to index
      %get3A_686 = tpu.vector_load %arg7[%get3A_685] {strides = array<i32>} : memref<288xi32, #tpu.memory_space<vmem>>, vector<16xi32>,
      %eq3A_687 = arith.constant 2 : i32
      %eq3A_688 = arith.constant 0 : i32
      %eq3A_689 = arith.cmpi eq, %eq3A_687, %eq3A_688 : i32
      %convert_element_type3A_690 = arith.extui %eq3A_689 : i1 to i32
      %mul3A_691 = vector.broadcast %convert_element_type3A_690 : i32 to vector<16xi32>
      %mul3A_692 = arith.muli %select_n3A, %mul3A_691 : vector<16xi32>
      %add3A_693 = arith.addi %get3A_686, %mul3A_692 : vector<16xi32>
      %ne3A_694 = arith.cmpi ne, %get3A_676, %add3A_693 : vector<16xi32>
      %mul3A_695 = arith.constant 2 : i32
      %mul3A_696 = arith.constant 16 : i32
      %mul3A_697 = arith.muli %mul3A_695, %mul3A_696 : i32
      %add3A_698 = vector.broadcast %mul3A_697 : i32 to vector<16xi32>
      %add3A_699 = arith.addi %add3A_698, %iota3A : vector<16xi32>
      %swap3A_700 = arith.index_cast %add3A_668 : i32 to index
      %swap3A_701 = tpu.vector_load %arg10[%swap3A_700] masked %ne3A_694 {strides = array<i32>} : memref<112xi32, #tpu.memory_space<vmem>>, vector<16xi32>, vector<16xi1>
      tpu.vector_store %arg10[%swap3A_700], %add3A_699 masked %ne3A_694 {strides = array<i32>} : memref<112xi32, #tpu.memory_space<vmem>>, vector<16xi32>, vector<16xi1>
      %swap3A_702 = arith.index_cast %add3A_668 : i32 to index
      %swap3A_703 = tpu.vector_load %arg11[%swap3A_702] masked %ne3A_694 {strides = array<i32>} : memref<112xi32, #tpu.memory_space<vmem>>, vector<16xi32>, vector<16xi1>
      tpu.vector_store %arg11[%swap3A_702], %get3A_676 masked %ne3A_694 {strides = array<i32>} : memref<112xi32, #tpu.memory_space<vmem>>, vector<16xi32>, vector<16xi1>
      %all_reduce_population_count3A_704 = tpu.all_reduce %ne3A_694 {dim = 0 : i64, kind = #tpu.reduction_kind<sum>} : vector<16xi1> -> vector<16xi32>
      %slice3A_705 = vector.extract_strided_slice %all_reduce_population_count3A_704 {offsets = [0], sizes = [1], strides = [1]} : vector<16xi32> to vector<1xi32>
      %squeeze3A_706 = vector.extract %slice3A_705[0] : i32 from vector<1xi32>
      %add3A_707 = arith.addi %add3A_668, %squeeze3A_706 : i32
      %add3A_708 = arith.constant 16 : i32
      %add3A_709 = arith.addi %mul3A_591, %add3A_708 : i32
      %mul3A_710 = arith.constant 3 : i32
      %mul3A_711 = arith.constant 16 : i32
      %mul3A_712 = arith.muli %mul3A_710, %mul3A_711 : i32
      %add3A_713 = arith.addi %add3A_709, %mul3A_712 : i32
      %get3A_714 = arith.index_cast %add3A_713 : i32 to index
      %get3A_715 = tpu.vector_load %arg7[%get3A_714] {strides = array<i32>} : memref<288xi32, #tpu.memory_space<vmem>>, vector<16xi32>,
      %add3A_716 = arith.constant 16 : i32
      %add3A_717 = arith.addi %mul3A_591, %add3A_716 : i32
      %sub3A_718 = arith.constant 1 : i32
      %sub3A_719 = arith.subi %add3A_717, %sub3A_718 : i32
      %mul3A_720 = arith.constant 3 : i32
      %mul3A_721 = arith.constant 16 : i32
      %mul3A_722 = arith.muli %mul3A_720, %mul3A_721 : i32
      %add3A_723 = arith.addi %sub3A_719, %mul3A_722 : i32
      %get3A_724 = arith.index_cast %add3A_723 : i32 to index
      %get3A_725 = tpu.vector_load %arg7[%get3A_724] {strides = array<i32>} : memref<288xi32, #tpu.memory_space<vmem>>, vector<16xi32>,
      %eq3A_726 = arith.constant 3 : i32
      %eq3A_727 = arith.constant 0 : i32
      %eq3A_728 = arith.cmpi eq, %eq3A_726, %eq3A_727 : i32
      %convert_element_type3A_729 = arith.extui %eq3A_728 : i1 to i32
      %mul3A_730 = vector.broadcast %convert_element_type3A_729 : i32 to vector<16xi32>
      %mul3A_731 = arith.muli %select_n3A, %mul3A_730 : vector<16xi32>
      %add3A_732 = arith.addi %get3A_725, %mul3A_731 : vector<16xi32>
      %ne3A_733 = arith.cmpi ne, %get3A_715, %add3A_732 : vector<16xi32>
      %mul3A_734 = arith.constant 3 : i32
      %mul3A_735 = arith.constant 16 : i32
      %mul3A_736 = arith.muli %mul3A_734, %mul3A_735 : i32
      %add3A_737 = vector.broadcast %mul3A_736 : i32 to vector<16xi32>
      %add3A_738 = arith.addi %add3A_737, %iota3A : vector<16xi32>
      %swap3A_739 = arith.index_cast %add3A_707 : i32 to index
      %swap3A_740 = tpu.vector_load %arg10[%swap3A_739] masked %ne3A_733 {strides = array<i32>} : memref<112xi32, #tpu.memory_space<vmem>>, vector<16xi32>, vector<16xi1>
      tpu.vector_store %arg10[%swap3A_739], %add3A_738 masked %ne3A_733 {strides = array<i32>} : memref<112xi32, #tpu.memory_space<vmem>>, vector<16xi32>, vector<16xi1>
      %swap3A_741 = arith.index_cast %add3A_707 : i32 to index
      %swap3A_742 = tpu.vector_load %arg11[%swap3A_741] masked %ne3A_733 {strides = array<i32>} : memref<112xi32, #tpu.memory_space<vmem>>, vector<16xi32>, vector<16xi1>
      tpu.vector_store %arg11[%swap3A_741], %get3A_715 masked %ne3A_733 {strides = array<i32>} : memref<112xi32, #tpu.memory_space<vmem>>, vector<16xi32>, vector<16xi1>
      %all_reduce_population_count3A_743 = tpu.all_reduce %ne3A_733 {dim = 0 : i64, kind = #tpu.reduction_kind<sum>} : vector<16xi1> -> vector<16xi32>
      %slice3A_744 = vector.extract_strided_slice %all_reduce_population_count3A_743 {offsets = [0], sizes = [1], strides = [1]} : vector<16xi32> to vector<1xi32>
      %squeeze3A_745 = vector.extract %slice3A_744[0] : i32 from vector<1xi32>
      %add3A_746 = arith.addi %add3A_707, %squeeze3A_745 : i32
      %add3A_747 = arith.constant 16 : i32
      %add3A_748 = arith.addi %mul3A_591, %add3A_747 : i32
      %mul3A_749 = arith.constant 4 : i32
      %mul3A_750 = arith.constant 16 : i32
      %mul3A_751 = arith.muli %mul3A_749, %mul3A_750 : i32
      %add3A_752 = arith.addi %add3A_748, %mul3A_751 : i32
      %get3A_753 = arith.index_cast %add3A_752 : i32 to index
      %get3A_754 = tpu.vector_load %arg7[%get3A_753] {strides = array<i32>} : memref<288xi32, #tpu.memory_space<vmem>>, vector<16xi32>,
      %add3A_755 = arith.constant 16 : i32
      %add3A_756 = arith.addi %mul3A_591, %add3A_755 : i32
      %sub3A_757 = arith.constant 1 : i32
      %sub3A_758 = arith.subi %add3A_756, %sub3A_757 : i32
      %mul3A_759 = arith.constant 4 : i32
      %mul3A_760 = arith.constant 16 : i32
      %mul3A_761 = arith.muli %mul3A_759, %mul3A_760 : i32
      %add3A_762 = arith.addi %sub3A_758, %mul3A_761 : i32
      %get3A_763 = arith.index_cast %add3A_762 : i32 to index
      %get3A_764 = tpu.vector_load %arg7[%get3A_763] {strides = array<i32>} : memref<288xi32, #tpu.memory_space<vmem>>, vector<16xi32>,
      %eq3A_765 = arith.constant 4 : i32
      %eq3A_766 = arith.constant 0 : i32
      %eq3A_767 = arith.cmpi eq, %eq3A_765, %eq3A_766 : i32
      %convert_element_type3A_768 = arith.extui %eq3A_767 : i1 to i32
      %mul3A_769 = vector.broadcast %convert_element_type3A_768 : i32 to vector<16xi32>
      %mul3A_770 = arith.muli %select_n3A, %mul3A_769 : vector<16xi32>
      %add3A_771 = arith.addi %get3A_764, %mul3A_770 : vector<16xi32>
      %ne3A_772 = arith.cmpi ne, %get3A_754, %add3A_771 : vector<16xi32>
      %mul3A_773 = arith.constant 4 : i32
      %mul3A_774 = arith.constant 16 : i32
      %mul3A_775 = arith.muli %mul3A_773, %mul3A_774 : i32
      %add3A_776 = vector.broadcast %mul3A_775 : i32 to vector<16xi32>
      %add3A_777 = arith.addi %add3A_776, %iota3A : vector<16xi32>
      %swap3A_778 = arith.index_cast %add3A_746 : i32 to index
      %swap3A_779 = tpu.vector_load %arg10[%swap3A_778] masked %ne3A_772 {strides = array<i32>} : memref<112xi32, #tpu.memory_space<vmem>>, vector<16xi32>, vector<16xi1>
      tpu.vector_store %arg10[%swap3A_778], %add3A_777 masked %ne3A_772 {strides = array<i32>} : memref<112xi32, #tpu.memory_space<vmem>>, vector<16xi32>, vector<16xi1>
      %swap3A_780 = arith.index_cast %add3A_746 : i32 to index
      %swap3A_781 = tpu.vector_load %arg11[%swap3A_780] masked %ne3A_772 {strides = array<i32>} : memref<112xi32, #tpu.memory_space<vmem>>, vector<16xi32>, vector<16xi1>
      tpu.vector_store %arg11[%swap3A_780], %get3A_754 masked %ne3A_772 {strides = array<i32>} : memref<112xi32, #tpu.memory_space<vmem>>, vector<16xi32>, vector<16xi1>
      %all_reduce_population_count3A_782 = tpu.all_reduce %ne3A_772 {dim = 0 : i64, kind = #tpu.reduction_kind<sum>} : vector<16xi1> -> vector<16xi32>
      %slice3A_783 = vector.extract_strided_slice %all_reduce_population_count3A_782 {offsets = [0], sizes = [1], strides = [1]} : vector<16xi32> to vector<1xi32>
      %squeeze3A_784 = vector.extract %slice3A_783[0] : i32 from vector<1xi32>
      %add3A_785 = arith.addi %add3A_746, %squeeze3A_784 : i32
      %broadcast_in_dim3A_786 = arith.constant 80 : i32
      %broadcast_in_dim3A_787 = vector.broadcast %broadcast_in_dim3A_786 : i32 to vector<16xi32>
      %swap3A_788 = arith.index_cast %add3A_785 : i32 to index
      %swap3A_789 = tpu.vector_load %arg10[%swap3A_788] {strides = array<i32>} : memref<112xi32, #tpu.memory_space<vmem>>, vector<16xi32>,
      tpu.vector_store %arg10[%swap3A_788], %broadcast_in_dim3A_787 {strides = array<i32>} : memref<112xi32, #tpu.memory_space<vmem>>, vector<16xi32>,
      %while3A_790 = arith.constant 0 : i32
      %while3A_791 = arith.subi %add3A_785, %while3A_790 : i32
      %while3A_792 = arith.addi %while3A_790, %while3A_791 : i32
      %while3A_793 = arith.constant 1 : i32
      %while3A_794 = arith.divsi %while3A_791, %while3A_793 : i32
      %while3A_795 = arith.muli %while3A_794, %while3A_793 : i32
      %while3A_796 = arith.addi %while3A_790, %while3A_795 : i32
      %while3A_797 = arith.constant 1 : i32
      %while3A_798:2 = scf.for %while3A_807 = %while3A_790 to %while3A_796 step %while3A_797 iter_args(%while3A_808 = %scan3A_566, %while3A_809 = %scan3A_567) -> (i32, vector<16xi32>)  : i32 {
        %get3A_810 = arith.index_cast %while3A_807 : i32 to index
        %get3A_811 = tpu.vector_load %arg11[%get3A_810] {strides = array<i32>} : memref<112xi32, #tpu.memory_space<vmem>>, vector<16xi32>,
        %slice3A_812 = vector.extract_strided_slice %get3A_811 {offsets = [0], sizes = [1], strides = [1]} : vector<16xi32> to vector<1xi32>
        %squeeze3A_813 = vector.extract %slice3A_812[0] : i32 from vector<1xi32>
        %get3A_814 = arith.index_cast %while3A_807 : i32 to index
        %get3A_815 = tpu.vector_load %arg10[%get3A_814] {strides = array<i32>} : memref<112xi32, #tpu.memory_space<vmem>>, vector<16xi32>,
        %slice3A_816 = vector.extract_strided_slice %get3A_815 {offsets = [0], sizes = [1], strides = [1]} : vector<16xi32> to vector<1xi32>
        %squeeze3A_817 = vector.extract %slice3A_816[0] : i32 from vector<1xi32>
        %slice3A_818 = vector.extract_strided_slice %get3A_815 {offsets = [1], sizes = [1], strides = [1]} : vector<16xi32> to vector<1xi32>
        %squeeze3A_819 = vector.extract %slice3A_818[0] : i32 from vector<1xi32>
        %get3A_820 = arith.index_cast %squeeze3A_813 : i32 to index
        %get3A_821 = tpu.vector_load %arg9[%get3A_820] {strides = array<i32>} : memref<10240xf32, #tpu.memory_space<vmem>>, vector<16xf32>,
        %slice3A_822 = vector.extract_strided_slice %get3A_821 {offsets = [0], sizes = [1], strides = [1]} : vector<16xf32> to vector<1xf32>
        %squeeze3A_823 = vector.extract %slice3A_822[0] : f32 from vector<1xf32>
        %sub3A_824 = arith.subi %squeeze3A_819, %squeeze3A_817 : i32
        %shift_right_logical3A = arith.constant 2 : i32
        %shift_right_logical3A_825 = arith.shrui %sub3A_824, %shift_right_logical3A : i32
        %broadcast_in_dim3A_826 = arith.constant 0.000000e+00 : f32
        %broadcast_in_dim3A_827 = vector.broadcast %broadcast_in_dim3A_826 : f32 to vector<16xf32>
        %broadcast_in_dim3A_828 = arith.constant 0.000000e+00 : f32
        %broadcast_in_dim3A_829 = vector.broadcast %broadcast_in_dim3A_828 : f32 to vector<16xf32>
        %broadcast_in_dim3A_830 = arith.constant 0.000000e+00 : f32
        %broadcast_in_dim3A_831 = vector.broadcast %broadcast_in_dim3A_830 : f32 to vector<16xf32>
        %broadcast_in_dim3A_832 = arith.constant 0.000000e+00 : f32
        %broadcast_in_dim3A_833 = vector.broadcast %broadcast_in_dim3A_832 : f32 to vector<16xf32>
        %broadcast_in_dim3A_834 = arith.constant 0.000000e+00 : f32
        %broadcast_in_dim3A_835 = vector.broadcast %broadcast_in_dim3A_834 : f32 to vector<16xf32>
        %broadcast_in_dim3A_836 = arith.constant 0.000000e+00 : f32
        %broadcast_in_dim3A_837 = vector.broadcast %broadcast_in_dim3A_836 : f32 to vector<16xf32>
        %broadcast_in_dim3A_838 = arith.constant 0.000000e+00 : f32
        %broadcast_in_dim3A_839 = vector.broadcast %broadcast_in_dim3A_838 : f32 to vector<16xf32>
        %broadcast_in_dim3A_840 = arith.constant 0.000000e+00 : f32
        %broadcast_in_dim3A_841 = vector.broadcast %broadcast_in_dim3A_840 : f32 to vector<16xf32>
        %while3A_842 = arith.constant 0 : i32
        %while3A_843 = arith.subi %shift_right_logical3A_825, %while3A_842 : i32
        %while3A_844 = arith.addi %while3A_842, %while3A_843 : i32
        %while3A_845 = arith.constant 1 : i32
        %while3A_846 = arith.divsi %while3A_843, %while3A_845 : i32
        %while3A_847 = arith.muli %while3A_846, %while3A_845 : i32
        %while3A_848 = arith.addi %while3A_842, %while3A_847 : i32
        %while3A_849 = arith.constant 1 : i32
        %while3A_850:8 = scf.for %while3A_904 = %while3A_842 to %while3A_848 step %while3A_849 iter_args(%while3A_905 = %broadcast_in_dim3A_827, %while3A_906 = %broadcast_in_dim3A_829, %while3A_907 = %broadcast_in_dim3A_831, %while3A_908 = %broadcast_in_dim3A_833, %while3A_909 = %broadcast_in_dim3A_835, %while3A_910 = %broadcast_in_dim3A_837, %while3A_911 = %broadcast_in_dim3A_839, %while3A_912 = %broadcast_in_dim3A_841) -> (vector<16xf32>, vector<16xf32>, vector<16xf32>, vector<16xf32>, vector<16xf32>, vector<16xf32>, vector<16xf32>, vector<16xf32>)  : i32 {
          %mul3A_913 = arith.constant 4 : i32
          %mul3A_914 = arith.muli %while3A_904, %mul3A_913 : i32
          %add3A_915 = arith.addi %squeeze3A_817, %mul3A_914 : i32
          %add3A_916 = arith.addi %mul3A_591, %add3A_915 : i32
          %get3A_917 = arith.index_cast %add3A_916 : i32 to index
          %get3A_918 = tpu.vector_load %arg8[%get3A_917] {strides = array<i32>} : memref<288xf32, #tpu.memory_space<vmem>>, vector<16xf32>,
          %slice3A_919 = vector.extract_strided_slice %get3A_918 {offsets = [0], sizes = [1], strides = [1]} : vector<16xf32> to vector<1xf32>
          %squeeze3A_920 = vector.extract %slice3A_919[0] : f32 from vector<1xf32>
          %mul3A_921 = arith.mulf %squeeze3A_920, %squeeze3A_823 : f32
          %add3A_922 = arith.constant 0 : i32
          %add3A_923 = arith.addi %add3A_915, %add3A_922 : i32
          %mul3A_924 = arith.constant 128 : i32
          %mul3A_925 = arith.muli %add3A_923, %mul3A_924 : i32
          %add3A_926 = arith.addi %mul3A_593, %mul3A_925 : i32
          %add3A_927 = arith.constant 0 : i32
          %add3A_928 = arith.addi %add3A_926, %add3A_927 : i32
          %get3A_929 = arith.index_cast %add3A_928 : i32 to index
          %get3A_930 = tpu.vector_load %arg12[%get3A_929] {strides = array<i32>} : memref<30720xf32, #tpu.memory_space<vmem>>, vector<16xf32>,
          %mul3A_931 = vector.broadcast %mul3A_921 : f32 to vector<16xf32>
          %mul3A_932 = arith.mulf %mul3A_931, %get3A_930 : vector<16xf32>
          %add3A_933 = arith.addf %while3A_905, %mul3A_932 : vector<16xf32>
          %add3A_934 = arith.constant 16 : i32
          %add3A_935 = arith.addi %add3A_926, %add3A_934 : i32
          %get3A_936 = arith.index_cast %add3A_935 : i32 to index
          %get3A_937 = tpu.vector_load %arg12[%get3A_936] {strides = array<i32>} : memref<30720xf32, #tpu.memory_space<vmem>>, vector<16xf32>,
          %mul3A_938 = vector.broadcast %mul3A_921 : f32 to vector<16xf32>
          %mul3A_939 = arith.mulf %mul3A_938, %get3A_937 : vector<16xf32>
          %add3A_940 = arith.addf %while3A_906, %mul3A_939 : vector<16xf32>
          %add3A_941 = arith.constant 32 : i32
          %add3A_942 = arith.addi %add3A_926, %add3A_941 : i32
          %get3A_943 = arith.index_cast %add3A_942 : i32 to index
          %get3A_944 = tpu.vector_load %arg12[%get3A_943] {strides = array<i32>} : memref<30720xf32, #tpu.memory_space<vmem>>, vector<16xf32>,
          %mul3A_945 = vector.broadcast %mul3A_921 : f32 to vector<16xf32>
          %mul3A_946 = arith.mulf %mul3A_945, %get3A_944 : vector<16xf32>
          %add3A_947 = arith.addf %while3A_907, %mul3A_946 : vector<16xf32>
          %add3A_948 = arith.constant 48 : i32
          %add3A_949 = arith.addi %add3A_926, %add3A_948 : i32
          %get3A_950 = arith.index_cast %add3A_949 : i32 to index
          %get3A_951 = tpu.vector_load %arg12[%get3A_950] {strides = array<i32>} : memref<30720xf32, #tpu.memory_space<vmem>>, vector<16xf32>,
          %mul3A_952 = vector.broadcast %mul3A_921 : f32 to vector<16xf32>
          %mul3A_953 = arith.mulf %mul3A_952, %get3A_951 : vector<16xf32>
          %add3A_954 = arith.addf %while3A_908, %mul3A_953 : vector<16xf32>
          %add3A_955 = arith.constant 64 : i32
          %add3A_956 = arith.addi %add3A_926, %add3A_955 : i32
          %get3A_957 = arith.index_cast %add3A_956 : i32 to index
          %get3A_958 = tpu.vector_load %arg12[%get3A_957] {strides = array<i32>} : memref<30720xf32, #tpu.memory_space<vmem>>, vector<16xf32>,
          %mul3A_959 = vector.broadcast %mul3A_921 : f32 to vector<16xf32>
          %mul3A_960 = arith.mulf %mul3A_959, %get3A_958 : vector<16xf32>
          %add3A_961 = arith.addf %while3A_909, %mul3A_960 : vector<16xf32>
          %add3A_962 = arith.constant 80 : i32
          %add3A_963 = arith.addi %add3A_926, %add3A_962 : i32
          %get3A_964 = arith.index_cast %add3A_963 : i32 to index
          %get3A_965 = tpu.vector_load %arg12[%get3A_964] {strides = array<i32>} : memref<30720xf32, #tpu.memory_space<vmem>>, vector<16xf32>,
          %mul3A_966 = vector.broadcast %mul3A_921 : f32 to vector<16xf32>
          %mul3A_967 = arith.mulf %mul3A_966, %get3A_965 : vector<16xf32>
          %add3A_968 = arith.addf %while3A_910, %mul3A_967 : vector<16xf32>
          %add3A_969 = arith.constant 96 : i32
          %add3A_970 = arith.addi %add3A_926, %add3A_969 : i32
          %get3A_971 = arith.index_cast %add3A_970 : i32 to index
          %get3A_972 = tpu.vector_load %arg12[%get3A_971] {strides = array<i32>} : memref<30720xf32, #tpu.memory_space<vmem>>, vector<16xf32>,
          %mul3A_973 = vector.broadcast %mul3A_921 : f32 to vector<16xf32>
          %mul3A_974 = arith.mulf %mul3A_973, %get3A_972 : vector<16xf32>
          %add3A_975 = arith.addf %while3A_911, %mul3A_974 : vector<16xf32>
          %add3A_976 = arith.constant 112 : i32
          %add3A_977 = arith.addi %add3A_926, %add3A_976 : i32
          %get3A_978 = arith.index_cast %add3A_977 : i32 to index
          %get3A_979 = tpu.vector_load %arg12[%get3A_978] {strides = array<i32>} : memref<30720xf32, #tpu.memory_space<vmem>>, vector<16xf32>,
          %mul3A_980 = vector.broadcast %mul3A_921 : f32 to vector<16xf32>
          %mul3A_981 = arith.mulf %mul3A_980, %get3A_979 : vector<16xf32>
          %add3A_982 = arith.addf %while3A_912, %mul3A_981 : vector<16xf32>
          %slice3A_983 = vector.extract_strided_slice %get3A_918 {offsets = [1], sizes = [1], strides = [1]} : vector<16xf32> to vector<1xf32>
          %squeeze3A_984 = vector.extract %slice3A_983[0] : f32 from vector<1xf32>
          %mul3A_985 = arith.mulf %squeeze3A_984, %squeeze3A_823 : f32
          %add3A_986 = arith.constant 1 : i32
          %add3A_987 = arith.addi %add3A_915, %add3A_986 : i32
          %mul3A_988 = arith.constant 128 : i32
          %mul3A_989 = arith.muli %add3A_987, %mul3A_988 : i32
          %add3A_990 = arith.addi %mul3A_593, %mul3A_989 : i32
          %add3A_991 = arith.constant 0 : i32
          %add3A_992 = arith.addi %add3A_990, %add3A_991 : i32
          %get3A_993 = arith.index_cast %add3A_992 : i32 to index
          %get3A_994 = tpu.vector_load %arg12[%get3A_993] {strides = array<i32>} : memref<30720xf32, #tpu.memory_space<vmem>>, vector<16xf32>,
          %mul3A_995 = vector.broadcast %mul3A_985 : f32 to vector<16xf32>
          %mul3A_996 = arith.mulf %mul3A_995, %get3A_994 : vector<16xf32>
          %add3A_997 = arith.addf %add3A_933, %mul3A_996 : vector<16xf32>
          %add3A_998 = arith.constant 16 : i32
          %add3A_999 = arith.addi %add3A_990, %add3A_998 : i32
          %get3A_1000 = arith.index_cast %add3A_999 : i32 to index
          %get3A_1001 = tpu.vector_load %arg12[%get3A_1000] {strides = array<i32>} : memref<30720xf32, #tpu.memory_space<vmem>>, vector<16xf32>,
          %mul3A_1002 = vector.broadcast %mul3A_985 : f32 to vector<16xf32>
          %mul3A_1003 = arith.mulf %mul3A_1002, %get3A_1001 : vector<16xf32>
          %add3A_1004 = arith.addf %add3A_940, %mul3A_1003 : vector<16xf32>
          %add3A_1005 = arith.constant 32 : i32
          %add3A_1006 = arith.addi %add3A_990, %add3A_1005 : i32
          %get3A_1007 = arith.index_cast %add3A_1006 : i32 to index
          %get3A_1008 = tpu.vector_load %arg12[%get3A_1007] {strides = array<i32>} : memref<30720xf32, #tpu.memory_space<vmem>>, vector<16xf32>,
          %mul3A_1009 = vector.broadcast %mul3A_985 : f32 to vector<16xf32>
          %mul3A_1010 = arith.mulf %mul3A_1009, %get3A_1008 : vector<16xf32>
          %add3A_1011 = arith.addf %add3A_947, %mul3A_1010 : vector<16xf32>
          %add3A_1012 = arith.constant 48 : i32
          %add3A_1013 = arith.addi %add3A_990, %add3A_1012 : i32
          %get3A_1014 = arith.index_cast %add3A_1013 : i32 to index
          %get3A_1015 = tpu.vector_load %arg12[%get3A_1014] {strides = array<i32>} : memref<30720xf32, #tpu.memory_space<vmem>>, vector<16xf32>,
          %mul3A_1016 = vector.broadcast %mul3A_985 : f32 to vector<16xf32>
          %mul3A_1017 = arith.mulf %mul3A_1016, %get3A_1015 : vector<16xf32>
          %add3A_1018 = arith.addf %add3A_954, %mul3A_1017 : vector<16xf32>
          %add3A_1019 = arith.constant 64 : i32
          %add3A_1020 = arith.addi %add3A_990, %add3A_1019 : i32
          %get3A_1021 = arith.index_cast %add3A_1020 : i32 to index
          %get3A_1022 = tpu.vector_load %arg12[%get3A_1021] {strides = array<i32>} : memref<30720xf32, #tpu.memory_space<vmem>>, vector<16xf32>,
          %mul3A_1023 = vector.broadcast %mul3A_985 : f32 to vector<16xf32>
          %mul3A_1024 = arith.mulf %mul3A_1023, %get3A_1022 : vector<16xf32>
          %add3A_1025 = arith.addf %add3A_961, %mul3A_1024 : vector<16xf32>
          %add3A_1026 = arith.constant 80 : i32
          %add3A_1027 = arith.addi %add3A_990, %add3A_1026 : i32
          %get3A_1028 = arith.index_cast %add3A_1027 : i32 to index
          %get3A_1029 = tpu.vector_load %arg12[%get3A_1028] {strides = array<i32>} : memref<30720xf32, #tpu.memory_space<vmem>>, vector<16xf32>,
          %mul3A_1030 = vector.broadcast %mul3A_985 : f32 to vector<16xf32>
          %mul3A_1031 = arith.mulf %mul3A_1030, %get3A_1029 : vector<16xf32>
          %add3A_1032 = arith.addf %add3A_968, %mul3A_1031 : vector<16xf32>
          %add3A_1033 = arith.constant 96 : i32
          %add3A_1034 = arith.addi %add3A_990, %add3A_1033 : i32
          %get3A_1035 = arith.index_cast %add3A_1034 : i32 to index
          %get3A_1036 = tpu.vector_load %arg12[%get3A_1035] {strides = array<i32>} : memref<30720xf32, #tpu.memory_space<vmem>>, vector<16xf32>,
          %mul3A_1037 = vector.broadcast %mul3A_985 : f32 to vector<16xf32>
          %mul3A_1038 = arith.mulf %mul3A_1037, %get3A_1036 : vector<16xf32>
          %add3A_1039 = arith.addf %add3A_975, %mul3A_1038 : vector<16xf32>
          %add3A_1040 = arith.constant 112 : i32
          %add3A_1041 = arith.addi %add3A_990, %add3A_1040 : i32
          %get3A_1042 = arith.index_cast %add3A_1041 : i32 to index
          %get3A_1043 = tpu.vector_load %arg12[%get3A_1042] {strides = array<i32>} : memref<30720xf32, #tpu.memory_space<vmem>>, vector<16xf32>,
          %mul3A_1044 = vector.broadcast %mul3A_985 : f32 to vector<16xf32>
          %mul3A_1045 = arith.mulf %mul3A_1044, %get3A_1043 : vector<16xf32>
          %add3A_1046 = arith.addf %add3A_982, %mul3A_1045 : vector<16xf32>
          %slice3A_1047 = vector.extract_strided_slice %get3A_918 {offsets = [2], sizes = [1], strides = [1]} : vector<16xf32> to vector<1xf32>
          %squeeze3A_1048 = vector.extract %slice3A_1047[0] : f32 from vector<1xf32>
          %mul3A_1049 = arith.mulf %squeeze3A_1048, %squeeze3A_823 : f32
          %add3A_1050 = arith.constant 2 : i32
          %add3A_1051 = arith.addi %add3A_915, %add3A_1050 : i32
          %mul3A_1052 = arith.constant 128 : i32
          %mul3A_1053 = arith.muli %add3A_1051, %mul3A_1052 : i32
          %add3A_1054 = arith.addi %mul3A_593, %mul3A_1053 : i32
          %add3A_1055 = arith.constant 0 : i32
          %add3A_1056 = arith.addi %add3A_1054, %add3A_1055 : i32
          %get3A_1057 = arith.index_cast %add3A_1056 : i32 to index
          %get3A_1058 = tpu.vector_load %arg12[%get3A_1057] {strides = array<i32>} : memref<30720xf32, #tpu.memory_space<vmem>>, vector<16xf32>,
          %mul3A_1059 = vector.broadcast %mul3A_1049 : f32 to vector<16xf32>
          %mul3A_1060 = arith.mulf %mul3A_1059, %get3A_1058 : vector<16xf32>
          %add3A_1061 = arith.addf %add3A_997, %mul3A_1060 : vector<16xf32>
          %add3A_1062 = arith.constant 16 : i32
          %add3A_1063 = arith.addi %add3A_1054, %add3A_1062 : i32
          %get3A_1064 = arith.index_cast %add3A_1063 : i32 to index
          %get3A_1065 = tpu.vector_load %arg12[%get3A_1064] {strides = array<i32>} : memref<30720xf32, #tpu.memory_space<vmem>>, vector<16xf32>,
          %mul3A_1066 = vector.broadcast %mul3A_1049 : f32 to vector<16xf32>
          %mul3A_1067 = arith.mulf %mul3A_1066, %get3A_1065 : vector<16xf32>
          %add3A_1068 = arith.addf %add3A_1004, %mul3A_1067 : vector<16xf32>
          %add3A_1069 = arith.constant 32 : i32
          %add3A_1070 = arith.addi %add3A_1054, %add3A_1069 : i32
          %get3A_1071 = arith.index_cast %add3A_1070 : i32 to index
          %get3A_1072 = tpu.vector_load %arg12[%get3A_1071] {strides = array<i32>} : memref<30720xf32, #tpu.memory_space<vmem>>, vector<16xf32>,
          %mul3A_1073 = vector.broadcast %mul3A_1049 : f32 to vector<16xf32>
          %mul3A_1074 = arith.mulf %mul3A_1073, %get3A_1072 : vector<16xf32>
          %add3A_1075 = arith.addf %add3A_1011, %mul3A_1074 : vector<16xf32>
          %add3A_1076 = arith.constant 48 : i32
          %add3A_1077 = arith.addi %add3A_1054, %add3A_1076 : i32
          %get3A_1078 = arith.index_cast %add3A_1077 : i32 to index
          %get3A_1079 = tpu.vector_load %arg12[%get3A_1078] {strides = array<i32>} : memref<30720xf32, #tpu.memory_space<vmem>>, vector<16xf32>,
          %mul3A_1080 = vector.broadcast %mul3A_1049 : f32 to vector<16xf32>
          %mul3A_1081 = arith.mulf %mul3A_1080, %get3A_1079 : vector<16xf32>
          %add3A_1082 = arith.addf %add3A_1018, %mul3A_1081 : vector<16xf32>
          %add3A_1083 = arith.constant 64 : i32
          %add3A_1084 = arith.addi %add3A_1054, %add3A_1083 : i32
          %get3A_1085 = arith.index_cast %add3A_1084 : i32 to index
          %get3A_1086 = tpu.vector_load %arg12[%get3A_1085] {strides = array<i32>} : memref<30720xf32, #tpu.memory_space<vmem>>, vector<16xf32>,
          %mul3A_1087 = vector.broadcast %mul3A_1049 : f32 to vector<16xf32>
          %mul3A_1088 = arith.mulf %mul3A_1087, %get3A_1086 : vector<16xf32>
          %add3A_1089 = arith.addf %add3A_1025, %mul3A_1088 : vector<16xf32>
          %add3A_1090 = arith.constant 80 : i32
          %add3A_1091 = arith.addi %add3A_1054, %add3A_1090 : i32
          %get3A_1092 = arith.index_cast %add3A_1091 : i32 to index
          %get3A_1093 = tpu.vector_load %arg12[%get3A_1092] {strides = array<i32>} : memref<30720xf32, #tpu.memory_space<vmem>>, vector<16xf32>,
          %mul3A_1094 = vector.broadcast %mul3A_1049 : f32 to vector<16xf32>
          %mul3A_1095 = arith.mulf %mul3A_1094, %get3A_1093 : vector<16xf32>
          %add3A_1096 = arith.addf %add3A_1032, %mul3A_1095 : vector<16xf32>
          %add3A_1097 = arith.constant 96 : i32
          %add3A_1098 = arith.addi %add3A_1054, %add3A_1097 : i32
          %get3A_1099 = arith.index_cast %add3A_1098 : i32 to index
          %get3A_1100 = tpu.vector_load %arg12[%get3A_1099] {strides = array<i32>} : memref<30720xf32, #tpu.memory_space<vmem>>, vector<16xf32>,
          %mul3A_1101 = vector.broadcast %mul3A_1049 : f32 to vector<16xf32>
          %mul3A_1102 = arith.mulf %mul3A_1101, %get3A_1100 : vector<16xf32>
          %add3A_1103 = arith.addf %add3A_1039, %mul3A_1102 : vector<16xf32>
          %add3A_1104 = arith.constant 112 : i32
          %add3A_1105 = arith.addi %add3A_1054, %add3A_1104 : i32
          %get3A_1106 = arith.index_cast %add3A_1105 : i32 to index
          %get3A_1107 = tpu.vector_load %arg12[%get3A_1106] {strides = array<i32>} : memref<30720xf32, #tpu.memory_space<vmem>>, vector<16xf32>,
          %mul3A_1108 = vector.broadcast %mul3A_1049 : f32 to vector<16xf32>
          %mul3A_1109 = arith.mulf %mul3A_1108, %get3A_1107 : vector<16xf32>
          %add3A_1110 = arith.addf %add3A_1046, %mul3A_1109 : vector<16xf32>
          %slice3A_1111 = vector.extract_strided_slice %get3A_918 {offsets = [3], sizes = [1], strides = [1]} : vector<16xf32> to vector<1xf32>
          %squeeze3A_1112 = vector.extract %slice3A_1111[0] : f32 from vector<1xf32>
          %mul3A_1113 = arith.mulf %squeeze3A_1112, %squeeze3A_823 : f32
          %add3A_1114 = arith.constant 3 : i32
          %add3A_1115 = arith.addi %add3A_915, %add3A_1114 : i32
          %mul3A_1116 = arith.constant 128 : i32
          %mul3A_1117 = arith.muli %add3A_1115, %mul3A_1116 : i32
          %add3A_1118 = arith.addi %mul3A_593, %mul3A_1117 : i32
          %add3A_1119 = arith.constant 0 : i32
          %add3A_1120 = arith.addi %add3A_1118, %add3A_1119 : i32
          %get3A_1121 = arith.index_cast %add3A_1120 : i32 to index
          %get3A_1122 = tpu.vector_load %arg12[%get3A_1121] {strides = array<i32>} : memref<30720xf32, #tpu.memory_space<vmem>>, vector<16xf32>,
          %mul3A_1123 = vector.broadcast %mul3A_1113 : f32 to vector<16xf32>
          %mul3A_1124 = arith.mulf %mul3A_1123, %get3A_1122 : vector<16xf32>
          %add3A_1125 = arith.addf %add3A_1061, %mul3A_1124 : vector<16xf32>
          %add3A_1126 = arith.constant 16 : i32
          %add3A_1127 = arith.addi %add3A_1118, %add3A_1126 : i32
          %get3A_1128 = arith.index_cast %add3A_1127 : i32 to index
          %get3A_1129 = tpu.vector_load %arg12[%get3A_1128] {strides = array<i32>} : memref<30720xf32, #tpu.memory_space<vmem>>, vector<16xf32>,
          %mul3A_1130 = vector.broadcast %mul3A_1113 : f32 to vector<16xf32>
          %mul3A_1131 = arith.mulf %mul3A_1130, %get3A_1129 : vector<16xf32>
          %add3A_1132 = arith.addf %add3A_1068, %mul3A_1131 : vector<16xf32>
          %add3A_1133 = arith.constant 32 : i32
          %add3A_1134 = arith.addi %add3A_1118, %add3A_1133 : i32
          %get3A_1135 = arith.index_cast %add3A_1134 : i32 to index
          %get3A_1136 = tpu.vector_load %arg12[%get3A_1135] {strides = array<i32>} : memref<30720xf32, #tpu.memory_space<vmem>>, vector<16xf32>,
          %mul3A_1137 = vector.broadcast %mul3A_1113 : f32 to vector<16xf32>
          %mul3A_1138 = arith.mulf %mul3A_1137, %get3A_1136 : vector<16xf32>
          %add3A_1139 = arith.addf %add3A_1075, %mul3A_1138 : vector<16xf32>
          %add3A_1140 = arith.constant 48 : i32
          %add3A_1141 = arith.addi %add3A_1118, %add3A_1140 : i32
          %get3A_1142 = arith.index_cast %add3A_1141 : i32 to index
          %get3A_1143 = tpu.vector_load %arg12[%get3A_1142] {strides = array<i32>} : memref<30720xf32, #tpu.memory_space<vmem>>, vector<16xf32>,
          %mul3A_1144 = vector.broadcast %mul3A_1113 : f32 to vector<16xf32>
          %mul3A_1145 = arith.mulf %mul3A_1144, %get3A_1143 : vector<16xf32>
          %add3A_1146 = arith.addf %add3A_1082, %mul3A_1145 : vector<16xf32>
          %add3A_1147 = arith.constant 64 : i32
          %add3A_1148 = arith.addi %add3A_1118, %add3A_1147 : i32
          %get3A_1149 = arith.index_cast %add3A_1148 : i32 to index
          %get3A_1150 = tpu.vector_load %arg12[%get3A_1149] {strides = array<i32>} : memref<30720xf32, #tpu.memory_space<vmem>>, vector<16xf32>,
          %mul3A_1151 = vector.broadcast %mul3A_1113 : f32 to vector<16xf32>
          %mul3A_1152 = arith.mulf %mul3A_1151, %get3A_1150 : vector<16xf32>
          %add3A_1153 = arith.addf %add3A_1089, %mul3A_1152 : vector<16xf32>
          %add3A_1154 = arith.constant 80 : i32
          %add3A_1155 = arith.addi %add3A_1118, %add3A_1154 : i32
          %get3A_1156 = arith.index_cast %add3A_1155 : i32 to index
          %get3A_1157 = tpu.vector_load %arg12[%get3A_1156] {strides = array<i32>} : memref<30720xf32, #tpu.memory_space<vmem>>, vector<16xf32>,
          %mul3A_1158 = vector.broadcast %mul3A_1113 : f32 to vector<16xf32>
          %mul3A_1159 = arith.mulf %mul3A_1158, %get3A_1157 : vector<16xf32>
          %add3A_1160 = arith.addf %add3A_1096, %mul3A_1159 : vector<16xf32>
          %add3A_1161 = arith.constant 96 : i32
          %add3A_1162 = arith.addi %add3A_1118, %add3A_1161 : i32
          %get3A_1163 = arith.index_cast %add3A_1162 : i32 to index
          %get3A_1164 = tpu.vector_load %arg12[%get3A_1163] {strides = array<i32>} : memref<30720xf32, #tpu.memory_space<vmem>>, vector<16xf32>,
          %mul3A_1165 = vector.broadcast %mul3A_1113 : f32 to vector<16xf32>
          %mul3A_1166 = arith.mulf %mul3A_1165, %get3A_1164 : vector<16xf32>
          %add3A_1167 = arith.addf %add3A_1103, %mul3A_1166 : vector<16xf32>
          %add3A_1168 = arith.constant 112 : i32
          %add3A_1169 = arith.addi %add3A_1118, %add3A_1168 : i32
          %get3A_1170 = arith.index_cast %add3A_1169 : i32 to index
          %get3A_1171 = tpu.vector_load %arg12[%get3A_1170] {strides = array<i32>} : memref<30720xf32, #tpu.memory_space<vmem>>, vector<16xf32>,
          %mul3A_1172 = vector.broadcast %mul3A_1113 : f32 to vector<16xf32>
          %mul3A_1173 = arith.mulf %mul3A_1172, %get3A_1171 : vector<16xf32>
          %add3A_1174 = arith.addf %add3A_1110, %mul3A_1173 : vector<16xf32>
          scf.yield %add3A_1125, %add3A_1132, %add3A_1139, %add3A_1146, %add3A_1153, %add3A_1160, %add3A_1167, %add3A_1174 : vector<16xf32>, vector<16xf32>, vector<16xf32>, vector<16xf32>, vector<16xf32>, vector<16xf32>, vector<16xf32>, vector<16xf32>
        }
        %while3A_851 = arith.constant 1 : i32
        %while3A_852:8 = scf.for %while3A_904 = %while3A_848 to %while3A_844 step %while3A_851 iter_args(%while3A_905 = %while3A_850#0, %while3A_906 = %while3A_850#1, %while3A_907 = %while3A_850#2, %while3A_908 = %while3A_850#3, %while3A_909 = %while3A_850#4, %while3A_910 = %while3A_850#5, %while3A_911 = %while3A_850#6, %while3A_912 = %while3A_850#7) -> (vector<16xf32>, vector<16xf32>, vector<16xf32>, vector<16xf32>, vector<16xf32>, vector<16xf32>, vector<16xf32>, vector<16xf32>)  : i32 {
          %mul3A_913 = arith.constant 4 : i32
          %mul3A_914 = arith.muli %while3A_904, %mul3A_913 : i32
          %add3A_915 = arith.addi %squeeze3A_817, %mul3A_914 : i32
          %add3A_916 = arith.addi %mul3A_591, %add3A_915 : i32
          %get3A_917 = arith.index_cast %add3A_916 : i32 to index
          %get3A_918 = tpu.vector_load %arg8[%get3A_917] {strides = array<i32>} : memref<288xf32, #tpu.memory_space<vmem>>, vector<16xf32>,
          %slice3A_919 = vector.extract_strided_slice %get3A_918 {offsets = [0], sizes = [1], strides = [1]} : vector<16xf32> to vector<1xf32>
          %squeeze3A_920 = vector.extract %slice3A_919[0] : f32 from vector<1xf32>
          %mul3A_921 = arith.mulf %squeeze3A_920, %squeeze3A_823 : f32
          %add3A_922 = arith.constant 0 : i32
          %add3A_923 = arith.addi %add3A_915, %add3A_922 : i32
          %mul3A_924 = arith.constant 128 : i32
          %mul3A_925 = arith.muli %add3A_923, %mul3A_924 : i32
          %add3A_926 = arith.addi %mul3A_593, %mul3A_925 : i32
          %add3A_927 = arith.constant 0 : i32
          %add3A_928 = arith.addi %add3A_926, %add3A_927 : i32
          %get3A_929 = arith.index_cast %add3A_928 : i32 to index
          %get3A_930 = tpu.vector_load %arg12[%get3A_929] {strides = array<i32>} : memref<30720xf32, #tpu.memory_space<vmem>>, vector<16xf32>,
          %mul3A_931 = vector.broadcast %mul3A_921 : f32 to vector<16xf32>
          %mul3A_932 = arith.mulf %mul3A_931, %get3A_930 : vector<16xf32>
          %add3A_933 = arith.addf %while3A_905, %mul3A_932 : vector<16xf32>
          %add3A_934 = arith.constant 16 : i32
          %add3A_935 = arith.addi %add3A_926, %add3A_934 : i32
          %get3A_936 = arith.index_cast %add3A_935 : i32 to index
          %get3A_937 = tpu.vector_load %arg12[%get3A_936] {strides = array<i32>} : memref<30720xf32, #tpu.memory_space<vmem>>, vector<16xf32>,
          %mul3A_938 = vector.broadcast %mul3A_921 : f32 to vector<16xf32>
          %mul3A_939 = arith.mulf %mul3A_938, %get3A_937 : vector<16xf32>
          %add3A_940 = arith.addf %while3A_906, %mul3A_939 : vector<16xf32>
          %add3A_941 = arith.constant 32 : i32
          %add3A_942 = arith.addi %add3A_926, %add3A_941 : i32
          %get3A_943 = arith.index_cast %add3A_942 : i32 to index
          %get3A_944 = tpu.vector_load %arg12[%get3A_943] {strides = array<i32>} : memref<30720xf32, #tpu.memory_space<vmem>>, vector<16xf32>,
          %mul3A_945 = vector.broadcast %mul3A_921 : f32 to vector<16xf32>
          %mul3A_946 = arith.mulf %mul3A_945, %get3A_944 : vector<16xf32>
          %add3A_947 = arith.addf %while3A_907, %mul3A_946 : vector<16xf32>
          %add3A_948 = arith.constant 48 : i32
          %add3A_949 = arith.addi %add3A_926, %add3A_948 : i32
          %get3A_950 = arith.index_cast %add3A_949 : i32 to index
          %get3A_951 = tpu.vector_load %arg12[%get3A_950] {strides = array<i32>} : memref<30720xf32, #tpu.memory_space<vmem>>, vector<16xf32>,
          %mul3A_952 = vector.broadcast %mul3A_921 : f32 to vector<16xf32>
          %mul3A_953 = arith.mulf %mul3A_952, %get3A_951 : vector<16xf32>
          %add3A_954 = arith.addf %while3A_908, %mul3A_953 : vector<16xf32>
          %add3A_955 = arith.constant 64 : i32
          %add3A_956 = arith.addi %add3A_926, %add3A_955 : i32
          %get3A_957 = arith.index_cast %add3A_956 : i32 to index
          %get3A_958 = tpu.vector_load %arg12[%get3A_957] {strides = array<i32>} : memref<30720xf32, #tpu.memory_space<vmem>>, vector<16xf32>,
          %mul3A_959 = vector.broadcast %mul3A_921 : f32 to vector<16xf32>
          %mul3A_960 = arith.mulf %mul3A_959, %get3A_958 : vector<16xf32>
          %add3A_961 = arith.addf %while3A_909, %mul3A_960 : vector<16xf32>
          %add3A_962 = arith.constant 80 : i32
          %add3A_963 = arith.addi %add3A_926, %add3A_962 : i32
          %get3A_964 = arith.index_cast %add3A_963 : i32 to index
          %get3A_965 = tpu.vector_load %arg12[%get3A_964] {strides = array<i32>} : memref<30720xf32, #tpu.memory_space<vmem>>, vector<16xf32>,
          %mul3A_966 = vector.broadcast %mul3A_921 : f32 to vector<16xf32>
          %mul3A_967 = arith.mulf %mul3A_966, %get3A_965 : vector<16xf32>
          %add3A_968 = arith.addf %while3A_910, %mul3A_967 : vector<16xf32>
          %add3A_969 = arith.constant 96 : i32
          %add3A_970 = arith.addi %add3A_926, %add3A_969 : i32
          %get3A_971 = arith.index_cast %add3A_970 : i32 to index
          %get3A_972 = tpu.vector_load %arg12[%get3A_971] {strides = array<i32>} : memref<30720xf32, #tpu.memory_space<vmem>>, vector<16xf32>,
          %mul3A_973 = vector.broadcast %mul3A_921 : f32 to vector<16xf32>
          %mul3A_974 = arith.mulf %mul3A_973, %get3A_972 : vector<16xf32>
          %add3A_975 = arith.addf %while3A_911, %mul3A_974 : vector<16xf32>
          %add3A_976 = arith.constant 112 : i32
          %add3A_977 = arith.addi %add3A_926, %add3A_976 : i32
          %get3A_978 = arith.index_cast %add3A_977 : i32 to index
          %get3A_979 = tpu.vector_load %arg12[%get3A_978] {strides = array<i32>} : memref<30720xf32, #tpu.memory_space<vmem>>, vector<16xf32>,
          %mul3A_980 = vector.broadcast %mul3A_921 : f32 to vector<16xf32>
          %mul3A_981 = arith.mulf %mul3A_980, %get3A_979 : vector<16xf32>
          %add3A_982 = arith.addf %while3A_912, %mul3A_981 : vector<16xf32>
          %slice3A_983 = vector.extract_strided_slice %get3A_918 {offsets = [1], sizes = [1], strides = [1]} : vector<16xf32> to vector<1xf32>
          %squeeze3A_984 = vector.extract %slice3A_983[0] : f32 from vector<1xf32>
          %mul3A_985 = arith.mulf %squeeze3A_984, %squeeze3A_823 : f32
          %add3A_986 = arith.constant 1 : i32
          %add3A_987 = arith.addi %add3A_915, %add3A_986 : i32
          %mul3A_988 = arith.constant 128 : i32
          %mul3A_989 = arith.muli %add3A_987, %mul3A_988 : i32
          %add3A_990 = arith.addi %mul3A_593, %mul3A_989 : i32
          %add3A_991 = arith.constant 0 : i32
          %add3A_992 = arith.addi %add3A_990, %add3A_991 : i32
          %get3A_993 = arith.index_cast %add3A_992 : i32 to index
          %get3A_994 = tpu.vector_load %arg12[%get3A_993] {strides = array<i32>} : memref<30720xf32, #tpu.memory_space<vmem>>, vector<16xf32>,
          %mul3A_995 = vector.broadcast %mul3A_985 : f32 to vector<16xf32>
          %mul3A_996 = arith.mulf %mul3A_995, %get3A_994 : vector<16xf32>
          %add3A_997 = arith.addf %add3A_933, %mul3A_996 : vector<16xf32>
          %add3A_998 = arith.constant 16 : i32
          %add3A_999 = arith.addi %add3A_990, %add3A_998 : i32
          %get3A_1000 = arith.index_cast %add3A_999 : i32 to index
          %get3A_1001 = tpu.vector_load %arg12[%get3A_1000] {strides = array<i32>} : memref<30720xf32, #tpu.memory_space<vmem>>, vector<16xf32>,
          %mul3A_1002 = vector.broadcast %mul3A_985 : f32 to vector<16xf32>
          %mul3A_1003 = arith.mulf %mul3A_1002, %get3A_1001 : vector<16xf32>
          %add3A_1004 = arith.addf %add3A_940, %mul3A_1003 : vector<16xf32>
          %add3A_1005 = arith.constant 32 : i32
          %add3A_1006 = arith.addi %add3A_990, %add3A_1005 : i32
          %get3A_1007 = arith.index_cast %add3A_1006 : i32 to index
          %get3A_1008 = tpu.vector_load %arg12[%get3A_1007] {strides = array<i32>} : memref<30720xf32, #tpu.memory_space<vmem>>, vector<16xf32>,
          %mul3A_1009 = vector.broadcast %mul3A_985 : f32 to vector<16xf32>
          %mul3A_1010 = arith.mulf %mul3A_1009, %get3A_1008 : vector<16xf32>
          %add3A_1011 = arith.addf %add3A_947, %mul3A_1010 : vector<16xf32>
          %add3A_1012 = arith.constant 48 : i32
          %add3A_1013 = arith.addi %add3A_990, %add3A_1012 : i32
          %get3A_1014 = arith.index_cast %add3A_1013 : i32 to index
          %get3A_1015 = tpu.vector_load %arg12[%get3A_1014] {strides = array<i32>} : memref<30720xf32, #tpu.memory_space<vmem>>, vector<16xf32>,
          %mul3A_1016 = vector.broadcast %mul3A_985 : f32 to vector<16xf32>
          %mul3A_1017 = arith.mulf %mul3A_1016, %get3A_1015 : vector<16xf32>
          %add3A_1018 = arith.addf %add3A_954, %mul3A_1017 : vector<16xf32>
          %add3A_1019 = arith.constant 64 : i32
          %add3A_1020 = arith.addi %add3A_990, %add3A_1019 : i32
          %get3A_1021 = arith.index_cast %add3A_1020 : i32 to index
          %get3A_1022 = tpu.vector_load %arg12[%get3A_1021] {strides = array<i32>} : memref<30720xf32, #tpu.memory_space<vmem>>, vector<16xf32>,
          %mul3A_1023 = vector.broadcast %mul3A_985 : f32 to vector<16xf32>
          %mul3A_1024 = arith.mulf %mul3A_1023, %get3A_1022 : vector<16xf32>
          %add3A_1025 = arith.addf %add3A_961, %mul3A_1024 : vector<16xf32>
          %add3A_1026 = arith.constant 80 : i32
          %add3A_1027 = arith.addi %add3A_990, %add3A_1026 : i32
          %get3A_1028 = arith.index_cast %add3A_1027 : i32 to index
          %get3A_1029 = tpu.vector_load %arg12[%get3A_1028] {strides = array<i32>} : memref<30720xf32, #tpu.memory_space<vmem>>, vector<16xf32>,
          %mul3A_1030 = vector.broadcast %mul3A_985 : f32 to vector<16xf32>
          %mul3A_1031 = arith.mulf %mul3A_1030, %get3A_1029 : vector<16xf32>
          %add3A_1032 = arith.addf %add3A_968, %mul3A_1031 : vector<16xf32>
          %add3A_1033 = arith.constant 96 : i32
          %add3A_1034 = arith.addi %add3A_990, %add3A_1033 : i32
          %get3A_1035 = arith.index_cast %add3A_1034 : i32 to index
          %get3A_1036 = tpu.vector_load %arg12[%get3A_1035] {strides = array<i32>} : memref<30720xf32, #tpu.memory_space<vmem>>, vector<16xf32>,
          %mul3A_1037 = vector.broadcast %mul3A_985 : f32 to vector<16xf32>
          %mul3A_1038 = arith.mulf %mul3A_1037, %get3A_1036 : vector<16xf32>
          %add3A_1039 = arith.addf %add3A_975, %mul3A_1038 : vector<16xf32>
          %add3A_1040 = arith.constant 112 : i32
          %add3A_1041 = arith.addi %add3A_990, %add3A_1040 : i32
          %get3A_1042 = arith.index_cast %add3A_1041 : i32 to index
          %get3A_1043 = tpu.vector_load %arg12[%get3A_1042] {strides = array<i32>} : memref<30720xf32, #tpu.memory_space<vmem>>, vector<16xf32>,
          %mul3A_1044 = vector.broadcast %mul3A_985 : f32 to vector<16xf32>
          %mul3A_1045 = arith.mulf %mul3A_1044, %get3A_1043 : vector<16xf32>
          %add3A_1046 = arith.addf %add3A_982, %mul3A_1045 : vector<16xf32>
          %slice3A_1047 = vector.extract_strided_slice %get3A_918 {offsets = [2], sizes = [1], strides = [1]} : vector<16xf32> to vector<1xf32>
          %squeeze3A_1048 = vector.extract %slice3A_1047[0] : f32 from vector<1xf32>
          %mul3A_1049 = arith.mulf %squeeze3A_1048, %squeeze3A_823 : f32
          %add3A_1050 = arith.constant 2 : i32
          %add3A_1051 = arith.addi %add3A_915, %add3A_1050 : i32
          %mul3A_1052 = arith.constant 128 : i32
          %mul3A_1053 = arith.muli %add3A_1051, %mul3A_1052 : i32
          %add3A_1054 = arith.addi %mul3A_593, %mul3A_1053 : i32
          %add3A_1055 = arith.constant 0 : i32
          %add3A_1056 = arith.addi %add3A_1054, %add3A_1055 : i32
          %get3A_1057 = arith.index_cast %add3A_1056 : i32 to index
          %get3A_1058 = tpu.vector_load %arg12[%get3A_1057] {strides = array<i32>} : memref<30720xf32, #tpu.memory_space<vmem>>, vector<16xf32>,
          %mul3A_1059 = vector.broadcast %mul3A_1049 : f32 to vector<16xf32>
          %mul3A_1060 = arith.mulf %mul3A_1059, %get3A_1058 : vector<16xf32>
          %add3A_1061 = arith.addf %add3A_997, %mul3A_1060 : vector<16xf32>
          %add3A_1062 = arith.constant 16 : i32
          %add3A_1063 = arith.addi %add3A_1054, %add3A_1062 : i32
          %get3A_1064 = arith.index_cast %add3A_1063 : i32 to index
          %get3A_1065 = tpu.vector_load %arg12[%get3A_1064] {strides = array<i32>} : memref<30720xf32, #tpu.memory_space<vmem>>, vector<16xf32>,
          %mul3A_1066 = vector.broadcast %mul3A_1049 : f32 to vector<16xf32>
          %mul3A_1067 = arith.mulf %mul3A_1066, %get3A_1065 : vector<16xf32>
          %add3A_1068 = arith.addf %add3A_1004, %mul3A_1067 : vector<16xf32>
          %add3A_1069 = arith.constant 32 : i32
          %add3A_1070 = arith.addi %add3A_1054, %add3A_1069 : i32
          %get3A_1071 = arith.index_cast %add3A_1070 : i32 to index
          %get3A_1072 = tpu.vector_load %arg12[%get3A_1071] {strides = array<i32>} : memref<30720xf32, #tpu.memory_space<vmem>>, vector<16xf32>,
          %mul3A_1073 = vector.broadcast %mul3A_1049 : f32 to vector<16xf32>
          %mul3A_1074 = arith.mulf %mul3A_1073, %get3A_1072 : vector<16xf32>
          %add3A_1075 = arith.addf %add3A_1011, %mul3A_1074 : vector<16xf32>
          %add3A_1076 = arith.constant 48 : i32
          %add3A_1077 = arith.addi %add3A_1054, %add3A_1076 : i32
          %get3A_1078 = arith.index_cast %add3A_1077 : i32 to index
          %get3A_1079 = tpu.vector_load %arg12[%get3A_1078] {strides = array<i32>} : memref<30720xf32, #tpu.memory_space<vmem>>, vector<16xf32>,
          %mul3A_1080 = vector.broadcast %mul3A_1049 : f32 to vector<16xf32>
          %mul3A_1081 = arith.mulf %mul3A_1080, %get3A_1079 : vector<16xf32>
          %add3A_1082 = arith.addf %add3A_1018, %mul3A_1081 : vector<16xf32>
          %add3A_1083 = arith.constant 64 : i32
          %add3A_1084 = arith.addi %add3A_1054, %add3A_1083 : i32
          %get3A_1085 = arith.index_cast %add3A_1084 : i32 to index
          %get3A_1086 = tpu.vector_load %arg12[%get3A_1085] {strides = array<i32>} : memref<30720xf32, #tpu.memory_space<vmem>>, vector<16xf32>,
          %mul3A_1087 = vector.broadcast %mul3A_1049 : f32 to vector<16xf32>
          %mul3A_1088 = arith.mulf %mul3A_1087, %get3A_1086 : vector<16xf32>
          %add3A_1089 = arith.addf %add3A_1025, %mul3A_1088 : vector<16xf32>
          %add3A_1090 = arith.constant 80 : i32
          %add3A_1091 = arith.addi %add3A_1054, %add3A_1090 : i32
          %get3A_1092 = arith.index_cast %add3A_1091 : i32 to index
          %get3A_1093 = tpu.vector_load %arg12[%get3A_1092] {strides = array<i32>} : memref<30720xf32, #tpu.memory_space<vmem>>, vector<16xf32>,
          %mul3A_1094 = vector.broadcast %mul3A_1049 : f32 to vector<16xf32>
          %mul3A_1095 = arith.mulf %mul3A_1094, %get3A_1093 : vector<16xf32>
          %add3A_1096 = arith.addf %add3A_1032, %mul3A_1095 : vector<16xf32>
          %add3A_1097 = arith.constant 96 : i32
          %add3A_1098 = arith.addi %add3A_1054, %add3A_1097 : i32
          %get3A_1099 = arith.index_cast %add3A_1098 : i32 to index
          %get3A_1100 = tpu.vector_load %arg12[%get3A_1099] {strides = array<i32>} : memref<30720xf32, #tpu.memory_space<vmem>>, vector<16xf32>,
          %mul3A_1101 = vector.broadcast %mul3A_1049 : f32 to vector<16xf32>
          %mul3A_1102 = arith.mulf %mul3A_1101, %get3A_1100 : vector<16xf32>
          %add3A_1103 = arith.addf %add3A_1039, %mul3A_1102 : vector<16xf32>
          %add3A_1104 = arith.constant 112 : i32
          %add3A_1105 = arith.addi %add3A_1054, %add3A_1104 : i32
          %get3A_1106 = arith.index_cast %add3A_1105 : i32 to index
          %get3A_1107 = tpu.vector_load %arg12[%get3A_1106] {strides = array<i32>} : memref<30720xf32, #tpu.memory_space<vmem>>, vector<16xf32>,
          %mul3A_1108 = vector.broadcast %mul3A_1049 : f32 to vector<16xf32>
          %mul3A_1109 = arith.mulf %mul3A_1108, %get3A_1107 : vector<16xf32>
          %add3A_1110 = arith.addf %add3A_1046, %mul3A_1109 : vector<16xf32>
          %slice3A_1111 = vector.extract_strided_slice %get3A_918 {offsets = [3], sizes = [1], strides = [1]} : vector<16xf32> to vector<1xf32>
          %squeeze3A_1112 = vector.extract %slice3A_1111[0] : f32 from vector<1xf32>
          %mul3A_1113 = arith.mulf %squeeze3A_1112, %squeeze3A_823 : f32
          %add3A_1114 = arith.constant 3 : i32
          %add3A_1115 = arith.addi %add3A_915, %add3A_1114 : i32
          %mul3A_1116 = arith.constant 128 : i32
          %mul3A_1117 = arith.muli %add3A_1115, %mul3A_1116 : i32
          %add3A_1118 = arith.addi %mul3A_593, %mul3A_1117 : i32
          %add3A_1119 = arith.constant 0 : i32
          %add3A_1120 = arith.addi %add3A_1118, %add3A_1119 : i32
          %get3A_1121 = arith.index_cast %add3A_1120 : i32 to index
          %get3A_1122 = tpu.vector_load %arg12[%get3A_1121] {strides = array<i32>} : memref<30720xf32, #tpu.memory_space<vmem>>, vector<16xf32>,
          %mul3A_1123 = vector.broadcast %mul3A_1113 : f32 to vector<16xf32>
          %mul3A_1124 = arith.mulf %mul3A_1123, %get3A_1122 : vector<16xf32>
          %add3A_1125 = arith.addf %add3A_1061, %mul3A_1124 : vector<16xf32>
          %add3A_1126 = arith.constant 16 : i32
          %add3A_1127 = arith.addi %add3A_1118, %add3A_1126 : i32
          %get3A_1128 = arith.index_cast %add3A_1127 : i32 to index
          %get3A_1129 = tpu.vector_load %arg12[%get3A_1128] {strides = array<i32>} : memref<30720xf32, #tpu.memory_space<vmem>>, vector<16xf32>,
          %mul3A_1130 = vector.broadcast %mul3A_1113 : f32 to vector<16xf32>
          %mul3A_1131 = arith.mulf %mul3A_1130, %get3A_1129 : vector<16xf32>
          %add3A_1132 = arith.addf %add3A_1068, %mul3A_1131 : vector<16xf32>
          %add3A_1133 = arith.constant 32 : i32
          %add3A_1134 = arith.addi %add3A_1118, %add3A_1133 : i32
          %get3A_1135 = arith.index_cast %add3A_1134 : i32 to index
          %get3A_1136 = tpu.vector_load %arg12[%get3A_1135] {strides = array<i32>} : memref<30720xf32, #tpu.memory_space<vmem>>, vector<16xf32>,
          %mul3A_1137 = vector.broadcast %mul3A_1113 : f32 to vector<16xf32>
          %mul3A_1138 = arith.mulf %mul3A_1137, %get3A_1136 : vector<16xf32>
          %add3A_1139 = arith.addf %add3A_1075, %mul3A_1138 : vector<16xf32>
          %add3A_1140 = arith.constant 48 : i32
          %add3A_1141 = arith.addi %add3A_1118, %add3A_1140 : i32
          %get3A_1142 = arith.index_cast %add3A_1141 : i32 to index
          %get3A_1143 = tpu.vector_load %arg12[%get3A_1142] {strides = array<i32>} : memref<30720xf32, #tpu.memory_space<vmem>>, vector<16xf32>,
          %mul3A_1144 = vector.broadcast %mul3A_1113 : f32 to vector<16xf32>
          %mul3A_1145 = arith.mulf %mul3A_1144, %get3A_1143 : vector<16xf32>
          %add3A_1146 = arith.addf %add3A_1082, %mul3A_1145 : vector<16xf32>
          %add3A_1147 = arith.constant 64 : i32
          %add3A_1148 = arith.addi %add3A_1118, %add3A_1147 : i32
          %get3A_1149 = arith.index_cast %add3A_1148 : i32 to index
          %get3A_1150 = tpu.vector_load %arg12[%get3A_1149] {strides = array<i32>} : memref<30720xf32, #tpu.memory_space<vmem>>, vector<16xf32>,
          %mul3A_1151 = vector.broadcast %mul3A_1113 : f32 to vector<16xf32>
          %mul3A_1152 = arith.mulf %mul3A_1151, %get3A_1150 : vector<16xf32>
          %add3A_1153 = arith.addf %add3A_1089, %mul3A_1152 : vector<16xf32>
          %add3A_1154 = arith.constant 80 : i32
          %add3A_1155 = arith.addi %add3A_1118, %add3A_1154 : i32
          %get3A_1156 = arith.index_cast %add3A_1155 : i32 to index
          %get3A_1157 = tpu.vector_load %arg12[%get3A_1156] {strides = array<i32>} : memref<30720xf32, #tpu.memory_space<vmem>>, vector<16xf32>,
          %mul3A_1158 = vector.broadcast %mul3A_1113 : f32 to vector<16xf32>
          %mul3A_1159 = arith.mulf %mul3A_1158, %get3A_1157 : vector<16xf32>
          %add3A_1160 = arith.addf %add3A_1096, %mul3A_1159 : vector<16xf32>
          %add3A_1161 = arith.constant 96 : i32
          %add3A_1162 = arith.addi %add3A_1118, %add3A_1161 : i32
          %get3A_1163 = arith.index_cast %add3A_1162 : i32 to index
          %get3A_1164 = tpu.vector_load %arg12[%get3A_1163] {strides = array<i32>} : memref<30720xf32, #tpu.memory_space<vmem>>, vector<16xf32>,
          %mul3A_1165 = vector.broadcast %mul3A_1113 : f32 to vector<16xf32>
          %mul3A_1166 = arith.mulf %mul3A_1165, %get3A_1164 : vector<16xf32>
          %add3A_1167 = arith.addf %add3A_1103, %mul3A_1166 : vector<16xf32>
          %add3A_1168 = arith.constant 112 : i32
          %add3A_1169 = arith.addi %add3A_1118, %add3A_1168 : i32
          %get3A_1170 = arith.index_cast %add3A_1169 : i32 to index
          %get3A_1171 = tpu.vector_load %arg12[%get3A_1170] {strides = array<i32>} : memref<30720xf32, #tpu.memory_space<vmem>>, vector<16xf32>,
          %mul3A_1172 = vector.broadcast %mul3A_1113 : f32 to vector<16xf32>
          %mul3A_1173 = arith.mulf %mul3A_1172, %get3A_1171 : vector<16xf32>
          %add3A_1174 = arith.addf %add3A_1110, %mul3A_1173 : vector<16xf32>
          scf.yield %add3A_1125, %add3A_1132, %add3A_1139, %add3A_1146, %add3A_1153, %add3A_1160, %add3A_1167, %add3A_1174 : vector<16xf32>, vector<16xf32>, vector<16xf32>, vector<16xf32>, vector<16xf32>, vector<16xf32>, vector<16xf32>, vector<16xf32>
        }
        %and3A = arith.constant 3 : i32
        %and3A_853 = arith.andi %sub3A_824, %and3A : i32
        %sub3A_854 = arith.subi %squeeze3A_819, %and3A_853 : i32
        %while3A_855 = arith.subi %squeeze3A_819, %sub3A_854 : i32
        %while3A_856 = arith.addi %sub3A_854, %while3A_855 : i32
        %while3A_857 = arith.constant 1 : i32
        %while3A_858 = arith.divsi %while3A_855, %while3A_857 : i32
        %while3A_859 = arith.muli %while3A_858, %while3A_857 : i32
        %while3A_860 = arith.addi %sub3A_854, %while3A_859 : i32
        %while3A_861 = arith.constant 1 : i32
        %while3A_862:8 = scf.for %while3A_904 = %sub3A_854 to %while3A_860 step %while3A_861 iter_args(%while3A_905 = %while3A_852#0, %while3A_906 = %while3A_852#1, %while3A_907 = %while3A_852#2, %while3A_908 = %while3A_852#3, %while3A_909 = %while3A_852#4, %while3A_910 = %while3A_852#5, %while3A_911 = %while3A_852#6, %while3A_912 = %while3A_852#7) -> (vector<16xf32>, vector<16xf32>, vector<16xf32>, vector<16xf32>, vector<16xf32>, vector<16xf32>, vector<16xf32>, vector<16xf32>)  : i32 {
          %add3A_913 = arith.addi %mul3A_591, %while3A_904 : i32
          %get3A_914 = arith.index_cast %add3A_913 : i32 to index
          %get3A_915 = tpu.vector_load %arg8[%get3A_914] {strides = array<i32>} : memref<288xf32, #tpu.memory_space<vmem>>, vector<16xf32>,
          %slice3A_916 = vector.extract_strided_slice %get3A_915 {offsets = [0], sizes = [1], strides = [1]} : vector<16xf32> to vector<1xf32>
          %squeeze3A_917 = vector.extract %slice3A_916[0] : f32 from vector<1xf32>
          %mul3A_918 = arith.mulf %squeeze3A_917, %squeeze3A_823 : f32
          %mul3A_919 = arith.constant 128 : i32
          %mul3A_920 = arith.muli %while3A_904, %mul3A_919 : i32
          %add3A_921 = arith.addi %mul3A_593, %mul3A_920 : i32
          %add3A_922 = arith.constant 0 : i32
          %add3A_923 = arith.addi %add3A_921, %add3A_922 : i32
          %get3A_924 = arith.index_cast %add3A_923 : i32 to index
          %get3A_925 = tpu.vector_load %arg12[%get3A_924] {strides = array<i32>} : memref<30720xf32, #tpu.memory_space<vmem>>, vector<16xf32>,
          %mul3A_926 = vector.broadcast %mul3A_918 : f32 to vector<16xf32>
          %mul3A_927 = arith.mulf %mul3A_926, %get3A_925 : vector<16xf32>
          %add3A_928 = arith.addf %while3A_905, %mul3A_927 : vector<16xf32>
          %mul3A_929 = arith.constant 128 : i32
          %mul3A_930 = arith.muli %while3A_904, %mul3A_929 : i32
          %add3A_931 = arith.addi %mul3A_593, %mul3A_930 : i32
          %add3A_932 = arith.constant 16 : i32
          %add3A_933 = arith.addi %add3A_931, %add3A_932 : i32
          %get3A_934 = arith.index_cast %add3A_933 : i32 to index
          %get3A_935 = tpu.vector_load %arg12[%get3A_934] {strides = array<i32>} : memref<30720xf32, #tpu.memory_space<vmem>>, vector<16xf32>,
          %mul3A_936 = vector.broadcast %mul3A_918 : f32 to vector<16xf32>
          %mul3A_937 = arith.mulf %mul3A_936, %get3A_935 : vector<16xf32>
          %add3A_938 = arith.addf %while3A_906, %mul3A_937 : vector<16xf32>
          %mul3A_939 = arith.constant 128 : i32
          %mul3A_940 = arith.muli %while3A_904, %mul3A_939 : i32
          %add3A_941 = arith.addi %mul3A_593, %mul3A_940 : i32
          %add3A_942 = arith.constant 32 : i32
          %add3A_943 = arith.addi %add3A_941, %add3A_942 : i32
          %get3A_944 = arith.index_cast %add3A_943 : i32 to index
          %get3A_945 = tpu.vector_load %arg12[%get3A_944] {strides = array<i32>} : memref<30720xf32, #tpu.memory_space<vmem>>, vector<16xf32>,
          %mul3A_946 = vector.broadcast %mul3A_918 : f32 to vector<16xf32>
          %mul3A_947 = arith.mulf %mul3A_946, %get3A_945 : vector<16xf32>
          %add3A_948 = arith.addf %while3A_907, %mul3A_947 : vector<16xf32>
          %mul3A_949 = arith.constant 128 : i32
          %mul3A_950 = arith.muli %while3A_904, %mul3A_949 : i32
          %add3A_951 = arith.addi %mul3A_593, %mul3A_950 : i32
          %add3A_952 = arith.constant 48 : i32
          %add3A_953 = arith.addi %add3A_951, %add3A_952 : i32
          %get3A_954 = arith.index_cast %add3A_953 : i32 to index
          %get3A_955 = tpu.vector_load %arg12[%get3A_954] {strides = array<i32>} : memref<30720xf32, #tpu.memory_space<vmem>>, vector<16xf32>,
          %mul3A_956 = vector.broadcast %mul3A_918 : f32 to vector<16xf32>
          %mul3A_957 = arith.mulf %mul3A_956, %get3A_955 : vector<16xf32>
          %add3A_958 = arith.addf %while3A_908, %mul3A_957 : vector<16xf32>
          %mul3A_959 = arith.constant 128 : i32
          %mul3A_960 = arith.muli %while3A_904, %mul3A_959 : i32
          %add3A_961 = arith.addi %mul3A_593, %mul3A_960 : i32
          %add3A_962 = arith.constant 64 : i32
          %add3A_963 = arith.addi %add3A_961, %add3A_962 : i32
          %get3A_964 = arith.index_cast %add3A_963 : i32 to index
          %get3A_965 = tpu.vector_load %arg12[%get3A_964] {strides = array<i32>} : memref<30720xf32, #tpu.memory_space<vmem>>, vector<16xf32>,
          %mul3A_966 = vector.broadcast %mul3A_918 : f32 to vector<16xf32>
          %mul3A_967 = arith.mulf %mul3A_966, %get3A_965 : vector<16xf32>
          %add3A_968 = arith.addf %while3A_909, %mul3A_967 : vector<16xf32>
          %mul3A_969 = arith.constant 128 : i32
          %mul3A_970 = arith.muli %while3A_904, %mul3A_969 : i32
          %add3A_971 = arith.addi %mul3A_593, %mul3A_970 : i32
          %add3A_972 = arith.constant 80 : i32
          %add3A_973 = arith.addi %add3A_971, %add3A_972 : i32
          %get3A_974 = arith.index_cast %add3A_973 : i32 to index
          %get3A_975 = tpu.vector_load %arg12[%get3A_974] {strides = array<i32>} : memref<30720xf32, #tpu.memory_space<vmem>>, vector<16xf32>,
          %mul3A_976 = vector.broadcast %mul3A_918 : f32 to vector<16xf32>
          %mul3A_977 = arith.mulf %mul3A_976, %get3A_975 : vector<16xf32>
          %add3A_978 = arith.addf %while3A_910, %mul3A_977 : vector<16xf32>
          %mul3A_979 = arith.constant 128 : i32
          %mul3A_980 = arith.muli %while3A_904, %mul3A_979 : i32
          %add3A_981 = arith.addi %mul3A_593, %mul3A_980 : i32
          %add3A_982 = arith.constant 96 : i32
          %add3A_983 = arith.addi %add3A_981, %add3A_982 : i32
          %get3A_984 = arith.index_cast %add3A_983 : i32 to index
          %get3A_985 = tpu.vector_load %arg12[%get3A_984] {strides = array<i32>} : memref<30720xf32, #tpu.memory_space<vmem>>, vector<16xf32>,
          %mul3A_986 = vector.broadcast %mul3A_918 : f32 to vector<16xf32>
          %mul3A_987 = arith.mulf %mul3A_986, %get3A_985 : vector<16xf32>
          %add3A_988 = arith.addf %while3A_911, %mul3A_987 : vector<16xf32>
          %mul3A_989 = arith.constant 128 : i32
          %mul3A_990 = arith.muli %while3A_904, %mul3A_989 : i32
          %add3A_991 = arith.addi %mul3A_593, %mul3A_990 : i32
          %add3A_992 = arith.constant 112 : i32
          %add3A_993 = arith.addi %add3A_991, %add3A_992 : i32
          %get3A_994 = arith.index_cast %add3A_993 : i32 to index
          %get3A_995 = tpu.vector_load %arg12[%get3A_994] {strides = array<i32>} : memref<30720xf32, #tpu.memory_space<vmem>>, vector<16xf32>,
          %mul3A_996 = vector.broadcast %mul3A_918 : f32 to vector<16xf32>
          %mul3A_997 = arith.mulf %mul3A_996, %get3A_995 : vector<16xf32>
          %add3A_998 = arith.addf %while3A_912, %mul3A_997 : vector<16xf32>
          scf.yield %add3A_928, %add3A_938, %add3A_948, %add3A_958, %add3A_968, %add3A_978, %add3A_988, %add3A_998 : vector<16xf32>, vector<16xf32>, vector<16xf32>, vector<16xf32>, vector<16xf32>, vector<16xf32>, vector<16xf32>, vector<16xf32>
        }
        %while3A_863 = arith.constant 1 : i32
        %while3A_864:8 = scf.for %while3A_904 = %while3A_860 to %while3A_856 step %while3A_863 iter_args(%while3A_905 = %while3A_862#0, %while3A_906 = %while3A_862#1, %while3A_907 = %while3A_862#2, %while3A_908 = %while3A_862#3, %while3A_909 = %while3A_862#4, %while3A_910 = %while3A_862#5, %while3A_911 = %while3A_862#6, %while3A_912 = %while3A_862#7) -> (vector<16xf32>, vector<16xf32>, vector<16xf32>, vector<16xf32>, vector<16xf32>, vector<16xf32>, vector<16xf32>, vector<16xf32>)  : i32 {
          %add3A_913 = arith.addi %mul3A_591, %while3A_904 : i32
          %get3A_914 = arith.index_cast %add3A_913 : i32 to index
          %get3A_915 = tpu.vector_load %arg8[%get3A_914] {strides = array<i32>} : memref<288xf32, #tpu.memory_space<vmem>>, vector<16xf32>,
          %slice3A_916 = vector.extract_strided_slice %get3A_915 {offsets = [0], sizes = [1], strides = [1]} : vector<16xf32> to vector<1xf32>
          %squeeze3A_917 = vector.extract %slice3A_916[0] : f32 from vector<1xf32>
          %mul3A_918 = arith.mulf %squeeze3A_917, %squeeze3A_823 : f32
          %mul3A_919 = arith.constant 128 : i32
          %mul3A_920 = arith.muli %while3A_904, %mul3A_919 : i32
          %add3A_921 = arith.addi %mul3A_593, %mul3A_920 : i32
          %add3A_922 = arith.constant 0 : i32
          %add3A_923 = arith.addi %add3A_921, %add3A_922 : i32
          %get3A_924 = arith.index_cast %add3A_923 : i32 to index
          %get3A_925 = tpu.vector_load %arg12[%get3A_924] {strides = array<i32>} : memref<30720xf32, #tpu.memory_space<vmem>>, vector<16xf32>,
          %mul3A_926 = vector.broadcast %mul3A_918 : f32 to vector<16xf32>
          %mul3A_927 = arith.mulf %mul3A_926, %get3A_925 : vector<16xf32>
          %add3A_928 = arith.addf %while3A_905, %mul3A_927 : vector<16xf32>
          %mul3A_929 = arith.constant 128 : i32
          %mul3A_930 = arith.muli %while3A_904, %mul3A_929 : i32
          %add3A_931 = arith.addi %mul3A_593, %mul3A_930 : i32
          %add3A_932 = arith.constant 16 : i32
          %add3A_933 = arith.addi %add3A_931, %add3A_932 : i32
          %get3A_934 = arith.index_cast %add3A_933 : i32 to index
          %get3A_935 = tpu.vector_load %arg12[%get3A_934] {strides = array<i32>} : memref<30720xf32, #tpu.memory_space<vmem>>, vector<16xf32>,
          %mul3A_936 = vector.broadcast %mul3A_918 : f32 to vector<16xf32>
          %mul3A_937 = arith.mulf %mul3A_936, %get3A_935 : vector<16xf32>
          %add3A_938 = arith.addf %while3A_906, %mul3A_937 : vector<16xf32>
          %mul3A_939 = arith.constant 128 : i32
          %mul3A_940 = arith.muli %while3A_904, %mul3A_939 : i32
          %add3A_941 = arith.addi %mul3A_593, %mul3A_940 : i32
          %add3A_942 = arith.constant 32 : i32
          %add3A_943 = arith.addi %add3A_941, %add3A_942 : i32
          %get3A_944 = arith.index_cast %add3A_943 : i32 to index
          %get3A_945 = tpu.vector_load %arg12[%get3A_944] {strides = array<i32>} : memref<30720xf32, #tpu.memory_space<vmem>>, vector<16xf32>,
          %mul3A_946 = vector.broadcast %mul3A_918 : f32 to vector<16xf32>
          %mul3A_947 = arith.mulf %mul3A_946, %get3A_945 : vector<16xf32>
          %add3A_948 = arith.addf %while3A_907, %mul3A_947 : vector<16xf32>
          %mul3A_949 = arith.constant 128 : i32
          %mul3A_950 = arith.muli %while3A_904, %mul3A_949 : i32
          %add3A_951 = arith.addi %mul3A_593, %mul3A_950 : i32
          %add3A_952 = arith.constant 48 : i32
          %add3A_953 = arith.addi %add3A_951, %add3A_952 : i32
          %get3A_954 = arith.index_cast %add3A_953 : i32 to index
          %get3A_955 = tpu.vector_load %arg12[%get3A_954] {strides = array<i32>} : memref<30720xf32, #tpu.memory_space<vmem>>, vector<16xf32>,
          %mul3A_956 = vector.broadcast %mul3A_918 : f32 to vector<16xf32>
          %mul3A_957 = arith.mulf %mul3A_956, %get3A_955 : vector<16xf32>
          %add3A_958 = arith.addf %while3A_908, %mul3A_957 : vector<16xf32>
          %mul3A_959 = arith.constant 128 : i32
          %mul3A_960 = arith.muli %while3A_904, %mul3A_959 : i32
          %add3A_961 = arith.addi %mul3A_593, %mul3A_960 : i32
          %add3A_962 = arith.constant 64 : i32
          %add3A_963 = arith.addi %add3A_961, %add3A_962 : i32
          %get3A_964 = arith.index_cast %add3A_963 : i32 to index
          %get3A_965 = tpu.vector_load %arg12[%get3A_964] {strides = array<i32>} : memref<30720xf32, #tpu.memory_space<vmem>>, vector<16xf32>,
          %mul3A_966 = vector.broadcast %mul3A_918 : f32 to vector<16xf32>
          %mul3A_967 = arith.mulf %mul3A_966, %get3A_965 : vector<16xf32>
          %add3A_968 = arith.addf %while3A_909, %mul3A_967 : vector<16xf32>
          %mul3A_969 = arith.constant 128 : i32
          %mul3A_970 = arith.muli %while3A_904, %mul3A_969 : i32
          %add3A_971 = arith.addi %mul3A_593, %mul3A_970 : i32
          %add3A_972 = arith.constant 80 : i32
          %add3A_973 = arith.addi %add3A_971, %add3A_972 : i32
          %get3A_974 = arith.index_cast %add3A_973 : i32 to index
          %get3A_975 = tpu.vector_load %arg12[%get3A_974] {strides = array<i32>} : memref<30720xf32, #tpu.memory_space<vmem>>, vector<16xf32>,
          %mul3A_976 = vector.broadcast %mul3A_918 : f32 to vector<16xf32>
          %mul3A_977 = arith.mulf %mul3A_976, %get3A_975 : vector<16xf32>
          %add3A_978 = arith.addf %while3A_910, %mul3A_977 : vector<16xf32>
          %mul3A_979 = arith.constant 128 : i32
          %mul3A_980 = arith.muli %while3A_904, %mul3A_979 : i32
          %add3A_981 = arith.addi %mul3A_593, %mul3A_980 : i32
          %add3A_982 = arith.constant 96 : i32
          %add3A_983 = arith.addi %add3A_981, %add3A_982 : i32
          %get3A_984 = arith.index_cast %add3A_983 : i32 to index
          %get3A_985 = tpu.vector_load %arg12[%get3A_984] {strides = array<i32>} : memref<30720xf32, #tpu.memory_space<vmem>>, vector<16xf32>,
          %mul3A_986 = vector.broadcast %mul3A_918 : f32 to vector<16xf32>
          %mul3A_987 = arith.mulf %mul3A_986, %get3A_985 : vector<16xf32>
          %add3A_988 = arith.addf %while3A_911, %mul3A_987 : vector<16xf32>
          %mul3A_989 = arith.constant 128 : i32
          %mul3A_990 = arith.muli %while3A_904, %mul3A_989 : i32
          %add3A_991 = arith.addi %mul3A_593, %mul3A_990 : i32
          %add3A_992 = arith.constant 112 : i32
          %add3A_993 = arith.addi %add3A_991, %add3A_992 : i32
          %get3A_994 = arith.index_cast %add3A_993 : i32 to index
          %get3A_995 = tpu.vector_load %arg12[%get3A_994] {strides = array<i32>} : memref<30720xf32, #tpu.memory_space<vmem>>, vector<16xf32>,
          %mul3A_996 = vector.broadcast %mul3A_918 : f32 to vector<16xf32>
          %mul3A_997 = arith.mulf %mul3A_996, %get3A_995 : vector<16xf32>
          %add3A_998 = arith.addf %while3A_912, %mul3A_997 : vector<16xf32>
          scf.yield %add3A_928, %add3A_938, %add3A_948, %add3A_958, %add3A_968, %add3A_978, %add3A_988, %add3A_998 : vector<16xf32>, vector<16xf32>, vector<16xf32>, vector<16xf32>, vector<16xf32>, vector<16xf32>, vector<16xf32>, vector<16xf32>
        }
        %swap3A_865 = arith.index_cast %while3A_808 : i32 to index
        %swap3A_866 = arith.constant 0 : index
        %swap3A_867 = tpu.vector_load %arg13[%swap3A_865, %swap3A_866] {strides = array<i32>} : memref<16x128xf32, #tpu.memory_space<vmem>>, vector<16xf32>,
        tpu.vector_store %arg13[%swap3A_865, %swap3A_866], %while3A_864#0 {strides = array<i32>} : memref<16x128xf32, #tpu.memory_space<vmem>>, vector<16xf32>,
        %swap3A_868 = arith.index_cast %while3A_808 : i32 to index
        %swap3A_869 = arith.constant 16 : index
        %swap3A_870 = tpu.vector_load %arg13[%swap3A_868, %swap3A_869] {strides = array<i32>} : memref<16x128xf32, #tpu.memory_space<vmem>>, vector<16xf32>,
        tpu.vector_store %arg13[%swap3A_868, %swap3A_869], %while3A_864#1 {strides = array<i32>} : memref<16x128xf32, #tpu.memory_space<vmem>>, vector<16xf32>,
        %swap3A_871 = arith.index_cast %while3A_808 : i32 to index
        %swap3A_872 = arith.constant 32 : index
        %swap3A_873 = tpu.vector_load %arg13[%swap3A_871, %swap3A_872] {strides = array<i32>} : memref<16x128xf32, #tpu.memory_space<vmem>>, vector<16xf32>,
        tpu.vector_store %arg13[%swap3A_871, %swap3A_872], %while3A_864#2 {strides = array<i32>} : memref<16x128xf32, #tpu.memory_space<vmem>>, vector<16xf32>,
        %swap3A_874 = arith.index_cast %while3A_808 : i32 to index
        %swap3A_875 = arith.constant 48 : index
        %swap3A_876 = tpu.vector_load %arg13[%swap3A_874, %swap3A_875] {strides = array<i32>} : memref<16x128xf32, #tpu.memory_space<vmem>>, vector<16xf32>,
        tpu.vector_store %arg13[%swap3A_874, %swap3A_875], %while3A_864#3 {strides = array<i32>} : memref<16x128xf32, #tpu.memory_space<vmem>>, vector<16xf32>,
        %swap3A_877 = arith.index_cast %while3A_808 : i32 to index
        %swap3A_878 = arith.constant 64 : index
        %swap3A_879 = tpu.vector_load %arg13[%swap3A_877, %swap3A_878] {strides = array<i32>} : memref<16x128xf32, #tpu.memory_space<vmem>>, vector<16xf32>,
        tpu.vector_store %arg13[%swap3A_877, %swap3A_878], %while3A_864#4 {strides = array<i32>} : memref<16x128xf32, #tpu.memory_space<vmem>>, vector<16xf32>,
        %swap3A_880 = arith.index_cast %while3A_808 : i32 to index
        %swap3A_881 = arith.constant 80 : index
        %swap3A_882 = tpu.vector_load %arg13[%swap3A_880, %swap3A_881] {strides = array<i32>} : memref<16x128xf32, #tpu.memory_space<vmem>>, vector<16xf32>,
        tpu.vector_store %arg13[%swap3A_880, %swap3A_881], %while3A_864#5 {strides = array<i32>} : memref<16x128xf32, #tpu.memory_space<vmem>>, vector<16xf32>,
        %swap3A_883 = arith.index_cast %while3A_808 : i32 to index
        %swap3A_884 = arith.constant 96 : index
        %swap3A_885 = tpu.vector_load %arg13[%swap3A_883, %swap3A_884] {strides = array<i32>} : memref<16x128xf32, #tpu.memory_space<vmem>>, vector<16xf32>,
        tpu.vector_store %arg13[%swap3A_883, %swap3A_884], %while3A_864#6 {strides = array<i32>} : memref<16x128xf32, #tpu.memory_space<vmem>>, vector<16xf32>,
        %swap3A_886 = arith.index_cast %while3A_808 : i32 to index
        %swap3A_887 = arith.constant 112 : index
        %swap3A_888 = tpu.vector_load %arg13[%swap3A_886, %swap3A_887] {strides = array<i32>} : memref<16x128xf32, #tpu.memory_space<vmem>>, vector<16xf32>,
        tpu.vector_store %arg13[%swap3A_886, %swap3A_887], %while3A_864#7 {strides = array<i32>} : memref<16x128xf32, #tpu.memory_space<vmem>>, vector<16xf32>,
        %eq3A_889 = vector.broadcast %while3A_808 : i32 to vector<16xi32>
        %eq3A_890 = arith.cmpi eq, %iota3A, %eq3A_889 : vector<16xi32>
        %broadcast_in_dim3A_891 = vector.broadcast %squeeze3A_813 : i32 to vector<16xi32>
        %select_n3A_892 = arith.select %eq3A_890, %broadcast_in_dim3A_891, %while3A_809 : vector<16xi1>, vector<16xi32>
        %add3A_893 = arith.constant 1 : i32
        %add3A_894 = arith.addi %while3A_808, %add3A_893 : i32
        %eq3A_895 = arith.constant 16 : i32
        %eq3A_896 = arith.cmpi eq, %add3A_894, %eq3A_895 : i32
        %convert_element_type3A_897 = arith.extui %eq3A_896 : i1 to i32
        %cond3A_898 = arith.constant 0 : i32
        %cond3A_899 = arith.cmpi ne, %convert_element_type3A_897, %cond3A_898 : i32
        scf.if %cond3A_899 {
          %swap3A_904 = arith.constant 0 : index
          %swap3A_905 = tpu.vector_load %arg14[%swap3A_904] {strides = array<i32>} : memref<16xi32, #tpu.memory_space<vmem>>, vector<16xi32>,
          tpu.vector_store %arg14[%swap3A_904], %select_n3A_892 {strides = array<i32>} : memref<16xi32, #tpu.memory_space<vmem>>, vector<16xi32>,
          "tpu.region"() ({
            %run_scoped3A_906 = tpu.sem_alloc : memref<!tpu.dma_semaphore, #tpu.memory_space<semaphore_mem>>
            %dma_start3A_907 = arith.constant 0 : i32
            %dma_start3A_908 = arith.constant 0 : i32
            %dma_start3A_909 = tpu.memref_slice %arg18[%dma_start3A_907, %dma_start3A_908] : memref<10240x128xf32, #tpu.memory_space<vmem_shared>> -> memref<10240x128xf32, #tpu.memory_space<vmem_shared>>
            tpu.enqueue_indirect_dma source(%arg13 : memref<16x128xf32, #tpu.memory_space<vmem>>) target(%dma_start3A_909 : memref<10240x128xf32, #tpu.memory_space<vmem_shared>>) offsets(%arg14 : memref<16xi32, #tpu.memory_space<vmem>>) semaphore(%run_scoped3A_906 : memref<!tpu.dma_semaphore, #tpu.memory_space<semaphore_mem>>) {add = true}
            %dma_wait3A_910 = arith.constant 0 : i32
            %dma_wait3A_911 = arith.constant 0 : i32
            %dma_wait3A_912 = tpu.memref_slice %arg18[%dma_wait3A_910, %dma_wait3A_911] : memref<10240x128xf32, #tpu.memory_space<vmem_shared>> -> memref<10240x128xf32, #tpu.memory_space<vmem_shared>>
            tpu.wait_indirect_dma semaphore(%run_scoped3A_906 : memref<!tpu.dma_semaphore, #tpu.memory_space<semaphore_mem>>) src(%arg13 : memref<16x128xf32, #tpu.memory_space<vmem>>) dst(%dma_wait3A_912 : memref<10240x128xf32, #tpu.memory_space<vmem_shared>>)
            tpu.yield
          }) : () -> ()
        } else {
        }
        %eq3A_900 = arith.constant 16 : i32
        %eq3A_901 = arith.cmpi eq, %add3A_894, %eq3A_900 : i32
        %jit3A_902 = arith.constant 0 : i32
        %select_n3A_903 = arith.select %eq3A_901, %jit3A_902, %add3A_894 : i32
        scf.yield %select_n3A_903, %select_n3A_892 : i32, vector<16xi32>
      }
      %while3A_799 = arith.constant 1 : i32
      %while3A_800:2 = scf.for %while3A_807 = %while3A_796 to %while3A_792 step %while3A_799 iter_args(%while3A_808 = %while3A_798#0, %while3A_809 = %while3A_798#1) -> (i32, vector<16xi32>)  : i32 {
        %get3A_810 = arith.index_cast %while3A_807 : i32 to index
        %get3A_811 = tpu.vector_load %arg11[%get3A_810] {strides = array<i32>} : memref<112xi32, #tpu.memory_space<vmem>>, vector<16xi32>,
        %slice3A_812 = vector.extract_strided_slice %get3A_811 {offsets = [0], sizes = [1], strides = [1]} : vector<16xi32> to vector<1xi32>
        %squeeze3A_813 = vector.extract %slice3A_812[0] : i32 from vector<1xi32>
        %get3A_814 = arith.index_cast %while3A_807 : i32 to index
        %get3A_815 = tpu.vector_load %arg10[%get3A_814] {strides = array<i32>} : memref<112xi32, #tpu.memory_space<vmem>>, vector<16xi32>,
        %slice3A_816 = vector.extract_strided_slice %get3A_815 {offsets = [0], sizes = [1], strides = [1]} : vector<16xi32> to vector<1xi32>
        %squeeze3A_817 = vector.extract %slice3A_816[0] : i32 from vector<1xi32>
        %slice3A_818 = vector.extract_strided_slice %get3A_815 {offsets = [1], sizes = [1], strides = [1]} : vector<16xi32> to vector<1xi32>
        %squeeze3A_819 = vector.extract %slice3A_818[0] : i32 from vector<1xi32>
        %get3A_820 = arith.index_cast %squeeze3A_813 : i32 to index
        %get3A_821 = tpu.vector_load %arg9[%get3A_820] {strides = array<i32>} : memref<10240xf32, #tpu.memory_space<vmem>>, vector<16xf32>,
        %slice3A_822 = vector.extract_strided_slice %get3A_821 {offsets = [0], sizes = [1], strides = [1]} : vector<16xf32> to vector<1xf32>
        %squeeze3A_823 = vector.extract %slice3A_822[0] : f32 from vector<1xf32>
        %sub3A_824 = arith.subi %squeeze3A_819, %squeeze3A_817 : i32
        %shift_right_logical3A = arith.constant 2 : i32
        %shift_right_logical3A_825 = arith.shrui %sub3A_824, %shift_right_logical3A : i32
        %broadcast_in_dim3A_826 = arith.constant 0.000000e+00 : f32
        %broadcast_in_dim3A_827 = vector.broadcast %broadcast_in_dim3A_826 : f32 to vector<16xf32>
        %broadcast_in_dim3A_828 = arith.constant 0.000000e+00 : f32
        %broadcast_in_dim3A_829 = vector.broadcast %broadcast_in_dim3A_828 : f32 to vector<16xf32>
        %broadcast_in_dim3A_830 = arith.constant 0.000000e+00 : f32
        %broadcast_in_dim3A_831 = vector.broadcast %broadcast_in_dim3A_830 : f32 to vector<16xf32>
        %broadcast_in_dim3A_832 = arith.constant 0.000000e+00 : f32
        %broadcast_in_dim3A_833 = vector.broadcast %broadcast_in_dim3A_832 : f32 to vector<16xf32>
        %broadcast_in_dim3A_834 = arith.constant 0.000000e+00 : f32
        %broadcast_in_dim3A_835 = vector.broadcast %broadcast_in_dim3A_834 : f32 to vector<16xf32>
        %broadcast_in_dim3A_836 = arith.constant 0.000000e+00 : f32
        %broadcast_in_dim3A_837 = vector.broadcast %broadcast_in_dim3A_836 : f32 to vector<16xf32>
        %broadcast_in_dim3A_838 = arith.constant 0.000000e+00 : f32
        %broadcast_in_dim3A_839 = vector.broadcast %broadcast_in_dim3A_838 : f32 to vector<16xf32>
        %broadcast_in_dim3A_840 = arith.constant 0.000000e+00 : f32
        %broadcast_in_dim3A_841 = vector.broadcast %broadcast_in_dim3A_840 : f32 to vector<16xf32>
        %while3A_842 = arith.constant 0 : i32
        %while3A_843 = arith.subi %shift_right_logical3A_825, %while3A_842 : i32
        %while3A_844 = arith.addi %while3A_842, %while3A_843 : i32
        %while3A_845 = arith.constant 1 : i32
        %while3A_846 = arith.divsi %while3A_843, %while3A_845 : i32
        %while3A_847 = arith.muli %while3A_846, %while3A_845 : i32
        %while3A_848 = arith.addi %while3A_842, %while3A_847 : i32
        %while3A_849 = arith.constant 1 : i32
        %while3A_850:8 = scf.for %while3A_904 = %while3A_842 to %while3A_848 step %while3A_849 iter_args(%while3A_905 = %broadcast_in_dim3A_827, %while3A_906 = %broadcast_in_dim3A_829, %while3A_907 = %broadcast_in_dim3A_831, %while3A_908 = %broadcast_in_dim3A_833, %while3A_909 = %broadcast_in_dim3A_835, %while3A_910 = %broadcast_in_dim3A_837, %while3A_911 = %broadcast_in_dim3A_839, %while3A_912 = %broadcast_in_dim3A_841) -> (vector<16xf32>, vector<16xf32>, vector<16xf32>, vector<16xf32>, vector<16xf32>, vector<16xf32>, vector<16xf32>, vector<16xf32>)  : i32 {
          %mul3A_913 = arith.constant 4 : i32
          %mul3A_914 = arith.muli %while3A_904, %mul3A_913 : i32
          %add3A_915 = arith.addi %squeeze3A_817, %mul3A_914 : i32
          %add3A_916 = arith.addi %mul3A_591, %add3A_915 : i32
          %get3A_917 = arith.index_cast %add3A_916 : i32 to index
          %get3A_918 = tpu.vector_load %arg8[%get3A_917] {strides = array<i32>} : memref<288xf32, #tpu.memory_space<vmem>>, vector<16xf32>,
          %slice3A_919 = vector.extract_strided_slice %get3A_918 {offsets = [0], sizes = [1], strides = [1]} : vector<16xf32> to vector<1xf32>
          %squeeze3A_920 = vector.extract %slice3A_919[0] : f32 from vector<1xf32>
          %mul3A_921 = arith.mulf %squeeze3A_920, %squeeze3A_823 : f32
          %add3A_922 = arith.constant 0 : i32
          %add3A_923 = arith.addi %add3A_915, %add3A_922 : i32
          %mul3A_924 = arith.constant 128 : i32
          %mul3A_925 = arith.muli %add3A_923, %mul3A_924 : i32
          %add3A_926 = arith.addi %mul3A_593, %mul3A_925 : i32
          %add3A_927 = arith.constant 0 : i32
          %add3A_928 = arith.addi %add3A_926, %add3A_927 : i32
          %get3A_929 = arith.index_cast %add3A_928 : i32 to index
          %get3A_930 = tpu.vector_load %arg12[%get3A_929] {strides = array<i32>} : memref<30720xf32, #tpu.memory_space<vmem>>, vector<16xf32>,
          %mul3A_931 = vector.broadcast %mul3A_921 : f32 to vector<16xf32>
          %mul3A_932 = arith.mulf %mul3A_931, %get3A_930 : vector<16xf32>
          %add3A_933 = arith.addf %while3A_905, %mul3A_932 : vector<16xf32>
          %add3A_934 = arith.constant 16 : i32
          %add3A_935 = arith.addi %add3A_926, %add3A_934 : i32
          %get3A_936 = arith.index_cast %add3A_935 : i32 to index
          %get3A_937 = tpu.vector_load %arg12[%get3A_936] {strides = array<i32>} : memref<30720xf32, #tpu.memory_space<vmem>>, vector<16xf32>,
          %mul3A_938 = vector.broadcast %mul3A_921 : f32 to vector<16xf32>
          %mul3A_939 = arith.mulf %mul3A_938, %get3A_937 : vector<16xf32>
          %add3A_940 = arith.addf %while3A_906, %mul3A_939 : vector<16xf32>
          %add3A_941 = arith.constant 32 : i32
          %add3A_942 = arith.addi %add3A_926, %add3A_941 : i32
          %get3A_943 = arith.index_cast %add3A_942 : i32 to index
          %get3A_944 = tpu.vector_load %arg12[%get3A_943] {strides = array<i32>} : memref<30720xf32, #tpu.memory_space<vmem>>, vector<16xf32>,
          %mul3A_945 = vector.broadcast %mul3A_921 : f32 to vector<16xf32>
          %mul3A_946 = arith.mulf %mul3A_945, %get3A_944 : vector<16xf32>
          %add3A_947 = arith.addf %while3A_907, %mul3A_946 : vector<16xf32>
          %add3A_948 = arith.constant 48 : i32
          %add3A_949 = arith.addi %add3A_926, %add3A_948 : i32
          %get3A_950 = arith.index_cast %add3A_949 : i32 to index
          %get3A_951 = tpu.vector_load %arg12[%get3A_950] {strides = array<i32>} : memref<30720xf32, #tpu.memory_space<vmem>>, vector<16xf32>,
          %mul3A_952 = vector.broadcast %mul3A_921 : f32 to vector<16xf32>
          %mul3A_953 = arith.mulf %mul3A_952, %get3A_951 : vector<16xf32>
          %add3A_954 = arith.addf %while3A_908, %mul3A_953 : vector<16xf32>
          %add3A_955 = arith.constant 64 : i32
          %add3A_956 = arith.addi %add3A_926, %add3A_955 : i32
          %get3A_957 = arith.index_cast %add3A_956 : i32 to index
          %get3A_958 = tpu.vector_load %arg12[%get3A_957] {strides = array<i32>} : memref<30720xf32, #tpu.memory_space<vmem>>, vector<16xf32>,
          %mul3A_959 = vector.broadcast %mul3A_921 : f32 to vector<16xf32>
          %mul3A_960 = arith.mulf %mul3A_959, %get3A_958 : vector<16xf32>
          %add3A_961 = arith.addf %while3A_909, %mul3A_960 : vector<16xf32>
          %add3A_962 = arith.constant 80 : i32
          %add3A_963 = arith.addi %add3A_926, %add3A_962 : i32
          %get3A_964 = arith.index_cast %add3A_963 : i32 to index
          %get3A_965 = tpu.vector_load %arg12[%get3A_964] {strides = array<i32>} : memref<30720xf32, #tpu.memory_space<vmem>>, vector<16xf32>,
          %mul3A_966 = vector.broadcast %mul3A_921 : f32 to vector<16xf32>
          %mul3A_967 = arith.mulf %mul3A_966, %get3A_965 : vector<16xf32>
          %add3A_968 = arith.addf %while3A_910, %mul3A_967 : vector<16xf32>
          %add3A_969 = arith.constant 96 : i32
          %add3A_970 = arith.addi %add3A_926, %add3A_969 : i32
          %get3A_971 = arith.index_cast %add3A_970 : i32 to index
          %get3A_972 = tpu.vector_load %arg12[%get3A_971] {strides = array<i32>} : memref<30720xf32, #tpu.memory_space<vmem>>, vector<16xf32>,
          %mul3A_973 = vector.broadcast %mul3A_921 : f32 to vector<16xf32>
          %mul3A_974 = arith.mulf %mul3A_973, %get3A_972 : vector<16xf32>
          %add3A_975 = arith.addf %while3A_911, %mul3A_974 : vector<16xf32>
          %add3A_976 = arith.constant 112 : i32
          %add3A_977 = arith.addi %add3A_926, %add3A_976 : i32
          %get3A_978 = arith.index_cast %add3A_977 : i32 to index
          %get3A_979 = tpu.vector_load %arg12[%get3A_978] {strides = array<i32>} : memref<30720xf32, #tpu.memory_space<vmem>>, vector<16xf32>,
          %mul3A_980 = vector.broadcast %mul3A_921 : f32 to vector<16xf32>
          %mul3A_981 = arith.mulf %mul3A_980, %get3A_979 : vector<16xf32>
          %add3A_982 = arith.addf %while3A_912, %mul3A_981 : vector<16xf32>
          %slice3A_983 = vector.extract_strided_slice %get3A_918 {offsets = [1], sizes = [1], strides = [1]} : vector<16xf32> to vector<1xf32>
          %squeeze3A_984 = vector.extract %slice3A_983[0] : f32 from vector<1xf32>
          %mul3A_985 = arith.mulf %squeeze3A_984, %squeeze3A_823 : f32
          %add3A_986 = arith.constant 1 : i32
          %add3A_987 = arith.addi %add3A_915, %add3A_986 : i32
          %mul3A_988 = arith.constant 128 : i32
          %mul3A_989 = arith.muli %add3A_987, %mul3A_988 : i32
          %add3A_990 = arith.addi %mul3A_593, %mul3A_989 : i32
          %add3A_991 = arith.constant 0 : i32
          %add3A_992 = arith.addi %add3A_990, %add3A_991 : i32
          %get3A_993 = arith.index_cast %add3A_992 : i32 to index
          %get3A_994 = tpu.vector_load %arg12[%get3A_993] {strides = array<i32>} : memref<30720xf32, #tpu.memory_space<vmem>>, vector<16xf32>,
          %mul3A_995 = vector.broadcast %mul3A_985 : f32 to vector<16xf32>
          %mul3A_996 = arith.mulf %mul3A_995, %get3A_994 : vector<16xf32>
          %add3A_997 = arith.addf %add3A_933, %mul3A_996 : vector<16xf32>
          %add3A_998 = arith.constant 16 : i32
          %add3A_999 = arith.addi %add3A_990, %add3A_998 : i32
          %get3A_1000 = arith.index_cast %add3A_999 : i32 to index
          %get3A_1001 = tpu.vector_load %arg12[%get3A_1000] {strides = array<i32>} : memref<30720xf32, #tpu.memory_space<vmem>>, vector<16xf32>,
          %mul3A_1002 = vector.broadcast %mul3A_985 : f32 to vector<16xf32>
          %mul3A_1003 = arith.mulf %mul3A_1002, %get3A_1001 : vector<16xf32>
          %add3A_1004 = arith.addf %add3A_940, %mul3A_1003 : vector<16xf32>
          %add3A_1005 = arith.constant 32 : i32
          %add3A_1006 = arith.addi %add3A_990, %add3A_1005 : i32
          %get3A_1007 = arith.index_cast %add3A_1006 : i32 to index
          %get3A_1008 = tpu.vector_load %arg12[%get3A_1007] {strides = array<i32>} : memref<30720xf32, #tpu.memory_space<vmem>>, vector<16xf32>,
          %mul3A_1009 = vector.broadcast %mul3A_985 : f32 to vector<16xf32>
          %mul3A_1010 = arith.mulf %mul3A_1009, %get3A_1008 : vector<16xf32>
          %add3A_1011 = arith.addf %add3A_947, %mul3A_1010 : vector<16xf32>
          %add3A_1012 = arith.constant 48 : i32
          %add3A_1013 = arith.addi %add3A_990, %add3A_1012 : i32
          %get3A_1014 = arith.index_cast %add3A_1013 : i32 to index
          %get3A_1015 = tpu.vector_load %arg12[%get3A_1014] {strides = array<i32>} : memref<30720xf32, #tpu.memory_space<vmem>>, vector<16xf32>,
          %mul3A_1016 = vector.broadcast %mul3A_985 : f32 to vector<16xf32>
          %mul3A_1017 = arith.mulf %mul3A_1016, %get3A_1015 : vector<16xf32>
          %add3A_1018 = arith.addf %add3A_954, %mul3A_1017 : vector<16xf32>
          %add3A_1019 = arith.constant 64 : i32
          %add3A_1020 = arith.addi %add3A_990, %add3A_1019 : i32
          %get3A_1021 = arith.index_cast %add3A_1020 : i32 to index
          %get3A_1022 = tpu.vector_load %arg12[%get3A_1021] {strides = array<i32>} : memref<30720xf32, #tpu.memory_space<vmem>>, vector<16xf32>,
          %mul3A_1023 = vector.broadcast %mul3A_985 : f32 to vector<16xf32>
          %mul3A_1024 = arith.mulf %mul3A_1023, %get3A_1022 : vector<16xf32>
          %add3A_1025 = arith.addf %add3A_961, %mul3A_1024 : vector<16xf32>
          %add3A_1026 = arith.constant 80 : i32
          %add3A_1027 = arith.addi %add3A_990, %add3A_1026 : i32
          %get3A_1028 = arith.index_cast %add3A_1027 : i32 to index
          %get3A_1029 = tpu.vector_load %arg12[%get3A_1028] {strides = array<i32>} : memref<30720xf32, #tpu.memory_space<vmem>>, vector<16xf32>,
          %mul3A_1030 = vector.broadcast %mul3A_985 : f32 to vector<16xf32>
          %mul3A_1031 = arith.mulf %mul3A_1030, %get3A_1029 : vector<16xf32>
          %add3A_1032 = arith.addf %add3A_968, %mul3A_1031 : vector<16xf32>
          %add3A_1033 = arith.constant 96 : i32
          %add3A_1034 = arith.addi %add3A_990, %add3A_1033 : i32
          %get3A_1035 = arith.index_cast %add3A_1034 : i32 to index
          %get3A_1036 = tpu.vector_load %arg12[%get3A_1035] {strides = array<i32>} : memref<30720xf32, #tpu.memory_space<vmem>>, vector<16xf32>,
          %mul3A_1037 = vector.broadcast %mul3A_985 : f32 to vector<16xf32>
          %mul3A_1038 = arith.mulf %mul3A_1037, %get3A_1036 : vector<16xf32>
          %add3A_1039 = arith.addf %add3A_975, %mul3A_1038 : vector<16xf32>
          %add3A_1040 = arith.constant 112 : i32
          %add3A_1041 = arith.addi %add3A_990, %add3A_1040 : i32
          %get3A_1042 = arith.index_cast %add3A_1041 : i32 to index
          %get3A_1043 = tpu.vector_load %arg12[%get3A_1042] {strides = array<i32>} : memref<30720xf32, #tpu.memory_space<vmem>>, vector<16xf32>,
          %mul3A_1044 = vector.broadcast %mul3A_985 : f32 to vector<16xf32>
          %mul3A_1045 = arith.mulf %mul3A_1044, %get3A_1043 : vector<16xf32>
          %add3A_1046 = arith.addf %add3A_982, %mul3A_1045 : vector<16xf32>
          %slice3A_1047 = vector.extract_strided_slice %get3A_918 {offsets = [2], sizes = [1], strides = [1]} : vector<16xf32> to vector<1xf32>
          %squeeze3A_1048 = vector.extract %slice3A_1047[0] : f32 from vector<1xf32>
          %mul3A_1049 = arith.mulf %squeeze3A_1048, %squeeze3A_823 : f32
          %add3A_1050 = arith.constant 2 : i32
          %add3A_1051 = arith.addi %add3A_915, %add3A_1050 : i32
          %mul3A_1052 = arith.constant 128 : i32
          %mul3A_1053 = arith.muli %add3A_1051, %mul3A_1052 : i32
          %add3A_1054 = arith.addi %mul3A_593, %mul3A_1053 : i32
          %add3A_1055 = arith.constant 0 : i32
          %add3A_1056 = arith.addi %add3A_1054, %add3A_1055 : i32
          %get3A_1057 = arith.index_cast %add3A_1056 : i32 to index
          %get3A_1058 = tpu.vector_load %arg12[%get3A_1057] {strides = array<i32>} : memref<30720xf32, #tpu.memory_space<vmem>>, vector<16xf32>,
          %mul3A_1059 = vector.broadcast %mul3A_1049 : f32 to vector<16xf32>
          %mul3A_1060 = arith.mulf %mul3A_1059, %get3A_1058 : vector<16xf32>
          %add3A_1061 = arith.addf %add3A_997, %mul3A_1060 : vector<16xf32>
          %add3A_1062 = arith.constant 16 : i32
          %add3A_1063 = arith.addi %add3A_1054, %add3A_1062 : i32
          %get3A_1064 = arith.index_cast %add3A_1063 : i32 to index
          %get3A_1065 = tpu.vector_load %arg12[%get3A_1064] {strides = array<i32>} : memref<30720xf32, #tpu.memory_space<vmem>>, vector<16xf32>,
          %mul3A_1066 = vector.broadcast %mul3A_1049 : f32 to vector<16xf32>
          %mul3A_1067 = arith.mulf %mul3A_1066, %get3A_1065 : vector<16xf32>
          %add3A_1068 = arith.addf %add3A_1004, %mul3A_1067 : vector<16xf32>
          %add3A_1069 = arith.constant 32 : i32
          %add3A_1070 = arith.addi %add3A_1054, %add3A_1069 : i32
          %get3A_1071 = arith.index_cast %add3A_1070 : i32 to index
          %get3A_1072 = tpu.vector_load %arg12[%get3A_1071] {strides = array<i32>} : memref<30720xf32, #tpu.memory_space<vmem>>, vector<16xf32>,
          %mul3A_1073 = vector.broadcast %mul3A_1049 : f32 to vector<16xf32>
          %mul3A_1074 = arith.mulf %mul3A_1073, %get3A_1072 : vector<16xf32>
          %add3A_1075 = arith.addf %add3A_1011, %mul3A_1074 : vector<16xf32>
          %add3A_1076 = arith.constant 48 : i32
          %add3A_1077 = arith.addi %add3A_1054, %add3A_1076 : i32
          %get3A_1078 = arith.index_cast %add3A_1077 : i32 to index
          %get3A_1079 = tpu.vector_load %arg12[%get3A_1078] {strides = array<i32>} : memref<30720xf32, #tpu.memory_space<vmem>>, vector<16xf32>,
          %mul3A_1080 = vector.broadcast %mul3A_1049 : f32 to vector<16xf32>
          %mul3A_1081 = arith.mulf %mul3A_1080, %get3A_1079 : vector<16xf32>
          %add3A_1082 = arith.addf %add3A_1018, %mul3A_1081 : vector<16xf32>
          %add3A_1083 = arith.constant 64 : i32
          %add3A_1084 = arith.addi %add3A_1054, %add3A_1083 : i32
          %get3A_1085 = arith.index_cast %add3A_1084 : i32 to index
          %get3A_1086 = tpu.vector_load %arg12[%get3A_1085] {strides = array<i32>} : memref<30720xf32, #tpu.memory_space<vmem>>, vector<16xf32>,
          %mul3A_1087 = vector.broadcast %mul3A_1049 : f32 to vector<16xf32>
          %mul3A_1088 = arith.mulf %mul3A_1087, %get3A_1086 : vector<16xf32>
          %add3A_1089 = arith.addf %add3A_1025, %mul3A_1088 : vector<16xf32>
          %add3A_1090 = arith.constant 80 : i32
          %add3A_1091 = arith.addi %add3A_1054, %add3A_1090 : i32
          %get3A_1092 = arith.index_cast %add3A_1091 : i32 to index
          %get3A_1093 = tpu.vector_load %arg12[%get3A_1092] {strides = array<i32>} : memref<30720xf32, #tpu.memory_space<vmem>>, vector<16xf32>,
          %mul3A_1094 = vector.broadcast %mul3A_1049 : f32 to vector<16xf32>
          %mul3A_1095 = arith.mulf %mul3A_1094, %get3A_1093 : vector<16xf32>
          %add3A_1096 = arith.addf %add3A_1032, %mul3A_1095 : vector<16xf32>
          %add3A_1097 = arith.constant 96 : i32
          %add3A_1098 = arith.addi %add3A_1054, %add3A_1097 : i32
          %get3A_1099 = arith.index_cast %add3A_1098 : i32 to index
          %get3A_1100 = tpu.vector_load %arg12[%get3A_1099] {strides = array<i32>} : memref<30720xf32, #tpu.memory_space<vmem>>, vector<16xf32>,
          %mul3A_1101 = vector.broadcast %mul3A_1049 : f32 to vector<16xf32>
          %mul3A_1102 = arith.mulf %mul3A_1101, %get3A_1100 : vector<16xf32>
          %add3A_1103 = arith.addf %add3A_1039, %mul3A_1102 : vector<16xf32>
          %add3A_1104 = arith.constant 112 : i32
          %add3A_1105 = arith.addi %add3A_1054, %add3A_1104 : i32
          %get3A_1106 = arith.index_cast %add3A_1105 : i32 to index
          %get3A_1107 = tpu.vector_load %arg12[%get3A_1106] {strides = array<i32>} : memref<30720xf32, #tpu.memory_space<vmem>>, vector<16xf32>,
          %mul3A_1108 = vector.broadcast %mul3A_1049 : f32 to vector<16xf32>
          %mul3A_1109 = arith.mulf %mul3A_1108, %get3A_1107 : vector<16xf32>
          %add3A_1110 = arith.addf %add3A_1046, %mul3A_1109 : vector<16xf32>
          %slice3A_1111 = vector.extract_strided_slice %get3A_918 {offsets = [3], sizes = [1], strides = [1]} : vector<16xf32> to vector<1xf32>
          %squeeze3A_1112 = vector.extract %slice3A_1111[0] : f32 from vector<1xf32>
          %mul3A_1113 = arith.mulf %squeeze3A_1112, %squeeze3A_823 : f32
          %add3A_1114 = arith.constant 3 : i32
          %add3A_1115 = arith.addi %add3A_915, %add3A_1114 : i32
          %mul3A_1116 = arith.constant 128 : i32
          %mul3A_1117 = arith.muli %add3A_1115, %mul3A_1116 : i32
          %add3A_1118 = arith.addi %mul3A_593, %mul3A_1117 : i32
          %add3A_1119 = arith.constant 0 : i32
          %add3A_1120 = arith.addi %add3A_1118, %add3A_1119 : i32
          %get3A_1121 = arith.index_cast %add3A_1120 : i32 to index
          %get3A_1122 = tpu.vector_load %arg12[%get3A_1121] {strides = array<i32>} : memref<30720xf32, #tpu.memory_space<vmem>>, vector<16xf32>,
          %mul3A_1123 = vector.broadcast %mul3A_1113 : f32 to vector<16xf32>
          %mul3A_1124 = arith.mulf %mul3A_1123, %get3A_1122 : vector<16xf32>
          %add3A_1125 = arith.addf %add3A_1061, %mul3A_1124 : vector<16xf32>
          %add3A_1126 = arith.constant 16 : i32
          %add3A_1127 = arith.addi %add3A_1118, %add3A_1126 : i32
          %get3A_1128 = arith.index_cast %add3A_1127 : i32 to index
          %get3A_1129 = tpu.vector_load %arg12[%get3A_1128] {strides = array<i32>} : memref<30720xf32, #tpu.memory_space<vmem>>, vector<16xf32>,
          %mul3A_1130 = vector.broadcast %mul3A_1113 : f32 to vector<16xf32>
          %mul3A_1131 = arith.mulf %mul3A_1130, %get3A_1129 : vector<16xf32>
          %add3A_1132 = arith.addf %add3A_1068, %mul3A_1131 : vector<16xf32>
          %add3A_1133 = arith.constant 32 : i32
          %add3A_1134 = arith.addi %add3A_1118, %add3A_1133 : i32
          %get3A_1135 = arith.index_cast %add3A_1134 : i32 to index
          %get3A_1136 = tpu.vector_load %arg12[%get3A_1135] {strides = array<i32>} : memref<30720xf32, #tpu.memory_space<vmem>>, vector<16xf32>,
          %mul3A_1137 = vector.broadcast %mul3A_1113 : f32 to vector<16xf32>
          %mul3A_1138 = arith.mulf %mul3A_1137, %get3A_1136 : vector<16xf32>
          %add3A_1139 = arith.addf %add3A_1075, %mul3A_1138 : vector<16xf32>
          %add3A_1140 = arith.constant 48 : i32
          %add3A_1141 = arith.addi %add3A_1118, %add3A_1140 : i32
          %get3A_1142 = arith.index_cast %add3A_1141 : i32 to index
          %get3A_1143 = tpu.vector_load %arg12[%get3A_1142] {strides = array<i32>} : memref<30720xf32, #tpu.memory_space<vmem>>, vector<16xf32>,
          %mul3A_1144 = vector.broadcast %mul3A_1113 : f32 to vector<16xf32>
          %mul3A_1145 = arith.mulf %mul3A_1144, %get3A_1143 : vector<16xf32>
          %add3A_1146 = arith.addf %add3A_1082, %mul3A_1145 : vector<16xf32>
          %add3A_1147 = arith.constant 64 : i32
          %add3A_1148 = arith.addi %add3A_1118, %add3A_1147 : i32
          %get3A_1149 = arith.index_cast %add3A_1148 : i32 to index
          %get3A_1150 = tpu.vector_load %arg12[%get3A_1149] {strides = array<i32>} : memref<30720xf32, #tpu.memory_space<vmem>>, vector<16xf32>,
          %mul3A_1151 = vector.broadcast %mul3A_1113 : f32 to vector<16xf32>
          %mul3A_1152 = arith.mulf %mul3A_1151, %get3A_1150 : vector<16xf32>
          %add3A_1153 = arith.addf %add3A_1089, %mul3A_1152 : vector<16xf32>
          %add3A_1154 = arith.constant 80 : i32
          %add3A_1155 = arith.addi %add3A_1118, %add3A_1154 : i32
          %get3A_1156 = arith.index_cast %add3A_1155 : i32 to index
          %get3A_1157 = tpu.vector_load %arg12[%get3A_1156] {strides = array<i32>} : memref<30720xf32, #tpu.memory_space<vmem>>, vector<16xf32>,
          %mul3A_1158 = vector.broadcast %mul3A_1113 : f32 to vector<16xf32>
          %mul3A_1159 = arith.mulf %mul3A_1158, %get3A_1157 : vector<16xf32>
          %add3A_1160 = arith.addf %add3A_1096, %mul3A_1159 : vector<16xf32>
          %add3A_1161 = arith.constant 96 : i32
          %add3A_1162 = arith.addi %add3A_1118, %add3A_1161 : i32
          %get3A_1163 = arith.index_cast %add3A_1162 : i32 to index
          %get3A_1164 = tpu.vector_load %arg12[%get3A_1163] {strides = array<i32>} : memref<30720xf32, #tpu.memory_space<vmem>>, vector<16xf32>,
          %mul3A_1165 = vector.broadcast %mul3A_1113 : f32 to vector<16xf32>
          %mul3A_1166 = arith.mulf %mul3A_1165, %get3A_1164 : vector<16xf32>
          %add3A_1167 = arith.addf %add3A_1103, %mul3A_1166 : vector<16xf32>
          %add3A_1168 = arith.constant 112 : i32
          %add3A_1169 = arith.addi %add3A_1118, %add3A_1168 : i32
          %get3A_1170 = arith.index_cast %add3A_1169 : i32 to index
          %get3A_1171 = tpu.vector_load %arg12[%get3A_1170] {strides = array<i32>} : memref<30720xf32, #tpu.memory_space<vmem>>, vector<16xf32>,
          %mul3A_1172 = vector.broadcast %mul3A_1113 : f32 to vector<16xf32>
          %mul3A_1173 = arith.mulf %mul3A_1172, %get3A_1171 : vector<16xf32>
          %add3A_1174 = arith.addf %add3A_1110, %mul3A_1173 : vector<16xf32>
          scf.yield %add3A_1125, %add3A_1132, %add3A_1139, %add3A_1146, %add3A_1153, %add3A_1160, %add3A_1167, %add3A_1174 : vector<16xf32>, vector<16xf32>, vector<16xf32>, vector<16xf32>, vector<16xf32>, vector<16xf32>, vector<16xf32>, vector<16xf32>
        }
        %while3A_851 = arith.constant 1 : i32
        %while3A_852:8 = scf.for %while3A_904 = %while3A_848 to %while3A_844 step %while3A_851 iter_args(%while3A_905 = %while3A_850#0, %while3A_906 = %while3A_850#1, %while3A_907 = %while3A_850#2, %while3A_908 = %while3A_850#3, %while3A_909 = %while3A_850#4, %while3A_910 = %while3A_850#5, %while3A_911 = %while3A_850#6, %while3A_912 = %while3A_850#7) -> (vector<16xf32>, vector<16xf32>, vector<16xf32>, vector<16xf32>, vector<16xf32>, vector<16xf32>, vector<16xf32>, vector<16xf32>)  : i32 {
          %mul3A_913 = arith.constant 4 : i32
          %mul3A_914 = arith.muli %while3A_904, %mul3A_913 : i32
          %add3A_915 = arith.addi %squeeze3A_817, %mul3A_914 : i32
          %add3A_916 = arith.addi %mul3A_591, %add3A_915 : i32
          %get3A_917 = arith.index_cast %add3A_916 : i32 to index
          %get3A_918 = tpu.vector_load %arg8[%get3A_917] {strides = array<i32>} : memref<288xf32, #tpu.memory_space<vmem>>, vector<16xf32>,
          %slice3A_919 = vector.extract_strided_slice %get3A_918 {offsets = [0], sizes = [1], strides = [1]} : vector<16xf32> to vector<1xf32>
          %squeeze3A_920 = vector.extract %slice3A_919[0] : f32 from vector<1xf32>
          %mul3A_921 = arith.mulf %squeeze3A_920, %squeeze3A_823 : f32
          %add3A_922 = arith.constant 0 : i32
          %add3A_923 = arith.addi %add3A_915, %add3A_922 : i32
          %mul3A_924 = arith.constant 128 : i32
          %mul3A_925 = arith.muli %add3A_923, %mul3A_924 : i32
          %add3A_926 = arith.addi %mul3A_593, %mul3A_925 : i32
          %add3A_927 = arith.constant 0 : i32
          %add3A_928 = arith.addi %add3A_926, %add3A_927 : i32
          %get3A_929 = arith.index_cast %add3A_928 : i32 to index
          %get3A_930 = tpu.vector_load %arg12[%get3A_929] {strides = array<i32>} : memref<30720xf32, #tpu.memory_space<vmem>>, vector<16xf32>,
          %mul3A_931 = vector.broadcast %mul3A_921 : f32 to vector<16xf32>
          %mul3A_932 = arith.mulf %mul3A_931, %get3A_930 : vector<16xf32>
          %add3A_933 = arith.addf %while3A_905, %mul3A_932 : vector<16xf32>
          %add3A_934 = arith.constant 16 : i32
          %add3A_935 = arith.addi %add3A_926, %add3A_934 : i32
          %get3A_936 = arith.index_cast %add3A_935 : i32 to index
          %get3A_937 = tpu.vector_load %arg12[%get3A_936] {strides = array<i32>} : memref<30720xf32, #tpu.memory_space<vmem>>, vector<16xf32>,
          %mul3A_938 = vector.broadcast %mul3A_921 : f32 to vector<16xf32>
          %mul3A_939 = arith.mulf %mul3A_938, %get3A_937 : vector<16xf32>
          %add3A_940 = arith.addf %while3A_906, %mul3A_939 : vector<16xf32>
          %add3A_941 = arith.constant 32 : i32
          %add3A_942 = arith.addi %add3A_926, %add3A_941 : i32
          %get3A_943 = arith.index_cast %add3A_942 : i32 to index
          %get3A_944 = tpu.vector_load %arg12[%get3A_943] {strides = array<i32>} : memref<30720xf32, #tpu.memory_space<vmem>>, vector<16xf32>,
          %mul3A_945 = vector.broadcast %mul3A_921 : f32 to vector<16xf32>
          %mul3A_946 = arith.mulf %mul3A_945, %get3A_944 : vector<16xf32>
          %add3A_947 = arith.addf %while3A_907, %mul3A_946 : vector<16xf32>
          %add3A_948 = arith.constant 48 : i32
          %add3A_949 = arith.addi %add3A_926, %add3A_948 : i32
          %get3A_950 = arith.index_cast %add3A_949 : i32 to index
          %get3A_951 = tpu.vector_load %arg12[%get3A_950] {strides = array<i32>} : memref<30720xf32, #tpu.memory_space<vmem>>, vector<16xf32>,
          %mul3A_952 = vector.broadcast %mul3A_921 : f32 to vector<16xf32>
          %mul3A_953 = arith.mulf %mul3A_952, %get3A_951 : vector<16xf32>
          %add3A_954 = arith.addf %while3A_908, %mul3A_953 : vector<16xf32>
          %add3A_955 = arith.constant 64 : i32
          %add3A_956 = arith.addi %add3A_926, %add3A_955 : i32
          %get3A_957 = arith.index_cast %add3A_956 : i32 to index
          %get3A_958 = tpu.vector_load %arg12[%get3A_957] {strides = array<i32>} : memref<30720xf32, #tpu.memory_space<vmem>>, vector<16xf32>,
          %mul3A_959 = vector.broadcast %mul3A_921 : f32 to vector<16xf32>
          %mul3A_960 = arith.mulf %mul3A_959, %get3A_958 : vector<16xf32>
          %add3A_961 = arith.addf %while3A_909, %mul3A_960 : vector<16xf32>
          %add3A_962 = arith.constant 80 : i32
          %add3A_963 = arith.addi %add3A_926, %add3A_962 : i32
          %get3A_964 = arith.index_cast %add3A_963 : i32 to index
          %get3A_965 = tpu.vector_load %arg12[%get3A_964] {strides = array<i32>} : memref<30720xf32, #tpu.memory_space<vmem>>, vector<16xf32>,
          %mul3A_966 = vector.broadcast %mul3A_921 : f32 to vector<16xf32>
          %mul3A_967 = arith.mulf %mul3A_966, %get3A_965 : vector<16xf32>
          %add3A_968 = arith.addf %while3A_910, %mul3A_967 : vector<16xf32>
          %add3A_969 = arith.constant 96 : i32
          %add3A_970 = arith.addi %add3A_926, %add3A_969 : i32
          %get3A_971 = arith.index_cast %add3A_970 : i32 to index
          %get3A_972 = tpu.vector_load %arg12[%get3A_971] {strides = array<i32>} : memref<30720xf32, #tpu.memory_space<vmem>>, vector<16xf32>,
          %mul3A_973 = vector.broadcast %mul3A_921 : f32 to vector<16xf32>
          %mul3A_974 = arith.mulf %mul3A_973, %get3A_972 : vector<16xf32>
          %add3A_975 = arith.addf %while3A_911, %mul3A_974 : vector<16xf32>
          %add3A_976 = arith.constant 112 : i32
          %add3A_977 = arith.addi %add3A_926, %add3A_976 : i32
          %get3A_978 = arith.index_cast %add3A_977 : i32 to index
          %get3A_979 = tpu.vector_load %arg12[%get3A_978] {strides = array<i32>} : memref<30720xf32, #tpu.memory_space<vmem>>, vector<16xf32>,
          %mul3A_980 = vector.broadcast %mul3A_921 : f32 to vector<16xf32>
          %mul3A_981 = arith.mulf %mul3A_980, %get3A_979 : vector<16xf32>
          %add3A_982 = arith.addf %while3A_912, %mul3A_981 : vector<16xf32>
          %slice3A_983 = vector.extract_strided_slice %get3A_918 {offsets = [1], sizes = [1], strides = [1]} : vector<16xf32> to vector<1xf32>
          %squeeze3A_984 = vector.extract %slice3A_983[0] : f32 from vector<1xf32>
          %mul3A_985 = arith.mulf %squeeze3A_984, %squeeze3A_823 : f32
          %add3A_986 = arith.constant 1 : i32
          %add3A_987 = arith.addi %add3A_915, %add3A_986 : i32
          %mul3A_988 = arith.constant 128 : i32
          %mul3A_989 = arith.muli %add3A_987, %mul3A_988 : i32
          %add3A_990 = arith.addi %mul3A_593, %mul3A_989 : i32
          %add3A_991 = arith.constant 0 : i32
          %add3A_992 = arith.addi %add3A_990, %add3A_991 : i32
          %get3A_993 = arith.index_cast %add3A_992 : i32 to index
          %get3A_994 = tpu.vector_load %arg12[%get3A_993] {strides = array<i32>} : memref<30720xf32, #tpu.memory_space<vmem>>, vector<16xf32>,
          %mul3A_995 = vector.broadcast %mul3A_985 : f32 to vector<16xf32>
          %mul3A_996 = arith.mulf %mul3A_995, %get3A_994 : vector<16xf32>
          %add3A_997 = arith.addf %add3A_933, %mul3A_996 : vector<16xf32>
          %add3A_998 = arith.constant 16 : i32
          %add3A_999 = arith.addi %add3A_990, %add3A_998 : i32
          %get3A_1000 = arith.index_cast %add3A_999 : i32 to index
          %get3A_1001 = tpu.vector_load %arg12[%get3A_1000] {strides = array<i32>} : memref<30720xf32, #tpu.memory_space<vmem>>, vector<16xf32>,
          %mul3A_1002 = vector.broadcast %mul3A_985 : f32 to vector<16xf32>
          %mul3A_1003 = arith.mulf %mul3A_1002, %get3A_1001 : vector<16xf32>
          %add3A_1004 = arith.addf %add3A_940, %mul3A_1003 : vector<16xf32>
          %add3A_1005 = arith.constant 32 : i32
          %add3A_1006 = arith.addi %add3A_990, %add3A_1005 : i32
          %get3A_1007 = arith.index_cast %add3A_1006 : i32 to index
          %get3A_1008 = tpu.vector_load %arg12[%get3A_1007] {strides = array<i32>} : memref<30720xf32, #tpu.memory_space<vmem>>, vector<16xf32>,
          %mul3A_1009 = vector.broadcast %mul3A_985 : f32 to vector<16xf32>
          %mul3A_1010 = arith.mulf %mul3A_1009, %get3A_1008 : vector<16xf32>
          %add3A_1011 = arith.addf %add3A_947, %mul3A_1010 : vector<16xf32>
          %add3A_1012 = arith.constant 48 : i32
          %add3A_1013 = arith.addi %add3A_990, %add3A_1012 : i32
          %get3A_1014 = arith.index_cast %add3A_1013 : i32 to index
          %get3A_1015 = tpu.vector_load %arg12[%get3A_1014] {strides = array<i32>} : memref<30720xf32, #tpu.memory_space<vmem>>, vector<16xf32>,
          %mul3A_1016 = vector.broadcast %mul3A_985 : f32 to vector<16xf32>
          %mul3A_1017 = arith.mulf %mul3A_1016, %get3A_1015 : vector<16xf32>
          %add3A_1018 = arith.addf %add3A_954, %mul3A_1017 : vector<16xf32>
          %add3A_1019 = arith.constant 64 : i32
          %add3A_1020 = arith.addi %add3A_990, %add3A_1019 : i32
          %get3A_1021 = arith.index_cast %add3A_1020 : i32 to index
          %get3A_1022 = tpu.vector_load %arg12[%get3A_1021] {strides = array<i32>} : memref<30720xf32, #tpu.memory_space<vmem>>, vector<16xf32>,
          %mul3A_1023 = vector.broadcast %mul3A_985 : f32 to vector<16xf32>
          %mul3A_1024 = arith.mulf %mul3A_1023, %get3A_1022 : vector<16xf32>
          %add3A_1025 = arith.addf %add3A_961, %mul3A_1024 : vector<16xf32>
          %add3A_1026 = arith.constant 80 : i32
          %add3A_1027 = arith.addi %add3A_990, %add3A_1026 : i32
          %get3A_1028 = arith.index_cast %add3A_1027 : i32 to index
          %get3A_1029 = tpu.vector_load %arg12[%get3A_1028] {strides = array<i32>} : memref<30720xf32, #tpu.memory_space<vmem>>, vector<16xf32>,
          %mul3A_1030 = vector.broadcast %mul3A_985 : f32 to vector<16xf32>
          %mul3A_1031 = arith.mulf %mul3A_1030, %get3A_1029 : vector<16xf32>
          %add3A_1032 = arith.addf %add3A_968, %mul3A_1031 : vector<16xf32>
          %add3A_1033 = arith.constant 96 : i32
          %add3A_1034 = arith.addi %add3A_990, %add3A_1033 : i32
          %get3A_1035 = arith.index_cast %add3A_1034 : i32 to index
          %get3A_1036 = tpu.vector_load %arg12[%get3A_1035] {strides = array<i32>} : memref<30720xf32, #tpu.memory_space<vmem>>, vector<16xf32>,
          %mul3A_1037 = vector.broadcast %mul3A_985 : f32 to vector<16xf32>
          %mul3A_1038 = arith.mulf %mul3A_1037, %get3A_1036 : vector<16xf32>
          %add3A_1039 = arith.addf %add3A_975, %mul3A_1038 : vector<16xf32>
          %add3A_1040 = arith.constant 112 : i32
          %add3A_1041 = arith.addi %add3A_990, %add3A_1040 : i32
          %get3A_1042 = arith.index_cast %add3A_1041 : i32 to index
          %get3A_1043 = tpu.vector_load %arg12[%get3A_1042] {strides = array<i32>} : memref<30720xf32, #tpu.memory_space<vmem>>, vector<16xf32>,
          %mul3A_1044 = vector.broadcast %mul3A_985 : f32 to vector<16xf32>
          %mul3A_1045 = arith.mulf %mul3A_1044, %get3A_1043 : vector<16xf32>
          %add3A_1046 = arith.addf %add3A_982, %mul3A_1045 : vector<16xf32>
          %slice3A_1047 = vector.extract_strided_slice %get3A_918 {offsets = [2], sizes = [1], strides = [1]} : vector<16xf32> to vector<1xf32>
          %squeeze3A_1048 = vector.extract %slice3A_1047[0] : f32 from vector<1xf32>
          %mul3A_1049 = arith.mulf %squeeze3A_1048, %squeeze3A_823 : f32
          %add3A_1050 = arith.constant 2 : i32
          %add3A_1051 = arith.addi %add3A_915, %add3A_1050 : i32
          %mul3A_1052 = arith.constant 128 : i32
          %mul3A_1053 = arith.muli %add3A_1051, %mul3A_1052 : i32
          %add3A_1054 = arith.addi %mul3A_593, %mul3A_1053 : i32
          %add3A_1055 = arith.constant 0 : i32
          %add3A_1056 = arith.addi %add3A_1054, %add3A_1055 : i32
          %get3A_1057 = arith.index_cast %add3A_1056 : i32 to index
          %get3A_1058 = tpu.vector_load %arg12[%get3A_1057] {strides = array<i32>} : memref<30720xf32, #tpu.memory_space<vmem>>, vector<16xf32>,
          %mul3A_1059 = vector.broadcast %mul3A_1049 : f32 to vector<16xf32>
          %mul3A_1060 = arith.mulf %mul3A_1059, %get3A_1058 : vector<16xf32>
          %add3A_1061 = arith.addf %add3A_997, %mul3A_1060 : vector<16xf32>
          %add3A_1062 = arith.constant 16 : i32
          %add3A_1063 = arith.addi %add3A_1054, %add3A_1062 : i32
          %get3A_1064 = arith.index_cast %add3A_1063 : i32 to index
          %get3A_1065 = tpu.vector_load %arg12[%get3A_1064] {strides = array<i32>} : memref<30720xf32, #tpu.memory_space<vmem>>, vector<16xf32>,
          %mul3A_1066 = vector.broadcast %mul3A_1049 : f32 to vector<16xf32>
          %mul3A_1067 = arith.mulf %mul3A_1066, %get3A_1065 : vector<16xf32>
          %add3A_1068 = arith.addf %add3A_1004, %mul3A_1067 : vector<16xf32>
          %add3A_1069 = arith.constant 32 : i32
          %add3A_1070 = arith.addi %add3A_1054, %add3A_1069 : i32
          %get3A_1071 = arith.index_cast %add3A_1070 : i32 to index
          %get3A_1072 = tpu.vector_load %arg12[%get3A_1071] {strides = array<i32>} : memref<30720xf32, #tpu.memory_space<vmem>>, vector<16xf32>,
          %mul3A_1073 = vector.broadcast %mul3A_1049 : f32 to vector<16xf32>
          %mul3A_1074 = arith.mulf %mul3A_1073, %get3A_1072 : vector<16xf32>
          %add3A_1075 = arith.addf %add3A_1011, %mul3A_1074 : vector<16xf32>
          %add3A_1076 = arith.constant 48 : i32
          %add3A_1077 = arith.addi %add3A_1054, %add3A_1076 : i32
          %get3A_1078 = arith.index_cast %add3A_1077 : i32 to index
          %get3A_1079 = tpu.vector_load %arg12[%get3A_1078] {strides = array<i32>} : memref<30720xf32, #tpu.memory_space<vmem>>, vector<16xf32>,
          %mul3A_1080 = vector.broadcast %mul3A_1049 : f32 to vector<16xf32>
          %mul3A_1081 = arith.mulf %mul3A_1080, %get3A_1079 : vector<16xf32>
          %add3A_1082 = arith.addf %add3A_1018, %mul3A_1081 : vector<16xf32>
          %add3A_1083 = arith.constant 64 : i32
          %add3A_1084 = arith.addi %add3A_1054, %add3A_1083 : i32
          %get3A_1085 = arith.index_cast %add3A_1084 : i32 to index
          %get3A_1086 = tpu.vector_load %arg12[%get3A_1085] {strides = array<i32>} : memref<30720xf32, #tpu.memory_space<vmem>>, vector<16xf32>,
          %mul3A_1087 = vector.broadcast %mul3A_1049 : f32 to vector<16xf32>
          %mul3A_1088 = arith.mulf %mul3A_1087, %get3A_1086 : vector<16xf32>
          %add3A_1089 = arith.addf %add3A_1025, %mul3A_1088 : vector<16xf32>
          %add3A_1090 = arith.constant 80 : i32
          %add3A_1091 = arith.addi %add3A_1054, %add3A_1090 : i32
          %get3A_1092 = arith.index_cast %add3A_1091 : i32 to index
          %get3A_1093 = tpu.vector_load %arg12[%get3A_1092] {strides = array<i32>} : memref<30720xf32, #tpu.memory_space<vmem>>, vector<16xf32>,
          %mul3A_1094 = vector.broadcast %mul3A_1049 : f32 to vector<16xf32>
          %mul3A_1095 = arith.mulf %mul3A_1094, %get3A_1093 : vector<16xf32>
          %add3A_1096 = arith.addf %add3A_1032, %mul3A_1095 : vector<16xf32>
          %add3A_1097 = arith.constant 96 : i32
          %add3A_1098 = arith.addi %add3A_1054, %add3A_1097 : i32
          %get3A_1099 = arith.index_cast %add3A_1098 : i32 to index
          %get3A_1100 = tpu.vector_load %arg12[%get3A_1099] {strides = array<i32>} : memref<30720xf32, #tpu.memory_space<vmem>>, vector<16xf32>,
          %mul3A_1101 = vector.broadcast %mul3A_1049 : f32 to vector<16xf32>
          %mul3A_1102 = arith.mulf %mul3A_1101, %get3A_1100 : vector<16xf32>
          %add3A_1103 = arith.addf %add3A_1039, %mul3A_1102 : vector<16xf32>
          %add3A_1104 = arith.constant 112 : i32
          %add3A_1105 = arith.addi %add3A_1054, %add3A_1104 : i32
          %get3A_1106 = arith.index_cast %add3A_1105 : i32 to index
          %get3A_1107 = tpu.vector_load %arg12[%get3A_1106] {strides = array<i32>} : memref<30720xf32, #tpu.memory_space<vmem>>, vector<16xf32>,
          %mul3A_1108 = vector.broadcast %mul3A_1049 : f32 to vector<16xf32>
          %mul3A_1109 = arith.mulf %mul3A_1108, %get3A_1107 : vector<16xf32>
          %add3A_1110 = arith.addf %add3A_1046, %mul3A_1109 : vector<16xf32>
          %slice3A_1111 = vector.extract_strided_slice %get3A_918 {offsets = [3], sizes = [1], strides = [1]} : vector<16xf32> to vector<1xf32>
          %squeeze3A_1112 = vector.extract %slice3A_1111[0] : f32 from vector<1xf32>
          %mul3A_1113 = arith.mulf %squeeze3A_1112, %squeeze3A_823 : f32
          %add3A_1114 = arith.constant 3 : i32
          %add3A_1115 = arith.addi %add3A_915, %add3A_1114 : i32
          %mul3A_1116 = arith.constant 128 : i32
          %mul3A_1117 = arith.muli %add3A_1115, %mul3A_1116 : i32
          %add3A_1118 = arith.addi %mul3A_593, %mul3A_1117 : i32
          %add3A_1119 = arith.constant 0 : i32
          %add3A_1120 = arith.addi %add3A_1118, %add3A_1119 : i32
          %get3A_1121 = arith.index_cast %add3A_1120 : i32 to index
          %get3A_1122 = tpu.vector_load %arg12[%get3A_1121] {strides = array<i32>} : memref<30720xf32, #tpu.memory_space<vmem>>, vector<16xf32>,
          %mul3A_1123 = vector.broadcast %mul3A_1113 : f32 to vector<16xf32>
          %mul3A_1124 = arith.mulf %mul3A_1123, %get3A_1122 : vector<16xf32>
          %add3A_1125 = arith.addf %add3A_1061, %mul3A_1124 : vector<16xf32>
          %add3A_1126 = arith.constant 16 : i32
          %add3A_1127 = arith.addi %add3A_1118, %add3A_1126 : i32
          %get3A_1128 = arith.index_cast %add3A_1127 : i32 to index
          %get3A_1129 = tpu.vector_load %arg12[%get3A_1128] {strides = array<i32>} : memref<30720xf32, #tpu.memory_space<vmem>>, vector<16xf32>,
          %mul3A_1130 = vector.broadcast %mul3A_1113 : f32 to vector<16xf32>
          %mul3A_1131 = arith.mulf %mul3A_1130, %get3A_1129 : vector<16xf32>
          %add3A_1132 = arith.addf %add3A_1068, %mul3A_1131 : vector<16xf32>
          %add3A_1133 = arith.constant 32 : i32
          %add3A_1134 = arith.addi %add3A_1118, %add3A_1133 : i32
          %get3A_1135 = arith.index_cast %add3A_1134 : i32 to index
          %get3A_1136 = tpu.vector_load %arg12[%get3A_1135] {strides = array<i32>} : memref<30720xf32, #tpu.memory_space<vmem>>, vector<16xf32>,
          %mul3A_1137 = vector.broadcast %mul3A_1113 : f32 to vector<16xf32>
          %mul3A_1138 = arith.mulf %mul3A_1137, %get3A_1136 : vector<16xf32>
          %add3A_1139 = arith.addf %add3A_1075, %mul3A_1138 : vector<16xf32>
          %add3A_1140 = arith.constant 48 : i32
          %add3A_1141 = arith.addi %add3A_1118, %add3A_1140 : i32
          %get3A_1142 = arith.index_cast %add3A_1141 : i32 to index
          %get3A_1143 = tpu.vector_load %arg12[%get3A_1142] {strides = array<i32>} : memref<30720xf32, #tpu.memory_space<vmem>>, vector<16xf32>,
          %mul3A_1144 = vector.broadcast %mul3A_1113 : f32 to vector<16xf32>
          %mul3A_1145 = arith.mulf %mul3A_1144, %get3A_1143 : vector<16xf32>
          %add3A_1146 = arith.addf %add3A_1082, %mul3A_1145 : vector<16xf32>
          %add3A_1147 = arith.constant 64 : i32
          %add3A_1148 = arith.addi %add3A_1118, %add3A_1147 : i32
          %get3A_1149 = arith.index_cast %add3A_1148 : i32 to index
          %get3A_1150 = tpu.vector_load %arg12[%get3A_1149] {strides = array<i32>} : memref<30720xf32, #tpu.memory_space<vmem>>, vector<16xf32>,
          %mul3A_1151 = vector.broadcast %mul3A_1113 : f32 to vector<16xf32>
          %mul3A_1152 = arith.mulf %mul3A_1151, %get3A_1150 : vector<16xf32>
          %add3A_1153 = arith.addf %add3A_1089, %mul3A_1152 : vector<16xf32>
          %add3A_1154 = arith.constant 80 : i32
          %add3A_1155 = arith.addi %add3A_1118, %add3A_1154 : i32
          %get3A_1156 = arith.index_cast %add3A_1155 : i32 to index
          %get3A_1157 = tpu.vector_load %arg12[%get3A_1156] {strides = array<i32>} : memref<30720xf32, #tpu.memory_space<vmem>>, vector<16xf32>,
          %mul3A_1158 = vector.broadcast %mul3A_1113 : f32 to vector<16xf32>
          %mul3A_1159 = arith.mulf %mul3A_1158, %get3A_1157 : vector<16xf32>
          %add3A_1160 = arith.addf %add3A_1096, %mul3A_1159 : vector<16xf32>
          %add3A_1161 = arith.constant 96 : i32
          %add3A_1162 = arith.addi %add3A_1118, %add3A_1161 : i32
          %get3A_1163 = arith.index_cast %add3A_1162 : i32 to index
          %get3A_1164 = tpu.vector_load %arg12[%get3A_1163] {strides = array<i32>} : memref<30720xf32, #tpu.memory_space<vmem>>, vector<16xf32>,
          %mul3A_1165 = vector.broadcast %mul3A_1113 : f32 to vector<16xf32>
          %mul3A_1166 = arith.mulf %mul3A_1165, %get3A_1164 : vector<16xf32>
          %add3A_1167 = arith.addf %add3A_1103, %mul3A_1166 : vector<16xf32>
          %add3A_1168 = arith.constant 112 : i32
          %add3A_1169 = arith.addi %add3A_1118, %add3A_1168 : i32
          %get3A_1170 = arith.index_cast %add3A_1169 : i32 to index
          %get3A_1171 = tpu.vector_load %arg12[%get3A_1170] {strides = array<i32>} : memref<30720xf32, #tpu.memory_space<vmem>>, vector<16xf32>,
          %mul3A_1172 = vector.broadcast %mul3A_1113 : f32 to vector<16xf32>
          %mul3A_1173 = arith.mulf %mul3A_1172, %get3A_1171 : vector<16xf32>
          %add3A_1174 = arith.addf %add3A_1110, %mul3A_1173 : vector<16xf32>
          scf.yield %add3A_1125, %add3A_1132, %add3A_1139, %add3A_1146, %add3A_1153, %add3A_1160, %add3A_1167, %add3A_1174 : vector<16xf32>, vector<16xf32>, vector<16xf32>, vector<16xf32>, vector<16xf32>, vector<16xf32>, vector<16xf32>, vector<16xf32>
        }
        %and3A = arith.constant 3 : i32
        %and3A_853 = arith.andi %sub3A_824, %and3A : i32
        %sub3A_854 = arith.subi %squeeze3A_819, %and3A_853 : i32
        %while3A_855 = arith.subi %squeeze3A_819, %sub3A_854 : i32
        %while3A_856 = arith.addi %sub3A_854, %while3A_855 : i32
        %while3A_857 = arith.constant 1 : i32
        %while3A_858 = arith.divsi %while3A_855, %while3A_857 : i32
        %while3A_859 = arith.muli %while3A_858, %while3A_857 : i32
        %while3A_860 = arith.addi %sub3A_854, %while3A_859 : i32
        %while3A_861 = arith.constant 1 : i32
        %while3A_862:8 = scf.for %while3A_904 = %sub3A_854 to %while3A_860 step %while3A_861 iter_args(%while3A_905 = %while3A_852#0, %while3A_906 = %while3A_852#1, %while3A_907 = %while3A_852#2, %while3A_908 = %while3A_852#3, %while3A_909 = %while3A_852#4, %while3A_910 = %while3A_852#5, %while3A_911 = %while3A_852#6, %while3A_912 = %while3A_852#7) -> (vector<16xf32>, vector<16xf32>, vector<16xf32>, vector<16xf32>, vector<16xf32>, vector<16xf32>, vector<16xf32>, vector<16xf32>)  : i32 {
          %add3A_913 = arith.addi %mul3A_591, %while3A_904 : i32
          %get3A_914 = arith.index_cast %add3A_913 : i32 to index
          %get3A_915 = tpu.vector_load %arg8[%get3A_914] {strides = array<i32>} : memref<288xf32, #tpu.memory_space<vmem>>, vector<16xf32>,
          %slice3A_916 = vector.extract_strided_slice %get3A_915 {offsets = [0], sizes = [1], strides = [1]} : vector<16xf32> to vector<1xf32>
          %squeeze3A_917 = vector.extract %slice3A_916[0] : f32 from vector<1xf32>
          %mul3A_918 = arith.mulf %squeeze3A_917, %squeeze3A_823 : f32
          %mul3A_919 = arith.constant 128 : i32
          %mul3A_920 = arith.muli %while3A_904, %mul3A_919 : i32
          %add3A_921 = arith.addi %mul3A_593, %mul3A_920 : i32
          %add3A_922 = arith.constant 0 : i32
          %add3A_923 = arith.addi %add3A_921, %add3A_922 : i32
          %get3A_924 = arith.index_cast %add3A_923 : i32 to index
          %get3A_925 = tpu.vector_load %arg12[%get3A_924] {strides = array<i32>} : memref<30720xf32, #tpu.memory_space<vmem>>, vector<16xf32>,
          %mul3A_926 = vector.broadcast %mul3A_918 : f32 to vector<16xf32>
          %mul3A_927 = arith.mulf %mul3A_926, %get3A_925 : vector<16xf32>
          %add3A_928 = arith.addf %while3A_905, %mul3A_927 : vector<16xf32>
          %mul3A_929 = arith.constant 128 : i32
          %mul3A_930 = arith.muli %while3A_904, %mul3A_929 : i32
          %add3A_931 = arith.addi %mul3A_593, %mul3A_930 : i32
          %add3A_932 = arith.constant 16 : i32
          %add3A_933 = arith.addi %add3A_931, %add3A_932 : i32
          %get3A_934 = arith.index_cast %add3A_933 : i32 to index
          %get3A_935 = tpu.vector_load %arg12[%get3A_934] {strides = array<i32>} : memref<30720xf32, #tpu.memory_space<vmem>>, vector<16xf32>,
          %mul3A_936 = vector.broadcast %mul3A_918 : f32 to vector<16xf32>
          %mul3A_937 = arith.mulf %mul3A_936, %get3A_935 : vector<16xf32>
          %add3A_938 = arith.addf %while3A_906, %mul3A_937 : vector<16xf32>
          %mul3A_939 = arith.constant 128 : i32
          %mul3A_940 = arith.muli %while3A_904, %mul3A_939 : i32
          %add3A_941 = arith.addi %mul3A_593, %mul3A_940 : i32
          %add3A_942 = arith.constant 32 : i32
          %add3A_943 = arith.addi %add3A_941, %add3A_942 : i32
          %get3A_944 = arith.index_cast %add3A_943 : i32 to index
          %get3A_945 = tpu.vector_load %arg12[%get3A_944] {strides = array<i32>} : memref<30720xf32, #tpu.memory_space<vmem>>, vector<16xf32>,
          %mul3A_946 = vector.broadcast %mul3A_918 : f32 to vector<16xf32>
          %mul3A_947 = arith.mulf %mul3A_946, %get3A_945 : vector<16xf32>
          %add3A_948 = arith.addf %while3A_907, %mul3A_947 : vector<16xf32>
          %mul3A_949 = arith.constant 128 : i32
          %mul3A_950 = arith.muli %while3A_904, %mul3A_949 : i32
          %add3A_951 = arith.addi %mul3A_593, %mul3A_950 : i32
          %add3A_952 = arith.constant 48 : i32
          %add3A_953 = arith.addi %add3A_951, %add3A_952 : i32
          %get3A_954 = arith.index_cast %add3A_953 : i32 to index
          %get3A_955 = tpu.vector_load %arg12[%get3A_954] {strides = array<i32>} : memref<30720xf32, #tpu.memory_space<vmem>>, vector<16xf32>,
          %mul3A_956 = vector.broadcast %mul3A_918 : f32 to vector<16xf32>
          %mul3A_957 = arith.mulf %mul3A_956, %get3A_955 : vector<16xf32>
          %add3A_958 = arith.addf %while3A_908, %mul3A_957 : vector<16xf32>
          %mul3A_959 = arith.constant 128 : i32
          %mul3A_960 = arith.muli %while3A_904, %mul3A_959 : i32
          %add3A_961 = arith.addi %mul3A_593, %mul3A_960 : i32
          %add3A_962 = arith.constant 64 : i32
          %add3A_963 = arith.addi %add3A_961, %add3A_962 : i32
          %get3A_964 = arith.index_cast %add3A_963 : i32 to index
          %get3A_965 = tpu.vector_load %arg12[%get3A_964] {strides = array<i32>} : memref<30720xf32, #tpu.memory_space<vmem>>, vector<16xf32>,
          %mul3A_966 = vector.broadcast %mul3A_918 : f32 to vector<16xf32>
          %mul3A_967 = arith.mulf %mul3A_966, %get3A_965 : vector<16xf32>
          %add3A_968 = arith.addf %while3A_909, %mul3A_967 : vector<16xf32>
          %mul3A_969 = arith.constant 128 : i32
          %mul3A_970 = arith.muli %while3A_904, %mul3A_969 : i32
          %add3A_971 = arith.addi %mul3A_593, %mul3A_970 : i32
          %add3A_972 = arith.constant 80 : i32
          %add3A_973 = arith.addi %add3A_971, %add3A_972 : i32
          %get3A_974 = arith.index_cast %add3A_973 : i32 to index
          %get3A_975 = tpu.vector_load %arg12[%get3A_974] {strides = array<i32>} : memref<30720xf32, #tpu.memory_space<vmem>>, vector<16xf32>,
          %mul3A_976 = vector.broadcast %mul3A_918 : f32 to vector<16xf32>
          %mul3A_977 = arith.mulf %mul3A_976, %get3A_975 : vector<16xf32>
          %add3A_978 = arith.addf %while3A_910, %mul3A_977 : vector<16xf32>
          %mul3A_979 = arith.constant 128 : i32
          %mul3A_980 = arith.muli %while3A_904, %mul3A_979 : i32
          %add3A_981 = arith.addi %mul3A_593, %mul3A_980 : i32
          %add3A_982 = arith.constant 96 : i32
          %add3A_983 = arith.addi %add3A_981, %add3A_982 : i32
          %get3A_984 = arith.index_cast %add3A_983 : i32 to index
          %get3A_985 = tpu.vector_load %arg12[%get3A_984] {strides = array<i32>} : memref<30720xf32, #tpu.memory_space<vmem>>, vector<16xf32>,
          %mul3A_986 = vector.broadcast %mul3A_918 : f32 to vector<16xf32>
          %mul3A_987 = arith.mulf %mul3A_986, %get3A_985 : vector<16xf32>
          %add3A_988 = arith.addf %while3A_911, %mul3A_987 : vector<16xf32>
          %mul3A_989 = arith.constant 128 : i32
          %mul3A_990 = arith.muli %while3A_904, %mul3A_989 : i32
          %add3A_991 = arith.addi %mul3A_593, %mul3A_990 : i32
          %add3A_992 = arith.constant 112 : i32
          %add3A_993 = arith.addi %add3A_991, %add3A_992 : i32
          %get3A_994 = arith.index_cast %add3A_993 : i32 to index
          %get3A_995 = tpu.vector_load %arg12[%get3A_994] {strides = array<i32>} : memref<30720xf32, #tpu.memory_space<vmem>>, vector<16xf32>,
          %mul3A_996 = vector.broadcast %mul3A_918 : f32 to vector<16xf32>
          %mul3A_997 = arith.mulf %mul3A_996, %get3A_995 : vector<16xf32>
          %add3A_998 = arith.addf %while3A_912, %mul3A_997 : vector<16xf32>
          scf.yield %add3A_928, %add3A_938, %add3A_948, %add3A_958, %add3A_968, %add3A_978, %add3A_988, %add3A_998 : vector<16xf32>, vector<16xf32>, vector<16xf32>, vector<16xf32>, vector<16xf32>, vector<16xf32>, vector<16xf32>, vector<16xf32>
        }
        %while3A_863 = arith.constant 1 : i32
        %while3A_864:8 = scf.for %while3A_904 = %while3A_860 to %while3A_856 step %while3A_863 iter_args(%while3A_905 = %while3A_862#0, %while3A_906 = %while3A_862#1, %while3A_907 = %while3A_862#2, %while3A_908 = %while3A_862#3, %while3A_909 = %while3A_862#4, %while3A_910 = %while3A_862#5, %while3A_911 = %while3A_862#6, %while3A_912 = %while3A_862#7) -> (vector<16xf32>, vector<16xf32>, vector<16xf32>, vector<16xf32>, vector<16xf32>, vector<16xf32>, vector<16xf32>, vector<16xf32>)  : i32 {
          %add3A_913 = arith.addi %mul3A_591, %while3A_904 : i32
          %get3A_914 = arith.index_cast %add3A_913 : i32 to index
          %get3A_915 = tpu.vector_load %arg8[%get3A_914] {strides = array<i32>} : memref<288xf32, #tpu.memory_space<vmem>>, vector<16xf32>,
          %slice3A_916 = vector.extract_strided_slice %get3A_915 {offsets = [0], sizes = [1], strides = [1]} : vector<16xf32> to vector<1xf32>
          %squeeze3A_917 = vector.extract %slice3A_916[0] : f32 from vector<1xf32>
          %mul3A_918 = arith.mulf %squeeze3A_917, %squeeze3A_823 : f32
          %mul3A_919 = arith.constant 128 : i32
          %mul3A_920 = arith.muli %while3A_904, %mul3A_919 : i32
          %add3A_921 = arith.addi %mul3A_593, %mul3A_920 : i32
          %add3A_922 = arith.constant 0 : i32
          %add3A_923 = arith.addi %add3A_921, %add3A_922 : i32
          %get3A_924 = arith.index_cast %add3A_923 : i32 to index
          %get3A_925 = tpu.vector_load %arg12[%get3A_924] {strides = array<i32>} : memref<30720xf32, #tpu.memory_space<vmem>>, vector<16xf32>,
          %mul3A_926 = vector.broadcast %mul3A_918 : f32 to vector<16xf32>
          %mul3A_927 = arith.mulf %mul3A_926, %get3A_925 : vector<16xf32>
          %add3A_928 = arith.addf %while3A_905, %mul3A_927 : vector<16xf32>
          %mul3A_929 = arith.constant 128 : i32
          %mul3A_930 = arith.muli %while3A_904, %mul3A_929 : i32
          %add3A_931 = arith.addi %mul3A_593, %mul3A_930 : i32
          %add3A_932 = arith.constant 16 : i32
          %add3A_933 = arith.addi %add3A_931, %add3A_932 : i32
          %get3A_934 = arith.index_cast %add3A_933 : i32 to index
          %get3A_935 = tpu.vector_load %arg12[%get3A_934] {strides = array<i32>} : memref<30720xf32, #tpu.memory_space<vmem>>, vector<16xf32>,
          %mul3A_936 = vector.broadcast %mul3A_918 : f32 to vector<16xf32>
          %mul3A_937 = arith.mulf %mul3A_936, %get3A_935 : vector<16xf32>
          %add3A_938 = arith.addf %while3A_906, %mul3A_937 : vector<16xf32>
          %mul3A_939 = arith.constant 128 : i32
          %mul3A_940 = arith.muli %while3A_904, %mul3A_939 : i32
          %add3A_941 = arith.addi %mul3A_593, %mul3A_940 : i32
          %add3A_942 = arith.constant 32 : i32
          %add3A_943 = arith.addi %add3A_941, %add3A_942 : i32
          %get3A_944 = arith.index_cast %add3A_943 : i32 to index
          %get3A_945 = tpu.vector_load %arg12[%get3A_944] {strides = array<i32>} : memref<30720xf32, #tpu.memory_space<vmem>>, vector<16xf32>,
          %mul3A_946 = vector.broadcast %mul3A_918 : f32 to vector<16xf32>
          %mul3A_947 = arith.mulf %mul3A_946, %get3A_945 : vector<16xf32>
          %add3A_948 = arith.addf %while3A_907, %mul3A_947 : vector<16xf32>
          %mul3A_949 = arith.constant 128 : i32
          %mul3A_950 = arith.muli %while3A_904, %mul3A_949 : i32
          %add3A_951 = arith.addi %mul3A_593, %mul3A_950 : i32
          %add3A_952 = arith.constant 48 : i32
          %add3A_953 = arith.addi %add3A_951, %add3A_952 : i32
          %get3A_954 = arith.index_cast %add3A_953 : i32 to index
          %get3A_955 = tpu.vector_load %arg12[%get3A_954] {strides = array<i32>} : memref<30720xf32, #tpu.memory_space<vmem>>, vector<16xf32>,
          %mul3A_956 = vector.broadcast %mul3A_918 : f32 to vector<16xf32>
          %mul3A_957 = arith.mulf %mul3A_956, %get3A_955 : vector<16xf32>
          %add3A_958 = arith.addf %while3A_908, %mul3A_957 : vector<16xf32>
          %mul3A_959 = arith.constant 128 : i32
          %mul3A_960 = arith.muli %while3A_904, %mul3A_959 : i32
          %add3A_961 = arith.addi %mul3A_593, %mul3A_960 : i32
          %add3A_962 = arith.constant 64 : i32
          %add3A_963 = arith.addi %add3A_961, %add3A_962 : i32
          %get3A_964 = arith.index_cast %add3A_963 : i32 to index
          %get3A_965 = tpu.vector_load %arg12[%get3A_964] {strides = array<i32>} : memref<30720xf32, #tpu.memory_space<vmem>>, vector<16xf32>,
          %mul3A_966 = vector.broadcast %mul3A_918 : f32 to vector<16xf32>
          %mul3A_967 = arith.mulf %mul3A_966, %get3A_965 : vector<16xf32>
          %add3A_968 = arith.addf %while3A_909, %mul3A_967 : vector<16xf32>
          %mul3A_969 = arith.constant 128 : i32
          %mul3A_970 = arith.muli %while3A_904, %mul3A_969 : i32
          %add3A_971 = arith.addi %mul3A_593, %mul3A_970 : i32
          %add3A_972 = arith.constant 80 : i32
          %add3A_973 = arith.addi %add3A_971, %add3A_972 : i32
          %get3A_974 = arith.index_cast %add3A_973 : i32 to index
          %get3A_975 = tpu.vector_load %arg12[%get3A_974] {strides = array<i32>} : memref<30720xf32, #tpu.memory_space<vmem>>, vector<16xf32>,
          %mul3A_976 = vector.broadcast %mul3A_918 : f32 to vector<16xf32>
          %mul3A_977 = arith.mulf %mul3A_976, %get3A_975 : vector<16xf32>
          %add3A_978 = arith.addf %while3A_910, %mul3A_977 : vector<16xf32>
          %mul3A_979 = arith.constant 128 : i32
          %mul3A_980 = arith.muli %while3A_904, %mul3A_979 : i32
          %add3A_981 = arith.addi %mul3A_593, %mul3A_980 : i32
          %add3A_982 = arith.constant 96 : i32
          %add3A_983 = arith.addi %add3A_981, %add3A_982 : i32
          %get3A_984 = arith.index_cast %add3A_983 : i32 to index
          %get3A_985 = tpu.vector_load %arg12[%get3A_984] {strides = array<i32>} : memref<30720xf32, #tpu.memory_space<vmem>>, vector<16xf32>,
          %mul3A_986 = vector.broadcast %mul3A_918 : f32 to vector<16xf32>
          %mul3A_987 = arith.mulf %mul3A_986, %get3A_985 : vector<16xf32>
          %add3A_988 = arith.addf %while3A_911, %mul3A_987 : vector<16xf32>
          %mul3A_989 = arith.constant 128 : i32
          %mul3A_990 = arith.muli %while3A_904, %mul3A_989 : i32
          %add3A_991 = arith.addi %mul3A_593, %mul3A_990 : i32
          %add3A_992 = arith.constant 112 : i32
          %add3A_993 = arith.addi %add3A_991, %add3A_992 : i32
          %get3A_994 = arith.index_cast %add3A_993 : i32 to index
          %get3A_995 = tpu.vector_load %arg12[%get3A_994] {strides = array<i32>} : memref<30720xf32, #tpu.memory_space<vmem>>, vector<16xf32>,
          %mul3A_996 = vector.broadcast %mul3A_918 : f32 to vector<16xf32>
          %mul3A_997 = arith.mulf %mul3A_996, %get3A_995 : vector<16xf32>
          %add3A_998 = arith.addf %while3A_912, %mul3A_997 : vector<16xf32>
          scf.yield %add3A_928, %add3A_938, %add3A_948, %add3A_958, %add3A_968, %add3A_978, %add3A_988, %add3A_998 : vector<16xf32>, vector<16xf32>, vector<16xf32>, vector<16xf32>, vector<16xf32>, vector<16xf32>, vector<16xf32>, vector<16xf32>
        }
        %swap3A_865 = arith.index_cast %while3A_808 : i32 to index
        %swap3A_866 = arith.constant 0 : index
        %swap3A_867 = tpu.vector_load %arg13[%swap3A_865, %swap3A_866] {strides = array<i32>} : memref<16x128xf32, #tpu.memory_space<vmem>>, vector<16xf32>,
        tpu.vector_store %arg13[%swap3A_865, %swap3A_866], %while3A_864#0 {strides = array<i32>} : memref<16x128xf32, #tpu.memory_space<vmem>>, vector<16xf32>,
        %swap3A_868 = arith.index_cast %while3A_808 : i32 to index
        %swap3A_869 = arith.constant 16 : index
        %swap3A_870 = tpu.vector_load %arg13[%swap3A_868, %swap3A_869] {strides = array<i32>} : memref<16x128xf32, #tpu.memory_space<vmem>>, vector<16xf32>,
        tpu.vector_store %arg13[%swap3A_868, %swap3A_869], %while3A_864#1 {strides = array<i32>} : memref<16x128xf32, #tpu.memory_space<vmem>>, vector<16xf32>,
        %swap3A_871 = arith.index_cast %while3A_808 : i32 to index
        %swap3A_872 = arith.constant 32 : index
        %swap3A_873 = tpu.vector_load %arg13[%swap3A_871, %swap3A_872] {strides = array<i32>} : memref<16x128xf32, #tpu.memory_space<vmem>>, vector<16xf32>,
        tpu.vector_store %arg13[%swap3A_871, %swap3A_872], %while3A_864#2 {strides = array<i32>} : memref<16x128xf32, #tpu.memory_space<vmem>>, vector<16xf32>,
        %swap3A_874 = arith.index_cast %while3A_808 : i32 to index
        %swap3A_875 = arith.constant 48 : index
        %swap3A_876 = tpu.vector_load %arg13[%swap3A_874, %swap3A_875] {strides = array<i32>} : memref<16x128xf32, #tpu.memory_space<vmem>>, vector<16xf32>,
        tpu.vector_store %arg13[%swap3A_874, %swap3A_875], %while3A_864#3 {strides = array<i32>} : memref<16x128xf32, #tpu.memory_space<vmem>>, vector<16xf32>,
        %swap3A_877 = arith.index_cast %while3A_808 : i32 to index
        %swap3A_878 = arith.constant 64 : index
        %swap3A_879 = tpu.vector_load %arg13[%swap3A_877, %swap3A_878] {strides = array<i32>} : memref<16x128xf32, #tpu.memory_space<vmem>>, vector<16xf32>,
        tpu.vector_store %arg13[%swap3A_877, %swap3A_878], %while3A_864#4 {strides = array<i32>} : memref<16x128xf32, #tpu.memory_space<vmem>>, vector<16xf32>,
        %swap3A_880 = arith.index_cast %while3A_808 : i32 to index
        %swap3A_881 = arith.constant 80 : index
        %swap3A_882 = tpu.vector_load %arg13[%swap3A_880, %swap3A_881] {strides = array<i32>} : memref<16x128xf32, #tpu.memory_space<vmem>>, vector<16xf32>,
        tpu.vector_store %arg13[%swap3A_880, %swap3A_881], %while3A_864#5 {strides = array<i32>} : memref<16x128xf32, #tpu.memory_space<vmem>>, vector<16xf32>,
        %swap3A_883 = arith.index_cast %while3A_808 : i32 to index
        %swap3A_884 = arith.constant 96 : index
        %swap3A_885 = tpu.vector_load %arg13[%swap3A_883, %swap3A_884] {strides = array<i32>} : memref<16x128xf32, #tpu.memory_space<vmem>>, vector<16xf32>,
        tpu.vector_store %arg13[%swap3A_883, %swap3A_884], %while3A_864#6 {strides = array<i32>} : memref<16x128xf32, #tpu.memory_space<vmem>>, vector<16xf32>,
        %swap3A_886 = arith.index_cast %while3A_808 : i32 to index
        %swap3A_887 = arith.constant 112 : index
        %swap3A_888 = tpu.vector_load %arg13[%swap3A_886, %swap3A_887] {strides = array<i32>} : memref<16x128xf32, #tpu.memory_space<vmem>>, vector<16xf32>,
        tpu.vector_store %arg13[%swap3A_886, %swap3A_887], %while3A_864#7 {strides = array<i32>} : memref<16x128xf32, #tpu.memory_space<vmem>>, vector<16xf32>,
        %eq3A_889 = vector.broadcast %while3A_808 : i32 to vector<16xi32>
        %eq3A_890 = arith.cmpi eq, %iota3A, %eq3A_889 : vector<16xi32>
        %broadcast_in_dim3A_891 = vector.broadcast %squeeze3A_813 : i32 to vector<16xi32>
        %select_n3A_892 = arith.select %eq3A_890, %broadcast_in_dim3A_891, %while3A_809 : vector<16xi1>, vector<16xi32>
        %add3A_893 = arith.constant 1 : i32
        %add3A_894 = arith.addi %while3A_808, %add3A_893 : i32
        %eq3A_895 = arith.constant 16 : i32
        %eq3A_896 = arith.cmpi eq, %add3A_894, %eq3A_895 : i32
        %convert_element_type3A_897 = arith.extui %eq3A_896 : i1 to i32
        %cond3A_898 = arith.constant 0 : i32
        %cond3A_899 = arith.cmpi ne, %convert_element_type3A_897, %cond3A_898 : i32
        scf.if %cond3A_899 {
          %swap3A_904 = arith.constant 0 : index
          %swap3A_905 = tpu.vector_load %arg14[%swap3A_904] {strides = array<i32>} : memref<16xi32, #tpu.memory_space<vmem>>, vector<16xi32>,
          tpu.vector_store %arg14[%swap3A_904], %select_n3A_892 {strides = array<i32>} : memref<16xi32, #tpu.memory_space<vmem>>, vector<16xi32>,
          "tpu.region"() ({
            %run_scoped3A_906 = tpu.sem_alloc : memref<!tpu.dma_semaphore, #tpu.memory_space<semaphore_mem>>
            %dma_start3A_907 = arith.constant 0 : i32
            %dma_start3A_908 = arith.constant 0 : i32
            %dma_start3A_909 = tpu.memref_slice %arg18[%dma_start3A_907, %dma_start3A_908] : memref<10240x128xf32, #tpu.memory_space<vmem_shared>> -> memref<10240x128xf32, #tpu.memory_space<vmem_shared>>
            tpu.enqueue_indirect_dma source(%arg13 : memref<16x128xf32, #tpu.memory_space<vmem>>) target(%dma_start3A_909 : memref<10240x128xf32, #tpu.memory_space<vmem_shared>>) offsets(%arg14 : memref<16xi32, #tpu.memory_space<vmem>>) semaphore(%run_scoped3A_906 : memref<!tpu.dma_semaphore, #tpu.memory_space<semaphore_mem>>) {add = true}
            %dma_wait3A_910 = arith.constant 0 : i32
            %dma_wait3A_911 = arith.constant 0 : i32
            %dma_wait3A_912 = tpu.memref_slice %arg18[%dma_wait3A_910, %dma_wait3A_911] : memref<10240x128xf32, #tpu.memory_space<vmem_shared>> -> memref<10240x128xf32, #tpu.memory_space<vmem_shared>>
            tpu.wait_indirect_dma semaphore(%run_scoped3A_906 : memref<!tpu.dma_semaphore, #tpu.memory_space<semaphore_mem>>) src(%arg13 : memref<16x128xf32, #tpu.memory_space<vmem>>) dst(%dma_wait3A_912 : memref<10240x128xf32, #tpu.memory_space<vmem_shared>>)
            tpu.yield
          }) : () -> ()
        } else {
        }
        %eq3A_900 = arith.constant 16 : i32
        %eq3A_901 = arith.cmpi eq, %add3A_894, %eq3A_900 : i32
        %jit3A_902 = arith.constant 0 : i32
        %select_n3A_903 = arith.select %eq3A_901, %jit3A_902, %add3A_894 : i32
        scf.yield %select_n3A_903, %select_n3A_892 : i32, vector<16xi32>
      }
      %add3A_801 = arith.constant 1 : i32
      %add3A_802 = arith.addi %scan3A_568, %add3A_801 : i32
      %ge3A_803 = arith.constant 3 : i32
      %ge3A_804 = arith.cmpi sge, %add3A_802, %ge3A_803 : i32
      %jit3A_805 = arith.constant 0 : i32
      %select_n3A_806 = arith.select %ge3A_804, %jit3A_805, %add3A_802 : i32
      scf.yield %while3A_800#0, %while3A_800#1, %select_n3A_806 : i32, vector<16xi32>, i32
    }
    %scan3A_543 = arith.constant 125 : i32
    %ge3A = vector.broadcast %scan3A_542#0 : i32 to vector<16xi32>
    %ge3A_544 = arith.cmpi sge, %iota3A, %ge3A : vector<16xi32>
    %jit3A_545 = arith.constant 10239 : i32
    %broadcast_in_dim3A_546 = vector.broadcast %jit3A_545 : i32 to vector<16xi32>
    %select_n3A_547 = arith.select %ge3A_544, %broadcast_in_dim3A_546, %scan3A_542#1 : vector<16xi1>, vector<16xi32>
    %swap3A = arith.constant 0 : index
    %swap3A_548 = tpu.vector_load %arg14[%swap3A] {strides = array<i32>} : memref<16xi32, #tpu.memory_space<vmem>>, vector<16xi32>,
    tpu.vector_store %arg14[%swap3A], %select_n3A_547 {strides = array<i32>} : memref<16xi32, #tpu.memory_space<vmem>>, vector<16xi32>,
    %broadcast_in_dim3A_549 = arith.constant 0.000000e+00 : f32
    %broadcast_in_dim3A_550 = vector.broadcast %broadcast_in_dim3A_549 : f32 to vector<16xf32>
    %while3A = arith.constant 0 : i32
    %while3A_551 = arith.constant 16 : i32
    %while3A_552 = arith.subi %while3A_551, %scan3A_542#0 : i32
    %while3A_553 = arith.addi %scan3A_542#0, %while3A_552 : i32
    %while3A_554 = arith.constant 1 : i32
    %while3A_555 = arith.divsi %while3A_552, %while3A_554 : i32
    %while3A_556 = arith.muli %while3A_555, %while3A_554 : i32
    %while3A_557 = arith.addi %scan3A_542#0, %while3A_556 : i32
    %while3A_558 = arith.constant 1 : i32
    scf.for %while3A_565 = %scan3A_542#0 to %while3A_557 step %while3A_558  : i32 {
      %swap3A_566 = arith.index_cast %while3A_565 : i32 to index
      %swap3A_567 = arith.constant 0 : index
      %swap3A_568 = tpu.vector_load %arg13[%swap3A_566, %swap3A_567] {strides = array<i32>} : memref<16x128xf32, #tpu.memory_space<vmem>>, vector<16xf32>,
      tpu.vector_store %arg13[%swap3A_566, %swap3A_567], %broadcast_in_dim3A_550 {strides = array<i32>} : memref<16x128xf32, #tpu.memory_space<vmem>>, vector<16xf32>,
      %swap3A_569 = arith.index_cast %while3A_565 : i32 to index
      %swap3A_570 = arith.constant 16 : index
      %swap3A_571 = tpu.vector_load %arg13[%swap3A_569, %swap3A_570] {strides = array<i32>} : memref<16x128xf32, #tpu.memory_space<vmem>>, vector<16xf32>,
      tpu.vector_store %arg13[%swap3A_569, %swap3A_570], %broadcast_in_dim3A_550 {strides = array<i32>} : memref<16x128xf32, #tpu.memory_space<vmem>>, vector<16xf32>,
      %swap3A_572 = arith.index_cast %while3A_565 : i32 to index
      %swap3A_573 = arith.constant 32 : index
      %swap3A_574 = tpu.vector_load %arg13[%swap3A_572, %swap3A_573] {strides = array<i32>} : memref<16x128xf32, #tpu.memory_space<vmem>>, vector<16xf32>,
      tpu.vector_store %arg13[%swap3A_572, %swap3A_573], %broadcast_in_dim3A_550 {strides = array<i32>} : memref<16x128xf32, #tpu.memory_space<vmem>>, vector<16xf32>,
      %swap3A_575 = arith.index_cast %while3A_565 : i32 to index
      %swap3A_576 = arith.constant 48 : index
      %swap3A_577 = tpu.vector_load %arg13[%swap3A_575, %swap3A_576] {strides = array<i32>} : memref<16x128xf32, #tpu.memory_space<vmem>>, vector<16xf32>,
      tpu.vector_store %arg13[%swap3A_575, %swap3A_576], %broadcast_in_dim3A_550 {strides = array<i32>} : memref<16x128xf32, #tpu.memory_space<vmem>>, vector<16xf32>,
      %swap3A_578 = arith.index_cast %while3A_565 : i32 to index
      %swap3A_579 = arith.constant 64 : index
      %swap3A_580 = tpu.vector_load %arg13[%swap3A_578, %swap3A_579] {strides = array<i32>} : memref<16x128xf32, #tpu.memory_space<vmem>>, vector<16xf32>,
      tpu.vector_store %arg13[%swap3A_578, %swap3A_579], %broadcast_in_dim3A_550 {strides = array<i32>} : memref<16x128xf32, #tpu.memory_space<vmem>>, vector<16xf32>,
      %swap3A_581 = arith.index_cast %while3A_565 : i32 to index
      %swap3A_582 = arith.constant 80 : index
      %swap3A_583 = tpu.vector_load %arg13[%swap3A_581, %swap3A_582] {strides = array<i32>} : memref<16x128xf32, #tpu.memory_space<vmem>>, vector<16xf32>,
      tpu.vector_store %arg13[%swap3A_581, %swap3A_582], %broadcast_in_dim3A_550 {strides = array<i32>} : memref<16x128xf32, #tpu.memory_space<vmem>>, vector<16xf32>,
      %swap3A_584 = arith.index_cast %while3A_565 : i32 to index
      %swap3A_585 = arith.constant 96 : index
      %swap3A_586 = tpu.vector_load %arg13[%swap3A_584, %swap3A_585] {strides = array<i32>} : memref<16x128xf32, #tpu.memory_space<vmem>>, vector<16xf32>,
      tpu.vector_store %arg13[%swap3A_584, %swap3A_585], %broadcast_in_dim3A_550 {strides = array<i32>} : memref<16x128xf32, #tpu.memory_space<vmem>>, vector<16xf32>,
      %swap3A_587 = arith.index_cast %while3A_565 : i32 to index
      %swap3A_588 = arith.constant 112 : index
      %swap3A_589 = tpu.vector_load %arg13[%swap3A_587, %swap3A_588] {strides = array<i32>} : memref<16x128xf32, #tpu.memory_space<vmem>>, vector<16xf32>,
      tpu.vector_store %arg13[%swap3A_587, %swap3A_588], %broadcast_in_dim3A_550 {strides = array<i32>} : memref<16x128xf32, #tpu.memory_space<vmem>>, vector<16xf32>,
    }
    %while3A_559 = arith.constant 1 : i32
    scf.for %while3A_565 = %while3A_557 to %while3A_553 step %while3A_559  : i32 {
      %swap3A_566 = arith.index_cast %while3A_565 : i32 to index
      %swap3A_567 = arith.constant 0 : index
      %swap3A_568 = tpu.vector_load %arg13[%swap3A_566, %swap3A_567] {strides = array<i32>} : memref<16x128xf32, #tpu.memory_space<vmem>>, vector<16xf32>,
      tpu.vector_store %arg13[%swap3A_566, %swap3A_567], %broadcast_in_dim3A_550 {strides = array<i32>} : memref<16x128xf32, #tpu.memory_space<vmem>>, vector<16xf32>,
      %swap3A_569 = arith.index_cast %while3A_565 : i32 to index
      %swap3A_570 = arith.constant 16 : index
      %swap3A_571 = tpu.vector_load %arg13[%swap3A_569, %swap3A_570] {strides = array<i32>} : memref<16x128xf32, #tpu.memory_space<vmem>>, vector<16xf32>,
      tpu.vector_store %arg13[%swap3A_569, %swap3A_570], %broadcast_in_dim3A_550 {strides = array<i32>} : memref<16x128xf32, #tpu.memory_space<vmem>>, vector<16xf32>,
      %swap3A_572 = arith.index_cast %while3A_565 : i32 to index
      %swap3A_573 = arith.constant 32 : index
      %swap3A_574 = tpu.vector_load %arg13[%swap3A_572, %swap3A_573] {strides = array<i32>} : memref<16x128xf32, #tpu.memory_space<vmem>>, vector<16xf32>,
      tpu.vector_store %arg13[%swap3A_572, %swap3A_573], %broadcast_in_dim3A_550 {strides = array<i32>} : memref<16x128xf32, #tpu.memory_space<vmem>>, vector<16xf32>,
      %swap3A_575 = arith.index_cast %while3A_565 : i32 to index
      %swap3A_576 = arith.constant 48 : index
      %swap3A_577 = tpu.vector_load %arg13[%swap3A_575, %swap3A_576] {strides = array<i32>} : memref<16x128xf32, #tpu.memory_space<vmem>>, vector<16xf32>,
      tpu.vector_store %arg13[%swap3A_575, %swap3A_576], %broadcast_in_dim3A_550 {strides = array<i32>} : memref<16x128xf32, #tpu.memory_space<vmem>>, vector<16xf32>,
      %swap3A_578 = arith.index_cast %while3A_565 : i32 to index
      %swap3A_579 = arith.constant 64 : index
      %swap3A_580 = tpu.vector_load %arg13[%swap3A_578, %swap3A_579] {strides = array<i32>} : memref<16x128xf32, #tpu.memory_space<vmem>>, vector<16xf32>,
      tpu.vector_store %arg13[%swap3A_578, %swap3A_579], %broadcast_in_dim3A_550 {strides = array<i32>} : memref<16x128xf32, #tpu.memory_space<vmem>>, vector<16xf32>,
      %swap3A_581 = arith.index_cast %while3A_565 : i32 to index
      %swap3A_582 = arith.constant 80 : index
      %swap3A_583 = tpu.vector_load %arg13[%swap3A_581, %swap3A_582] {strides = array<i32>} : memref<16x128xf32, #tpu.memory_space<vmem>>, vector<16xf32>,
      tpu.vector_store %arg13[%swap3A_581, %swap3A_582], %broadcast_in_dim3A_550 {strides = array<i32>} : memref<16x128xf32, #tpu.memory_space<vmem>>, vector<16xf32>,
      %swap3A_584 = arith.index_cast %while3A_565 : i32 to index
      %swap3A_585 = arith.constant 96 : index
      %swap3A_586 = tpu.vector_load %arg13[%swap3A_584, %swap3A_585] {strides = array<i32>} : memref<16x128xf32, #tpu.memory_space<vmem>>, vector<16xf32>,
      tpu.vector_store %arg13[%swap3A_584, %swap3A_585], %broadcast_in_dim3A_550 {strides = array<i32>} : memref<16x128xf32, #tpu.memory_space<vmem>>, vector<16xf32>,
      %swap3A_587 = arith.index_cast %while3A_565 : i32 to index
      %swap3A_588 = arith.constant 112 : index
      %swap3A_589 = tpu.vector_load %arg13[%swap3A_587, %swap3A_588] {strides = array<i32>} : memref<16x128xf32, #tpu.memory_space<vmem>>, vector<16xf32>,
      tpu.vector_store %arg13[%swap3A_587, %swap3A_588], %broadcast_in_dim3A_550 {strides = array<i32>} : memref<16x128xf32, #tpu.memory_space<vmem>>, vector<16xf32>,
    }
    "tpu.region"() ({
      %run_scoped3A_565 = tpu.sem_alloc : memref<!tpu.dma_semaphore, #tpu.memory_space<semaphore_mem>>
      %dma_start3A_566 = arith.constant 0 : i32
      %dma_start3A_567 = arith.constant 0 : i32
      %dma_start3A_568 = tpu.memref_slice %arg18[%dma_start3A_566, %dma_start3A_567] : memref<10240x128xf32, #tpu.memory_space<vmem_shared>> -> memref<10240x128xf32, #tpu.memory_space<vmem_shared>>
      tpu.enqueue_indirect_dma source(%arg13 : memref<16x128xf32, #tpu.memory_space<vmem>>) target(%dma_start3A_568 : memref<10240x128xf32, #tpu.memory_space<vmem_shared>>) offsets(%arg14 : memref<16xi32, #tpu.memory_space<vmem>>) semaphore(%run_scoped3A_565 : memref<!tpu.dma_semaphore, #tpu.memory_space<semaphore_mem>>) {add = true}
      %dma_wait3A_569 = arith.constant 0 : i32
      %dma_wait3A_570 = arith.constant 0 : i32
      %dma_wait3A_571 = tpu.memref_slice %arg18[%dma_wait3A_569, %dma_wait3A_570] : memref<10240x128xf32, #tpu.memory_space<vmem_shared>> -> memref<10240x128xf32, #tpu.memory_space<vmem_shared>>
      tpu.wait_indirect_dma semaphore(%run_scoped3A_565 : memref<!tpu.dma_semaphore, #tpu.memory_space<semaphore_mem>>) src(%arg13 : memref<16x128xf32, #tpu.memory_space<vmem>>) dst(%dma_wait3A_571 : memref<10240x128xf32, #tpu.memory_space<vmem_shared>>)
      tpu.yield
    }) : () -> ()
    %barrier3A_560 = arith.constant 0 : index
    tpu.barrier barrier_id(%barrier3A_560)
    %mul3A_561 = arith.constant 640 : i32
    %mul3A_562 = arith.muli %arg1, %mul3A_561 : i32
    %mul3A_563 = arith.constant 640 : i32
    %mul3A_564 = arith.muli %arg1, %mul3A_563 : i32
    "tpu.region"() ({
      %run_scoped3A_565 = tpu.sem_alloc : memref<!tpu.dma_semaphore, #tpu.memory_space<semaphore_mem>>
      %dma_start3A_566 = arith.constant 0 : i32
      %dma_start3A_567 = tpu.memref_slice %arg6[%arg0, %mul3A_564, %dma_start3A_566] : memref<2x10240x128xf32, #tpu.memory_space<hbm>> -> memref<1x640x128xf32, #tpu.memory_space<hbm>>
      %dma_start3A_568 = tpu.memref_squeeze %dma_start3A_567 : memref<1x640x128xf32, #tpu.memory_space<hbm>> -> memref<640x128xf32, #tpu.memory_space<hbm>>
      %dma_start3A_569 = arith.constant 0 : i32
      %dma_start3A_570 = tpu.memref_slice %arg18[%mul3A_562, %dma_start3A_569] : memref<10240x128xf32, #tpu.memory_space<vmem_shared>> -> memref<640x128xf32, #tpu.memory_space<vmem_shared>>
      tpu.enqueue_dma source(%dma_start3A_570 : memref<640x128xf32, #tpu.memory_space<vmem_shared>>) target(%dma_start3A_568 : memref<640x128xf32, #tpu.memory_space<hbm>>) target_semaphore(%run_scoped3A_565 : memref<!tpu.dma_semaphore, #tpu.memory_space<semaphore_mem>>)
      %dma_wait3A_571 = arith.constant 0 : i32
      %dma_wait3A_572 = tpu.memref_slice %arg6[%arg0, %mul3A_564, %dma_wait3A_571] : memref<2x10240x128xf32, #tpu.memory_space<hbm>> -> memref<1x640x128xf32, #tpu.memory_space<hbm>>
      %dma_wait3A_573 = tpu.memref_squeeze %dma_wait3A_572 : memref<1x640x128xf32, #tpu.memory_space<hbm>> -> memref<640x128xf32, #tpu.memory_space<hbm>>
      %dma_wait3A_574 = arith.constant 0 : i32
      %dma_wait3A_575 = tpu.memref_slice %arg18[%mul3A_562, %dma_wait3A_574] : memref<10240x128xf32, #tpu.memory_space<vmem_shared>> -> memref<640x128xf32, #tpu.memory_space<vmem_shared>>
      tpu.wait_dma2 semaphore(%run_scoped3A_565 : memref<!tpu.dma_semaphore, #tpu.memory_space<semaphore_mem>>) src(%dma_wait3A_575 : memref<640x128xf32, #tpu.memory_space<vmem_shared>>) dst(%dma_wait3A_573 : memref<640x128xf32, #tpu.memory_space<hbm>>)
      tpu.yield
    }) : () -> ()
    return
  }
}

module attributes {stable_mosaic.version = 14 : i64} {
  func.func @body(%arg0: i32, %arg1: memref<2x1000x128xf32, #tpu.memory_space<vmem>>, %arg2: memref<1000x128xf32, #tpu.memory_space<vmem>>) attributes {dimension_semantics = [#tpu.dimension_semantics<arbitrary>], iteration_bounds = array<i64: 10>, scalar_prefetch = 0 : i64, scratch_operands = 0 : i64, tpu.core_type = #tpu.core_type<tc>, window_params = [{transform_indices = @transform_0, window_bounds = array<i64: 2, 1000, 128>}, {transform_indices = @transform_1, window_bounds = array<i64: 1000, 128>}]} {
    %get3A = arith.constant 0 : index
    %get3A_0 = arith.constant 0 : index
    %get3A_1 = arith.constant 0 : index
    %get3A_2 = vector.load %arg1[%get3A, %get3A_0, %get3A_1] : memref<2x1000x128xf32, #tpu.memory_space<vmem>>, vector<1x1000x128xf32>
    %get3A_3 = vector.shape_cast %get3A_2 : vector<1x1000x128xf32> to vector<1000x128xf32>
    %get3A_4 = arith.constant 1 : index
    %get3A_5 = arith.constant 0 : index
    %get3A_6 = arith.constant 0 : index
    %get3A_7 = vector.load %arg1[%get3A_4, %get3A_5, %get3A_6] : memref<2x1000x128xf32, #tpu.memory_space<vmem>>, vector<1x1000x128xf32>
    %get3A_8 = vector.shape_cast %get3A_7 : vector<1x1000x128xf32> to vector<1000x128xf32>
    %add3A = arith.addf %get3A_3, %get3A_8 : vector<1000x128xf32>
    %swap3A = arith.constant 0 : index
    %swap3A_9 = arith.constant 0 : index
    %swap3A_10 = vector.load %arg2[%swap3A, %swap3A_9] : memref<1000x128xf32, #tpu.memory_space<vmem>>, vector<1000x128xf32>
    tpu.vector_store %arg2[%swap3A, %swap3A_9], %add3A {strides = array<i32>} : memref<1000x128xf32, #tpu.memory_space<vmem>>, vector<1000x128xf32>,
    return
  }
  func.func @transform_0(%arg0: i32) -> (i32, i32, i32) {
    %c0_i32 = arith.constant 0 : i32
    %c0_i32_0 = arith.constant 0 : i32
    %c0_i32_1 = arith.constant 0 : i32
    return %c0_i32, %arg0, %c0_i32_0 : i32, i32, i32
  }
  func.func @transform_1(%arg0: i32) -> (i32, i32) {
    %c0_i32 = arith.constant 0 : i32
    %c0_i32_0 = arith.constant 0 : i32
    return %arg0, %c0_i32 : i32, i32
  }
}

</mosaic_0001>

<sc_bundles>
// kernel: kernel.12.cloned.1.call-start
scs
__scs_entry_jumppad:
0x0: {  	(pc) =	sbr.rel $0x88, $3  }
0x1: {  	(tag) =	ssettag $0x0;
	lr =	simm.s32 $0x1  }
0x2: {  	[smem:$0x3F9E] =	sst lr;
	_ =	strace $0xD0000000  }
0x3: {  	_ = 	snop  }
0x4: {  	_ = 	snop  }
0x5: {  	_ = 	snop  }
0x6: {  	_ = 	snop  }
0x7: {  	_ = 	snop  }
__scs_overlays_trampoline_lowered:
0x8: {  	[smem:$0x3FAD] =	sst s0  }
0x9: {  	[smem:$0x3FAE] =	sst s1  }
0xa: {  	[smem:$0x3FAF] =	sst s2  }
0xb: {  	[smem:$0x3FB0] =	sst s3  }
0xc: {  	[smem:$0x3FB1] =	sst s4  }
0xd: {  	[smem:$0x3FB2] =	sst s5  }
0xe: {  	[smem:$0x3FB3] =	sst s6  }
0xf: {  	[smem:$0x3FB4] =	sst s7  }
0x10: {  	[smem:$0x3FB5] =	sst s8  }
0x11: {  	[smem:$0x3FB6] =	sst s9;
	s0 =	simm.s32 @!p0 $0x0  }
0x12: {  	s1 =	sld [smem:$0x3F9C];
	s0 =	simm.s32 @p0 $0x1  }
0x13: {  	[smem:$0x3FB7] =	sst s0;
	s0 =	simm.s32 @!p1 $0x0  }
0x14: {  	s2 =	sld [smem:$0x3F9B];
	s0 =	simm.s32 @p1 $0x1  }
0x15: {  	[smem:$0x3FB8] =	sst s0;
	s0 =	simm.s32 @!p2 $0x0  }
0x16: {  	s3 =	sld [smem:$0x3FDB];
	s0 =	simm.s32 @p2 $0x1  }
0x17: {  	s4 =	simm.s32 $0x1BF5;
	[smem:$0x3FBA] =	sst s0  }
0x18: {  	s0 =	sld [smem:$0x3F9D];
	_ =	swait.ge [sflag:s4], $0x0  }
0x19: {  	s7 =	sld [smem:$0x3F9E]  }
0x1a: {  	s8 =	sadd.s32 $0xFFFFE003, lr  }
0x1b: {  	s9 =	sadd.s32 $0xFFFFFEF7, lr;
	s5 =	simm.s32 $0xFFFFFFFF;
	p2 =	slt.u32 s8, $0xFFFFF086  }
0x1c: {  	p1 =	slt.u32 s9, $0xF7A;
	s5 =	simm.s32 @!p2 $0x0  }
0x1d: {  	s5 =	simm.s32 @p1 $0x1;
	p0 =	seq.s32 s7, s2  }
0x1e: {  	s7 =	smul.u32 @!p0 $0xF7A, s2;
	p2 =	seq.s32 @!p0 s5, $0x0  }
0x1f: {  	s9 =	smul.u32 $0xF7A, s1;
	s8 =	simm.s32 @!p0 $0x1BF5;
	p2 =	por !p2, p0  }
0x20: {  	[sflag:s8] =	ssyncset.s32 @!p0 $0xFFFFF086;
	s6 =	sadd.s32 @!p0 s3, s7;
	s7 =	simm.s32 @!p0 $0x108  }
0x21: {  	s3 =	sadd.s32 s3, s9;
	s6 =	sadd.s32 @!p0 $0x88, s6;
	s7 =	simm.s32 @p2 $0x1082  }
0x22: {  	[simem:s7], [sflag:s8] =	dma.local @!p0 [hbm:s6], $0xF7A  }
0x23: {  	s9 =	sor.u32 $0xD0000000, s2;
	s6 =	simm.s32 $0x108;
	_ =	swait.ge @!p0 [sflag:s8], $0x0  }
0x24: {  	s3 =	sadd.s32 $0x88, s3;
	s6 =	simm.s32 @!p1 $0x1082;
	[sflag:s4] =	ssyncset.s32 $0xFFFFF086  }
0x25: {  	[simem:s6], [sflag:s4] =	dma.local [hbm:s3], $0xF7A  }
0x26: {  	[smem:$0x3F9E] =	sst s1;
	(tag) =	ssettag s2;
	_ =	strace s9  }
0x27: {  	s1 =	sld [smem:$0x3FAE]  }
0x28: {  	s2 =	sld [smem:$0x3FAF]  }
0x29: {  	s4 =	sld [smem:$0x3FB1]  }
0x2a: {  	p0 =	seq.s32 s5, $0x0;
	s5 =	sld [smem:$0x3FB2]  }
0x2b: {  	s6 =	sld [smem:$0x3FB3]  }
0x2c: {  	s7 =	sld [smem:$0x3FB4]  }
0x2d: {  	s3 =	simm.s32 $0x108;
	s8 =	sld [smem:$0x3FB5]  }
0x2e: {  	s3 =	simm.s32 @!p0 $0x1082;
	s9 =	sld [smem:$0x3FB6]  }
0x2f: {  	lr =	sadd.s32 s0, s3;
	s0 =	sld [smem:$0x3FAD]  }
0x30: {  	s3 =	sld [smem:$0x3FB0]  }
0x31: {  	[smem:$0x3FB9] =	sst s10  }
0x32: {  	s10 =	sld [smem:$0x3FB7];
	_ =	sdelay $0x3  }
0x33: {  	p0 =	seq.s32 s10, $0x1;
	s10 =	sld [smem:$0x3FB9];
	_ =	sdelay $0x3  }
0x34: {  	[smem:$0x3FB9] =	sst s10  }
0x35: {  	s10 =	sld [smem:$0x3FB8];
	_ =	sdelay $0x3  }
0x36: {  	p1 =	seq.s32 s10, $0x1;
	s10 =	sld [smem:$0x3FB9];
	_ =	sdelay $0x3  }
0x37: {  	[smem:$0x3FB9] =	sst s10  }
0x38: {  	s10 =	sld [smem:$0x3FBA]  }
0x39: {  	_ = 	snop;
	(pc) =	sbr.ind lr, $3  }
0x3a: {  	_ = 	snop  }
0x3b: {  	_ = 	snop  }
0x3c: {  	p2 =	seq.s32 s10, $0x1;
	s10 =	sld [smem:$0x3FB9]  }
0x3d: {  	_ =	shalt  }
0x3e: {  	_ =	shalt  }
0x3f: {  	_ =	shalt  }
0x40: {  	_ =	shalt  }
0x41: {  	_ =	shalt  }
0x42: {  	_ =	shalt  }
0x43: {  	_ =	shalt  }
0x44: {  	_ =	shalt  }
0x45: {  	_ =	shalt  }
0x46: {  	_ =	shalt  }
0x47: {  	_ =	shalt  }
0x48: {  	_ =	shalt  }
0x49: {  	_ =	shalt  }
0x4a: {  	_ =	shalt  }
0x4b: {  	_ =	shalt  }
0x4c: {  	_ =	shalt  }
0x4d: {  	_ =	shalt  }
0x4e: {  	_ =	shalt  }
0x4f: {  	_ =	shalt  }
0x50: {  	_ =	shalt  }
0x51: {  	_ =	shalt  }
0x52: {  	_ =	shalt  }
0x53: {  	_ =	shalt  }
0x54: {  	_ =	shalt  }
0x55: {  	_ =	shalt  }
0x56: {  	_ =	shalt  }
0x57: {  	_ =	shalt  }
0x58: {  	_ =	shalt  }
0x59: {  	_ =	shalt  }
0x5a: {  	_ =	shalt  }
0x5b: {  	_ =	shalt  }
0x5c: {  	_ =	shalt  }
0x5d: {  	_ =	shalt  }
0x5e: {  	_ =	shalt  }
0x5f: {  	_ =	shalt  }
0x60: {  	_ =	shalt  }
0x61: {  	_ =	shalt  }
0x62: {  	_ =	shalt  }
0x63: {  	_ =	shalt  }
0x64: {  	_ =	shalt  }
0x65: {  	_ =	shalt  }
0x66: {  	_ =	shalt  }
0x67: {  	_ =	shalt  }
0x68: {  	_ =	shalt  }
0x69: {  	_ =	shalt  }
0x6a: {  	_ =	shalt  }
0x6b: {  	_ =	shalt  }
0x6c: {  	_ =	shalt  }
0x6d: {  	_ =	shalt  }
0x6e: {  	_ =	shalt  }
0x6f: {  	_ =	shalt  }
0x70: {  	_ =	shalt  }
0x71: {  	_ =	shalt  }
0x72: {  	_ =	shalt  }
0x73: {  	_ =	shalt  }
0x74: {  	_ =	shalt  }
0x75: {  	_ =	shalt  }
0x76: {  	_ =	shalt  }
0x77: {  	_ =	shalt  }
0x78: {  	_ =	shalt  }
0x79: {  	_ =	shalt  }
0x7a: {  	_ =	shalt  }
0x7b: {  	_ =	shalt  }
0x7c: {  	_ =	shalt  }
0x7d: {  	_ =	shalt  }
0x7e: {  	_ =	shalt  }
0x7f: {  	_ =	shalt  }
0x80: {  	_ =	shalt  }
0x81: {  	_ =	shalt  }
0x82: {  	_ =	shalt  }
0x83: {  	_ =	shalt  }
0x84: {  	_ =	shalt  }
0x85: {  	_ =	shalt  }
0x86: {  	_ =	shalt  }
0x87: {  	_ =	shalt  }
.Lfunc_end0:
.L_simem_size_0:
called_computation.2_lowered:
.L_overlay_start_0:
0x88: {  	s2 =	sld [smem:$0x3FD9]  }
0x89: {  	s3 =	sld [smem:$0x3FFE];
	_ =	sdelay $0x1  }
0x8a: {  	s1 =	srdreg.scid  }
0x8b: {  	s0 =	sand.u32 $0x1, s1  }
0x8c: {  	s17 =	sshll.u32 s0, $0xA;
	s2 =	sadd.s32 s3, s2  }
0x8d: {  	s2 =	sadd.s32 s2, s17  }
0x8e: {  	[smem:$0x3FC5] =	sst s2  }
0x8f: {  	_ = 	snop  }
0x90: {  	s2 =	sld [smem:$0x3FC9]  }
0x91: {  	s18 =	sld [smem:$0x3FC7]  }
0x92: {  	s4 =	sld [smem:$0x3FD0];
	(tm) =	ssettm $0x1  }
0x93: {  	s5 =	sld [smem:$0x3FFB];
	_ =	sdelay $0x3  }
0x94: {  	_ =	strace s5  }
0x95: {  	s5 =	sld [smem:$0x3FFC];
	_ =	sdelay $0x3  }
0x96: {  	_ =	strace s5  }
0x97: {  	s5 =	sld [smem:$0x3FFD];
	_ =	sdelay $0x3  }
0x98: {  	_ =	strace s5  }
0x99: {  	_ =	strace $0x8FFFFFFF  }
0x9a: {  	s19 =	sld [smem:$0x3FDB];
	_ =	sdelay $0x1  }
0x9b: {  	s6 =	simm.s32 $_scs_section_size  }
0x9c: {  	s7 =	simm.s32 $_size__tile_overlayer_lowered;
	s8 =	simm.s32 $_tile_overlayer_lowered  }
0x9d: {  	s22 =	simm.s32 $0x1BFF;
	s21 =	sshll.u32 s8, $0x1;
	s5 =	sadd.s32 s6, s19  }
0x9e: {  	s9 =	simm.s32 $0x0;
	s20 =	sshll.u32 s7, $0x1;
	s7 =	sadd.s32 s21, s5  }
0x9f: {  	[timem:s9], [sflag:s22] =	dma.local [hbm:s7], s20  }
0xa0: {  	_ =	swait.ge [sflag:s22], s20  }
0xa1: {  	s6 =	ssub.s32 $0x0, s20;
	[sflag:s22] =	ssyncset.done $0x0  }
0xa2: {  	[sflag:s22] =	ssyncadd.s32 s6;
	_ =	sdelay $0x1  }
0xa3: {  	s23 =	simm.s32 $0x1B8B  }
0xa4: {  	_ =	swait.ge [sflag:s23], $0x1  }
0xa5: {  	[sflag:s23] =	ssyncset.done $0x0  }
0xa6: {  	s25 =	simm.s32 $0x1B8E;
	s24 =	sld [smem:$0x3FFE];
	[sflag:s23] =	ssyncadd.s32 $0xFFFFFFFF  }
0xa7: {  	s26 =	simm.s32 $execute0_lowered;
	[smem:$0x3FD2] =	sst s25  }
0xa8: {  	s7 =	sshll.u32 s26, $0x1;
	_ =	strace $0x8000004C;
	[dreg:$0x1] =	wrdreg $0xFFFFFFFF  }
0xa9: {  	s28 =	simm.s32 $_size_execute0_lowered;
	s5 =	sadd.s32 s5, s7;
	[dreg:$0x0] =	wrdreg $0x0  }
0xaa: {  	s7 =	sshll.u32 s28, $0x1;
	[dreg:$0x2] =	wrdreg s5  }
0xab: {  	[dreg:$0x3] =	wrdreg s7  }
0xac: {  	[dreg:$0x4] =	wrdreg $0xC0  }
0xad: {  	_ =	task [dreg:s9], $0x5FFFF  }
0xae: {  	[dreg:$0x1] =	wrdreg $0xFFFFFFFF  }
0xaf: {  	[dreg:$0x0] =	wrdreg $0x60  }
0xb0: {  	[dreg:$0x2] =	wrdreg s2  }
0xb1: {  	[dreg:$0x3] =	wrdreg s18  }
0xb2: {  	[dreg:$0x4] =	wrdreg s4  }
0xb3: {  	[dreg:$0x5] =	wrdreg s24  }
0xb4: {  	[dreg:$0x6] =	wrdreg $0xAC800  }
0xb5: {  	[dreg:$0x7] =	wrdreg $0x9  }
0xb6: {  	_ =	task.clear_ibuf [dreg:s9], $0x8FFFF;
	_ =	strace $0x9000004C  }
0xb7: {  	s29 =	simm.s32 $0x9;
	_ =	strace $0x8000004E  }
0xb8: {  	_ =	swait.ge [sflag:s29], $0x1  }
0xb9: {  	[sflag:s29] =	ssyncadd.s32 $0xFFFFFFFF  }
0xba: {  	_ =	strace $0x9000004E  }
0xbb: {  	_ =	sfence  }
0xbc: {  	s30 =	sld [smem:$0x0];
	_ =	sdelay $0x2  }
0xbd: {  	s31 =	sshll.u32 s1, $0xD;
	s1 =	sshrl.u32 s1, $0x2  }
0xbe: {  	s3 =	sand.u32 $0x4000, s31;
	s1 =	sadd.s32 s1, s30  }
0xbf: {  	s0 =	sor.u32 s3, s0;
	s1 =	sshll.u32 s1, $0x11  }
0xc0: {  	s0 =	sor.u32 s1, s0  }
0xc1: {  	s0 =	sadd.s32 $0x8F2B, s0  }
0xc2: {  	[sflag:s0] =	ssyncadd.remote.s32 $0x1  }
0xc3: {  	_ =	sfence.sel $0xFFFF  }
0xc4: {  	[dreg:$0x0] =	wrdreg $0xFFFFFFFF;
	(pc) =	sbr.abs _section_cstart, $3  }
0xc5: {  	[dreg:$0x1] =	wrdreg $0xFFFFFFFF  }
0xc6: {  	_ =	task.clear_ibuf [dreg:s9], $0x2FFFF;
	_ =	strace $0x9FFFFFFF  }
0xc7: {  	(tm) =	ssettm $0x7FFFFFFF  }
tec
execute0_lowered:
.L_overlay_start_1:
0x0: {  	(tag) =	ssettag $0x1  }
0x1: {  	s0 =	rddreg [dreg:$0x0]  }
0x2: {  	s1 =	rddreg [dreg:$0x1]  }
0x3: {  	s3 =	rddreg [dreg:$0x2];
	s2 =	srdreg.scid  }
0x4: {  	s4 =	rddreg [dreg:$0x3];
	s11 =	stileid.u32  }
0x5: {  	s5 =	rddreg [dreg:$0x4];
	s6 =	simm.s32 $0x0;
	s8 =	smul.u32 $0x14000, s11  }
0x6: {  	s2 =	sand.u32 $0x1, s2;
	[smem:$0x7FF] =	sst s6;
	s25 =	smul.u32 $0x50000, s11  }
0x7: {  	s9 =	sadd.s32 $0x1C00, s4;
	s7 =	smul.u32 $0x140000, s2;
	s26 =	ssub.s32 $0x2, s2  }
0x8: {  	_ =	strace $0x8000004D;
	[dreg:$0x6] =	wrdreg s9;
	s10 =	sshrl.u32 s26, $0x1  }
0x9: {  	s7 =	sadd.s32 s8, s7;
	s8 =	sshrl.u32 s25, $0x2;
	s10 =	ssub.s32 s26, s10  }
0xa: {  	s7 =	sshrl.u32 s7, $0x3;
	s8 =	sadd.s32 s8, s5;
	s21 =	smax.u32 s10, $0x1  }
0xb: {  	s7 =	sadd.s32 s7, s4;
	s4 =	sadd.s32 $0x1C10, s4;
	[dreg:$0x16] =	wrdreg s21  }
0xc: {  	s28 =	sadd.s32 $0x800, s8;
	[dreg:$0x7] =	wrdreg s4  }
0xd: {  	s29 =	sadd.s32 $0x1000, s8;
	[dreg:$0x8] =	wrdreg s28  }
0xe: {  	s2 =	sshll.u32 s2, $0x4;
	s30 =	sadd.s32 $0x1800, s8;
	[dreg:$0x9] =	wrdreg s29  }
0xf: {  	s2 =	sor.u32 s11, s2;
	s31 =	sadd.s32 $0x2000, s8;
	[dreg:$0xa] =	wrdreg s30  }
0x10: {  	s9 =	smul.u32 $0x2710, s2;
	s11 =	sadd.s32 $0x2800, s8;
	[dreg:$0xb] =	wrdreg s31  }
0x11: {  	s2 =	smul.u32 $0x27100, s2;
	s12 =	sadd.s32 $0x3000, s8;
	[dreg:$0xc] =	wrdreg s11  }
0x12: {  	s13 =	sadd.s32 $0x3800, s8;
	[dreg:$0xd] =	wrdreg s12  }
0x13: {  	s2 =	sadd.s32 s0, s2;
	[dreg:$0xe] =	wrdreg s13  }
0x14: {  	s22 =	sadd.s32 $0x4000, s8;
	[dreg:$0xf] =	wrdreg s2  }
0x15: {  	s23 =	sadd.s32 $0x4800, s8;
	[dreg:$0x17] =	wrdreg s22  }
0x16: {  	s24 =	sadd.s32 $0x5000, s8;
	[dreg:$0x18] =	wrdreg s23  }
0x17: {  	s25 =	sadd.s32 $0x5800, s8;
	[dreg:$0x19] =	wrdreg s24  }
0x18: {  	s26 =	sadd.s32 $0x6000, s8;
	[dreg:$0x1a] =	wrdreg s25  }
0x19: {  	s10 =	sadd.s32 $0x9800, s8;
	[dreg:$0x1b] =	wrdreg s26  }
0x1a: {  	s14 =	sshrl.u32 s9, $0x3;
	s21 =	sadd.s32 $0xF000, s8;
	[smem:$0x7E9] =	sst s10  }
0x1b: {  	s16 =	sadd.s32 s1, s14;
	[smem:$0x7F4] =	sst s21  }
0x1c: {  	s4 =	sadd.s32 s3, s14;
	[dreg:$0x10] =	wrdreg s16  }
0x1d: {  	s20 =	sadd.s32 $0x2600, s7;
	[dreg:$0x11] =	wrdreg s4  }
0x1e: {  	s28 =	sadd.s32 $0x6800, s8;
	[dreg:$0x15] =	wrdreg s20  }
0x1f: {  	s29 =	sadd.s32 $0x7000, s8;
	[dreg:$0x1c] =	wrdreg s28  }
0x20: {  	s30 =	sadd.s32 $0x7800, s8;
	[dreg:$0x1d] =	wrdreg s29  }
0x21: {  	s31 =	sadd.s32 $0x8000, s8;
	[dreg:$0x1e] =	wrdreg s30  }
0x22: {  	s7 =	sadd.s32 $0x9000, s8;
	[dreg:$0x1f] =	wrdreg s31  }
0x23: {  	s11 =	sadd.s32 $0xA000, s8;
	[smem:$0x7E8] =	sst s7  }
0x24: {  	s12 =	sadd.s32 $0xA800, s8;
	[smem:$0x7EA] =	sst s11  }
0x25: {  	s15 =	sadd.s32 $0x50, s9;
	s13 =	sadd.s32 $0xB000, s8;
	[smem:$0x7EB] =	sst s12  }
0x26: {  	s17 =	sshll.u32 s15, $0x4;
	s14 =	sadd.s32 $0xB800, s8;
	[smem:$0x7EC] =	sst s13  }
0x27: {  	s18 =	sshrl.u32 s15, $0x3;
	s15 =	sadd.s32 $0xC000, s8;
	[smem:$0x7ED] =	sst s14  }
0x28: {  	s22 =	sadd.s32 $0xF800, s8;
	[smem:$0x7EE] =	sst s15  }
0x29: {  	s23 =	sadd.s32 $0x10000, s8;
	[smem:$0x7F5] =	sst s22  }
0x2a: {  	s24 =	sadd.s32 $0x10800, s8;
	[smem:$0x7F6] =	sst s23  }
0x2b: {  	s25 =	sadd.s32 $0x11000, s8;
	[smem:$0x7F7] =	sst s24  }
0x2c: {  	s26 =	sadd.s32 $0x11800, s8;
	[smem:$0x7F8] =	sst s25  }
0x2d: {  	s2 =	sadd.s32 s0, s17;
	[smem:$0x7F9] =	sst s26  }
0x2e: {  	s19 =	sadd.s32 s1, s18;
	[dreg:$0x12] =	wrdreg s2  }
0x2f: {  	s4 =	sadd.s32 $0x8800, s8;
	[dreg:$0x13] =	wrdreg s19  }
0x30: {  	s16 =	sadd.s32 $0xC800, s8;
	[smem:$0x7E7] =	sst s4  }
0x31: {  	s17 =	sadd.s32 $0xD000, s8;
	[smem:$0x7EF] =	sst s16  }
0x32: {  	s20 =	sadd.s32 $0xE800, s8;
	[smem:$0x7F0] =	sst s17  }
0x33: {  	s28 =	sadd.s32 $0x12000, s8;
	[smem:$0x7F3] =	sst s20  }
0x34: {  	s29 =	sadd.s32 $0x12800, s8;
	s30 =	sadd.s32 $0x13000, s8;
	[smem:$0x7FA] =	sst s28  }
0x35: {  	s31 =	sadd.s32 $0x13800, s8;
	s12 =	simm.s32 $0x4;
	[smem:$0x7FB] =	sst s29  }
.Ltmp0:
0x36: {  	s13 =	simm.s32 $0x2C00;
	[smem:$0x7FC] =	sst s30;
	(pc) =	sbr.rel .LBB2_1-.Ltmp0, $4  }
0x37: {  	v1 =	vimm.s32 $0x0;
	vm0 =	vcmask $0x300;
	s14 =	simm.s32 $0xA400;
	s2 =	sadd.s32 s3, s18;
	[smem:$0x7FD] =	sst s31  }
0x38: {  	v0 =	vimm.f32 $0.0e+00;
	v2 =	vlaneseq.u32;
	v7 =	vimm.s32 $0x50;
	s15 =	simm.s32 $0x1;
	s18 =	sadd.s32 $0xD800, s8;
	[dreg:$0x14] =	wrdreg s2  }
0x39: {  	v1 =	vsel vm0, $0x100000, v1;
	v3 =	vor.u32 $0x10, v2;
	v4 =	vor.u32 $0x20, v2;
	s11 =	simm.s32 $0x2B80;
	s19 =	sadd.s32 $0xE000, s8;
	[smem:$0x7F1] =	sst s18  }
0x3a: {  	v5 =	vor.u32 $0x30, v2;
	v6 =	vor.u32 $0x40, v2;
	v8 =	vadd.s32 $0x1, v2;
	s17 =	simm.s32 $0x10;
	s16 =	simm.s32 $0x2B00;
	[smem:$0x7F2] =	sst s19  }
.LBB2_39:
0x3b: {  	[tilespmem:s2+$0xFFFFFFD0] =	vst v0  }
.LBB2_40:
0x3c: {  	s17 =	simm.s32 $0x10;
	s2 =	simm.s32 $0xAC00  }
0x3d: {  	[spmem:s5] =	stream.indirect.scatter.add.f32 [tilespmem:s14], [sflag:$0x4], $0x80, s2, s17, $0xb8;
	[tilespmem:$0x1EC80] =	vst v63  }
0x3e: {  	_ =	swait.ge [sflag:s12], $0x800  }
0x3f: {  	[sflag:s12] =	ssyncset.done $0x0  }
0x40: {  	s30 =	stileid.u32;
	[sflag:s12] =	ssyncadd.s32 $0xFFFFF800  }
0x41: {  	s2 =	sshll.u32 s30, $0x6;
	[bflag:$0x0] =	sbarrier.arrive $0xFFFF  }
0x42: {  	s4 =	sshrl.u32 s8, $0x3;
	s2 =	sor.u32 $0x1C04, s2;
	s7 =	rddreg [dreg:$0x15]  }
0x43: {  	[hbm:s7], [sflag:s2] =	dma.local [spmem:s4], $0x2800  }
0x44: {  	_ =	swait.ge [sflag:s12], $0x2800  }
0x45: {  	s6 =	sadd.s32 $0x1, s6;
	s31 =	rddreg [dreg:$0x16]  }
0x46: {  	p0 =	sne.s32 s6, s31  }
.Ltmp1:
0x47: {  	_ = 	snop;
	(pc) =	sbr.rel @!p0 .LBB2_41-.Ltmp1, $3  }
0x48: {  	_ =	sdelay $0x1  }
0x49: {  	[sflag:s12] =	ssyncset.done $0x0  }
0x4a: {  	s13 =	simm.s32 $0x2C00;
	[sflag:s12] =	ssyncadd.s32 $0xFFFFD800  }
.LBB2_1:
0x4b: {  	s2 =	rddreg [dreg:$0x6]  }
0x4c: {  	s4 =	simm.s32 $0x80;
	s7 =	simm.s32 $0x100;
	s10 =	simm.s32 $0x300  }
0x4d: {  	[tilespmem:s10], [sflag:$0x4] =	stream.strided.gather [hbm4b:s2+s4], $0x2800, s7, s4, $0x38;
	[tilespmem:$0x1EC80] =	vst v63  }
0x4e: {  	_ =	swait.ge [sflag:s12], $0x2800  }
0x4f: {  	[sflag:s12] =	ssyncset.done $0x0  }
0x50: {  	s31 =	rddreg [dreg:$0x7];
	[sflag:s12] =	ssyncadd.s32 $0xFFFFD800  }
0x51: {  	[tilespmem:s13], [sflag:$0x4] =	stream.strided.gather [hbm4b:s31+s4], $0x2800, s7, s4, $0x38;
	[tilespmem:$0x1EC80] =	vst v63  }
0x52: {  	_ =	swait.ge [sflag:s12], $0x2800  }
0x53: {  	[sflag:s12] =	ssyncset.done $0x0  }
0x54: {  	s2 =	simm.s32 $0x0;
	[sflag:s12] =	ssyncadd.s32 $0xFFFFD800  }
0x55: {  	s4 =	simm.s32 $0x40;
	v9 =	vld [tilespmem:s2+$0x2C00]  }
.LBB2_2:
0x56: {  	p0 =	sne.s32 s4, $0x9FC0;
	v10 =	vld [tilespmem:s2+$0x300];
	_ =	sdelay $0x4  }
0x57: {  	v9 =	vadd.f32 v9, v10;
	_ =	sdelay $0x1  }
0x58: {  	(erf) = vrcp.f32 v9;
	_ =	sdelay $0x5  }
.Ltmp2:
0x59: {  	(pc) =	sbr.rel @p0 .LBB2_2-.Ltmp2, $3  }
0x5a: {  	_ =	sdelay $0x1  }
0x5b: {  	s7 =	sshra.s32 s4, $0x2;
	v10 =	vpop (erf)  }
0x5c: {  	s4 =	sadd.s32 $0x40, s4;
	v9 =	vld [tilespmem:s7+$0x2C00];
	[tilespmem:s2+$0x300] =	vst v10;
	s2 =	smov.u32 s7  }
0x5d: {  	v10 =	vld [tilespmem:s2+$0x300];
	_ =	sdelay $0x4  }
0x5e: {  	v9 =	vadd.f32 v9, v10;
	_ =	sdelay $0x1  }
0x5f: {  	(erf) = vrcp.f32 v9;
	_ =	sdelay $0x8  }
0x60: {  	v9 =	vpop (erf)  }
0x61: {  	s4 =	simm.s32 $0x200;
	[tilespmem:s2+$0x300] =	vst v9;
	s2 =	simm.s32 $0x0  }
.LBB2_4:
0x62: {  	p0 =	sne.s32 s4, $0x1E00;
	[tilespmem:s2+$0xA470] =	vst v0  }
0x63: {  	[tilespmem:s2+$0xA400] =	vst v0  }
0x64: {  	[tilespmem:s2+$0xA410] =	vst v0  }
.Ltmp3:
0x65: {  	[tilespmem:s2+$0xA420] =	vst v0;
	(pc) =	sbr.rel @p0 .LBB2_4-.Ltmp3, $4  }
0x66: {  	[tilespmem:s2+$0xA430] =	vst v0  }
0x67: {  	[tilespmem:s2+$0xA440] =	vst v0  }
0x68: {  	[tilespmem:s2+$0xA450] =	vst v0  }
0x69: {  	[tilespmem:s2+$0xA460] =	vst v0;
	s2 =	sshra.s32 s4, $0x2;
	s4 =	sadd.s32 $0x200, s4  }
0x6a: {  	[tilespmem:s2+$0xA470] =	vst v0  }
0x6b: {  	[tilespmem:s2+$0xA400] =	vst v0  }
0x6c: {  	[tilespmem:s2+$0xA410] =	vst v0  }
0x6d: {  	[tilespmem:s2+$0xA420] =	vst v0  }
0x6e: {  	[tilespmem:s2+$0xA430] =	vst v0  }
0x6f: {  	[tilespmem:s2+$0xA440] =	vst v0  }
0x70: {  	[tilespmem:s2+$0xA450] =	vst v0  }
0x71: {  	[tilespmem:s2+$0xA460] =	vst v0;
	s4 =	rddreg [dreg:$0x8]  }
0x72: {  	[spmem:s8] =	stream.linear.scatter [tilespmem:s14], [sflag:$0x1], $0x800, $0x38;
	[tilespmem:$0x1EC80] =	vst v63  }
0x73: {  	s7 =	rddreg [dreg:$0x9]  }
0x74: {  	[spmem:s4] =	stream.linear.scatter [tilespmem:s14], [sflag:$0x1], $0x800, $0x38;
	[tilespmem:$0x1EC80] =	vst v63  }
0x75: {  	s10 =	rddreg [dreg:$0xa]  }
0x76: {  	[spmem:s7] =	stream.linear.scatter [tilespmem:s14], [sflag:$0x1], $0x800, $0x38;
	[tilespmem:$0x1EC80] =	vst v63  }
0x77: {  	s18 =	rddreg [dreg:$0xb]  }
0x78: {  	[spmem:s10] =	stream.linear.scatter [tilespmem:s14], [sflag:$0x1], $0x800, $0x38;
	[tilespmem:$0x1EC80] =	vst v63  }
0x79: {  	s19 =	rddreg [dreg:$0xc]  }
0x7a: {  	[spmem:s18] =	stream.linear.scatter [tilespmem:s14], [sflag:$0x1], $0x800, $0x38;
	[tilespmem:$0x1EC80] =	vst v63  }
0x7b: {  	s20 =	rddreg [dreg:$0xd]  }
0x7c: {  	[spmem:s19] =	stream.linear.scatter [tilespmem:s14], [sflag:$0x1], $0x800, $0x38;
	[tilespmem:$0x1EC80] =	vst v63  }
0x7d: {  	s21 =	rddreg [dreg:$0xe]  }
0x7e: {  	[spmem:s20] =	stream.linear.scatter [tilespmem:s14], [sflag:$0x1], $0x800, $0x38;
	[tilespmem:$0x1EC80] =	vst v63  }
0x7f: {  	s22 =	rddreg [dreg:$0x17]  }
0x80: {  	[spmem:s21] =	stream.linear.scatter [tilespmem:s14], [sflag:$0x1], $0x800, $0x38;
	[tilespmem:$0x1EC80] =	vst v63  }
0x81: {  	s23 =	rddreg [dreg:$0x18]  }
0x82: {  	[spmem:s22] =	stream.linear.scatter [tilespmem:s14], [sflag:$0x1], $0x800, $0x38;
	[tilespmem:$0x1EC80] =	vst v63  }
0x83: {  	s24 =	rddreg [dreg:$0x19]  }
0x84: {  	[spmem:s23] =	stream.linear.scatter [tilespmem:s14], [sflag:$0x1], $0x800, $0x38;
	[tilespmem:$0x1EC80] =	vst v63  }
0x85: {  	s25 =	rddreg [dreg:$0x1a]  }
0x86: {  	[spmem:s24] =	stream.linear.scatter [tilespmem:s14], [sflag:$0x1], $0x800, $0x38;
	[tilespmem:$0x1EC80] =	vst v63  }
0x87: {  	s26 =	rddreg [dreg:$0x1b]  }
0x88: {  	[spmem:s25] =	stream.linear.scatter [tilespmem:s14], [sflag:$0x1], $0x800, $0x38;
	[tilespmem:$0x1EC80] =	vst v63  }
0x89: {  	s28 =	rddreg [dreg:$0x1c]  }
0x8a: {  	[spmem:s26] =	stream.linear.scatter [tilespmem:s14], [sflag:$0x1], $0x800, $0x38;
	[tilespmem:$0x1EC80] =	vst v63  }
0x8b: {  	s29 =	rddreg [dreg:$0x1d]  }
0x8c: {  	[spmem:s28] =	stream.linear.scatter [tilespmem:s14], [sflag:$0x1], $0x800, $0x38;
	[tilespmem:$0x1EC80] =	vst v63  }
0x8d: {  	s30 =	rddreg [dreg:$0x1e]  }
0x8e: {  	[spmem:s29] =	stream.linear.scatter [tilespmem:s14], [sflag:$0x1], $0x800, $0x38;
	[tilespmem:$0x1EC80] =	vst v63  }
0x8f: {  	s31 =	rddreg [dreg:$0x1f]  }
0x90: {  	[spmem:s30] =	stream.linear.scatter [tilespmem:s14], [sflag:$0x1], $0x800, $0x38;
	[tilespmem:$0x1EC80] =	vst v63  }
0x91: {  	s4 =	sld [smem:$0x7E7]  }
0x92: {  	[spmem:s31] =	stream.linear.scatter [tilespmem:s14], [sflag:$0x1], $0x800, $0x38;
	[tilespmem:$0x1EC80] =	vst v63  }
0x93: {  	s7 =	sld [smem:$0x7E8]  }
0x94: {  	[spmem:s4] =	stream.linear.scatter [tilespmem:s14], [sflag:$0x1], $0x800, $0x38;
	[tilespmem:$0x1EC80] =	vst v63  }
0x95: {  	s10 =	sld [smem:$0x7E9]  }
0x96: {  	[spmem:s7] =	stream.linear.scatter [tilespmem:s14], [sflag:$0x1], $0x800, $0x38;
	[tilespmem:$0x1EC80] =	vst v63  }
0x97: {  	s18 =	sld [smem:$0x7EA]  }
0x98: {  	[spmem:s10] =	stream.linear.scatter [tilespmem:s14], [sflag:$0x1], $0x800, $0x38;
	[tilespmem:$0x1EC80] =	vst v63  }
0x99: {  	s19 =	sld [smem:$0x7EB]  }
0x9a: {  	[spmem:s18] =	stream.linear.scatter [tilespmem:s14], [sflag:$0x1], $0x800, $0x38;
	[tilespmem:$0x1EC80] =	vst v63  }
0x9b: {  	s20 =	sld [smem:$0x7EC]  }
0x9c: {  	[spmem:s19] =	stream.linear.scatter [tilespmem:s14], [sflag:$0x1], $0x800, $0x38;
	[tilespmem:$0x1EC80] =	vst v63  }
0x9d: {  	s21 =	sld [smem:$0x7ED]  }
0x9e: {  	[spmem:s20] =	stream.linear.scatter [tilespmem:s14], [sflag:$0x1], $0x800, $0x38;
	[tilespmem:$0x1EC80] =	vst v63  }
0x9f: {  	s22 =	sld [smem:$0x7EE]  }
0xa0: {  	[spmem:s21] =	stream.linear.scatter [tilespmem:s14], [sflag:$0x1], $0x800, $0x38;
	[tilespmem:$0x1EC80] =	vst v63  }
0xa1: {  	s23 =	sld [smem:$0x7EF]  }
0xa2: {  	[spmem:s22] =	stream.linear.scatter [tilespmem:s14], [sflag:$0x1], $0x800, $0x38;
	[tilespmem:$0x1EC80] =	vst v63  }
0xa3: {  	s24 =	sld [smem:$0x7F0]  }
0xa4: {  	[spmem:s23] =	stream.linear.scatter [tilespmem:s14], [sflag:$0x1], $0x800, $0x38;
	[tilespmem:$0x1EC80] =	vst v63  }
0xa5: {  	s25 =	sld [smem:$0x7F1]  }
0xa6: {  	[spmem:s24] =	stream.linear.scatter [tilespmem:s14], [sflag:$0x1], $0x800, $0x38;
	[tilespmem:$0x1EC80] =	vst v63  }
0xa7: {  	s26 =	sld [smem:$0x7F2]  }
0xa8: {  	[spmem:s25] =	stream.linear.scatter [tilespmem:s14], [sflag:$0x1], $0x800, $0x38;
	[tilespmem:$0x1EC80] =	vst v63  }
0xa9: {  	s28 =	sld [smem:$0x7F3]  }
0xaa: {  	[spmem:s26] =	stream.linear.scatter [tilespmem:s14], [sflag:$0x1], $0x800, $0x38;
	[tilespmem:$0x1EC80] =	vst v63  }
0xab: {  	s29 =	sld [smem:$0x7F4]  }
0xac: {  	[spmem:s28] =	stream.linear.scatter [tilespmem:s14], [sflag:$0x1], $0x800, $0x38;
	[tilespmem:$0x1EC80] =	vst v63  }
0xad: {  	s30 =	sld [smem:$0x7F5]  }
0xae: {  	[spmem:s29] =	stream.linear.scatter [tilespmem:s14], [sflag:$0x1], $0x800, $0x38;
	[tilespmem:$0x1EC80] =	vst v63  }
0xaf: {  	s31 =	sld [smem:$0x7F6]  }
0xb0: {  	[spmem:s30] =	stream.linear.scatter [tilespmem:s14], [sflag:$0x1], $0x800, $0x38;
	[tilespmem:$0x1EC80] =	vst v63  }
0xb1: {  	s4 =	sld [smem:$0x7F7]  }
0xb2: {  	[spmem:s31] =	stream.linear.scatter [tilespmem:s14], [sflag:$0x1], $0x800, $0x38;
	[tilespmem:$0x1EC80] =	vst v63  }
0xb3: {  	s7 =	sld [smem:$0x7F8]  }
0xb4: {  	[spmem:s4] =	stream.linear.scatter [tilespmem:s14], [sflag:$0x1], $0x800, $0x38;
	[tilespmem:$0x1EC80] =	vst v63  }
0xb5: {  	s10 =	sld [smem:$0x7F9]  }
0xb6: {  	[spmem:s7] =	stream.linear.scatter [tilespmem:s14], [sflag:$0x1], $0x800, $0x38;
	[tilespmem:$0x1EC80] =	vst v63  }
0xb7: {  	s18 =	sld [smem:$0x7FA]  }
0xb8: {  	[spmem:s10] =	stream.linear.scatter [tilespmem:s14], [sflag:$0x1], $0x800, $0x38;
	[tilespmem:$0x1EC80] =	vst v63  }
0xb9: {  	s19 =	sld [smem:$0x7FB]  }
0xba: {  	[spmem:s18] =	stream.linear.scatter [tilespmem:s14], [sflag:$0x1], $0x800, $0x38;
	[tilespmem:$0x1EC80] =	vst v63  }
0xbb: {  	s20 =	sld [smem:$0x7FC]  }
0xbc: {  	[spmem:s19] =	stream.linear.scatter [tilespmem:s14], [sflag:$0x1], $0x800, $0x38;
	[tilespmem:$0x1EC80] =	vst v63  }
0xbd: {  	s21 =	sld [smem:$0x7FD]  }
0xbe: {  	[spmem:s20] =	stream.linear.scatter [tilespmem:s14], [sflag:$0x1], $0x800, $0x38;
	[tilespmem:$0x1EC80] =	vst v63  }
0xbf: {  	_ = 	snop  }
0xc0: {  	[spmem:s21] =	stream.linear.scatter [tilespmem:s14], [sflag:$0x1], $0x800, $0x38;
	[tilespmem:$0x1EC80] =	vst v63  }
0xc1: {  	_ =	swait.ge [sflag:s15], $0x800  }
0xc2: {  	[sflag:s15] =	ssyncset.done $0x0  }
0xc3: {  	[sflag:s15] =	ssyncadd.s32 $0xFFFFF800  }
0xc4: {  	_ =	swait.ge [sflag:s15], $0x800  }
0xc5: {  	[sflag:s15] =	ssyncset.done $0x0  }
0xc6: {  	[sflag:s15] =	ssyncadd.s32 $0xFFFFF800  }
0xc7: {  	_ =	swait.ge [sflag:s15], $0x800  }
0xc8: {  	[sflag:s15] =	ssyncset.done $0x0  }
0xc9: {  	[sflag:s15] =	ssyncadd.s32 $0xFFFFF800  }
0xca: {  	_ =	swait.ge [sflag:s15], $0x800  }
0xcb: {  	[sflag:s15] =	ssyncset.done $0x0  }
0xcc: {  	[sflag:s15] =	ssyncadd.s32 $0xFFFFF800  }
0xcd: {  	_ =	swait.ge [sflag:s15], $0x800  }
0xce: {  	[sflag:s15] =	ssyncset.done $0x0  }
0xcf: {  	[sflag:s15] =	ssyncadd.s32 $0xFFFFF800  }
0xd0: {  	_ =	swait.ge [sflag:s15], $0x800  }
0xd1: {  	[sflag:s15] =	ssyncset.done $0x0  }
0xd2: {  	[sflag:s15] =	ssyncadd.s32 $0xFFFFF800  }
0xd3: {  	_ =	swait.ge [sflag:s15], $0x800  }
0xd4: {  	[sflag:s15] =	ssyncset.done $0x0  }
0xd5: {  	[sflag:s15] =	ssyncadd.s32 $0xFFFFF800  }
0xd6: {  	_ =	swait.ge [sflag:s15], $0x800  }
0xd7: {  	[sflag:s15] =	ssyncset.done $0x0  }
0xd8: {  	[sflag:s15] =	ssyncadd.s32 $0xFFFFF800  }
0xd9: {  	_ =	swait.ge [sflag:s15], $0x800  }
0xda: {  	[sflag:s15] =	ssyncset.done $0x0  }
0xdb: {  	[sflag:s15] =	ssyncadd.s32 $0xFFFFF800  }
0xdc: {  	_ =	swait.ge [sflag:s15], $0x800  }
0xdd: {  	[sflag:s15] =	ssyncset.done $0x0  }
0xde: {  	[sflag:s15] =	ssyncadd.s32 $0xFFFFF800  }
0xdf: {  	_ =	swait.ge [sflag:s15], $0x800  }
0xe0: {  	[sflag:s15] =	ssyncset.done $0x0  }
0xe1: {  	[sflag:s15] =	ssyncadd.s32 $0xFFFFF800  }
0xe2: {  	_ =	swait.ge [sflag:s15], $0x800  }
0xe3: {  	[sflag:s15] =	ssyncset.done $0x0  }
0xe4: {  	[sflag:s15] =	ssyncadd.s32 $0xFFFFF800  }
0xe5: {  	_ =	swait.ge [sflag:s15], $0x800  }
0xe6: {  	[sflag:s15] =	ssyncset.done $0x0  }
0xe7: {  	[sflag:s15] =	ssyncadd.s32 $0xFFFFF800  }
0xe8: {  	_ =	swait.ge [sflag:s15], $0x800  }
0xe9: {  	[sflag:s15] =	ssyncset.done $0x0  }
0xea: {  	[sflag:s15] =	ssyncadd.s32 $0xFFFFF800  }
0xeb: {  	_ =	swait.ge [sflag:s15], $0x800  }
0xec: {  	[sflag:s15] =	ssyncset.done $0x0  }
0xed: {  	[sflag:s15] =	ssyncadd.s32 $0xFFFFF800  }
0xee: {  	_ =	swait.ge [sflag:s15], $0x800  }
0xef: {  	[sflag:s15] =	ssyncset.done $0x0  }
0xf0: {  	[sflag:s15] =	ssyncadd.s32 $0xFFFFF800  }
0xf1: {  	_ =	swait.ge [sflag:s15], $0x800  }
0xf2: {  	[sflag:s15] =	ssyncset.done $0x0  }
0xf3: {  	[sflag:s15] =	ssyncadd.s32 $0xFFFFF800  }
0xf4: {  	_ =	swait.ge [sflag:s15], $0x800  }
0xf5: {  	[sflag:s15] =	ssyncset.done $0x0  }
0xf6: {  	[sflag:s15] =	ssyncadd.s32 $0xFFFFF800  }
0xf7: {  	_ =	swait.ge [sflag:s15], $0x800  }
0xf8: {  	[sflag:s15] =	ssyncset.done $0x0  }
0xf9: {  	[sflag:s15] =	ssyncadd.s32 $0xFFFFF800  }
0xfa: {  	_ =	swait.ge [sflag:s15], $0x800  }
0xfb: {  	[sflag:s15] =	ssyncset.done $0x0  }
0xfc: {  	[sflag:s15] =	ssyncadd.s32 $0xFFFFF800  }
0xfd: {  	_ =	swait.ge [sflag:s15], $0x800  }
0xfe: {  	[sflag:s15] =	ssyncset.done $0x0  }
0xff: {  	[sflag:s15] =	ssyncadd.s32 $0xFFFFF800  }
0x100: {  	_ =	swait.ge [sflag:s15], $0x800  }
0x101: {  	[sflag:s15] =	ssyncset.done $0x0  }
0x102: {  	[sflag:s15] =	ssyncadd.s32 $0xFFFFF800  }
0x103: {  	_ =	swait.ge [sflag:s15], $0x800  }
0x104: {  	[sflag:s15] =	ssyncset.done $0x0  }
0x105: {  	[sflag:s15] =	ssyncadd.s32 $0xFFFFF800  }
0x106: {  	_ =	swait.ge [sflag:s15], $0x800  }
0x107: {  	[sflag:s15] =	ssyncset.done $0x0  }
0x108: {  	[sflag:s15] =	ssyncadd.s32 $0xFFFFF800  }
0x109: {  	_ =	swait.ge [sflag:s15], $0x800  }
0x10a: {  	[sflag:s15] =	ssyncset.done $0x0  }
0x10b: {  	[sflag:s15] =	ssyncadd.s32 $0xFFFFF800  }
0x10c: {  	_ =	swait.ge [sflag:s15], $0x800  }
0x10d: {  	[sflag:s15] =	ssyncset.done $0x0  }
0x10e: {  	[sflag:s15] =	ssyncadd.s32 $0xFFFFF800  }
0x10f: {  	_ =	swait.ge [sflag:s15], $0x800  }
0x110: {  	[sflag:s15] =	ssyncset.done $0x0  }
0x111: {  	[sflag:s15] =	ssyncadd.s32 $0xFFFFF800  }
0x112: {  	_ =	swait.ge [sflag:s15], $0x800  }
0x113: {  	[sflag:s15] =	ssyncset.done $0x0  }
0x114: {  	[sflag:s15] =	ssyncadd.s32 $0xFFFFF800  }
0x115: {  	_ =	swait.ge [sflag:s15], $0x800  }
0x116: {  	[sflag:s15] =	ssyncset.done $0x0  }
0x117: {  	[sflag:s15] =	ssyncadd.s32 $0xFFFFF800  }
0x118: {  	_ =	swait.ge [sflag:s15], $0x800  }
0x119: {  	[sflag:s15] =	ssyncset.done $0x0  }
0x11a: {  	[sflag:s15] =	ssyncadd.s32 $0xFFFFF800  }
0x11b: {  	_ =	swait.ge [sflag:s15], $0x800  }
0x11c: {  	[sflag:s15] =	ssyncset.done $0x0  }
0x11d: {  	[sflag:s15] =	ssyncadd.s32 $0xFFFFF800  }
0x11e: {  	_ =	swait.ge [sflag:s15], $0x800  }
0x11f: {  	[sflag:s15] =	ssyncset.done $0x0  }
0x120: {  	[sflag:s15] =	ssyncadd.s32 $0xFFFFF800  }
0x121: {  	_ =	swait.ge [sflag:s15], $0x800  }
0x122: {  	[sflag:s15] =	ssyncset.done $0x0  }
0x123: {  	[sflag:s15] =	ssyncadd.s32 $0xFFFFF800  }
0x124: {  	_ =	swait.ge [sflag:s15], $0x800  }
0x125: {  	[sflag:s15] =	ssyncset.done $0x0  }
0x126: {  	[sflag:s15] =	ssyncadd.s32 $0xFFFFF800  }
0x127: {  	_ =	swait.ge [sflag:s15], $0x800  }
0x128: {  	[sflag:s15] =	ssyncset.done $0x0  }
0x129: {  	[sflag:s15] =	ssyncadd.s32 $0xFFFFF800  }
0x12a: {  	_ =	swait.ge [sflag:s15], $0x800  }
0x12b: {  	[sflag:s15] =	ssyncset.done $0x0  }
0x12c: {  	[sflag:s15] =	ssyncadd.s32 $0xFFFFF800  }
0x12d: {  	_ =	swait.ge [sflag:s15], $0x800  }
0x12e: {  	[sflag:s15] =	ssyncset.done $0x0  }
0x12f: {  	[sflag:s15] =	ssyncadd.s32 $0xFFFFF800  }
0x130: {  	_ =	swait.ge [sflag:s15], $0x800  }
0x131: {  	[sflag:s15] =	ssyncset.done $0x0  }
0x132: {  	[sflag:s15] =	ssyncadd.s32 $0xFFFFF800  }
0x133: {  	_ =	swait.ge [sflag:s15], $0x800  }
0x134: {  	[sflag:s15] =	ssyncset.done $0x0  }
0x135: {  	[sflag:s15] =	ssyncadd.s32 $0xFFFFF800  }
0x136: {  	_ =	swait.ge [sflag:s15], $0x800  }
0x137: {  	[sflag:s15] =	ssyncset.done $0x0  }
0x138: {  	[sflag:s15] =	ssyncadd.s32 $0xFFFFF800  }
0x139: {  	[bflag:$0x0] =	sbarrier.arrive $0xFFFF  }
0x13a: {  	s18 =	simm.s32 $0x0;
	s22 =	rddreg [dreg:$0xf]  }
0x13b: {  	[tilespmem:s13], [sflag:$0x1] =	stream.linear.gather [hbm4b:s22+s18], $0x2800, $0x38;
	[tilespmem:$0x1EC80] =	vst v63  }
0x13c: {  	s23 =	rddreg [dreg:$0x10]  }
0x13d: {  	[tilespmem:s17], [sflag:$0x1] =	stream.linear.gather [hbm4b:s23+s18], $0x50, $0x38;
	[tilespmem:$0x1EC80] =	vst v63  }
0x13e: {  	s4 =	simm.s32 $0x180;
	s24 =	rddreg [dreg:$0x11]  }
0x13f: {  	[tilespmem:s4], [sflag:$0x1] =	stream.linear.gather [hbm4b:s24+s18], $0x50, $0x38;
	[tilespmem:$0x1EC80] =	vst v63  }
0x140: {  	s26 =	simm.s32 $0x5400;
	s25 =	rddreg [dreg:$0x12]  }
0x141: {  	[tilespmem:s26], [sflag:$0x2] =	stream.linear.gather [hbm4b:s25+s18], $0x2800, $0x38;
	[tilespmem:$0x1EC80] =	vst v63  }
.Ltmp4:
0x142: {  	_ = 	snop;
	(pc) =	sbr.rel .LBB2_6-.Ltmp4, $4  }
0x143: {  	s29 =	simm.s32 $0x70;
	s31 =	simm.s32 $0x1E0;
	s28 =	rddreg [dreg:$0x13]  }
0x144: {  	[tilespmem:s29], [sflag:$0x2] =	stream.linear.gather [hbm4b:s28+s18], $0x50, $0x38;
	[tilespmem:$0x1EC80] =	vst v63  }
0x145: {  	s19 =	simm.s32 $0x0;
	s30 =	rddreg [dreg:$0x14];
	s17 =	simm.s32 $0x0  }
0x146: {  	v9 =	vimm.s32 $0x0;
	[tilespmem:s31], [sflag:$0x2] =	stream.linear.gather [hbm4b:s30+s18], $0x50, $0x38;
	[tilespmem:$0x1EC80] =	vst v63  }
.LBB2_35:
0x147: {  	s19 =	sadd.s32 $0x1, s19  }
0x148: {  	p1 =	sne.s32 s19, $0x7D  }
.Ltmp5:
0x149: {  	_ = 	snop;
	(pc) =	sbr.rel @!p1 .LBB2_36-.Ltmp5, $4  }
0x14a: {  	_ = 	snop  }
0x14b: {  	s18 =	sadd.s32 $0x1, s18  }
0x14c: {  	p0 =	sgt.s32 s18, $0x2  }
0x14d: {  	s18 =	simm.s32 @p0 $0x0  }
.LBB2_6:
0x14e: {  	p0 =	seq.s32 s18, $0x0  }
.Ltmp6:
0x14f: {  	_ = 	snop;
	(pc) =	sbr.rel @p0 .LBB2_7-.Ltmp6, $1  }
0x150: {  	_ =	sdelay $0x3  }
0x151: {  	p0 =	seq.s32 s18, $0x2  }
.Ltmp7:
0x152: {  	_ = 	snop;
	(pc) =	sbr.rel @p0 .LBB2_11-.Ltmp7, $1  }
0x153: {  	_ =	sdelay $0x3  }
0x154: {  	p0 =	sne.s32 s18, $0x1  }
.Ltmp8:
0x155: {  	_ = 	snop;
	(pc) =	sbr.rel @p0 .LBB2_13-.Ltmp8, $1  }
0x156: {  	_ =	sdelay $0x3  }
.Ltmp9:
0x157: {  	(pc) =	sbr.rel .LBB2_12-.Ltmp9, $2  }
0x158: {  	_ =	sdelay $0x2  }
0x159: {  	s2 =	simm.s32 $0x2  }
.LBB2_11:
.Ltmp10:
0x15a: {  	(pc) =	sbr.rel .LBB2_12-.Ltmp10, $2  }
0x15b: {  	_ =	sdelay $0x2  }
0x15c: {  	s2 =	simm.s32 $0x3  }
.LBB2_7:
0x15d: {  	s2 =	simm.s32 $0x1  }
.LBB2_12:
0x15e: {  	_ =	swait.ge [sflag:s2], $0x2800  }
0x15f: {  	[sflag:s2] =	ssyncset.done $0x0  }
0x160: {  	[sflag:s2] =	ssyncadd.s32 $0xFFFFD800  }
0x161: {  	_ =	swait.ge [sflag:s2], $0x50  }
0x162: {  	[sflag:s2] =	ssyncset.done $0x0  }
0x163: {  	[sflag:s2] =	ssyncadd.s32 $0xFFFFFFB0  }
0x164: {  	_ =	swait.ge [sflag:s2], $0x50  }
0x165: {  	[sflag:s2] =	ssyncset.done $0x0  }
0x166: {  	[sflag:s2] =	ssyncadd.s32 $0xFFFFFFB0  }
.LBB2_13:
0x167: {  	p0 =	sgt.u32 s19, $0x7A  }
.Ltmp11:
0x168: {  	_ = 	snop;
	(pc) =	sbr.rel @p0 .LBB2_15-.Ltmp11, $1  }
0x169: {  	_ =	sdelay $0x3  }
0x16a: {  	p0 =	sgt.s32 s18, $0x0;
	s2 =	simm.s32 $0xFFFFFFFF  }
0x16b: {  	s2 =	simm.s32 @!p0 $0x2  }
0x16c: {  	s2 =	sadd.s32 s2, s18  }
0x16d: {  	s4 =	sadd.s32 $0x2, s19;
	p0 =	seq.s32 s2, $0x2  }
0x16e: {  	s7 =	smul.u32 @p0 $0x50, s4;
	_ =	sdelay $0x1  }
0x16f: {  	s7 =	sadd.s32 @p0 s9, s7  }
0x170: {  	s10 =	sshll.u32 @p0 s7, $0x4  }
0x171: {  	s13 =	simm.s32 @p0 $0x0;
	s20 =	simm.s32 @p0 $0x7C00;
	s10 =	sand.u32 @p0 $0x1FFFFF00, s10  }
0x172: {  	p2 =	seq.s32 @!p0 s2, $0x1;
	s7 =	sshrl.u32 @p0 s7, $0x3;
	s10 =	sadd.s32 @p0 s0, s10  }
0x173: {  	[tilespmem:s20], [sflag:$0x3] =	stream.linear.gather @p0 [hbm4b:s10+s13], $0x2800, $0x38;
	[tilespmem:$0x1EC80] =	vst v63  }
0x174: {  	p1 =	por !p2, p0;
	s10 =	sadd.s32 @p0 s1, s7;
	s20 =	simm.s32 @p0 $0xD0  }
0x175: {  	[tilespmem:s20], [sflag:$0x3] =	stream.linear.gather @p0 [hbm4b:s10+s13], $0x50, $0x38;
	[tilespmem:$0x1EC80] =	vst v63  }
0x176: {  	s7 =	sadd.s32 @p0 s3, s7;
	s10 =	simm.s32 @p0 $0x240;
	s20 =	smul.u32 @!p1 $0x50, s4  }
0x177: {  	[tilespmem:s10], [sflag:$0x3] =	stream.linear.gather @p0 [hbm4b:s7+s13], $0x50, $0x38;
	[tilespmem:$0x1EC80] =	vst v63  }
0x178: {  	p3 =	por p2, p0;
	s7 =	sadd.s32 @!p1 s9, s20  }
0x179: {  	p3 =	sne.s32 @!p3 s2, $0x0;
	s10 =	sshll.u32 @!p1 s7, $0x4  }
0x17a: {  	p2 =	por @!p0 p3, p2;
	s13 =	simm.s32 @!p1 $0x0;
	s10 =	sand.u32 @!p1 $0x1FFFFF00, s10  }
0x17b: {  	s20 =	simm.s32 @!p1 $0x5400;
	s7 =	sshrl.u32 @!p1 s7, $0x3;
	s10 =	sadd.s32 @!p1 s0, s10  }
0x17c: {  	[tilespmem:s20], [sflag:$0x2] =	stream.linear.gather @!p1 [hbm4b:s10+s13], $0x2800, $0x38;
	[tilespmem:$0x1EC80] =	vst v63  }
0x17d: {  	p0 =	por p2, p0;
	s2 =	sadd.s32 @!p1 s1, s7;
	s10 =	simm.s32 @!p1 $0x70  }
0x17e: {  	[tilespmem:s10], [sflag:$0x2] =	stream.linear.gather @!p1 [hbm4b:s2+s13], $0x50, $0x38;
	[tilespmem:$0x1EC80] =	vst v63  }
0x17f: {  	s4 =	smul.u32 @!p0 $0x50, s4;
	s2 =	sadd.s32 @!p1 s3, s7;
	s7 =	simm.s32 @!p1 $0x1E0  }
0x180: {  	[tilespmem:s7], [sflag:$0x2] =	stream.linear.gather @!p1 [hbm4b:s2+s13], $0x50, $0x38;
	[tilespmem:$0x1EC80] =	vst v63  }
0x181: {  	s2 =	sadd.s32 @!p0 s9, s4  }
0x182: {  	s4 =	sshll.u32 @!p0 s2, $0x4  }
0x183: {  	s10 =	simm.s32 @!p0 $0x2C00;
	s4 =	sand.u32 @!p0 $0x1FFFFF00, s4  }
0x184: {  	s7 =	simm.s32 @!p0 $0x0;
	s2 =	sshrl.u32 @!p0 s2, $0x3;
	s4 =	sadd.s32 @!p0 s0, s4  }
0x185: {  	[tilespmem:s10], [sflag:$0x1] =	stream.linear.gather @!p0 [hbm4b:s4+s7], $0x2800, $0x38;
	[tilespmem:$0x1EC80] =	vst v63  }
0x186: {  	s4 =	sadd.s32 @!p0 s1, s2;
	s10 =	simm.s32 @!p0 $0x10  }
0x187: {  	[tilespmem:s10], [sflag:$0x1] =	stream.linear.gather @!p0 [hbm4b:s4+s7], $0x50, $0x38;
	[tilespmem:$0x1EC80] =	vst v63  }
0x188: {  	s2 =	sadd.s32 @!p0 s3, s2;
	s4 =	simm.s32 @!p0 $0x180  }
0x189: {  	[tilespmem:s4], [sflag:$0x1] =	stream.linear.gather @!p0 [hbm4b:s2+s7], $0x50, $0x38;
	[tilespmem:$0x1EC80] =	vst v63  }
.LBB2_15:
0x18a: {  	s2 =	smul.u32 $0x60, s18;
	_ =	sdelay $0x1  }
0x18b: {  	v10 =	vld [tilespmem:s2+$0xF]  }
0x18c: {  	v11 =	vld [tilespmem:s2+$0x10];
	_ =	sdelay $0x3  }
0x18d: {  	v10 =	vadd.s32 v1, v10  }
0x18e: {  	vm0 =	vne.s32 v11, v10  }
0x18f: {  	v10 =	vmpcnt.ones.xlane vm0;
	_ =	sdelay $0x1  }
0x190: {  	(v2sf) =	vpush v10, $0x0;
	_ =	sdelay $0x6  }
0x191: {  	[tilespmem:s16+$0x0] =	vst.msk vm0, v2  }
0x192: {  	[tilespmem:s11+$0x0] =	vst.msk vm0, v11  }
0x193: {  	v10 =	vld [tilespmem:s2+$0x20]  }
0x194: {  	v11 =	vld [tilespmem:s2+$0x1F];
	_ =	sdelay $0x4  }
0x195: {  	vm12 =	vne.s32 v10, v11;
	s4 =	spop (v2sf)  }
0x196: {  	v11 =	vmpcnt.ones.xlane vm12;
	[tilespmem:s4+$0x2B00] =	vst.msk vm12, v3  }
0x197: {  	[tilespmem:s4+$0x2B80] =	vst.msk vm12, v10  }
0x198: {  	(v2sf) =	vpush v11, $0x0;
	v10 =	vld [tilespmem:s2+$0x30]  }
0x199: {  	v11 =	vld [tilespmem:s2+$0x2F];
	_ =	sdelay $0x4  }
0x19a: {  	vm13 =	vne.s32 v10, v11  }
0x19b: {  	v11 =	vmpcnt.ones.xlane vm13;
	_ =	sdelay $0x1  }
0x19c: {  	(v2sf) =	vpush v11, $0x0;
	_ =	sdelay $0x5  }
0x19d: {  	s7 =	spop (v2sf)  }
0x19e: {  	s4 =	sadd.s32 s4, s7  }
0x19f: {  	[tilespmem:s4+$0x2B00] =	vst.msk vm13, v4  }
0x1a0: {  	[tilespmem:s4+$0x2B80] =	vst.msk vm13, v10  }
0x1a1: {  	v10 =	vld [tilespmem:s2+$0x40]  }
0x1a2: {  	v11 =	vld [tilespmem:s2+$0x3F];
	_ =	sdelay $0x3  }
0x1a3: {  	s29 =	spop (v2sf)  }
0x1a4: {  	vm14 =	vne.s32 v10, v11;
	s4 =	sadd.s32 s4, s29  }
0x1a5: {  	[tilespmem:s4+$0x2B00] =	vst.msk vm14, v5  }
0x1a6: {  	[tilespmem:s4+$0x2B80] =	vst.msk vm14, v10  }
0x1a7: {  	v10 =	vld [tilespmem:s2+$0x50]  }
0x1a8: {  	v11 =	vld [tilespmem:s2+$0x4F];
	_ =	sdelay $0x4  }
0x1a9: {  	v12 =	vmpcnt.ones.xlane vm14;
	vm15 =	vne.s32 v10, v11  }
0x1aa: {  	v11 =	vmpcnt.ones.xlane vm15  }
0x1ab: {  	(v2sf) =	vpush v12, $0x0  }
0x1ac: {  	(v2sf) =	vpush v11, $0x0;
	_ =	sdelay $0xd  }
0x1ad: {  	s30 =	spop (v2sf)  }
0x1ae: {  	s2 =	sadd.s32 s4, s30;
	s31 =	spop (v2sf)  }
0x1af: {  	s20 =	sadd.s32 s2, s31  }
0x1b0: {  	p0 =	slt.s32 s20, $0x1  }
.Ltmp12:
0x1b1: {  	_ = 	snop;
	(pc) =	sbr.rel @p0 .LBB2_35-.Ltmp12, $4  }
0x1b2: {  	_ = 	snop  }
0x1b3: {  	[tilespmem:s2+$0x2B00] =	vst.msk vm15, v6  }
0x1b4: {  	[tilespmem:s2+$0x2B80] =	vst.msk vm15, v10  }
0x1b5: {  	[tilespmem:s20+$0x2B00] =	vst v7  }
0x1b6: {  	s2 =	smul.u32 $0x180, s18  }
.Ltmp13:
0x1b7: {  	_ = 	snop;
	(pc) =	sbr.rel .LBB2_17-.Ltmp13, $3  }
0x1b8: {  	s4 =	smul.u32 $0xA000, s18;
	_ =	sdelay $0x1  }
0x1b9: {  	s23 =	simm.s32 $0x0;
	s2 =	sshra.s32 s2, $0x2;
	s31 =	sshra.s32 s4, $0x2  }
0x1ba: {  	s21 =	sadd.s32 $0x180, s2;
	s13 =	sadd.s32 $0x2D00, s31;
	s22 =	sadd.s32 $0x2C40, s31  }
.LBB2_24:
0x1bb: {  	v21 =	vmov v12;
	v25 =	vmov v13;
	v30 =	vmov v16  }
0x1bc: {  	s10 =	smov.u32 s25;
	v31 =	vmovc v17;
	v33 =	vmovc v15;
	v23 =	vmov v18;
	v24 =	vmov v14;
	v27 =	vmov v11  }
.LBB2_33:
0x1bd: {  	v35 =	vld @p1 [tilespmem:s10+$0xFFFFFFC0]  }
0x1be: {  	v36 =	vld @p1 [tilespmem:s10+$0xFFFFFFD0]  }
0x1bf: {  	v37 =	vld @p1 [tilespmem:s10+$0xFFFFFFE0]  }
0x1c0: {  	v22 =	vmul.f32 @p2 s26, v22;
	v38 =	vld @p1 [tilespmem:s10+$0xFFFFFFF0];
	v26 =	vmul.f32 @p2 s26, v26  }
0x1c1: {  	s2 =	spop @p1 (v2sf);
	v21 =	vadd.f32 @p2 v32, v21;
	v32 =	vld @p1 [tilespmem:s10+$0x0];
	v25 =	vadd.f32 @p2 v34, v25;
	v28 =	vmul.f32 @p2 s26, v28  }
0x1c2: {  	s4 =	sadd.s32 @p1 $0x80, s10;
	s7 =	smov.u32 s25;
	v34 =	vld @p1 [tilespmem:s10+$0x20];
	s2 =	smul.f32 @p1 s2, s24;
	v22 =	vadd.f32 @p2 v22, v30;
	v26 =	vadd.f32 @p2 v26, v31  }
0x1c3: {  	s7 =	smov.u32 @p1 s4;
	v30 =	vld @p1 [tilespmem:s10+$0x10];
	(v2sf) =	vpush v19, $0x0;
	v19 =	vadd.f32 @p2 v28, v33  }
0x1c4: {  	v33 =	vld @p0 [tilespmem:s7+$0x30];
	v21 =	vpsel p2, v21, v12;
	v25 =	vpsel p2, v25, v13;
	v29 =	vmul.f32 @p1 s2, v29  }
0x1c5: {  	v22 =	vpsel p2, v22, v16;
	v26 =	vpsel p2, v26, v17;
	v31 =	vmul.f32 @p1 s2, v35  }
0x1c6: {  	v19 =	vpsel p2, v19, v15;
	v28 =	vmul.f32 @p1 s2, v36;
	v23 =	vadd.f32 @p1 v29, v23  }
0x1c7: {  	v29 =	vmul.f32 @p1 s2, v37;
	v34 =	vpsel p1, v34, v0;
	v24 =	vadd.f32 @p1 v31, v24  }
0x1c8: {  	v27 =	vadd.f32 @p1 v28, v27;
	v28 =	vmul.f32 @p1 s2, v38;
	v31 =	vpsel p1, v32, v0;
	v32 =	vld @p0 [tilespmem:s7+$0xFFFFFFC0]  }
0x1c9: {  	v35 =	vld @p0 [tilespmem:s7+$0xFFFFFFE0];
	v29 =	vpsel p1, v29, v0;
	v30 =	vpsel p1, v30, v0;
	v20 =	vpsel p0, v33, v20;
	s2 =	smov.u32 @p1 s2  }
0x1ca: {  	v33 =	vld @p0 [tilespmem:s7+$0xFFFFFFD0];
	v23 =	vpsel p1, v23, v18;
	s4 =	spop @p0 (v2sf);
	v21 =	vadd.f32 @p1 v29, v21;
	v29 =	vmul.f32 @p1 s2, v31  }
0x1cb: {  	v31 =	vld @p0 [tilespmem:s7+$0xFFFFFFF0];
	v28 =	vpsel p1, v28, v0;
	v24 =	vpsel p1, v24, v14;
	v27 =	vpsel p1, v27, v11;
	s4 =	smul.f32 @p0 s4, s24  }
0x1cc: {  	v25 =	vadd.f32 @p1 v28, v25;
	v28 =	vmul.f32 @p1 s2, v30;
	v30 =	vmul.f32 @p1 s2, v34;
	v34 =	vld @p0 [tilespmem:s7+$0x0]  }
0x1cd: {  	v22 =	vadd.f32 @p1 v29, v22;
	s2 =	sadd.s32 @p0 $0x80, s7;
	v21 =	vpsel p1, v21, v12;
	v29 =	vmul.f32 @p0 s4, v32;
	v32 =	vld @p0 [tilespmem:s7+$0x10]  }
0x1ce: {  	v20 =	vmul.f32 @p0 s4, v20;
	s25 =	smov.u32 @p0 s2;
	v26 =	vadd.f32 @p1 v28, v26;
	v19 =	vadd.f32 @p1 v30, v19;
	v30 =	vld @p0 [tilespmem:s7+$0x20]  }
0x1cf: {  	v28 =	vmul.f32 @p0 s4, v33;
	v51 =	vld [tilespmem:s25+$0x30];
	v25 =	vpsel p1, v25, v13;
	v22 =	vpsel p1, v22, v16  }
0x1d0: {  	v52 =	vld [tilespmem:s25+$0xFFFFFFC0];
	v20 =	vadd.f32 @p0 v20, v23;
	v23 =	vadd.f32 @p0 v29, v24;
	v24 =	vmul.f32 @p0 s4, v35  }
0x1d1: {  	v53 =	vld [tilespmem:s25+$0xFFFFFFD0];
	v27 =	vadd.f32 @p0 v28, v27;
	v28 =	vmul.f32 @p0 s4, v31;
	v26 =	vpsel p1, v26, v17  }
0x1d2: {  	v54 =	vld [tilespmem:s25+$0xFFFFFFE0];
	v19 =	vpsel p1, v19, v15;
	v31 =	vpsel p0, v34, v0;
	v18 =	vpsel p0, v20, v18  }
0x1d3: {  	s2 =	smov.u32 @p0 s4;
	v55 =	vld [tilespmem:s25+$0xFFFFFFF0];
	v24 =	vpsel p0, v24, v0;
	v28 =	vpsel p0, v28, v0;
	v14 =	vpsel p0, v23, v14  }
0x1d4: {  	v56 =	vld [tilespmem:s25+$0x0];
	v20 =	vmul.f32 @p0 s2, v31;
	v11 =	vpsel p0, v27, v11;
	v32 =	vpsel p0, v32, v0;
	s31 =	spop (v2sf)  }
0x1d5: {  	v57 =	vld [tilespmem:s25+$0x10];
	v30 =	vpsel p0, v30, v0;
	v21 =	vadd.f32 @p0 v24, v21;
	v24 =	vadd.f32 @p0 v28, v25;
	s4 =	smul.f32 s31, s24  }
0x1d6: {  	v60 =	vld [tilespmem:s25+$0x20];
	v25 =	vmul.f32 @p0 s2, v32;
	v20 =	vadd.f32 @p0 v20, v22;
	v22 =	vmul.f32 @p0 s2, v30  }
0x1d7: {  	v12 =	vpsel p0, v21, v12;
	v13 =	vpsel p0, v24, v13;
	v29 =	vmul.f32 s4, v51  }
0x1d8: {  	v25 =	vadd.f32 @p0 v25, v26;
	v58 =	vmul.f32 s4, v52;
	v59 =	vmul.f32 s4, v53  }
0x1d9: {  	v19 =	vadd.f32 @p0 v22, v19;
	v61 =	vmul.f32 s4, v54;
	v23 =	vmul.f32 s4, v55  }
0x1da: {  	v16 =	vpsel p0, v20, v16;
	v20 =	vmul.f32 s4, v56;
	v62 =	vmul.f32 s4, v57  }
0x1db: {  	v63 =	vmul.f32 s4, v60;
	v18 =	vadd.f32 v29, v18;
	v14 =	vadd.f32 v58, v14  }
0x1dc: {  	v11 =	vadd.f32 v59, v11;
	v17 =	vpsel p0, v25, v17;
	v12 =	vadd.f32 v61, v12  }
0x1dd: {  	v15 =	vpsel p0, v19, v15;
	v13 =	vadd.f32 v23, v13;
	v16 =	vadd.f32 v20, v16  }
0x1de: {  	v17 =	vadd.f32 v62, v17;
	v15 =	vadd.f32 v63, v15  }
.LBB2_34:
0x1df: {  	s2 =	sshll.u32 s17, $0x9  }
0x1e0: {  	s2 =	sshra.s32 s2, $0x2  }
0x1e1: {  	[tilespmem:s2+$0xA400] =	vst v14  }
0x1e2: {  	[tilespmem:s2+$0xA410] =	vst v11  }
0x1e3: {  	[tilespmem:s2+$0xA420] =	vst v12  }
0x1e4: {  	[tilespmem:s2+$0xA430] =	vst v13  }
0x1e5: {  	[tilespmem:s2+$0xA440] =	vst v16  }
0x1e6: {  	v10 =	vbroadcast v10, $0x0;
	[tilespmem:s2+$0xA450] =	vst v17;
	v11 =	vmov s17  }
0x1e7: {  	s23 =	sadd.s32 $0x1, s23;
	[tilespmem:s2+$0xA460] =	vst v15;
	s17 =	sadd.s32 $0x1, s17;
	vm0 =	veq.s32 v11, v2  }
0x1e8: {  	p1 =	slt.s32 s23, s20;
	[tilespmem:s2+$0xA470] =	vst v18;
	p0 =	sne.s32 s17, $0x10;
	v9 =	vsel vm0, v10, v9  }
0x1e9: {  	s2 =	simm.s32 @!p0 $0x10;
	s4 =	simm.s32 @!p0 $0xAC00;
	s7 =	simm.s32 @!p0 $0xA400;
	[tilespmem:$0xAC00] =	vst @!p0 v9  }
0x1ea: {  	[spmem:s5] =	stream.indirect.scatter.add.f32 @!p0 [tilespmem:s7], [sflag:$0x4], $0x80, s4, s2, $0xb8;
	[tilespmem:$0x1EC80] =	vst v63  }
.Ltmp14:
0x1eb: {  	_ = 	snop;
	(pc) =	sbr.rel @!p1 .LBB2_35-.Ltmp14, $4  }
0x1ec: {  	s2 =	simm.s32 @!p0 $0x4  }
0x1ed: {  	_ =	swait.ge @!p0 [sflag:s2], $0x800  }
0x1ee: {  	[sflag:s2] =	ssyncset.done @!p0 $0x0  }
0x1ef: {  	s17 =	simm.s32 @!p0 $0x0;
	[sflag:s2] =	ssyncadd.s32 @!p0 $0xFFFFF800  }
.LBB2_17:
0x1f0: {  	v10 =	vld [tilespmem:s23+$0x2B80];
	_ =	sdelay $0x4  }
0x1f1: {  	(v2sf) =	vpush v10, $0x0;
	_ =	sdelay $0x9  }
0x1f2: {  	v11 =	vld [tilespmem:s23+$0x2B00];
	_ =	sdelay $0x4  }
0x1f3: {  	s2 =	spop (v2sf);
	(v2sf) =	vpush v11, $0x0  }
0x1f4: {  	(v2sf) =	vpush v11, $0x1;
	_ =	sdelay $0x2  }
0x1f5: {  	v12 =	vld [tilespmem:s2+$0x300];
	_ =	sdelay $0x4  }
0x1f6: {  	(v2sf) =	vpush v12, $0x0;
	_ =	sdelay $0x5  }
0x1f7: {  	s2 =	spop (v2sf)  }
0x1f8: {  	s25 =	spop (v2sf)  }
0x1f9: {  	s26 =	ssub.s32 s25, s2  }
0x1fa: {  	s29 =	sshrl.u32 s26, $0x2  }
0x1fb: {  	p0 =	seq.s32 s29, $0x0  }
.Ltmp15:
0x1fc: {  	_ = 	snop;
	(pc) =	sbr.rel @p0 .LBB2_18-.Ltmp15, $2  }
0x1fd: {  	_ =	sdelay $0x2  }
0x1fe: {  	s24 =	spop (v2sf)  }
0x1ff: {  	s4 =	sshll.u32 s2, $0x2  }
0x200: {  	s4 =	sshra.s32 s4, $0x2  }
0x201: {  	s10 =	sadd.s32 s4, s21  }
0x202: {  	v11 =	vld [tilespmem:s10+$0x0];
	_ =	sdelay $0x4  }
0x203: {  	(v2sf) =	vpush v11, $0x3  }
0x204: {  	(v2sf) =	vpush v11, $0x2  }
0x205: {  	(v2sf) =	vpush v11, $0x1  }
0x206: {  	(v2sf) =	vpush v11, $0x0;
	_ =	sdelay $0x3  }
0x207: {  	s30 =	sshll.u32 s2, $0x9  }
0x208: {  	s2 =	sshra.s32 s30, $0x2  }
0x209: {  	s28 =	sadd.s32 s2, s13  }
0x20a: {  	v19 =	vld [tilespmem:s28+$0x80]  }
0x20b: {  	v21 =	vld [tilespmem:s28+$0x90]  }
0x20c: {  	v20 =	vld [tilespmem:s28+$0xA0]  }
0x20d: {  	p0 =	sne.s32 s29, $0x1;
	v22 =	vld [tilespmem:s28+$0xB0]  }
.Ltmp16:
0x20e: {  	v23 =	vld [tilespmem:s28+$0xC0];
	(pc) =	sbr.rel @!p0 .LBB2_21-.Ltmp16, $4  }
0x20f: {  	v24 =	vld [tilespmem:s28+$0xD0];
	s7 =	spop (v2sf)  }
0x210: {  	v12 =	vimm.f32 $0.0e+00;
	v13 =	vimm.f32 $0.0e+00;
	v25 =	vld [tilespmem:s28+$0x0];
	s31 =	spop (v2sf)  }
0x211: {  	v14 =	vimm.f32 $0.0e+00;
	v17 =	vimm.f32 $0.0e+00;
	v18 =	vimm.f32 $0.0e+00;
	v26 =	vld [tilespmem:s28+$0x10];
	s4 =	spop (v2sf)  }
0x212: {  	s29 =	sadd.s32 $0xFFFFFFFF, s29;
	v15 =	vimm.f32 $0.0e+00;
	v16 =	vimm.f32 $0.0e+00;
	v27 =	vld [tilespmem:s28+$0x20];
	v11 =	vimm.f32 $0.0e+00;
	s2 =	spop (v2sf)  }
.LBB2_20:
0x213: {  	p0 =	sne.s32 s29, $0x1;
	v28 =	vld [tilespmem:s28+$0x30]  }
0x214: {  	v29 =	vld [tilespmem:s28+$0x40]  }
0x215: {  	v30 =	vld [tilespmem:s28+$0x50]  }
0x216: {  	v31 =	vld [tilespmem:s28+$0xFFFFFF80]  }
0x217: {  	s30 =	smul.f32 s7, s24;
	v32 =	vld [tilespmem:s28+$0xFFFFFF90]  }
0x218: {  	s10 =	sadd.s32 $0x4, s10;
	v33 =	vld [tilespmem:s28+$0xFFFFFF00]  }
0x219: {  	v19 =	vmul.f32 s30, v19;
	v21 =	vmul.f32 s30, v21;
	v34 =	vld [tilespmem:s10+$0x0]  }
0x21a: {  	s31 =	smul.f32 s31, s24;
	v20 =	vmul.f32 s30, v20;
	v22 =	vmul.f32 s30, v22;
	v35 =	vld [tilespmem:s28+$0xFFFFFF10]  }
0x21b: {  	v37 =	vmul.f32 s30, v23;
	v38 =	vmul.f32 s30, v24;
	v36 =	vld [tilespmem:s28+$0xFFFFFF20]  }
0x21c: {  	v24 =	vmul.f32 s31, v25;
	v25 =	vmul.f32 s31, v26;
	v23 =	vld [tilespmem:s28+$0xFFFFFF30]  }
0x21d: {  	s4 =	smul.f32 s4, s24;
	v27 =	vmul.f32 s31, v27;
	v28 =	vmul.f32 s31, v28;
	v26 =	vld [tilespmem:s28+$0xFFFFFFA0]  }
0x21e: {  	s2 =	smul.f32 s2, s24;
	v29 =	vmul.f32 s31, v29;
	v30 =	vmul.f32 s31, v30;
	(v2sf) =	vpush v34, $0x3;
	v39 =	vld [tilespmem:s28+$0xFFFFFFB0]  }
0x21f: {  	v31 =	vmul.f32 s4, v31;
	v32 =	vmul.f32 s4, v32;
	(v2sf) =	vpush v34, $0x2;
	v40 =	vld [tilespmem:s28+$0xFFFFFFC0]  }
0x220: {  	v33 =	vmul.f32 s2, v33;
	v35 =	vmul.f32 s2, v35;
	(v2sf) =	vpush v34, $0x1;
	v41 =	vld [tilespmem:s28+$0xFFFFFFD0]  }
0x221: {  	(v2sf) =	vpush v34, $0x0;
	v34 =	vmul.f32 s2, v36;
	v23 =	vmul.f32 s2, v23;
	v36 =	vld [tilespmem:s28+$0xFFFFFF40]  }
0x222: {  	v11 =	vadd.f32 v33, v11;
	v12 =	vadd.f32 v35, v12;
	v33 =	vld [tilespmem:s28+$0xFFFFFF50];
	v26 =	vmul.f32 s4, v26  }
0x223: {  	v13 =	vadd.f32 v34, v13;
	v14 =	vadd.f32 v23, v14;
	v23 =	vld [tilespmem:s28+$0xFFFFFF60];
	v34 =	vmul.f32 s4, v39  }
0x224: {  	v11 =	vadd.f32 v31, v11;
	v12 =	vadd.f32 v32, v12;
	v35 =	vld [tilespmem:s28+$0xFFFFFF70];
	v31 =	vmul.f32 s4, v40  }
0x225: {  	v13 =	vadd.f32 v26, v13;
	v14 =	vadd.f32 v34, v14;
	v26 =	vmul.f32 s4, v41;
	v32 =	vld [tilespmem:s28+$0xFFFFFFE0]  }
0x226: {  	v11 =	vadd.f32 v24, v11;
	v12 =	vadd.f32 v25, v12;
	v34 =	vmul.f32 s2, v36;
	v36 =	vld [tilespmem:s28+$0xFFFFFFF0]  }
0x227: {  	v24 =	vmul.f32 s2, v33;
	v13 =	vadd.f32 v27, v13;
	v14 =	vadd.f32 v28, v14;
	v25 =	vld [tilespmem:s28+$0x60]  }
0x228: {  	v11 =	vadd.f32 v19, v11;
	v12 =	vadd.f32 v21, v12;
	v23 =	vmul.f32 s2, v23;
	v27 =	vld [tilespmem:s28+$0x70]  }
0x229: {  	v21 =	vmul.f32 s2, v35;
	v13 =	vadd.f32 v20, v13;
	v14 =	vadd.f32 v22, v14;
	v28 =	vld [tilespmem:s28+$0xE0]  }
0x22a: {  	v17 =	vadd.f32 v34, v17;
	v18 =	vadd.f32 v24, v18;
	v22 =	vmul.f32 s4, v32;
	v24 =	vld [tilespmem:s28+$0xF0];
	s28 =	sadd.s32 $0x200, s28  }
0x22b: {  	v15 =	vadd.f32 v23, v15;
	v19 =	vld [tilespmem:s28+$0x80];
	v16 =	vadd.f32 v21, v16;
	v23 =	vmul.f32 s4, v36  }
0x22c: {  	v17 =	vadd.f32 v31, v17;
	v18 =	vadd.f32 v26, v18;
	v21 =	vld [tilespmem:s28+$0x90];
	v25 =	vmul.f32 s31, v25  }
0x22d: {  	v15 =	vadd.f32 v22, v15;
	v20 =	vld [tilespmem:s28+$0xA0];
	s7 =	spop (v2sf);
	v16 =	vadd.f32 v23, v16;
	v26 =	vmul.f32 s31, v27  }
0x22e: {  	v17 =	vadd.f32 v29, v17;
	v18 =	vadd.f32 v30, v18;
	v22 =	vld [tilespmem:s28+$0xB0];
	s31 =	spop (v2sf);
	v27 =	vmul.f32 s30, v28  }
.Ltmp17:
0x22f: {  	v15 =	vadd.f32 v25, v15;
	v23 =	vld [tilespmem:s28+$0xC0];
	s4 =	spop (v2sf);
	v16 =	vadd.f32 v26, v16;
	v26 =	vmul.f32 s30, v24;
	(pc) =	sbr.rel @p0 .LBB2_20-.Ltmp17, $4  }
0x230: {  	v17 =	vadd.f32 v37, v17;
	v18 =	vadd.f32 v38, v18;
	v24 =	vld [tilespmem:s28+$0xD0];
	s2 =	spop (v2sf)  }
0x231: {  	v15 =	vadd.f32 v27, v15;
	v25 =	vld [tilespmem:s28+$0x0];
	v16 =	vadd.f32 v26, v16  }
0x232: {  	v26 =	vld [tilespmem:s28+$0x10]  }
0x233: {  	s29 =	sadd.s32 $0xFFFFFFFF, s29;
	v27 =	vld [tilespmem:s28+$0x20]  }
.LBB2_21:
0x234: {  	v28 =	vld [tilespmem:s28+$0x30]  }
0x235: {  	v29 =	vld [tilespmem:s28+$0x40]  }
0x236: {  	v31 =	vld [tilespmem:s28+$0xFFFFFF80]  }
0x237: {  	s10 =	smul.f32 s7, s24;
	v32 =	vld [tilespmem:s28+$0xFFFFFF90]  }
0x238: {  	v33 =	vld [tilespmem:s28+$0xFFFFFF00]  }
0x239: {  	v34 =	vld [tilespmem:s28+$0xFFFFFF10];
	v19 =	vmul.f32 s10, v19;
	v21 =	vmul.f32 s10, v21  }
0x23a: {  	s29 =	smul.f32 s31, s24;
	v35 =	vld [tilespmem:s28+$0xFFFFFF20];
	v20 =	vmul.f32 s10, v20;
	v22 =	vmul.f32 s10, v22  }
0x23b: {  	v36 =	vld [tilespmem:s28+$0xFFFFFF30];
	v23 =	vmul.f32 s10, v23;
	v24 =	vmul.f32 s10, v24  }
0x23c: {  	s4 =	smul.f32 s4, s24;
	v41 =	vld [tilespmem:s28+$0xFFFFFF40];
	v25 =	vmul.f32 s29, v25;
	v26 =	vmul.f32 s29, v26  }
0x23d: {  	s2 =	smul.f32 s2, s24;
	v45 =	vld [tilespmem:s28+$0xFFFFFF50];
	v27 =	vmul.f32 s29, v27;
	v28 =	vmul.f32 s29, v28  }
0x23e: {  	v47 =	vld [tilespmem:s28+$0xFFFFFF60];
	v29 =	vmul.f32 s29, v29;
	v31 =	vmul.f32 s4, v31  }
0x23f: {  	v37 =	vld [tilespmem:s28+$0xFFFFFFA0];
	v32 =	vmul.f32 s4, v32;
	v33 =	vmul.f32 s2, v33  }
0x240: {  	v38 =	vld [tilespmem:s28+$0xFFFFFFB0];
	v34 =	vmul.f32 s2, v34;
	v35 =	vmul.f32 s2, v35  }
0x241: {  	v30 =	vld [tilespmem:s28+$0x50];
	v36 =	vmul.f32 s2, v36;
	v53 =	vmul.f32 s2, v41  }
0x242: {  	v39 =	vld [tilespmem:s28+$0xFFFFFFC0];
	v55 =	vmul.f32 s2, v45;
	v11 =	vadd.f32 v33, v11;
	v12 =	vadd.f32 v34, v12  }
0x243: {  	v40 =	vld [tilespmem:s28+$0xFFFFFFD0];
	v58 =	vmul.f32 s2, v47;
	v13 =	vadd.f32 v35, v13;
	v14 =	vadd.f32 v36, v14  }
0x244: {  	v49 =	vld [tilespmem:s28+$0xFFFFFF70];
	v46 =	vmul.f32 s4, v37;
	v17 =	vadd.f32 v53, v17;
	v18 =	vadd.f32 v55, v18  }
0x245: {  	v52 =	vld [tilespmem:s28+$0xFFFFFFE0];
	v48 =	vmul.f32 s4, v38;
	v15 =	vadd.f32 v58, v15;
	v11 =	vadd.f32 v31, v11  }
0x246: {  	v54 =	vld [tilespmem:s28+$0xFFFFFFF0];
	v30 =	vmul.f32 s29, v30;
	v12 =	vadd.f32 v32, v12;
	v13 =	vadd.f32 v46, v13  }
0x247: {  	v57 =	vld [tilespmem:s28+$0x60];
	v50 =	vmul.f32 s4, v39;
	v14 =	vadd.f32 v48, v14;
	v11 =	vadd.f32 v25, v11  }
0x248: {  	v59 =	vld [tilespmem:s28+$0x70];
	v51 =	vmul.f32 s4, v40;
	v12 =	vadd.f32 v26, v12;
	v13 =	vadd.f32 v27, v13  }
0x249: {  	v61 =	vld [tilespmem:s28+$0xF0];
	v56 =	vadd.f32 v28, v14;
	v14 =	vadd.f32 v19, v11;
	v19 =	vmul.f32 s2, v49  }
0x24a: {  	v60 =	vmul.f32 s4, v52;
	v11 =	vadd.f32 v21, v12;
	v12 =	vadd.f32 v20, v13;
	v20 =	vld [tilespmem:s28+$0xE0]  }
0x24b: {  	v17 =	vadd.f32 v50, v17;
	v16 =	vadd.f32 v19, v16;
	v19 =	vmul.f32 s4, v54  }
0x24c: {  	v62 =	vmul.f32 s29, v57;
	v18 =	vadd.f32 v51, v18;
	v15 =	vadd.f32 v60, v15  }
.Ltmp18:
0x24d: {  	v17 =	vadd.f32 v29, v17;
	v16 =	vadd.f32 v19, v16;
	v19 =	vmul.f32 s29, v59;
	(pc) =	sbr.rel .LBB2_22-.Ltmp18, $4  }
0x24e: {  	v63 =	vmul.f32 s10, v61;
	v18 =	vadd.f32 v30, v18;
	v15 =	vadd.f32 v62, v15  }
0x24f: {  	v13 =	vadd.f32 v22, v56;
	v20 =	vmul.f32 s10, v20;
	v19 =	vadd.f32 v19, v16  }
0x250: {  	v16 =	vadd.f32 v23, v17;
	v17 =	vadd.f32 v24, v18  }
0x251: {  	v15 =	vadd.f32 v20, v15;
	v18 =	vadd.f32 v63, v19  }
.LBB2_18:
0x252: {  	v14 =	vimm.f32 $0.0e+00;
	v11 =	vimm.f32 $0.0e+00  }
0x253: {  	v12 =	vimm.f32 $0.0e+00;
	v13 =	vimm.f32 $0.0e+00;
	v16 =	vimm.f32 $0.0e+00  }
0x254: {  	v17 =	vimm.f32 $0.0e+00;
	v15 =	vimm.f32 $0.0e+00;
	v18 =	vimm.f32 $0.0e+00  }
.LBB2_22:
0x255: {  	s2 =	sand.u32 $0x3, s26  }
0x256: {  	s4 =	ssub.s32 s25, s2  }
0x257: {  	p0 =	sge.s32 s4, s25  }
.Ltmp19:
0x258: {  	_ = 	snop;
	(pc) =	sbr.rel @p0 .LBB2_34-.Ltmp19, $1  }
0x259: {  	_ =	sdelay $0x3  }
0x25a: {  	p3 =	sne.s32 s2, $0x1  }
.Ltmp20:
0x25b: {  	s4 =	sshll.u32 s25, $0x2;
	s7 =	sshll.u32 s2, $0x2;
	(pc) =	sbr.rel @!p3 .LBB2_24-.Ltmp20, $4  }
0x25c: {  	s31 =	sshll.u32 s25, $0x9;
	s10 =	sshll.u32 s2, $0x9;
	s4 =	ssub.s32 s4, s7  }
0x25d: {  	s2 =	sadd.s32 $0xFFFFFFFF, s2;
	s7 =	ssub.s32 s31, s10;
	s4 =	sshra.s32 s4, $0x2  }
0x25e: {  	p0 =	por $0x0, $0x0;
	s7 =	sshra.s32 s7, $0x2;
	s4 =	sadd.s32 s4, s21  }
0x25f: {  	p1 =	por $0x0, $0x0;
	p2 =	por $0x0, $0x0;
	s25 =	sadd.s32 s7, s22;
	v19 =	vld [tilespmem:s4+$0x0]  }
0x260: {  	_ =	sdelay $0x3  }
0x261: {  	(v2sf) =	vpush v19, $0x0;
	_ =	sdelay $0x4  }
0x262: {  	p3 =	sne.s32 s2, $0x1  }
.Ltmp21:
0x263: {  	_ = 	snop;
	(pc) =	sbr.rel @!p3 .LBB2_26-.Ltmp21, $3  }
0x264: {  	_ =	sdelay $0x1  }
0x265: {  	s7 =	sadd.s32 $0x1, s4  }
0x266: {  	s4 =	sadd.s32 $0xFFFFFFFF, s2;
	p0 =	por $0x1, $0x1;
	v19 =	vld [tilespmem:s7+$0x0]  }
0x267: {  	_ =	sdelay $0x3  }
0x268: {  	(v2sf) =	vpush v19, $0x0;
	_ =	sdelay $0x7  }
0x269: {  	p3 =	sne.s32 s4, $0x1  }
.Ltmp22:
0x26a: {  	_ = 	snop;
	(pc) =	sbr.rel @!p3 .LBB2_28-.Ltmp22, $3  }
0x26b: {  	_ =	sdelay $0x1  }
0x26c: {  	s2 =	sadd.s32 $0x1, s7;
	v20 =	vld [tilespmem:s25+$0x30]  }
0x26d: {  	s4 =	sadd.s32 $0xFFFFFFFF, s4;
	p1 =	por $0x1, $0x1;
	v19 =	vld [tilespmem:s2+$0x0]  }
0x26e: {  	_ = 	snop  }
0x26f: {  	v21 =	vld [tilespmem:s25+$0xFFFFFFC0]  }
0x270: {  	v23 =	vld [tilespmem:s25+$0xFFFFFFD0]  }
0x271: {  	s7 =	spop (v2sf);
	v25 =	vld [tilespmem:s25+$0xFFFFFFE0]  }
0x272: {  	v30 =	vld [tilespmem:s25+$0xFFFFFFF0];
	s26 =	smul.f32 s7, s24;
	(v2sf) =	vpush v19, $0x0  }
0x273: {  	p3 =	sne.s32 s4, $0x1  }
.Ltmp23:
0x274: {  	v22 =	vld [tilespmem:s25+$0x0];
	v21 =	vmul.f32 s26, v21;
	(pc) =	sbr.rel @!p3 .LBB2_30-.Ltmp23, $4  }
0x275: {  	v26 =	vld [tilespmem:s25+$0x10];
	v24 =	vmul.f32 s26, v20  }
0x276: {  	v28 =	vld [tilespmem:s25+$0x20];
	s10 =	sadd.s32 $0x80, s25;
	v27 =	vmul.f32 s26, v23  }
0x277: {  	s2 =	sadd.s32 $0x1, s2;
	v31 =	vmovc v17;
	v33 =	vmovc v15;
	v29 =	vld [tilespmem:s10+$0x30];
	v23 =	vadd.f32 v24, v18;
	v32 =	vmul.f32 s26, v25;
	v34 =	vmul.f32 s26, v30  }
0x278: {  	s4 =	sadd.s32 $0xFFFFFFFF, s4;
	p2 =	por $0x1, $0x1;
	v19 =	vld [tilespmem:s2+$0x0];
	v25 =	vmovc v13;
	v30 =	vmovc v16;
	v24 =	vadd.f32 v21, v14;
	v27 =	vadd.f32 v27, v11;
	v21 =	vmov v12  }
.LBB2_31:
0x279: {  	p3 =	sne.s32 s4, $0x1;
	v35 =	vld [tilespmem:s10+$0xFFFFFFC0];
	v21 =	vadd.f32 v32, v21;
	v22 =	vmul.f32 s26, v22  }
0x27a: {  	v32 =	vld [tilespmem:s10+$0xFFFFFFD0];
	s7 =	spop (v2sf);
	v25 =	vadd.f32 v34, v25;
	v26 =	vmul.f32 s26, v26  }
0x27b: {  	v34 =	vld [tilespmem:s10+$0xFFFFFFE0];
	v30 =	vadd.f32 v22, v30;
	v28 =	vmul.f32 s26, v28;
	s26 =	smul.f32 s7, s24  }
0x27c: {  	v36 =	vld [tilespmem:s10+$0xFFFFFFF0];
	v31 =	vadd.f32 v26, v31  }
.Ltmp24:
0x27d: {  	(v2sf) =	vpush v19, $0x0;
	v22 =	vld [tilespmem:s10+$0x0];
	v19 =	vmul.f32 s26, v29;
	v33 =	vadd.f32 v28, v33;
	(pc) =	sbr.rel @p3 .LBB2_31-.Ltmp24, $4  }
0x27e: {  	v35 =	vmul.f32 s26, v35;
	v26 =	vld [tilespmem:s10+$0x10]  }
0x27f: {  	v37 =	vmul.f32 s26, v32;
	v28 =	vld [tilespmem:s10+$0x20];
	v23 =	vadd.f32 v19, v23;
	s10 =	sadd.s32 $0x80, s10  }
0x280: {  	s2 =	sadd.s32 $0x1, s2;
	v29 =	vld [tilespmem:s10+$0x30];
	v24 =	vadd.f32 v35, v24;
	v32 =	vmul.f32 s26, v34  }
0x281: {  	s4 =	sadd.s32 $0xFFFFFFFF, s4;
	v19 =	vld [tilespmem:s2+$0x0];
	v27 =	vadd.f32 v37, v27;
	v34 =	vmul.f32 s26, v36  }
.Ltmp25:
0x282: {  	(pc) =	sbr.rel .LBB2_33-.Ltmp25, $1  }
0x283: {  	_ =	sdelay $0x3  }
.LBB2_26:
.Ltmp26:
0x284: {  	(pc) =	sbr.rel .LBB2_33-.Ltmp26, $3  }
0x285: {  	_ =	sdelay $0x1  }
0x286: {  	v21 =	vmov v12;
	v25 =	vmov v13;
	v30 =	vmov v16  }
0x287: {  	s10 =	smov.u32 s25;
	v31 =	vmovc v17;
	v33 =	vmovc v15;
	v23 =	vmov v18;
	v24 =	vmov v14;
	v27 =	vmov v11  }
.LBB2_28:
.Ltmp27:
0x288: {  	(pc) =	sbr.rel .LBB2_33-.Ltmp27, $3  }
0x289: {  	_ =	sdelay $0x1  }
0x28a: {  	v21 =	vmovc v12;
	v25 =	vmov v13;
	v30 =	vmov v16;
	v31 =	vmov v17  }
0x28b: {  	s10 =	smov.u32 s25;
	v33 =	vmovc v15;
	v23 =	vmovc v18;
	v24 =	vmov v14;
	v27 =	vmov v11;
	v29 =	vmov v20  }
.LBB2_30:
.Ltmp28:
0x28c: {  	(pc) =	sbr.rel .LBB2_33-.Ltmp28, $2  }
0x28d: {  	_ =	sdelay $0x2  }
0x28e: {  	v21 =	vmovc v12;
	v25 =	vmovc v13;
	v30 =	vmov v16;
	v31 =	vmov v17;
	v33 =	vmov v15  }
.LBB2_36:
0x28f: {  	p0 =	sgt.s32 s17, $0xF  }
.Ltmp29:
0x290: {  	_ = 	snop;
	(pc) =	sbr.rel @p0 .LBB2_40-.Ltmp29, $4  }
0x291: {  	v10 =	vmov s17  }
0x292: {  	vm0 =	vlt.s32 v10, v8  }
0x293: {  	v9 =	vsel vm0, $0x27FF, v9  }
0x294: {  	[tilespmem:$0xAC00] =	vst v9  }
0x295: {  	s2 =	sshll.u32 s17, $0x9  }
0x296: {  	s2 =	sshra.s32 s2, $0x2  }
0x297: {  	s2 =	sadd.s32 $0xA440, s2  }
0x298: {  	s4 =	ssub.s32 $0x10, s17;
	[tilespmem:s2+$0xFFFFFFC0] =	vst v0  }
0x299: {  	p0 =	sne.s32 s4, $0x1;
	[tilespmem:s2+$0x30] =	vst v0  }
.Ltmp30:
0x29a: {  	[tilespmem:s2+$0x20] =	vst v0;
	(pc) =	sbr.rel @!p0 .LBB2_39-.Ltmp30, $4  }
0x29b: {  	[tilespmem:s2+$0x10] =	vst v0  }
0x29c: {  	[tilespmem:s2+$0x0] =	vst v0  }
0x29d: {  	[tilespmem:s2+$0xFFFFFFF0] =	vst v0  }
0x29e: {  	s4 =	sadd.s32 $0xFFFFFFFF, s4;
	[tilespmem:s2+$0xFFFFFFE0] =	vst v0  }
.LBB2_38:
0x29f: {  	p0 =	sne.s32 s4, $0x1;
	s4 =	sadd.s32 $0xFFFFFFFF, s4;
	[tilespmem:s2+$0xFFFFFFD0] =	vst v0;
	s2 =	sadd.s32 $0x80, s2  }
0x2a0: {  	[tilespmem:s2+$0xFFFFFFC0] =	vst v0  }
0x2a1: {  	[tilespmem:s2+$0x30] =	vst v0  }
.Ltmp31:
0x2a2: {  	[tilespmem:s2+$0x20] =	vst v0;
	(pc) =	sbr.rel @p0 .LBB2_38-.Ltmp31, $4  }
0x2a3: {  	[tilespmem:s2+$0x10] =	vst v0  }
0x2a4: {  	[tilespmem:s2+$0x0] =	vst v0  }
0x2a5: {  	[tilespmem:s2+$0xFFFFFFF0] =	vst v0  }
0x2a6: {  	[tilespmem:s2+$0xFFFFFFE0] =	vst v0  }
.Ltmp32:
0x2a7: {  	_ = 	snop;
	(pc) =	sbr.rel .LBB2_39-.Ltmp32, $1  }
0x2a8: {  	_ =	sdelay $0x3  }
.LBB2_41:
0x2a9: {  	_ =	sfence.sel $0x180000  }
0x2aa: {  	[bflag:$0x0] =	sbarrier.arrive $0xFFFF  }
0x2ab: {  	_ =	strace $0x9000004D  }
0x2ac: {  	s0 =	stileid.u32;
	[bflag:$0x2] =	sbarrier.arrive $0xFFFF  }
0x2ad: {  	p0 =	sne.s32 s0, $0x0;
	s0 =	rddreg [dreg:$0x5]  }
0x2ae: {  	s0 =	sadd.s32 @!p0 $0x100000, s0  }
0x2af: {  	[sflag:s0] =	ssyncadd.tile.s32 @!p0 $0x1;
	_ =	shalt  }
.Lfunc_end2:
_tile_overlayer_lowered:
.L_overlay_start_2:
0x2b0: {  	(tag) =	ssettag $0x2  }
0x2b1: {  	s0 =	rddreg [dreg:$0x0];
	s2 =	stileid.u32  }
0x2b2: {  	s1 =	rddreg [dreg:$0x1];
	p0 =	sne.s32 s2, $0x0  }
0x2b3: {  	s3 =	rddreg [dreg:$0x2];
	[bflag:$0x3] =	sbarrier.arrive $0xFFFF;
	s2 =	simm.s32 @!p0 $0x1C04  }
0x2b4: {  	[timem:s3], [sflag:s2] =	dma.local @!p0 [hbm:s0], s1  }
0x2b5: {  	s0 =	simm.s32 @!p0 $0x4  }
0x2b6: {  	_ =	swait.ge @!p0 [sflag:s0], s1  }
0x2b7: {  	s1 =	ssub.s32 @!p0 $0x0, s1;
	[sflag:s0] =	ssyncset.done @!p0 $0x0  }
0x2b8: {  	[sflag:s0] =	ssyncadd.s32 @!p0 s1  }
0x2b9: {  	[bflag:$0x3] =	sbarrier.arrive $0xFFFF  }
0x2ba: {  	_ =	shalt  }

// kernel: kernel.6.cloned.1.call-start
scs
__scs_entry_jumppad:
0x0: {  	(pc) =	sbr.rel $0x88, $3  }
0x1: {  	(tag) =	ssettag $0x0;
	lr =	simm.s32 $0x1  }
0x2: {  	[smem:$0x3F9E] =	sst lr;
	_ =	strace $0xD0000000  }
0x3: {  	_ = 	snop  }
0x4: {  	_ = 	snop  }
0x5: {  	_ = 	snop  }
0x6: {  	_ = 	snop  }
0x7: {  	_ = 	snop  }
__scs_overlays_trampoline_lowered:
0x8: {  	[smem:$0x3FAD] =	sst s0  }
0x9: {  	[smem:$0x3FAE] =	sst s1  }
0xa: {  	[smem:$0x3FAF] =	sst s2  }
0xb: {  	[smem:$0x3FB0] =	sst s3  }
0xc: {  	[smem:$0x3FB1] =	sst s4  }
0xd: {  	[smem:$0x3FB2] =	sst s5  }
0xe: {  	[smem:$0x3FB3] =	sst s6  }
0xf: {  	[smem:$0x3FB4] =	sst s7  }
0x10: {  	[smem:$0x3FB5] =	sst s8  }
0x11: {  	[smem:$0x3FB6] =	sst s9;
	s0 =	simm.s32 @!p0 $0x0  }
0x12: {  	s1 =	sld [smem:$0x3F9C];
	s0 =	simm.s32 @p0 $0x1  }
0x13: {  	[smem:$0x3FB7] =	sst s0;
	s0 =	simm.s32 @!p1 $0x0  }
0x14: {  	s2 =	sld [smem:$0x3F9B];
	s0 =	simm.s32 @p1 $0x1  }
0x15: {  	[smem:$0x3FB8] =	sst s0;
	s0 =	simm.s32 @!p2 $0x0  }
0x16: {  	s3 =	sld [smem:$0x3FDB];
	s0 =	simm.s32 @p2 $0x1  }
0x17: {  	s4 =	simm.s32 $0x1BF5;
	[smem:$0x3FBA] =	sst s0  }
0x18: {  	s0 =	sld [smem:$0x3F9D];
	_ =	swait.ge [sflag:s4], $0x0  }
0x19: {  	s7 =	sld [smem:$0x3F9E]  }
0x1a: {  	s8 =	sadd.s32 $0xFFFFE003, lr  }
0x1b: {  	s9 =	sadd.s32 $0xFFFFFEF7, lr;
	s5 =	simm.s32 $0xFFFFFFFF;
	p2 =	slt.u32 s8, $0xFFFFF086  }
0x1c: {  	p1 =	slt.u32 s9, $0xF7A;
	s5 =	simm.s32 @!p2 $0x0  }
0x1d: {  	s5 =	simm.s32 @p1 $0x1;
	p0 =	seq.s32 s7, s2  }
0x1e: {  	s7 =	smul.u32 @!p0 $0xF7A, s2;
	p2 =	seq.s32 @!p0 s5, $0x0  }
0x1f: {  	s9 =	smul.u32 $0xF7A, s1;
	s8 =	simm.s32 @!p0 $0x1BF5;
	p2 =	por !p2, p0  }
0x20: {  	[sflag:s8] =	ssyncset.s32 @!p0 $0xFFFFF086;
	s6 =	sadd.s32 @!p0 s3, s7;
	s7 =	simm.s32 @!p0 $0x108  }
0x21: {  	s3 =	sadd.s32 s3, s9;
	s6 =	sadd.s32 @!p0 $0x88, s6;
	s7 =	simm.s32 @p2 $0x1082  }
0x22: {  	[simem:s7], [sflag:s8] =	dma.local @!p0 [hbm:s6], $0xF7A  }
0x23: {  	s9 =	sor.u32 $0xD0000000, s2;
	s6 =	simm.s32 $0x108;
	_ =	swait.ge @!p0 [sflag:s8], $0x0  }
0x24: {  	s3 =	sadd.s32 $0x88, s3;
	s6 =	simm.s32 @!p1 $0x1082;
	[sflag:s4] =	ssyncset.s32 $0xFFFFF086  }
0x25: {  	[simem:s6], [sflag:s4] =	dma.local [hbm:s3], $0xF7A  }
0x26: {  	[smem:$0x3F9E] =	sst s1;
	(tag) =	ssettag s2;
	_ =	strace s9  }
0x27: {  	s1 =	sld [smem:$0x3FAE]  }
0x28: {  	s2 =	sld [smem:$0x3FAF]  }
0x29: {  	s4 =	sld [smem:$0x3FB1]  }
0x2a: {  	p0 =	seq.s32 s5, $0x0;
	s5 =	sld [smem:$0x3FB2]  }
0x2b: {  	s6 =	sld [smem:$0x3FB3]  }
0x2c: {  	s7 =	sld [smem:$0x3FB4]  }
0x2d: {  	s3 =	simm.s32 $0x108;
	s8 =	sld [smem:$0x3FB5]  }
0x2e: {  	s3 =	simm.s32 @!p0 $0x1082;
	s9 =	sld [smem:$0x3FB6]  }
0x2f: {  	lr =	sadd.s32 s0, s3;
	s0 =	sld [smem:$0x3FAD]  }
0x30: {  	s3 =	sld [smem:$0x3FB0]  }
0x31: {  	[smem:$0x3FB9] =	sst s10  }
0x32: {  	s10 =	sld [smem:$0x3FB7];
	_ =	sdelay $0x3  }
0x33: {  	p0 =	seq.s32 s10, $0x1;
	s10 =	sld [smem:$0x3FB9];
	_ =	sdelay $0x3  }
0x34: {  	[smem:$0x3FB9] =	sst s10  }
0x35: {  	s10 =	sld [smem:$0x3FB8];
	_ =	sdelay $0x3  }
0x36: {  	p1 =	seq.s32 s10, $0x1;
	s10 =	sld [smem:$0x3FB9];
	_ =	sdelay $0x3  }
0x37: {  	[smem:$0x3FB9] =	sst s10  }
0x38: {  	s10 =	sld [smem:$0x3FBA]  }
0x39: {  	_ = 	snop;
	(pc) =	sbr.ind lr, $3  }
0x3a: {  	_ = 	snop  }
0x3b: {  	_ = 	snop  }
0x3c: {  	p2 =	seq.s32 s10, $0x1;
	s10 =	sld [smem:$0x3FB9]  }
0x3d: {  	_ =	shalt  }
0x3e: {  	_ =	shalt  }
0x3f: {  	_ =	shalt  }
0x40: {  	_ =	shalt  }
0x41: {  	_ =	shalt  }
0x42: {  	_ =	shalt  }
0x43: {  	_ =	shalt  }
0x44: {  	_ =	shalt  }
0x45: {  	_ =	shalt  }
0x46: {  	_ =	shalt  }
0x47: {  	_ =	shalt  }
0x48: {  	_ =	shalt  }
0x49: {  	_ =	shalt  }
0x4a: {  	_ =	shalt  }
0x4b: {  	_ =	shalt  }
0x4c: {  	_ =	shalt  }
0x4d: {  	_ =	shalt  }
0x4e: {  	_ =	shalt  }
0x4f: {  	_ =	shalt  }
0x50: {  	_ =	shalt  }
0x51: {  	_ =	shalt  }
0x52: {  	_ =	shalt  }
0x53: {  	_ =	shalt  }
0x54: {  	_ =	shalt  }
0x55: {  	_ =	shalt  }
0x56: {  	_ =	shalt  }
0x57: {  	_ =	shalt  }
0x58: {  	_ =	shalt  }
0x59: {  	_ =	shalt  }
0x5a: {  	_ =	shalt  }
0x5b: {  	_ =	shalt  }
0x5c: {  	_ =	shalt  }
0x5d: {  	_ =	shalt  }
0x5e: {  	_ =	shalt  }
0x5f: {  	_ =	shalt  }
0x60: {  	_ =	shalt  }
0x61: {  	_ =	shalt  }
0x62: {  	_ =	shalt  }
0x63: {  	_ =	shalt  }
0x64: {  	_ =	shalt  }
0x65: {  	_ =	shalt  }
0x66: {  	_ =	shalt  }
0x67: {  	_ =	shalt  }
0x68: {  	_ =	shalt  }
0x69: {  	_ =	shalt  }
0x6a: {  	_ =	shalt  }
0x6b: {  	_ =	shalt  }
0x6c: {  	_ =	shalt  }
0x6d: {  	_ =	shalt  }
0x6e: {  	_ =	shalt  }
0x6f: {  	_ =	shalt  }
0x70: {  	_ =	shalt  }
0x71: {  	_ =	shalt  }
0x72: {  	_ =	shalt  }
0x73: {  	_ =	shalt  }
0x74: {  	_ =	shalt  }
0x75: {  	_ =	shalt  }
0x76: {  	_ =	shalt  }
0x77: {  	_ =	shalt  }
0x78: {  	_ =	shalt  }
0x79: {  	_ =	shalt  }
0x7a: {  	_ =	shalt  }
0x7b: {  	_ =	shalt  }
0x7c: {  	_ =	shalt  }
0x7d: {  	_ =	shalt  }
0x7e: {  	_ =	shalt  }
0x7f: {  	_ =	shalt  }
0x80: {  	_ =	shalt  }
0x81: {  	_ =	shalt  }
0x82: {  	_ =	shalt  }
0x83: {  	_ =	shalt  }
0x84: {  	_ =	shalt  }
0x85: {  	_ =	shalt  }
0x86: {  	_ =	shalt  }
0x87: {  	_ =	shalt  }
.Lfunc_end0:
.L_simem_size_0:
called_computation_lowered:
.L_overlay_start_0:
0x88: {  	s2 =	sld [smem:$0x3FD9]  }
0x89: {  	s3 =	sld [smem:$0x3FFE];
	_ =	sdelay $0x1  }
0x8a: {  	s1 =	srdreg.scid  }
0x8b: {  	s0 =	sand.u32 $0x1, s1  }
0x8c: {  	s17 =	sshll.u32 s0, $0xA;
	s2 =	sadd.s32 s3, s2  }
0x8d: {  	s2 =	sadd.s32 s2, s17  }
0x8e: {  	[smem:$0x3FC5] =	sst s2  }
0x8f: {  	_ = 	snop  }
0x90: {  	s2 =	sld [smem:$0x3FC7];
	(tm) =	ssettm $0x1  }
0x91: {  	s18 =	sld [smem:$0x3FFB];
	_ =	sdelay $0x3  }
0x92: {  	_ =	strace s18  }
0x93: {  	s3 =	sld [smem:$0x3FFC];
	_ =	sdelay $0x3  }
0x94: {  	_ =	strace s3  }
0x95: {  	s3 =	sld [smem:$0x3FFD];
	_ =	sdelay $0x3  }
0x96: {  	_ =	strace s3  }
0x97: {  	_ =	strace $0x8FFFFFFF  }
0x98: {  	s19 =	sld [smem:$0x3FDB];
	_ =	sdelay $0x1  }
0x99: {  	s4 =	simm.s32 $_scs_section_size  }
0x9a: {  	s5 =	simm.s32 $_size__tile_overlayer_lowered;
	s6 =	simm.s32 $_tile_overlayer_lowered  }
0x9b: {  	s22 =	simm.s32 $0x1BFF;
	s21 =	sshll.u32 s6, $0x1;
	s3 =	sadd.s32 s4, s19  }
0x9c: {  	s7 =	simm.s32 $0x0;
	s20 =	sshll.u32 s5, $0x1;
	s5 =	sadd.s32 s21, s3  }
0x9d: {  	[timem:s7], [sflag:s22] =	dma.local [hbm:s5], s20  }
0x9e: {  	_ =	swait.ge [sflag:s22], s20  }
0x9f: {  	s4 =	ssub.s32 $0x0, s20;
	[sflag:s22] =	ssyncset.done $0x0  }
0xa0: {  	[sflag:s22] =	ssyncadd.s32 s4;
	_ =	sdelay $0x1  }
0xa1: {  	s23 =	simm.s32 $0x1B8B  }
0xa2: {  	_ =	swait.ge [sflag:s23], $0x1  }
0xa3: {  	[sflag:s23] =	ssyncset.done $0x0  }
0xa4: {  	s25 =	simm.s32 $0x1B8E;
	s24 =	sld [smem:$0x3FFE];
	[sflag:s23] =	ssyncadd.s32 $0xFFFFFFFF  }
0xa5: {  	s26 =	simm.s32 $execute0_lowered;
	[smem:$0x3FD2] =	sst s25  }
0xa6: {  	s5 =	sshll.u32 s26, $0x1;
	_ =	strace $0x80000046;
	[dreg:$0x1] =	wrdreg $0xFFFFFFFF  }
0xa7: {  	s28 =	simm.s32 $_size_execute0_lowered;
	s3 =	sadd.s32 s3, s5;
	[dreg:$0x0] =	wrdreg $0x0  }
0xa8: {  	s5 =	sshll.u32 s28, $0x1;
	[dreg:$0x2] =	wrdreg s3  }
0xa9: {  	[dreg:$0x3] =	wrdreg s5  }
0xaa: {  	[dreg:$0x4] =	wrdreg $0xC0  }
0xab: {  	_ =	task [dreg:s7], $0x5FFFF  }
0xac: {  	[dreg:$0x1] =	wrdreg $0xFFFFFFFF  }
0xad: {  	[dreg:$0x0] =	wrdreg $0x60  }
0xae: {  	[dreg:$0x2] =	wrdreg s2  }
0xaf: {  	[dreg:$0x3] =	wrdreg s24  }
0xb0: {  	[dreg:$0x4] =	wrdreg $0x77800  }
0xb1: {  	[dreg:$0x5] =	wrdreg $0x9  }
0xb2: {  	_ =	task.clear_ibuf [dreg:s7], $0x6FFFF;
	_ =	strace $0x90000046  }
0xb3: {  	s29 =	simm.s32 $0x9;
	_ =	strace $0x80000048  }
0xb4: {  	_ =	swait.ge [sflag:s29], $0x1  }
0xb5: {  	[sflag:s29] =	ssyncadd.s32 $0xFFFFFFFF  }
0xb6: {  	_ =	strace $0x90000048  }
0xb7: {  	_ =	sfence  }
0xb8: {  	s30 =	sld [smem:$0x0];
	_ =	sdelay $0x2  }
0xb9: {  	s31 =	sshll.u32 s1, $0xD;
	s1 =	sshrl.u32 s1, $0x2  }
0xba: {  	s3 =	sand.u32 $0x4000, s31;
	s1 =	sadd.s32 s1, s30  }
0xbb: {  	s0 =	sor.u32 s3, s0;
	s1 =	sshll.u32 s1, $0x11  }
0xbc: {  	s0 =	sor.u32 s1, s0  }
0xbd: {  	s0 =	sadd.s32 $0x8F2B, s0  }
0xbe: {  	[sflag:s0] =	ssyncadd.remote.s32 $0x1  }
0xbf: {  	_ =	sfence.sel $0xFFFF  }
0xc0: {  	[dreg:$0x0] =	wrdreg $0xFFFFFFFF;
	(pc) =	sbr.abs _section_cstart, $3  }
0xc1: {  	[dreg:$0x1] =	wrdreg $0xFFFFFFFF  }
0xc2: {  	_ =	task.clear_ibuf [dreg:s7], $0x2FFFF;
	_ =	strace $0x9FFFFFFF  }
0xc3: {  	(tm) =	ssettm $0x7FFFFFFF  }
tec
execute0_lowered:
.L_overlay_start_1:
0x0: {  	(tag) =	ssettag $0x1  }
0x1: {  	s3 =	rddreg [dreg:$0x0]  }
0x2: {  	s4 =	rddreg [dreg:$0x1]  }
0x3: {  	s5 =	rddreg [dreg:$0x2]  }
0x4: {  	s0 =	rddreg [dreg:$0x3]  }
0x5: {  	s6 =	srdreg.scid;
	s1 =	stileid.u32;
	s2 =	simm.s32 $0x0  }
0x6: {  	s13 =	simm.s32 $0x14000;
	s14 =	simm.s32 $0x4F80;
	s15 =	simm.s32 $0x100  }
0x7: {  	s16 =	simm.s32 $0x0;
	s6 =	sand.u32 $0x1, s6;
	s7 =	smul.u32 $0x500, s1  }
0x8: {  	[smem:$0x7FF] =	sst s2;
	s9 =	sshrl.u32 s1, $0x3;
	s10 =	sshll.u32 s1, $0x7  }
0x9: {  	s11 =	smul.u32 $0x5000, s1;
	s8 =	sshll.u32 s6, $0x7;
	_ =	strace $0x80000047  }
0xa: {  	s26 =	sshll.u32 s6, $0x4;
	s6 =	ssub.s32 $0x2, s6;
	s9 =	smul.u32 $0x50000, s9  }
0xb: {  	s29 =	sand.u32 $0x380, s10;
	s10 =	simm.s32 $0x80;
	s7 =	sor.u32 s8, s7  }
0xc: {  	s8 =	sor.u32 s1, s26;
	s28 =	sshrl.u32 s6, $0x1;
	s31 =	sshrl.u32 s11, $0x2  }
0xd: {  	s11 =	simm.s32 $0x400;
	s7 =	sshrl.u32 s7, $0x3;
	s8 =	smul.u32 $0x4E2, s8  }
0xe: {  	s9 =	sshrl.u32 s9, $0x2;
	s12 =	ssub.s32 s6, s28;
	s7 =	sadd.s32 s7, s4  }
0xf: {  	s30 =	sadd.s32 s9, s5;
	s5 =	sadd.s32 s31, s5;
	s9 =	simm.s32 $0x2780  }
0x10: {  	s3 =	sadd.s32 s3, s8;
	s4 =	sadd.s32 s29, s30;
	s6 =	sadd.s32 $0x1200, s7  }
0x11: {  	v0 =	vimm.f32 $0.0e+00;
	v1 =	vimm.f32 $1.000000000e+00;
	s7 =	smax.u32 s12, $0x1;
	s8 =	simm.s32 $0x1;
	s12 =	simm.s32 $0x1400  }
.LBB2_1:
0x12: {  	[tilespmem:s2], [sflag:$0x1] =	stream.linear.gather [hbm4b:s3+s2], $0x2710, $0x38;
	[tilespmem:$0x9F80] =	vst v63  }
0x13: {  	_ =	swait.ge [sflag:s8], $0x2710  }
0x14: {  	[sflag:s8] =	ssyncset.done $0x0  }
0x15: {  	s17 =	simm.s32 $0x0;
	[sflag:s8] =	ssyncadd.s32 $0xFFFFD8F0  }
.LBB2_2:
0x16: {  	p0 =	sne.s32 s17, $0x9FC0  }
.Ltmp0:
0x17: {  	_ = 	snop;
	(pc) =	sbr.rel @p0 .LBB2_2-.Ltmp0, $3  }
0x18: {  	_ =	sdelay $0x1  }
0x19: {  	s18 =	sshra.s32 s17, $0x2  }
0x1a: {  	s17 =	sadd.s32 $0x40, s17;
	[tilespmem:s18+$0x2780] =	vst v0  }
0x1b: {  	s18 =	simm.s32 $0x0  }
0x1c: {  	s17 =	simm.s32 $0x80;
	v2 =	vld [tilespmem:s18+$0x0]  }
.LBB2_4:
0x1d: {  	p0 =	sne.s32 s17, $0x9B80;
	v3 =	vld [tilespmem:s18+$0x10];
	_ =	sdelay $0x4  }
.Ltmp1:
0x1e: {  	(pc) =	sbr.rel @p0 .LBB2_4-.Ltmp1, $4  }
0x1f: {  	_ = 	snop  }
0x20: {  	[tilespmem:v2+s9+$0x0] =	vst.idx.add.f32.msk $0xffff, v1  }
0x21: {  	s18 =	sshra.s32 s17, $0x2;
	[tilespmem:v3+s9+$0x0] =	vst.idx.add.f32.msk $0xffff, v1  }
0x22: {  	s17 =	sadd.s32 $0x80, s17;
	v2 =	vld [tilespmem:s18+$0x0]  }
0x23: {  	_ = 	snop  }
0x24: {  	v3 =	vld [tilespmem:s18+$0x10];
	_ =	sdelay $0x6  }
0x25: {  	[tilespmem:v2+s9+$0x0] =	vst.idx.add.f32.msk $0xffff, v1  }
0x26: {  	[tilespmem:v3+s9+$0x0] =	vst.idx.add.f32.msk $0xffff, v1  }
0x27: {  	v2 =	vld [tilespmem:$0x2700];
	_ =	sdelay $0x6  }
0x28: {  	s17 =	simm.s32 $0x2780  }
0x29: {  	[tilespmem:v2+s17+$0x0] =	vst.idx.add.f32.msk $0xffff, v1  }
0x2a: {  	[spmem:s4] =	stream.strided.scatter [tilespmem:s17], [sflag:$0x1], $0x2800, s11, s10, $0x38;
	[tilespmem:$0x9F80] =	vst v63  }
0x2b: {  	_ =	swait.ge [sflag:s8], $0x2800  }
0x2c: {  	[sflag:s8] =	ssyncset.done $0x0  }
0x2d: {  	[sflag:s8] =	ssyncadd.s32 $0xFFFFD800  }
0x2e: {  	[bflag:$0x0] =	sbarrier.arrive $0xFFFF  }
0x2f: {  	[tilespmem:s14], [sflag:$0x1] =	stream.strided.gather [spmem:s5], $0x2800, s13, s12, $0x38;
	[tilespmem:$0x9F80] =	vst v63  }
0x30: {  	s30 =	simm.s32 $0x0;
	_ =	swait.ge [sflag:s8], $0x2800  }
0x31: {  	s19 =	sand.u32 $0x70, s30;
	s18 =	sand.u32 $0x1C00, s30;
	[sflag:s8] =	ssyncset.done $0x0  }
0x32: {  	s18 =	sor.u32 s19, s18;
	[sflag:s8] =	ssyncadd.s32 $0xFFFFD800  }
0x33: {  	v2 =	vld [tilespmem:s18+$0x5000]  }
0x34: {  	v3 =	vld [tilespmem:s18+$0x4F80];
	_ =	sdelay $0x1  }
0x35: {  	v4 =	vld [tilespmem:s18+$0x5080];
	_ =	sdelay $0x1  }
0x36: {  	v5 =	vld [tilespmem:s18+$0x5100]  }
0x37: {  	v2 =	vadd.f32 v2, v3  }
0x38: {  	v3 =	vld [tilespmem:s18+$0x5180]  }
0x39: {  	v2 =	vadd.f32 v4, v2  }
0x3a: {  	v56 =	vld [tilespmem:s18+$0x5200]  }
0x3b: {  	v2 =	vadd.f32 v5, v2  }
0x3c: {  	v57 =	vld [tilespmem:s18+$0x5280]  }
0x3d: {  	v2 =	vadd.f32 v3, v2  }
0x3e: {  	v3 =	vld [tilespmem:s18+$0x5300]  }
0x3f: {  	v2 =	vadd.f32 v56, v2  }
0x40: {  	v58 =	vld [tilespmem:s18+$0x6380]  }
0x41: {  	v2 =	vadd.f32 v57, v2  }
0x42: {  	v59 =	vld [tilespmem:s18+$0x6400]  }
0x43: {  	v2 =	vadd.f32 v3, v2  }
0x44: {  	v3 =	vld [tilespmem:s18+$0x6480]  }
0x45: {  	v2 =	vadd.f32 v58, v2  }
0x46: {  	v60 =	vld [tilespmem:s18+$0x6500]  }
0x47: {  	v2 =	vadd.f32 v59, v2  }
0x48: {  	v61 =	vld [tilespmem:s18+$0x6580]  }
0x49: {  	v2 =	vadd.f32 v3, v2  }
0x4a: {  	v3 =	vld [tilespmem:s18+$0x6600]  }
0x4b: {  	v2 =	vadd.f32 v60, v2  }
0x4c: {  	v62 =	vld [tilespmem:s18+$0x6680]  }
0x4d: {  	v2 =	vadd.f32 v61, v2  }
0x4e: {  	v63 =	vld [tilespmem:s18+$0x6700]  }
0x4f: {  	v2 =	vadd.f32 v3, v2;
	_ =	sdelay $0x1  }
0x50: {  	v2 =	vadd.f32 v62, v2;
	_ =	sdelay $0x1  }
0x51: {  	s31 =	simm.s32 $0x10;
	s19 =	simm.s32 $0x80;
	v2 =	vadd.f32 v63, v2  }
0x52: {  	s20 =	sand.u32 $0x1C00, s19;
	s18 =	sand.u32 $0x70, s31  }
0x53: {  	s18 =	sor.u32 s18, s20;
	s20 =	simm.s32 $0x20;
	[tilespmem:s17+$0x0] =	vst v2  }
.LBB2_6:
0x54: {  	p0 =	sne.s32 s20, $0x270;
	v2 =	vld [tilespmem:s18+$0x5000]  }
0x55: {  	v3 =	vld [tilespmem:s18+$0x4F80];
	_ =	sdelay $0x1  }
0x56: {  	v4 =	vld [tilespmem:s18+$0x5080];
	_ =	sdelay $0x1  }
0x57: {  	v5 =	vld [tilespmem:s18+$0x5100]  }
0x58: {  	v2 =	vadd.f32 v2, v3  }
0x59: {  	v3 =	vld [tilespmem:s18+$0x5180]  }
0x5a: {  	v2 =	vadd.f32 v4, v2  }
0x5b: {  	v4 =	vld [tilespmem:s18+$0x5200]  }
0x5c: {  	v2 =	vadd.f32 v5, v2  }
0x5d: {  	v5 =	vld [tilespmem:s18+$0x5280]  }
0x5e: {  	v2 =	vadd.f32 v3, v2  }
0x5f: {  	v3 =	vld [tilespmem:s18+$0x5300]  }
0x60: {  	v2 =	vadd.f32 v4, v2  }
0x61: {  	v4 =	vld [tilespmem:s18+$0x6380]  }
0x62: {  	v2 =	vadd.f32 v5, v2  }
0x63: {  	v5 =	vld [tilespmem:s18+$0x6400]  }
0x64: {  	v2 =	vadd.f32 v3, v2  }
0x65: {  	v3 =	vld [tilespmem:s18+$0x6480]  }
0x66: {  	v2 =	vadd.f32 v4, v2  }
0x67: {  	v4 =	vld [tilespmem:s18+$0x6500]  }
0x68: {  	v2 =	vadd.f32 v5, v2  }
0x69: {  	v5 =	vld [tilespmem:s18+$0x6580]  }
0x6a: {  	v2 =	vadd.f32 v3, v2  }
0x6b: {  	v3 =	vld [tilespmem:s18+$0x6600]  }
0x6c: {  	v2 =	vadd.f32 v4, v2  }
0x6d: {  	v4 =	vld [tilespmem:s18+$0x6680]  }
0x6e: {  	v2 =	vadd.f32 v5, v2  }
0x6f: {  	v5 =	vld [tilespmem:s18+$0x6700]  }
0x70: {  	v2 =	vadd.f32 v3, v2;
	_ =	sdelay $0x1  }
.Ltmp2:
0x71: {  	v2 =	vadd.f32 v4, v2;
	(pc) =	sbr.rel @p0 .LBB2_6-.Ltmp2, $4  }
0x72: {  	_ = 	snop  }
0x73: {  	s19 =	sadd.s32 $0x80, s19;
	v2 =	vadd.f32 v5, v2  }
0x74: {  	s17 =	sadd.s32 $0x10, s17;
	s21 =	sand.u32 $0x1C00, s19;
	s18 =	sand.u32 $0x70, s20  }
0x75: {  	s20 =	sadd.s32 $0x10, s20;
	s18 =	sor.u32 s18, s21;
	[tilespmem:s17+$0x0] =	vst v2  }
0x76: {  	v2 =	vld [tilespmem:s18+$0x5000]  }
0x77: {  	v3 =	vld [tilespmem:s18+$0x4F80];
	_ =	sdelay $0x1  }
0x78: {  	v4 =	vld [tilespmem:s18+$0x5080];
	_ =	sdelay $0x1  }
0x79: {  	v5 =	vld [tilespmem:s18+$0x5100]  }
0x7a: {  	v2 =	vadd.f32 v2, v3  }
0x7b: {  	v3 =	vld [tilespmem:s18+$0x5180]  }
0x7c: {  	v2 =	vadd.f32 v4, v2  }
0x7d: {  	v56 =	vld [tilespmem:s18+$0x5200]  }
0x7e: {  	v2 =	vadd.f32 v5, v2  }
0x7f: {  	v57 =	vld [tilespmem:s18+$0x5280]  }
0x80: {  	v2 =	vadd.f32 v3, v2  }
0x81: {  	v3 =	vld [tilespmem:s18+$0x5300]  }
0x82: {  	v2 =	vadd.f32 v56, v2  }
0x83: {  	v58 =	vld [tilespmem:s18+$0x6380]  }
0x84: {  	v2 =	vadd.f32 v57, v2  }
0x85: {  	v59 =	vld [tilespmem:s18+$0x6400]  }
0x86: {  	v2 =	vadd.f32 v3, v2  }
0x87: {  	v3 =	vld [tilespmem:s18+$0x6480]  }
0x88: {  	v2 =	vadd.f32 v58, v2  }
0x89: {  	v60 =	vld [tilespmem:s18+$0x6500]  }
0x8a: {  	v2 =	vadd.f32 v59, v2  }
0x8b: {  	v61 =	vld [tilespmem:s18+$0x6580]  }
0x8c: {  	v2 =	vadd.f32 v3, v2  }
0x8d: {  	v3 =	vld [tilespmem:s18+$0x6600]  }
0x8e: {  	v2 =	vadd.f32 v60, v2  }
0x8f: {  	v62 =	vld [tilespmem:s18+$0x6680]  }
0x90: {  	v2 =	vadd.f32 v61, v2  }
0x91: {  	v63 =	vld [tilespmem:s18+$0x6700]  }
0x92: {  	v2 =	vadd.f32 v3, v2;
	_ =	sdelay $0x1  }
0x93: {  	v2 =	vadd.f32 v62, v2;
	_ =	sdelay $0x1  }
0x94: {  	v2 =	vadd.f32 v63, v2  }
0x95: {  	s17 =	sadd.s32 $0x10, s17;
	s16 =	sadd.s32 $0x1, s16  }
0x96: {  	p0 =	sne.s32 s16, s7;
	[tilespmem:s17+$0x0] =	vst v2  }
0x97: {  	[hbm4b:s6+s10] =	stream.strided.scatter [tilespmem:s9], [sflag:$0x1], $0x280, s15, s10, $0x38;
	[tilespmem:$0x9F80] =	vst v63  }
.Ltmp3:
0x98: {  	_ =	swait.ge [sflag:s8], $0x280;
	(pc) =	sbr.rel @p0 .LBB2_1-.Ltmp3, $3  }
0x99: {  	[sflag:s8] =	ssyncset.done $0x0  }
0x9a: {  	[sflag:s8] =	ssyncadd.s32 $0xFFFFFD80  }
0x9b: {  	[bflag:$0x0] =	sbarrier.arrive $0xFFFF;
	_ =	sdelay $0x1  }
0x9c: {  	_ =	sfence.sel $0x180000  }
0x9d: {  	[bflag:$0x0] =	sbarrier.arrive $0xFFFF  }
0x9e: {  	p0 =	sne.s32 s1, $0x0;
	_ =	strace $0x90000047  }
0x9f: {  	s0 =	sadd.s32 @!p0 $0x100000, s0;
	[bflag:$0x2] =	sbarrier.arrive $0xFFFF  }
0xa0: {  	[sflag:s0] =	ssyncadd.tile.s32 @!p0 $0x1;
	_ =	shalt  }
.Lfunc_end2:
_tile_overlayer_lowered:
.L_overlay_start_2:
0xa1: {  	(tag) =	ssettag $0x2  }
0xa2: {  	s0 =	rddreg [dreg:$0x0];
	s2 =	stileid.u32  }
0xa3: {  	s1 =	rddreg [dreg:$0x1];
	p0 =	sne.s32 s2, $0x0  }
0xa4: {  	s3 =	rddreg [dreg:$0x2];
	[bflag:$0x3] =	sbarrier.arrive $0xFFFF;
	s2 =	simm.s32 @!p0 $0x1C01  }
0xa5: {  	[timem:s3], [sflag:s2] =	dma.local @!p0 [hbm:s0], s1  }
0xa6: {  	s0 =	simm.s32 @!p0 $0x1  }
0xa7: {  	_ =	swait.ge @!p0 [sflag:s0], s1  }
0xa8: {  	s1 =	ssub.s32 @!p0 $0x0, s1;
	[sflag:s0] =	ssyncset.done @!p0 $0x0  }
0xa9: {  	[sflag:s0] =	ssyncadd.s32 @!p0 s1  }
0xaa: {  	[bflag:$0x3] =	sbarrier.arrive $0xFFFF  }
0xab: {  	_ =	shalt  }

// kernel: kernel.9.cloned.1.call-start
scs
__scs_entry_jumppad:
0x0: {  	(pc) =	sbr.rel $0x88, $3  }
0x1: {  	(tag) =	ssettag $0x0;
	lr =	simm.s32 $0x1  }
0x2: {  	[smem:$0x3F9E] =	sst lr;
	_ =	strace $0xD0000000  }
0x3: {  	_ = 	snop  }
0x4: {  	_ = 	snop  }
0x5: {  	_ = 	snop  }
0x6: {  	_ = 	snop  }
0x7: {  	_ = 	snop  }
__scs_overlays_trampoline_lowered:
0x8: {  	[smem:$0x3FAD] =	sst s0  }
0x9: {  	[smem:$0x3FAE] =	sst s1  }
0xa: {  	[smem:$0x3FAF] =	sst s2  }
0xb: {  	[smem:$0x3FB0] =	sst s3  }
0xc: {  	[smem:$0x3FB1] =	sst s4  }
0xd: {  	[smem:$0x3FB2] =	sst s5  }
0xe: {  	[smem:$0x3FB3] =	sst s6  }
0xf: {  	[smem:$0x3FB4] =	sst s7  }
0x10: {  	[smem:$0x3FB5] =	sst s8  }
0x11: {  	[smem:$0x3FB6] =	sst s9;
	s0 =	simm.s32 @!p0 $0x0  }
0x12: {  	s1 =	sld [smem:$0x3F9C];
	s0 =	simm.s32 @p0 $0x1  }
0x13: {  	[smem:$0x3FB7] =	sst s0;
	s0 =	simm.s32 @!p1 $0x0  }
0x14: {  	s2 =	sld [smem:$0x3F9B];
	s0 =	simm.s32 @p1 $0x1  }
0x15: {  	[smem:$0x3FB8] =	sst s0;
	s0 =	simm.s32 @!p2 $0x0  }
0x16: {  	s3 =	sld [smem:$0x3FDB];
	s0 =	simm.s32 @p2 $0x1  }
0x17: {  	s4 =	simm.s32 $0x1BF5;
	[smem:$0x3FBA] =	sst s0  }
0x18: {  	s0 =	sld [smem:$0x3F9D];
	_ =	swait.ge [sflag:s4], $0x0  }
0x19: {  	s7 =	sld [smem:$0x3F9E]  }
0x1a: {  	s8 =	sadd.s32 $0xFFFFE003, lr  }
0x1b: {  	s9 =	sadd.s32 $0xFFFFFEF7, lr;
	s5 =	simm.s32 $0xFFFFFFFF;
	p2 =	slt.u32 s8, $0xFFFFF086  }
0x1c: {  	p1 =	slt.u32 s9, $0xF7A;
	s5 =	simm.s32 @!p2 $0x0  }
0x1d: {  	s5 =	simm.s32 @p1 $0x1;
	p0 =	seq.s32 s7, s2  }
0x1e: {  	s7 =	smul.u32 @!p0 $0xF7A, s2;
	p2 =	seq.s32 @!p0 s5, $0x0  }
0x1f: {  	s9 =	smul.u32 $0xF7A, s1;
	s8 =	simm.s32 @!p0 $0x1BF5;
	p2 =	por !p2, p0  }
0x20: {  	[sflag:s8] =	ssyncset.s32 @!p0 $0xFFFFF086;
	s6 =	sadd.s32 @!p0 s3, s7;
	s7 =	simm.s32 @!p0 $0x108  }
0x21: {  	s3 =	sadd.s32 s3, s9;
	s6 =	sadd.s32 @!p0 $0x88, s6;
	s7 =	simm.s32 @p2 $0x1082  }
0x22: {  	[simem:s7], [sflag:s8] =	dma.local @!p0 [hbm:s6], $0xF7A  }
0x23: {  	s9 =	sor.u32 $0xD0000000, s2;
	s6 =	simm.s32 $0x108;
	_ =	swait.ge @!p0 [sflag:s8], $0x0  }
0x24: {  	s3 =	sadd.s32 $0x88, s3;
	s6 =	simm.s32 @!p1 $0x1082;
	[sflag:s4] =	ssyncset.s32 $0xFFFFF086  }
0x25: {  	[simem:s6], [sflag:s4] =	dma.local [hbm:s3], $0xF7A  }
0x26: {  	[smem:$0x3F9E] =	sst s1;
	(tag) =	ssettag s2;
	_ =	strace s9  }
0x27: {  	s1 =	sld [smem:$0x3FAE]  }
0x28: {  	s2 =	sld [smem:$0x3FAF]  }
0x29: {  	s4 =	sld [smem:$0x3FB1]  }
0x2a: {  	p0 =	seq.s32 s5, $0x0;
	s5 =	sld [smem:$0x3FB2]  }
0x2b: {  	s6 =	sld [smem:$0x3FB3]  }
0x2c: {  	s7 =	sld [smem:$0x3FB4]  }
0x2d: {  	s3 =	simm.s32 $0x108;
	s8 =	sld [smem:$0x3FB5]  }
0x2e: {  	s3 =	simm.s32 @!p0 $0x1082;
	s9 =	sld [smem:$0x3FB6]  }
0x2f: {  	lr =	sadd.s32 s0, s3;
	s0 =	sld [smem:$0x3FAD]  }
0x30: {  	s3 =	sld [smem:$0x3FB0]  }
0x31: {  	[smem:$0x3FB9] =	sst s10  }
0x32: {  	s10 =	sld [smem:$0x3FB7];
	_ =	sdelay $0x3  }
0x33: {  	p0 =	seq.s32 s10, $0x1;
	s10 =	sld [smem:$0x3FB9];
	_ =	sdelay $0x3  }
0x34: {  	[smem:$0x3FB9] =	sst s10  }
0x35: {  	s10 =	sld [smem:$0x3FB8];
	_ =	sdelay $0x3  }
0x36: {  	p1 =	seq.s32 s10, $0x1;
	s10 =	sld [smem:$0x3FB9];
	_ =	sdelay $0x3  }
0x37: {  	[smem:$0x3FB9] =	sst s10  }
0x38: {  	s10 =	sld [smem:$0x3FBA]  }
0x39: {  	_ = 	snop;
	(pc) =	sbr.ind lr, $3  }
0x3a: {  	_ = 	snop  }
0x3b: {  	_ = 	snop  }
0x3c: {  	p2 =	seq.s32 s10, $0x1;
	s10 =	sld [smem:$0x3FB9]  }
0x3d: {  	_ =	shalt  }
0x3e: {  	_ =	shalt  }
0x3f: {  	_ =	shalt  }
0x40: {  	_ =	shalt  }
0x41: {  	_ =	shalt  }
0x42: {  	_ =	shalt  }
0x43: {  	_ =	shalt  }
0x44: {  	_ =	shalt  }
0x45: {  	_ =	shalt  }
0x46: {  	_ =	shalt  }
0x47: {  	_ =	shalt  }
0x48: {  	_ =	shalt  }
0x49: {  	_ =	shalt  }
0x4a: {  	_ =	shalt  }
0x4b: {  	_ =	shalt  }
0x4c: {  	_ =	shalt  }
0x4d: {  	_ =	shalt  }
0x4e: {  	_ =	shalt  }
0x4f: {  	_ =	shalt  }
0x50: {  	_ =	shalt  }
0x51: {  	_ =	shalt  }
0x52: {  	_ =	shalt  }
0x53: {  	_ =	shalt  }
0x54: {  	_ =	shalt  }
0x55: {  	_ =	shalt  }
0x56: {  	_ =	shalt  }
0x57: {  	_ =	shalt  }
0x58: {  	_ =	shalt  }
0x59: {  	_ =	shalt  }
0x5a: {  	_ =	shalt  }
0x5b: {  	_ =	shalt  }
0x5c: {  	_ =	shalt  }
0x5d: {  	_ =	shalt  }
0x5e: {  	_ =	shalt  }
0x5f: {  	_ =	shalt  }
0x60: {  	_ =	shalt  }
0x61: {  	_ =	shalt  }
0x62: {  	_ =	shalt  }
0x63: {  	_ =	shalt  }
0x64: {  	_ =	shalt  }
0x65: {  	_ =	shalt  }
0x66: {  	_ =	shalt  }
0x67: {  	_ =	shalt  }
0x68: {  	_ =	shalt  }
0x69: {  	_ =	shalt  }
0x6a: {  	_ =	shalt  }
0x6b: {  	_ =	shalt  }
0x6c: {  	_ =	shalt  }
0x6d: {  	_ =	shalt  }
0x6e: {  	_ =	shalt  }
0x6f: {  	_ =	shalt  }
0x70: {  	_ =	shalt  }
0x71: {  	_ =	shalt  }
0x72: {  	_ =	shalt  }
0x73: {  	_ =	shalt  }
0x74: {  	_ =	shalt  }
0x75: {  	_ =	shalt  }
0x76: {  	_ =	shalt  }
0x77: {  	_ =	shalt  }
0x78: {  	_ =	shalt  }
0x79: {  	_ =	shalt  }
0x7a: {  	_ =	shalt  }
0x7b: {  	_ =	shalt  }
0x7c: {  	_ =	shalt  }
0x7d: {  	_ =	shalt  }
0x7e: {  	_ =	shalt  }
0x7f: {  	_ =	shalt  }
0x80: {  	_ =	shalt  }
0x81: {  	_ =	shalt  }
0x82: {  	_ =	shalt  }
0x83: {  	_ =	shalt  }
0x84: {  	_ =	shalt  }
0x85: {  	_ =	shalt  }
0x86: {  	_ =	shalt  }
0x87: {  	_ =	shalt  }
.Lfunc_end0:
.L_simem_size_0:
called_computation.1_lowered:
.L_overlay_start_0:
0x88: {  	s2 =	sld [smem:$0x3FD9]  }
0x89: {  	s3 =	sld [smem:$0x3FFE];
	_ =	sdelay $0x1  }
0x8a: {  	s1 =	srdreg.scid  }
0x8b: {  	s0 =	sand.u32 $0x1, s1  }
0x8c: {  	s17 =	sshll.u32 s0, $0xA;
	s2 =	sadd.s32 s3, s2  }
0x8d: {  	s2 =	sadd.s32 s2, s17  }
0x8e: {  	[smem:$0x3FC5] =	sst s2  }
0x8f: {  	_ = 	snop  }
0x90: {  	s2 =	sld [smem:$0x3FC8]  }
0x91: {  	s18 =	sld [smem:$0x3FC7]  }
0x92: {  	s4 =	sld [smem:$0x3FD0];
	(tm) =	ssettm $0x1  }
0x93: {  	s5 =	sld [smem:$0x3FFB];
	_ =	sdelay $0x3  }
0x94: {  	_ =	strace s5  }
0x95: {  	s5 =	sld [smem:$0x3FFC];
	_ =	sdelay $0x3  }
0x96: {  	_ =	strace s5  }
0x97: {  	s5 =	sld [smem:$0x3FFD];
	_ =	sdelay $0x3  }
0x98: {  	_ =	strace s5  }
0x99: {  	_ =	strace $0x8FFFFFFF  }
0x9a: {  	s19 =	sld [smem:$0x3FDB];
	_ =	sdelay $0x1  }
0x9b: {  	s6 =	simm.s32 $_scs_section_size  }
0x9c: {  	s7 =	simm.s32 $_size__tile_overlayer_lowered;
	s8 =	simm.s32 $_tile_overlayer_lowered  }
0x9d: {  	s22 =	simm.s32 $0x1BFF;
	s21 =	sshll.u32 s8, $0x1;
	s5 =	sadd.s32 s6, s19  }
0x9e: {  	s9 =	simm.s32 $0x0;
	s20 =	sshll.u32 s7, $0x1;
	s7 =	sadd.s32 s21, s5  }
0x9f: {  	[timem:s9], [sflag:s22] =	dma.local [hbm:s7], s20  }
0xa0: {  	_ =	swait.ge [sflag:s22], s20  }
0xa1: {  	s6 =	ssub.s32 $0x0, s20;
	[sflag:s22] =	ssyncset.done $0x0  }
0xa2: {  	[sflag:s22] =	ssyncadd.s32 s6;
	_ =	sdelay $0x1  }
0xa3: {  	s23 =	simm.s32 $0x1B8B  }
0xa4: {  	_ =	swait.ge [sflag:s23], $0x1  }
0xa5: {  	[sflag:s23] =	ssyncset.done $0x0  }
0xa6: {  	s25 =	simm.s32 $0x1B8E;
	s24 =	sld [smem:$0x3FFE];
	[sflag:s23] =	ssyncadd.s32 $0xFFFFFFFF  }
0xa7: {  	s26 =	simm.s32 $execute0_lowered;
	[smem:$0x3FD2] =	sst s25  }
0xa8: {  	s7 =	sshll.u32 s26, $0x1;
	_ =	strace $0x80000049;
	[dreg:$0x1] =	wrdreg $0xFFFFFFFF  }
0xa9: {  	s28 =	simm.s32 $_size_execute0_lowered;
	s5 =	sadd.s32 s5, s7;
	[dreg:$0x0] =	wrdreg $0x0  }
0xaa: {  	s7 =	sshll.u32 s28, $0x1;
	[dreg:$0x2] =	wrdreg s5  }
0xab: {  	[dreg:$0x3] =	wrdreg s7  }
0xac: {  	[dreg:$0x4] =	wrdreg $0xC0  }
0xad: {  	_ =	task [dreg:s9], $0x5FFFF  }
0xae: {  	[dreg:$0x1] =	wrdreg $0xFFFFFFFF  }
0xaf: {  	[dreg:$0x0] =	wrdreg $0x60  }
0xb0: {  	[dreg:$0x2] =	wrdreg s2  }
0xb1: {  	[dreg:$0x3] =	wrdreg s18  }
0xb2: {  	[dreg:$0x4] =	wrdreg s24  }
0xb3: {  	[dreg:$0x5] =	wrdreg s4  }
0xb4: {  	[dreg:$0x6] =	wrdreg $0xC7000  }
0xb5: {  	[dreg:$0x7] =	wrdreg $0x9  }
0xb6: {  	_ =	task.clear_ibuf [dreg:s9], $0x8FFFF;
	_ =	strace $0x90000049  }
0xb7: {  	s29 =	simm.s32 $0x9;
	_ =	strace $0x8000004B  }
0xb8: {  	_ =	swait.ge [sflag:s29], $0x1  }
0xb9: {  	[sflag:s29] =	ssyncadd.s32 $0xFFFFFFFF  }
0xba: {  	_ =	strace $0x9000004B  }
0xbb: {  	_ =	sfence  }
0xbc: {  	s30 =	sld [smem:$0x0];
	_ =	sdelay $0x2  }
0xbd: {  	s31 =	sshll.u32 s1, $0xD;
	s1 =	sshrl.u32 s1, $0x2  }
0xbe: {  	s3 =	sand.u32 $0x4000, s31;
	s1 =	sadd.s32 s1, s30  }
0xbf: {  	s0 =	sor.u32 s3, s0;
	s1 =	sshll.u32 s1, $0x11  }
0xc0: {  	s0 =	sor.u32 s1, s0  }
0xc1: {  	s0 =	sadd.s32 $0x8F2B, s0  }
0xc2: {  	[sflag:s0] =	ssyncadd.remote.s32 $0x1  }
0xc3: {  	_ =	sfence.sel $0xFFFF  }
0xc4: {  	[dreg:$0x0] =	wrdreg $0xFFFFFFFF;
	(pc) =	sbr.abs _section_cstart, $3  }
0xc5: {  	[dreg:$0x1] =	wrdreg $0xFFFFFFFF  }
0xc6: {  	_ =	task.clear_ibuf [dreg:s9], $0x2FFFF;
	_ =	strace $0x9FFFFFFF  }
0xc7: {  	(tm) =	ssettm $0x7FFFFFFF  }
tec
execute0_lowered:
.L_overlay_start_1:
0x0: {  	(tag) =	ssettag $0x1  }
0x1: {  	s5 =	rddreg [dreg:$0x0]  }
0x2: {  	s4 =	rddreg [dreg:$0x1]  }
0x3: {  	s6 =	rddreg [dreg:$0x2]  }
0x4: {  	s7 =	rddreg [dreg:$0x3]  }
0x5: {  	s9 =	rddreg [dreg:$0x4]  }
0x6: {  	s0 =	rddreg [dreg:$0x5]  }
0x7: {  	s2 =	simm.s32 $0x0;
	s3 =	srdreg.scid;
	s1 =	stileid.u32  }
0x8: {  	s14 =	simm.s32 $0x80;
	s15 =	simm.s32 $0x100;
	s16 =	simm.s32 $0x4F00  }
0x9: {  	s17 =	simm.s32 $0x7700;
	s18 =	simm.s32 $0x400;
	s19 =	simm.s32 $0x1400  }
0xa: {  	s20 =	simm.s32 $0x14000;
	s21 =	simm.s32 $0x9F00;
	s22 =	simm.s32 $0x0  }
0xb: {  	[smem:$0x7FF] =	sst s2;
	s8 =	sand.u32 $0x1, s3;
	s10 =	smul.u32 $0x500, s1  }
0xc: {  	s3 =	sadd.s32 $0x1200, s6;
	s13 =	sshrl.u32 s1, $0x3;
	s30 =	smul.u32 $0x5000, s1  }
0xd: {  	s31 =	sshll.u32 s1, $0x7;
	_ =	strace $0x8000004A;
	s11 =	sshll.u32 s8, $0x7  }
0xe: {  	s12 =	sshll.u32 s8, $0x4;
	s8 =	ssub.s32 $0x2, s8;
	s29 =	smul.u32 $0x50000, s13  }
0xf: {  	s10 =	sor.u32 s11, s10;
	s26 =	sor.u32 s1, s12;
	s28 =	sshrl.u32 s8, $0x1  }
0x10: {  	s13 =	sshrl.u32 s30, $0x2;
	s10 =	sshrl.u32 s10, $0x3;
	s11 =	smul.u32 $0x4E2, s26  }
0x11: {  	s12 =	ssub.s32 s8, s28;
	s8 =	sshrl.u32 s29, $0x2;
	s10 =	sadd.s32 s10, s6  }
0x12: {  	s6 =	sadd.s32 $0x1210, s6;
	s8 =	sadd.s32 s8, s9;
	s9 =	sadd.s32 s13, s9  }
0x13: {  	s13 =	simm.s32 $0x2780;
	s4 =	sadd.s32 s4, s11;
	s5 =	sadd.s32 s5, s11  }
0x14: {  	s7 =	sadd.s32 s7, s11;
	s11 =	sand.u32 $0x380, s31;
	s10 =	sadd.s32 $0x1C00, s10  }
0x15: {  	v0 =	vimm.f32 $0.0e+00;
	s8 =	sadd.s32 s11, s8;
	s11 =	smax.u32 s12, $0x1;
	s12 =	simm.s32 $0x1  }
.LBB2_1:
0x16: {  	[tilespmem:s2], [sflag:$0x1] =	stream.linear.gather [hbm4b:s4+s2], $0x2710, $0x38;
	[tilespmem:$0xEF00] =	vst v63  }
0x17: {  	_ =	swait.ge [sflag:s12], $0x2710  }
0x18: {  	[sflag:s12] =	ssyncset.done $0x0  }
0x19: {  	[sflag:s12] =	ssyncadd.s32 $0xFFFFD8F0  }
0x1a: {  	[tilespmem:s13], [sflag:$0x1] =	stream.linear.gather [hbm4b:s5+s2], $0x2710, $0x38;
	[tilespmem:$0xEF00] =	vst v63  }
0x1b: {  	_ =	swait.ge [sflag:s12], $0x2710  }
0x1c: {  	[sflag:s12] =	ssyncset.done $0x0  }
0x1d: {  	[sflag:s12] =	ssyncadd.s32 $0xFFFFD8F0  }
0x1e: {  	[tilespmem:s16], [sflag:$0x1] =	stream.strided.gather [hbm4b:s3+s14], $0x2800, s15, s14, $0x38;
	[tilespmem:$0xEF00] =	vst v63  }
0x1f: {  	_ =	swait.ge [sflag:s12], $0x2800  }
0x20: {  	[sflag:s12] =	ssyncset.done $0x0  }
0x21: {  	[sflag:s12] =	ssyncadd.s32 $0xFFFFD800  }
0x22: {  	[tilespmem:s17], [sflag:$0x1] =	stream.strided.gather [hbm4b:s6+s14], $0x2800, s15, s14, $0x38;
	[tilespmem:$0xEF00] =	vst v63  }
0x23: {  	_ =	swait.ge [sflag:s12], $0x2800  }
0x24: {  	[sflag:s12] =	ssyncset.done $0x0  }
0x25: {  	s23 =	simm.s32 $0x0;
	[sflag:s12] =	ssyncadd.s32 $0xFFFFD800  }
0x26: {  	s24 =	simm.s32 $0x40;
	v1 =	vld [tilespmem:s23+$0x7700]  }
.LBB2_2:
0x27: {  	p0 =	sne.s32 s24, $0x9FC0;
	v2 =	vld [tilespmem:s23+$0x4F00];
	_ =	sdelay $0x4  }
0x28: {  	v1 =	vadd.f32 v1, v2;
	_ =	sdelay $0x1  }
0x29: {  	v1 =	vadd.f32 $1.000000050e-03, v1;
	_ =	sdelay $0x1  }
0x2a: {  	v2 =	vshrl.u32 v1, $0x1;
	v1 =	vmul.f32 $5.000000000e-01, v1  }
0x2b: {  	v2 =	vsub.s32 $0x5F3759DF, v2  }
0x2c: {  	v3 =	vmul.f32 v2, v1;
	_ =	sdelay $0x1  }
0x2d: {  	v3 =	vmul.f32 v2, v3;
	_ =	sdelay $0x1  }
0x2e: {  	v3 =	vsub.f32 $1.500000000e+00, v3;
	_ =	sdelay $0x1  }
0x2f: {  	v2 =	vmul.f32 v2, v3;
	_ =	sdelay $0x1  }
0x30: {  	v3 =	vmul.f32 v2, v1;
	_ =	sdelay $0x1  }
0x31: {  	v3 =	vmul.f32 v3, v2;
	_ =	sdelay $0x1  }
0x32: {  	v3 =	vsub.f32 $1.500000000e+00, v3;
	_ =	sdelay $0x1  }
0x33: {  	v2 =	vmul.f32 v3, v2;
	_ =	sdelay $0x1  }
0x34: {  	v1 =	vmul.f32 v2, v1;
	_ =	sdelay $0x1  }
0x35: {  	v1 =	vmul.f32 v1, v2;
	_ =	sdelay $0x1  }
.Ltmp0:
0x36: {  	v1 =	vsub.f32 $1.500000000e+00, v1;
	(pc) =	sbr.rel @p0 .LBB2_2-.Ltmp0, $4  }
0x37: {  	_ = 	snop  }
0x38: {  	v2 =	vmul.f32 v1, v2  }
0x39: {  	s25 =	sshra.s32 s24, $0x2  }
0x3a: {  	s24 =	sadd.s32 $0x40, s24;
	v1 =	vld [tilespmem:s25+$0x7700];
	[tilespmem:s23+$0x4F00] =	vst v2;
	s23 =	smov.u32 s25  }
0x3b: {  	v2 =	vld [tilespmem:s23+$0x4F00];
	_ =	sdelay $0x4  }
0x3c: {  	v1 =	vadd.f32 v1, v2;
	_ =	sdelay $0x1  }
0x3d: {  	v1 =	vadd.f32 $1.000000050e-03, v1;
	_ =	sdelay $0x1  }
0x3e: {  	v2 =	vshrl.u32 v1, $0x1;
	v1 =	vmul.f32 $5.000000000e-01, v1  }
0x3f: {  	v2 =	vsub.s32 $0x5F3759DF, v2  }
0x40: {  	v3 =	vmul.f32 v2, v1;
	_ =	sdelay $0x1  }
0x41: {  	v3 =	vmul.f32 v2, v3;
	_ =	sdelay $0x1  }
0x42: {  	v3 =	vsub.f32 $1.500000000e+00, v3;
	_ =	sdelay $0x1  }
0x43: {  	v2 =	vmul.f32 v2, v3;
	_ =	sdelay $0x1  }
0x44: {  	v3 =	vmul.f32 v2, v1;
	_ =	sdelay $0x1  }
0x45: {  	v3 =	vmul.f32 v3, v2;
	_ =	sdelay $0x1  }
0x46: {  	v3 =	vsub.f32 $1.500000000e+00, v3;
	_ =	sdelay $0x1  }
0x47: {  	v2 =	vmul.f32 v3, v2;
	_ =	sdelay $0x1  }
0x48: {  	v1 =	vmul.f32 v2, v1;
	_ =	sdelay $0x1  }
0x49: {  	v1 =	vmul.f32 v1, v2;
	_ =	sdelay $0x1  }
0x4a: {  	v1 =	vsub.f32 $1.500000000e+00, v1;
	_ =	sdelay $0x1  }
0x4b: {  	v1 =	vmul.f32 v1, v2;
	_ =	sdelay $0x1  }
0x4c: {  	s24 =	simm.s32 $0x0;
	[tilespmem:s23+$0x4F00] =	vst v1;
	s23 =	simm.s32 $0x40  }
.LBB2_4:
0x4d: {  	p0 =	sne.s32 s23, $0x9FC0;
	[tilespmem:s24+$0x7700] =	vst v0;
	s24 =	smov.u32 s23;
	s23 =	sadd.s32 $0x40, s23  }
.Ltmp1:
0x4e: {  	(pc) =	sbr.rel @p0 .LBB2_4-.Ltmp1, $2  }
0x4f: {  	_ =	sdelay $0x2  }
0x50: {  	s24 =	sshra.s32 s24, $0x2  }
0x51: {  	[tilespmem:s24+$0x7700] =	vst v0;
	s23 =	simm.s32 $0x0  }
0x52: {  	v1 =	vld [tilespmem:s23+$0x0];
	_ =	sdelay $0x3  }
0x53: {  	v2 =	vld [tilespmem:s23+$0x10];
	_ =	sdelay $0x2  }
0x54: {  	v3 =	vld [tilespmem:s23+$0x2780]  }
0x55: {  	v1 =	vld.idx.msk [tilespmem:v1+s16+$0x0], $0xffff;
	_ =	sdelay $0x3  }
0x56: {  	v2 =	vld.idx.msk [tilespmem:v2+s16+$0x0], $0xffff  }
0x57: {  	v1 =	vmul.f32 v3, v1;
	v3 =	vld [tilespmem:s23+$0x2790];
	_ =	sdelay $0x2  }
0x58: {  	v1 =	vmul.f32 $1.442695020e+00, v1;
	_ =	sdelay $0x1  }
0x59: {  	(erf) = vpow2.f32 v1;
	v1 =	vmul.f32 v3, v2;
	_ =	sdelay $0x1  }
0x5a: {  	v2 =	vmul.f32 $1.442695020e+00, v1;
	_ =	sdelay $0x1  }
0x5b: {  	(erf) = vpow2.f32 v2;
	_ =	sdelay $0x1  }
0x5c: {  	s25 =	simm.s32 $0x20  }
0x5d: {  	v1 =	vld [tilespmem:s25+$0x0]  }
0x5e: {  	v2 =	vld [tilespmem:s25+$0x10];
	_ =	sdelay $0x3  }
0x5f: {  	s24 =	simm.s32 $0x100;
	v3 =	vpop (erf)  }
.LBB2_6:
0x60: {  	p0 =	sne.s32 s24, $0x9B80;
	[tilespmem:s23+$0x2780] =	vst v3;
	v3 =	vpop (erf);
	s26 =	smov.u32 s24;
	s24 =	sadd.s32 $0x80, s24  }
0x61: {  	v4 =	vld [tilespmem:s25+$0x2780];
	[tilespmem:s23+$0x2790] =	vst v3;
	s23 =	smov.u32 s25  }
0x62: {  	v1 =	vld.idx.msk [tilespmem:v1+s16+$0x0], $0xffff  }
0x63: {  	v2 =	vld.idx.msk [tilespmem:v2+s16+$0x0], $0xffff  }
0x64: {  	v3 =	vld [tilespmem:s23+$0x2790];
	_ =	sdelay $0x3  }
0x65: {  	v1 =	vmul.f32 v4, v1  }
0x66: {  	v2 =	vmul.f32 v3, v2  }
0x67: {  	v1 =	vmul.f32 $1.442695020e+00, v1  }
0x68: {  	v2 =	vmul.f32 $1.442695020e+00, v2  }
0x69: {  	(erf) = vpow2.f32 v1  }
0x6a: {  	(erf) = vpow2.f32 v2;
	_ =	sdelay $0x1  }
0x6b: {  	s25 =	sshra.s32 s26, $0x2  }
0x6c: {  	v1 =	vld [tilespmem:s25+$0x0]  }
.Ltmp2:
0x6d: {  	v2 =	vld [tilespmem:s25+$0x10];
	(pc) =	sbr.rel @p0 .LBB2_6-.Ltmp2, $2  }
0x6e: {  	_ =	sdelay $0x2  }
0x6f: {  	v3 =	vpop (erf)  }
0x70: {  	_ =	sdelay $0x1  }
0x71: {  	[tilespmem:s23+$0x2780] =	vst v3;
	v3 =	vpop (erf)  }
0x72: {  	v4 =	vld [tilespmem:s25+$0x2780];
	[tilespmem:s23+$0x2790] =	vst v3  }
0x73: {  	v1 =	vld.idx.msk [tilespmem:v1+s16+$0x0], $0xffff  }
0x74: {  	v2 =	vld.idx.msk [tilespmem:v2+s16+$0x0], $0xffff  }
0x75: {  	v3 =	vld [tilespmem:s25+$0x2790];
	_ =	sdelay $0x3  }
0x76: {  	v1 =	vmul.f32 v4, v1  }
0x77: {  	v2 =	vmul.f32 v3, v2  }
0x78: {  	v1 =	vmul.f32 $1.442695020e+00, v1  }
0x79: {  	v2 =	vmul.f32 $1.442695020e+00, v2  }
0x7a: {  	(erf) = vpow2.f32 v1  }
0x7b: {  	(erf) = vpow2.f32 v2;
	_ =	sdelay $0x7  }
0x7c: {  	v1 =	vpop (erf)  }
0x7d: {  	[tilespmem:s25+$0x2780] =	vst v1;
	v1 =	vpop (erf)  }
0x7e: {  	[tilespmem:s25+$0x2790] =	vst v1  }
0x7f: {  	v1 =	vld [tilespmem:$0x2700];
	_ =	sdelay $0x6  }
0x80: {  	v2 =	vld [tilespmem:$0x4E80]  }
0x81: {  	v3 =	vld.idx.msk [tilespmem:v1+s16+$0x0], $0xffff;
	_ =	sdelay $0x4  }
0x82: {  	v2 =	vmul.f32 v3, v2;
	_ =	sdelay $0x1  }
0x83: {  	v2 =	vmul.f32 $1.442695020e+00, v2;
	_ =	sdelay $0x1  }
0x84: {  	(erf) = vpow2.f32 v2;
	_ =	sdelay $0x8  }
0x85: {  	v2 =	vpop (erf)  }
0x86: {  	s31 =	simm.s32 $0x0;
	[tilespmem:$0x4E80] =	vst v2  }
0x87: {  	v3 =	vld [tilespmem:s31+$0x0];
	_ =	sdelay $0x2  }
0x88: {  	v4 =	vld [tilespmem:s31+$0x2780];
	_ =	sdelay $0x2  }
0x89: {  	v2 =	vld [tilespmem:s31+$0x10];
	_ =	sdelay $0x1  }
0x8a: {  	[tilespmem:v3+s17+$0x0] =	vst.idx.add.f32.msk $0xffff, v4  }
0x8b: {  	s24 =	simm.s32 $0x100;
	s23 =	simm.s32 $0x80;
	v3 =	vld [tilespmem:s31+$0x2790]  }
.LBB2_8:
0x8c: {  	_ =	sdelay $0x2  }
0x8d: {  	p0 =	sne.s32 s24, $0x9B80  }
0x8e: {  	s25 =	sshra.s32 s23, $0x2;
	s23 =	smov.u32 s24;
	s24 =	sadd.s32 $0x80, s24;
	[tilespmem:v2+s17+$0x0] =	vst.idx.add.f32.msk $0xffff, v3  }
0x8f: {  	v3 =	vld [tilespmem:s25+$0x0];
	_ =	sdelay $0x2  }
0x90: {  	v4 =	vld [tilespmem:s25+$0x2780];
	_ =	sdelay $0x1  }
.Ltmp3:
0x91: {  	(pc) =	sbr.rel @p0 .LBB2_8-.Ltmp3, $3  }
0x92: {  	v2 =	vld [tilespmem:s25+$0x10];
	_ =	sdelay $0x1  }
0x93: {  	[tilespmem:v3+s17+$0x0] =	vst.idx.add.f32.msk $0xffff, v4  }
0x94: {  	v3 =	vld [tilespmem:s25+$0x2790]  }
0x95: {  	_ =	sdelay $0x4  }
0x96: {  	s23 =	sshra.s32 s23, $0x2;
	[tilespmem:v2+s17+$0x0] =	vst.idx.add.f32.msk $0xffff, v3  }
0x97: {  	v2 =	vld [tilespmem:s23+$0x0];
	_ =	sdelay $0x2  }
0x98: {  	v3 =	vld [tilespmem:s23+$0x2780];
	_ =	sdelay $0x2  }
0x99: {  	v4 =	vld [tilespmem:s23+$0x10];
	_ =	sdelay $0x1  }
0x9a: {  	[tilespmem:v2+s17+$0x0] =	vst.idx.add.f32.msk $0xffff, v3  }
0x9b: {  	v2 =	vld [tilespmem:s23+$0x2790];
	_ =	sdelay $0x4  }
0x9c: {  	[tilespmem:v4+s17+$0x0] =	vst.idx.add.f32.msk $0xffff, v2  }
0x9d: {  	v2 =	vld [tilespmem:$0x4E80];
	_ =	sdelay $0x3  }
0x9e: {  	s23 =	simm.s32 $0x7700  }
0x9f: {  	s24 =	simm.s32 $0x0;
	[tilespmem:v1+s23+$0x0] =	vst.idx.add.f32.msk $0xffff, v2  }
0xa0: {  	[hbm4b:s7+s24] =	stream.linear.scatter [tilespmem:s13], [sflag:$0x1], $0x2710, $0x38;
	[tilespmem:$0xEF00] =	vst v63  }
0xa1: {  	_ =	swait.ge [sflag:s12], $0x2710  }
0xa2: {  	[sflag:s12] =	ssyncset.done $0x0  }
0xa3: {  	[sflag:s12] =	ssyncadd.s32 $0xFFFFD8F0  }
0xa4: {  	[spmem:s8] =	stream.strided.scatter [tilespmem:s23], [sflag:$0x1], $0x2800, s18, s14, $0x38;
	[tilespmem:$0xEF00] =	vst v63  }
0xa5: {  	_ =	swait.ge [sflag:s12], $0x2800  }
0xa6: {  	[sflag:s12] =	ssyncset.done $0x0  }
0xa7: {  	[sflag:s12] =	ssyncadd.s32 $0xFFFFD800  }
0xa8: {  	[bflag:$0x0] =	sbarrier.arrive $0xFFFF  }
0xa9: {  	[tilespmem:s21], [sflag:$0x1] =	stream.strided.gather [spmem:s9], $0x2800, s20, s19, $0x38;
	[tilespmem:$0xEF00] =	vst v63  }
0xaa: {  	_ =	swait.ge [sflag:s12], $0x2800  }
0xab: {  	s25 =	sand.u32 $0x70, s24;
	s24 =	sand.u32 $0x1C00, s24;
	[sflag:s12] =	ssyncset.done $0x0  }
0xac: {  	s24 =	sor.u32 s25, s24;
	[sflag:s12] =	ssyncadd.s32 $0xFFFFD800  }
0xad: {  	v1 =	vld [tilespmem:s24+$0x9F80]  }
0xae: {  	v2 =	vld [tilespmem:s24+$0x9F00];
	_ =	sdelay $0x1  }
0xaf: {  	v3 =	vld [tilespmem:s24+$0xA000];
	_ =	sdelay $0x1  }
0xb0: {  	v59 =	vld [tilespmem:s24+$0xA080]  }
0xb1: {  	v1 =	vadd.f32 v1, v2  }
0xb2: {  	v2 =	vld [tilespmem:s24+$0xA100]  }
0xb3: {  	v1 =	vadd.f32 v3, v1  }
0xb4: {  	v3 =	vld [tilespmem:s24+$0xA180]  }
0xb5: {  	v1 =	vadd.f32 v59, v1  }
0xb6: {  	v60 =	vld [tilespmem:s24+$0xA200]  }
0xb7: {  	v1 =	vadd.f32 v2, v1  }
0xb8: {  	v2 =	vld [tilespmem:s24+$0xA280]  }
0xb9: {  	v1 =	vadd.f32 v3, v1  }
0xba: {  	v3 =	vld [tilespmem:s24+$0xB300]  }
0xbb: {  	v1 =	vadd.f32 v60, v1  }
0xbc: {  	v61 =	vld [tilespmem:s24+$0xB380]  }
0xbd: {  	v1 =	vadd.f32 v2, v1  }
0xbe: {  	v2 =	vld [tilespmem:s24+$0xB400]  }
0xbf: {  	v1 =	vadd.f32 v3, v1  }
0xc0: {  	v3 =	vld [tilespmem:s24+$0xB480]  }
0xc1: {  	v1 =	vadd.f32 v61, v1  }
0xc2: {  	v62 =	vld [tilespmem:s24+$0xB500]  }
0xc3: {  	v1 =	vadd.f32 v2, v1  }
0xc4: {  	v2 =	vld [tilespmem:s24+$0xB580]  }
0xc5: {  	v1 =	vadd.f32 v3, v1  }
0xc6: {  	v3 =	vld [tilespmem:s24+$0xB600]  }
0xc7: {  	v1 =	vadd.f32 v62, v1  }
0xc8: {  	v63 =	vld [tilespmem:s24+$0xB680]  }
0xc9: {  	v1 =	vadd.f32 v2, v1;
	_ =	sdelay $0x1  }
0xca: {  	v1 =	vadd.f32 v3, v1;
	_ =	sdelay $0x1  }
0xcb: {  	s31 =	simm.s32 $0x10;
	s25 =	simm.s32 $0x80;
	v1 =	vadd.f32 v63, v1  }
0xcc: {  	s26 =	sand.u32 $0x1C00, s25;
	s24 =	sand.u32 $0x70, s31  }
0xcd: {  	s24 =	sor.u32 s24, s26;
	s26 =	simm.s32 $0x20;
	[tilespmem:s23+$0x0] =	vst v1  }
.LBB2_10:
0xce: {  	p0 =	sne.s32 s26, $0x270;
	v1 =	vld [tilespmem:s24+$0x9F80]  }
0xcf: {  	v2 =	vld [tilespmem:s24+$0x9F00];
	_ =	sdelay $0x1  }
0xd0: {  	v3 =	vld [tilespmem:s24+$0xA000];
	_ =	sdelay $0x1  }
0xd1: {  	v4 =	vld [tilespmem:s24+$0xA080]  }
0xd2: {  	v1 =	vadd.f32 v1, v2  }
0xd3: {  	v2 =	vld [tilespmem:s24+$0xA100]  }
0xd4: {  	v1 =	vadd.f32 v3, v1  }
0xd5: {  	v3 =	vld [tilespmem:s24+$0xA180]  }
0xd6: {  	v1 =	vadd.f32 v4, v1  }
0xd7: {  	v4 =	vld [tilespmem:s24+$0xA200]  }
0xd8: {  	v1 =	vadd.f32 v2, v1  }
0xd9: {  	v2 =	vld [tilespmem:s24+$0xA280]  }
0xda: {  	v1 =	vadd.f32 v3, v1  }
0xdb: {  	v3 =	vld [tilespmem:s24+$0xB300]  }
0xdc: {  	v1 =	vadd.f32 v4, v1  }
0xdd: {  	v4 =	vld [tilespmem:s24+$0xB380]  }
0xde: {  	v1 =	vadd.f32 v2, v1  }
0xdf: {  	v2 =	vld [tilespmem:s24+$0xB400]  }
0xe0: {  	v1 =	vadd.f32 v3, v1  }
0xe1: {  	v3 =	vld [tilespmem:s24+$0xB480]  }
0xe2: {  	v1 =	vadd.f32 v4, v1  }
0xe3: {  	v4 =	vld [tilespmem:s24+$0xB500]  }
0xe4: {  	v1 =	vadd.f32 v2, v1  }
0xe5: {  	v2 =	vld [tilespmem:s24+$0xB580]  }
0xe6: {  	v1 =	vadd.f32 v3, v1  }
0xe7: {  	v3 =	vld [tilespmem:s24+$0xB600]  }
0xe8: {  	v1 =	vadd.f32 v4, v1  }
0xe9: {  	v4 =	vld [tilespmem:s24+$0xB680]  }
0xea: {  	v1 =	vadd.f32 v2, v1;
	_ =	sdelay $0x1  }
.Ltmp4:
0xeb: {  	v1 =	vadd.f32 v3, v1;
	(pc) =	sbr.rel @p0 .LBB2_10-.Ltmp4, $4  }
0xec: {  	_ = 	snop  }
0xed: {  	s25 =	sadd.s32 $0x80, s25;
	v1 =	vadd.f32 v4, v1  }
0xee: {  	s23 =	sadd.s32 $0x10, s23;
	s28 =	sand.u32 $0x1C00, s25;
	s24 =	sand.u32 $0x70, s26  }
0xef: {  	s26 =	sadd.s32 $0x10, s26;
	s24 =	sor.u32 s24, s28;
	[tilespmem:s23+$0x0] =	vst v1  }
0xf0: {  	v1 =	vld [tilespmem:s24+$0x9F80]  }
0xf1: {  	v2 =	vld [tilespmem:s24+$0x9F00];
	_ =	sdelay $0x1  }
0xf2: {  	v3 =	vld [tilespmem:s24+$0xA000];
	_ =	sdelay $0x1  }
0xf3: {  	v4 =	vld [tilespmem:s24+$0xA080]  }
0xf4: {  	v1 =	vadd.f32 v1, v2  }
0xf5: {  	v2 =	vld [tilespmem:s24+$0xA100]  }
0xf6: {  	v1 =	vadd.f32 v3, v1  }
0xf7: {  	v3 =	vld [tilespmem:s24+$0xA180]  }
0xf8: {  	v1 =	vadd.f32 v4, v1  }
0xf9: {  	v60 =	vld [tilespmem:s24+$0xA200]  }
0xfa: {  	v1 =	vadd.f32 v2, v1  }
0xfb: {  	v2 =	vld [tilespmem:s24+$0xA280]  }
0xfc: {  	v1 =	vadd.f32 v3, v1  }
0xfd: {  	v3 =	vld [tilespmem:s24+$0xB300]  }
0xfe: {  	v1 =	vadd.f32 v60, v1  }
0xff: {  	v61 =	vld [tilespmem:s24+$0xB380]  }
0x100: {  	v1 =	vadd.f32 v2, v1  }
0x101: {  	v2 =	vld [tilespmem:s24+$0xB400]  }
0x102: {  	v1 =	vadd.f32 v3, v1  }
0x103: {  	v3 =	vld [tilespmem:s24+$0xB480]  }
0x104: {  	v1 =	vadd.f32 v61, v1  }
0x105: {  	v62 =	vld [tilespmem:s24+$0xB500]  }
0x106: {  	v1 =	vadd.f32 v2, v1  }
0x107: {  	v2 =	vld [tilespmem:s24+$0xB580]  }
0x108: {  	v1 =	vadd.f32 v3, v1  }
0x109: {  	v3 =	vld [tilespmem:s24+$0xB600]  }
0x10a: {  	v1 =	vadd.f32 v62, v1  }
0x10b: {  	v63 =	vld [tilespmem:s24+$0xB680]  }
0x10c: {  	v1 =	vadd.f32 v2, v1;
	_ =	sdelay $0x1  }
0x10d: {  	v1 =	vadd.f32 v3, v1;
	_ =	sdelay $0x1  }
0x10e: {  	v1 =	vadd.f32 v63, v1  }
0x10f: {  	s23 =	sadd.s32 $0x10, s23;
	s22 =	sadd.s32 $0x1, s22  }
0x110: {  	p0 =	sne.s32 s22, s11;
	[tilespmem:s23+$0x0] =	vst v1  }
0x111: {  	[hbm4b:s10+s14] =	stream.strided.scatter [tilespmem:s17], [sflag:$0x1], $0x280, s15, s14, $0x38;
	[tilespmem:$0xEF00] =	vst v63  }
.Ltmp5:
0x112: {  	_ =	swait.ge [sflag:s12], $0x280;
	(pc) =	sbr.rel @p0 .LBB2_1-.Ltmp5, $3  }
0x113: {  	[sflag:s12] =	ssyncset.done $0x0  }
0x114: {  	[sflag:s12] =	ssyncadd.s32 $0xFFFFFD80  }
0x115: {  	[bflag:$0x0] =	sbarrier.arrive $0xFFFF;
	_ =	sdelay $0x1  }
0x116: {  	_ =	sfence.sel $0x180000  }
0x117: {  	[bflag:$0x0] =	sbarrier.arrive $0xFFFF  }
0x118: {  	p0 =	sne.s32 s1, $0x0;
	_ =	strace $0x9000004A  }
0x119: {  	s0 =	sadd.s32 @!p0 $0x100000, s0;
	[bflag:$0x2] =	sbarrier.arrive $0xFFFF  }
0x11a: {  	[sflag:s0] =	ssyncadd.tile.s32 @!p0 $0x1;
	_ =	shalt  }
.Lfunc_end2:
_tile_overlayer_lowered:
.L_overlay_start_2:
0x11b: {  	(tag) =	ssettag $0x2  }
0x11c: {  	s0 =	rddreg [dreg:$0x0];
	s2 =	stileid.u32  }
0x11d: {  	s1 =	rddreg [dreg:$0x1];
	p0 =	sne.s32 s2, $0x0  }
0x11e: {  	s3 =	rddreg [dreg:$0x2];
	[bflag:$0x3] =	sbarrier.arrive $0xFFFF;
	s2 =	simm.s32 @!p0 $0x1C01  }
0x11f: {  	[timem:s3], [sflag:s2] =	dma.local @!p0 [hbm:s0], s1  }
0x120: {  	s0 =	simm.s32 @!p0 $0x1  }
0x121: {  	_ =	swait.ge @!p0 [sflag:s0], s1  }
0x122: {  	s1 =	ssub.s32 @!p0 $0x0, s1;
	[sflag:s0] =	ssyncset.done @!p0 $0x0  }
0x123: {  	[sflag:s0] =	ssyncadd.s32 @!p0 s1  }
0x124: {  	[bflag:$0x3] =	sbarrier.arrive $0xFFFF  }
0x125: {  	_ =	shalt  }

</sc_bundles>
